<compile_context>
chip_gen: v7x
topology: tpu7x:2x2x1
jax: 0.10.2.dev20260603
libtpu: 0.0.44.dev20260713+nightly
codegen_flags: <defaults>
</compile_context>

<pallas_src>
import functools

import jax
import jax.numpy as jnp
import numpy as np
from jax import lax
from jax.experimental import pallas as pl
from jax.experimental.pallas import tpu as pltpu
from jax.experimental.pallas import tpu_sc as plsc

N = 10000
E = 320000
MUL = 16
NUM_RADIAL = 8
HIDDEN = 64
WEIGHT_NUMEL = MUL * MUL

NC = 2
NS = 16
NW = NC * NS

CH = 128
KB = 8
ROWS_PER_TILE = N // NS

NSPLIT = 2
EP = E // NSPLIT

_mesh = plsc.VectorSubcoreMesh(core_axis_name="c", subcore_axis_name="s")
_sc_params = pltpu.CompilerParams(use_tc_tiling_on_sc=False)


def _make_gather(ep):
    nchunk = ep // CH
    trips = -(-nchunk // NW)
    nbatch = -(-trips // KB)

    @functools.partial(
        pl.kernel,
        mesh=_mesh,
        out_type=jax.ShapeDtypeStruct((ep, 128), jnp.float32),
        scratch_types=[
            pltpu.VMEM((KB, CH), jnp.int32),
            pltpu.VMEM((KB, CH, MUL), jnp.float32),
            pltpu.SemaphoreType.DMA,
            pltpu.SemaphoreType.DMA,
            pltpu.SemaphoreType.DMA,
        ],
        compiler_params=_sc_params,
    )
    def gather_k(x_hbm, src_hbm, feat_hbm, idx_v, rows_v, sem_i, sem_g, sem_w):
        wid = lax.axis_index("s") * NC + lax.axis_index("c")

        def body(i, carry):
            js = [jnp.minimum(wid + (i * KB + b) * NW, nchunk - 1)
                  for b in range(KB)]
            di = [pltpu.async_copy(src_hbm.at[pl.ds(js[b] * CH, CH)],
                                   idx_v.at[b], sem_i) for b in range(KB)]
            for d in di:
                d.wait()
            dg = [pltpu.async_copy(x_hbm.at[idx_v.at[b]], rows_v.at[b], sem_g)
                  for b in range(KB)]
            for d in dg:
                d.wait()
            dw = [pltpu.async_copy(rows_v.at[b],
                                   feat_hbm.at[pl.ds(js[b] * CH, CH),
                                               pl.ds(0, MUL)],
                                   sem_w) for b in range(KB)]
            for d in dw:
                d.wait()
            return carry

        lax.fori_loop(0, nbatch, body, 0)

    return gather_k


def _pad_chunks(nch):
    return -(-nch // (NS * KB)) * NS * KB


def _make_scatter(ep):
    e_half = ep // 2
    nch_core = e_half // CH
    nch_pad = _pad_chunks(nch_core)
    nbatch = nch_pad // (NS * KB)

    @functools.partial(
        pl.kernel,
        mesh=_mesh,
        out_type=jax.ShapeDtypeStruct((2 * N, 128), jnp.float32),
        scratch_types=[
            pltpu.VMEM((KB, CH), jnp.int32),
            pltpu.VMEM((KB, CH, MUL), jnp.float32),
            pltpu.VMEM_SHARED((N + 8, MUL), jnp.float32),
            pltpu.SemaphoreType.DMA,
            pltpu.SemaphoreType.DMA,
            pltpu.SemaphoreType.DMA,
        ],
        compiler_params=_sc_params,
    )
    def scatter_k(m_hbm, dstp_hbm, zero_hbm, out_hbm, idx_v, rows_v, acc_sh,
                  sem_i, sem_m, sem_a):
        cid = lax.axis_index("c")
        sid = lax.axis_index("s")
        r0 = sid * ROWS_PER_TILE
        pltpu.sync_copy(zero_hbm.at[pl.ds(r0, ROWS_PER_TILE)],
                        acc_sh.at[pl.ds(r0, ROWS_PER_TILE)])
        plsc.subcore_barrier()

        def body(i, carry):
            js = [sid + (i * KB + b) * NS for b in range(KB)]
            dbases = [cid * (nch_pad * CH) + js[b] * CH for b in range(KB)]
            mbases = [cid * e_half
                      + jnp.minimum(js[b], nch_core - 1) * CH
                      for b in range(KB)]
            di = [pltpu.async_copy(dstp_hbm.at[pl.ds(dbases[b], CH)],
                                   idx_v.at[b], sem_i) for b in range(KB)]
            dm = [pltpu.async_copy(m_hbm.at[pl.ds(mbases[b], CH),
                                            pl.ds(0, MUL)],
                                   rows_v.at[b], sem_m) for b in range(KB)]
            for d in di:
                d.wait()
            for d in dm:
                d.wait()
            da = [pltpu.async_copy(rows_v.at[b], acc_sh.at[idx_v.at[b]],
                                   sem_a, add=True) for b in range(KB)]
            for d in da:
                d.wait()
            return carry

        lax.fori_loop(0, nbatch, body, 0)
        plsc.subcore_barrier()
        pltpu.sync_copy(
            acc_sh.at[pl.ds(r0, ROWS_PER_TILE)],
            out_hbm.at[pl.ds(cid * N + r0, ROWS_PER_TILE), pl.ds(0, MUL)])

    return scatter_k


_gather_k = _make_gather(EP)
_scatter_k = _make_scatter(EP)


_BLK = 8000


def _main_body(feat_ref, el_ref, ea_ref, w1_ref, w2_ref, o_ref):
    feat = feat_ref[...]
    el_t = el_ref[...].reshape(1, _BLK)
    ea_t = ea_ref[...].reshape(1, _BLK)
    xj = feat[:, 0:MUL]
    centers_t = lax.broadcasted_iota(
        jnp.int32, (NUM_RADIAL, 1), 0).astype(jnp.float32) * np.float32(5.0 / 7.0)
    d_t = el_t - centers_t
    radial_t = jnp.exp(-0.5 * d_t * d_t)
    w1 = w1_ref[...] * np.float32(1.0 / np.sqrt(NUM_RADIAL))
    h_t = jnp.dot(w1.T, radial_t, preferred_element_type=jnp.float32)
    h_t = h_t / (1.0 + jnp.exp(-h_t))
    h_t = h_t * (ea_t * np.float32(1.0 / np.sqrt(MUL)))
    h = jnp.transpose(h_t)
    w2 = w2_ref[...] * np.float32(1.0 / np.sqrt(HIDDEN))
    wts = jnp.dot(h, w2, preferred_element_type=jnp.float32)

    u_t = lax.broadcasted_iota(jnp.int32, (MUL, WEIGHT_NUMEL), 0)
    c_t = lax.broadcasted_iota(jnp.int32, (MUL, WEIGHT_NUMEL), 1)
    tile_m = jnp.where(c_t % MUL == u_t, 1.0, 0.0).astype(jnp.float32)
    xt = jnp.dot(xj, tile_m, preferred_element_type=jnp.float32)
    p = wts * xt
    r_s = lax.broadcasted_iota(jnp.int32, (WEIGHT_NUMEL, MUL), 0)
    w_s = lax.broadcasted_iota(jnp.int32, (WEIGHT_NUMEL, MUL), 1)
    seg_m = jnp.where(r_s // MUL == w_s, 1.0, 0.0).astype(jnp.float32)
    m = jnp.dot(p, seg_m, preferred_element_type=jnp.float32)
    o_ref[:, 0:MUL] = m


def _tc_main(feat, el3, ea3, W1, W2):
    ep = feat.shape[0]
    return pl.pallas_call(
        _main_body,
        grid=(ep // _BLK,),
        in_specs=[
            pl.BlockSpec((_BLK, 128), lambda i: (i, 0)),
            pl.BlockSpec((1, 1, _BLK), lambda i: (i, 0, 0)),
            pl.BlockSpec((1, 1, _BLK), lambda i: (i, 0, 0)),
            pl.BlockSpec((NUM_RADIAL, HIDDEN), lambda i: (0, 0)),
            pl.BlockSpec((HIDDEN, WEIGHT_NUMEL), lambda i: (0, 0)),
        ],
        out_specs=pl.BlockSpec((_BLK, 128), lambda i: (i, 0)),
        out_shape=jax.ShapeDtypeStruct((ep, 128), jnp.float32),
    )(feat, el3, ea3, W1, W2)


def _comb_body(pa_ref, pb_ref, x_ref, wsc_ref, o_ref):
    psum = (pa_ref[0:N, 0:MUL] + pa_ref[N:2 * N, 0:MUL]
            + pb_ref[0:N, 0:MUL] + pb_ref[N:2 * N, 0:MUL])
    wsc = wsc_ref[...] * np.float32(1.0 / np.sqrt(MUL))
    sc = jnp.dot(x_ref[...], wsc, preferred_element_type=jnp.float32)
    o_ref[...] = psum + sc


def _tc_combine(pa, pb, x, W_sc):
    return pl.pallas_call(
        _comb_body,
        out_shape=jax.ShapeDtypeStruct((N, MUL), jnp.float32),
    )(pa, pb, x, W_sc)


def kernel(x, edge_attr, edge_length, edge_src, edge_dst, W1, W2, W_sc):
    src = edge_src.astype(jnp.int32)
    dst = edge_dst.astype(jnp.int32)
    zeros = jnp.zeros((N, MUL), dtype=jnp.float32)
    eh = EP // 2
    padc = _pad_chunks(eh // CH) * CH - eh
    fill = jnp.full((padc,), N, dtype=jnp.int32)
    parts = []
    for s in range(NSPLIT):
        lo, hi = s * EP, (s + 1) * EP
        el3 = edge_length[lo:hi].reshape(EP // _BLK, 1, _BLK)
        ea3 = edge_attr[lo:hi].reshape(EP // _BLK, 1, _BLK)
        feat = _gather_k(x, src[lo:hi])
        mfat = _tc_main(feat, el3, ea3, W1, W2)
        ds_ = dst[lo:hi]
        dstp = jnp.concatenate([ds_[:eh], fill, ds_[eh:], fill])
        parts.append(_scatter_k(mfat, dstp, zeros))
    return _tc_combine(parts[0], parts[1], x, W_sc)

# --- scband reference (transcript-rebuilt; emitter-appended) ---
"""Pipeline reference for scband-custom-interaction-block-2293512536751 (READ-ONLY COPY).

The authoritative reference and input builder live on the scoring server;
editing this copy changes nothing except your own understanding.
"""

import jax, jax.numpy as jnp
import numpy as np

N = 10000
E = 320000
MUL = 16            # 16x0e irreps_in == irreps_out; irreps_sh = 1x0e
NUM_RADIAL = 8
HIDDEN = 64
WEIGHT_NUMEL = MUL * MUL * 1  # tp.weight_numel for 16x0e (x) 1x0e -> 16x0e, uvw


def setup_inputs(seed: int = 0) -> dict:
    key = jax.random.key(seed)
    ks = jax.random.split(key, 8)
    x = jax.random.normal(ks[0], (N, MUL), dtype=jnp.float32)
    edge_attr = jax.random.normal(ks[1], (E, 1), dtype=jnp.float32)
    edge_length = jax.random.uniform(ks[2], (E,), dtype=jnp.float32, minval=0.0, maxval=5.0)
    edge_src = jax.random.randint(ks[3], (E,), 0, N)
    edge_dst = jax.random.randint(ks[4], (E,), 0, N)
    # learned params: FullyConnectedNet([8, 64, weight_numel]) and o3.Linear self-connection
    W1 = jax.random.normal(ks[5], (NUM_RADIAL, HIDDEN), dtype=jnp.float32)
    W2 = jax.random.normal(ks[6], (HIDDEN, WEIGHT_NUMEL), dtype=jnp.float32)
    W_sc = jax.random.normal(ks[7], (MUL, MUL), dtype=jnp.float32)
    return {"x": x, "edge_attr": edge_attr, "edge_length": edge_length,
            "edge_src": edge_src, "edge_dst": edge_dst,
            "W1": W1, "W2": W2, "W_sc": W_sc}


def reference(x, edge_attr, edge_length, edge_src, edge_dst, W1, W2, W_sc):
    # radial basis (steps=None branch): centers = linspace(0, 5, num_radial), sigma = 1.0
    centers = jnp.linspace(0.0, 5.0, NUM_RADIAL)
    sigma = 1.0
    d = edge_length[:, None] - centers[None, :]
    radial = jnp.exp(-d ** 2 / (2.0 * sigma ** 2))            # [E, 8]
    # e3nn FullyConnectedNet: h = silu(x @ W / sqrt(fan_in)); last layer linear
    h = jax.nn.silu(radial @ (W1 / np.sqrt(NUM_RADIAL)))      # [E, 64]
    weights = h @ (W2 / np.sqrt(HIDDEN))                      # [E, mul*mul]
    # gather source node features
    x_j = jnp.take(x, edge_src, axis=0)                       # [E, mul]
    # FullyConnectedTensorProduct 16x0e x 1x0e -> 16x0e (uvw, external weights)
    # path normalization: 1/sqrt(mul_in1 * mul_in2)
    w = weights.reshape(E, MUL, MUL)
    m_ij = jnp.einsum('ewu,eu->ew', w, x_j) * edge_attr / np.sqrt(MUL * 1.0)  # [E, mul]
    # scatter-add messages to destination nodes
    m_i = jnp.zeros((N, MUL), dtype=x.dtype).at[edge_dst].add(m_ij)
    # residual self-connection: o3.Linear(16x0e -> 16x0e), fan-in normalized
    m_i = m_i + x @ (W_sc / np.sqrt(MUL))
    return m_i

if __name__ == "__main__":
    import jax
    _d = setup_inputs()
    print(jax.jit(kernel)(*tuple(_d.values())))

</pallas_src>

<mosaic_0001>
#map = affine_map<(d0, d1) -> (0, 0)>
#map1 = affine_map<(d0, d1) -> (0)>
module attributes {stable_mosaic.version = 14 : i64} {
  func.func @scatter_k(%arg0: i32, %arg1: i32, %arg2: memref<160000x128xf32, #tpu.memory_space<hbm>>, %arg3: memref<163840xi32, #tpu.memory_space<hbm>>, %arg4: memref<10000x16xf32, #tpu.memory_space<hbm>>, %arg5: memref<20000x128xf32, #tpu.memory_space<hbm>>, %arg6: memref<8x128xi32, #tpu.memory_space<vmem>>, %arg7: memref<8x128x16xf32, #tpu.memory_space<vmem>>, %arg8: memref<10008x16xf32, #tpu.memory_space<vmem_shared>>, %arg9: memref<!tpu.dma_semaphore, #tpu.memory_space<semaphore_mem>>, %arg10: memref<!tpu.dma_semaphore, #tpu.memory_space<semaphore_mem>>, %arg11: memref<!tpu.dma_semaphore, #tpu.memory_space<semaphore_mem>>) attributes {dimension_semantics = [#tpu.dimension_semantics<core_parallel>, #tpu.dimension_semantics<subcore_parallel>], iteration_bounds = array<i64: 2, 16>, scalar_prefetch = 0 : i64, scratch_operands = 6 : i64, tpu.core_type = #tpu.core_type<sc_vector_subcore>, window_params = [{transform_indices = #map}, {transform_indices = #map1}, {transform_indices = #map}, {transform_indices = #map}]} {
    %mul3A = arith.constant 625 : i32
    %mul3A_0 = arith.muli %arg1, %mul3A : i32
    "tpu.region"() ({
      %run_scoped3A = tpu.sem_alloc : memref<!tpu.dma_semaphore, #tpu.memory_space<semaphore_mem>>
      %dma_start3A = arith.constant 0 : i32
      %dma_start3A_9 = tpu.memref_slice %arg8[%mul3A_0, %dma_start3A] : memref<10008x16xf32, #tpu.memory_space<vmem_shared>> -> memref<625x16xf32, #tpu.memory_space<vmem_shared>>
      %dma_start3A_10 = arith.constant 0 : i32
      %dma_start3A_11 = tpu.memref_slice %arg4[%mul3A_0, %dma_start3A_10] : memref<10000x16xf32, #tpu.memory_space<hbm>> -> memref<625x16xf32, #tpu.memory_space<hbm>>
      tpu.enqueue_dma source(%dma_start3A_11 : memref<625x16xf32, #tpu.memory_space<hbm>>) target(%dma_start3A_9 : memref<625x16xf32, #tpu.memory_space<vmem_shared>>) target_semaphore(%run_scoped3A : memref<!tpu.dma_semaphore, #tpu.memory_space<semaphore_mem>>)
      %dma_wait3A = arith.constant 0 : i32
      %dma_wait3A_12 = tpu.memref_slice %arg8[%mul3A_0, %dma_wait3A] : memref<10008x16xf32, #tpu.memory_space<vmem_shared>> -> memref<625x16xf32, #tpu.memory_space<vmem_shared>>
      %dma_wait3A_13 = arith.constant 0 : i32
      %dma_wait3A_14 = tpu.memref_slice %arg4[%mul3A_0, %dma_wait3A_13] : memref<10000x16xf32, #tpu.memory_space<hbm>> -> memref<625x16xf32, #tpu.memory_space<hbm>>
      tpu.wait_dma2 semaphore(%run_scoped3A : memref<!tpu.dma_semaphore, #tpu.memory_space<semaphore_mem>>) src(%dma_wait3A_14 : memref<625x16xf32, #tpu.memory_space<hbm>>) dst(%dma_wait3A_12 : memref<625x16xf32, #tpu.memory_space<vmem_shared>>)
      tpu.yield
    }) : () -> ()
    %barrier3A = arith.constant 0 : index
    tpu.barrier barrier_id(%barrier3A)
    %scan3A = arith.constant 0 : i32
    %scan3A_1 = arith.constant 0 : i32
    %scan3A_2 = arith.constant 5 : i32
    %scan3A_3 = arith.addi %scan3A_1, %scan3A_2 : i32
    %scan3A_4 = arith.constant 1 : i32
    scf.for %scan3A_9 = %scan3A_1 to %scan3A_3 step %scan3A_4  : i32 {
      %mul3A_10 = arith.constant 8 : i32
      %mul3A_11 = arith.muli %scan3A_9, %mul3A_10 : i32
      %add3A_12 = arith.constant 0 : i32
      %add3A_13 = arith.addi %mul3A_11, %add3A_12 : i32
      %mul3A_14 = arith.constant 16 : i32
      %mul3A_15 = arith.muli %add3A_13, %mul3A_14 : i32
      %add3A_16 = arith.addi %arg1, %mul3A_15 : i32
      %mul3A_17 = arith.constant 8 : i32
      %mul3A_18 = arith.muli %scan3A_9, %mul3A_17 : i32
      %add3A_19 = arith.constant 1 : i32
      %add3A_20 = arith.addi %mul3A_18, %add3A_19 : i32
      %mul3A_21 = arith.constant 16 : i32
      %mul3A_22 = arith.muli %add3A_20, %mul3A_21 : i32
      %add3A_23 = arith.addi %arg1, %mul3A_22 : i32
      %mul3A_24 = arith.constant 8 : i32
      %mul3A_25 = arith.muli %scan3A_9, %mul3A_24 : i32
      %add3A_26 = arith.constant 2 : i32
      %add3A_27 = arith.addi %mul3A_25, %add3A_26 : i32
      %mul3A_28 = arith.constant 16 : i32
      %mul3A_29 = arith.muli %add3A_27, %mul3A_28 : i32
      %add3A_30 = arith.addi %arg1, %mul3A_29 : i32
      %mul3A_31 = arith.constant 8 : i32
      %mul3A_32 = arith.muli %scan3A_9, %mul3A_31 : i32
      %add3A_33 = arith.constant 3 : i32
      %add3A_34 = arith.addi %mul3A_32, %add3A_33 : i32
      %mul3A_35 = arith.constant 16 : i32
      %mul3A_36 = arith.muli %add3A_34, %mul3A_35 : i32
      %add3A_37 = arith.addi %arg1, %mul3A_36 : i32
      %mul3A_38 = arith.constant 8 : i32
      %mul3A_39 = arith.muli %scan3A_9, %mul3A_38 : i32
      %add3A_40 = arith.constant 4 : i32
      %add3A_41 = arith.addi %mul3A_39, %add3A_40 : i32
      %mul3A_42 = arith.constant 16 : i32
      %mul3A_43 = arith.muli %add3A_41, %mul3A_42 : i32
      %add3A_44 = arith.addi %arg1, %mul3A_43 : i32
      %mul3A_45 = arith.constant 8 : i32
      %mul3A_46 = arith.muli %scan3A_9, %mul3A_45 : i32
      %add3A_47 = arith.constant 5 : i32
      %add3A_48 = arith.addi %mul3A_46, %add3A_47 : i32
      %mul3A_49 = arith.constant 16 : i32
      %mul3A_50 = arith.muli %add3A_48, %mul3A_49 : i32
      %add3A_51 = arith.addi %arg1, %mul3A_50 : i32
      %mul3A_52 = arith.constant 8 : i32
      %mul3A_53 = arith.muli %scan3A_9, %mul3A_52 : i32
      %add3A_54 = arith.constant 6 : i32
      %add3A_55 = arith.addi %mul3A_53, %add3A_54 : i32
      %mul3A_56 = arith.constant 16 : i32
      %mul3A_57 = arith.muli %add3A_55, %mul3A_56 : i32
      %add3A_58 = arith.addi %arg1, %mul3A_57 : i32
      %mul3A_59 = arith.constant 8 : i32
      %mul3A_60 = arith.muli %scan3A_9, %mul3A_59 : i32
      %add3A_61 = arith.constant 7 : i32
      %add3A_62 = arith.addi %mul3A_60, %add3A_61 : i32
      %mul3A_63 = arith.constant 16 : i32
      %mul3A_64 = arith.muli %add3A_62, %mul3A_63 : i32
      %add3A_65 = arith.addi %arg1, %mul3A_64 : i32
      %mul3A_66 = arith.constant 81920 : i32
      %mul3A_67 = arith.muli %arg0, %mul3A_66 : i32
      %mul3A_68 = arith.constant 128 : i32
      %mul3A_69 = arith.muli %add3A_16, %mul3A_68 : i32
      %add3A_70 = arith.addi %mul3A_67, %mul3A_69 : i32
      %mul3A_71 = arith.constant 81920 : i32
      %mul3A_72 = arith.muli %arg0, %mul3A_71 : i32
      %mul3A_73 = arith.constant 128 : i32
      %mul3A_74 = arith.muli %add3A_23, %mul3A_73 : i32
      %add3A_75 = arith.addi %mul3A_72, %mul3A_74 : i32
      %mul3A_76 = arith.constant 81920 : i32
      %mul3A_77 = arith.muli %arg0, %mul3A_76 : i32
      %mul3A_78 = arith.constant 128 : i32
      %mul3A_79 = arith.muli %add3A_30, %mul3A_78 : i32
      %add3A_80 = arith.addi %mul3A_77, %mul3A_79 : i32
      %mul3A_81 = arith.constant 81920 : i32
      %mul3A_82 = arith.muli %arg0, %mul3A_81 : i32
      %mul3A_83 = arith.constant 128 : i32
      %mul3A_84 = arith.muli %add3A_37, %mul3A_83 : i32
      %add3A_85 = arith.addi %mul3A_82, %mul3A_84 : i32
      %mul3A_86 = arith.constant 81920 : i32
      %mul3A_87 = arith.muli %arg0, %mul3A_86 : i32
      %mul3A_88 = arith.constant 128 : i32
      %mul3A_89 = arith.muli %add3A_44, %mul3A_88 : i32
      %add3A_90 = arith.addi %mul3A_87, %mul3A_89 : i32
      %mul3A_91 = arith.constant 81920 : i32
      %mul3A_92 = arith.muli %arg0, %mul3A_91 : i32
      %mul3A_93 = arith.constant 128 : i32
      %mul3A_94 = arith.muli %add3A_51, %mul3A_93 : i32
      %add3A_95 = arith.addi %mul3A_92, %mul3A_94 : i32
      %mul3A_96 = arith.constant 81920 : i32
      %mul3A_97 = arith.muli %arg0, %mul3A_96 : i32
      %mul3A_98 = arith.constant 128 : i32
      %mul3A_99 = arith.muli %add3A_58, %mul3A_98 : i32
      %add3A_100 = arith.addi %mul3A_97, %mul3A_99 : i32
      %mul3A_101 = arith.constant 81920 : i32
      %mul3A_102 = arith.muli %arg0, %mul3A_101 : i32
      %mul3A_103 = arith.constant 128 : i32
      %mul3A_104 = arith.muli %add3A_65, %mul3A_103 : i32
      %add3A_105 = arith.addi %mul3A_102, %mul3A_104 : i32
      %mul3A_106 = arith.constant 80000 : i32
      %mul3A_107 = arith.muli %arg0, %mul3A_106 : i32
      %min3A = arith.constant 624 : i32
      %min3A_108 = arith.minsi %add3A_16, %min3A : i32
      %mul3A_109 = arith.constant 128 : i32
      %mul3A_110 = arith.muli %min3A_108, %mul3A_109 : i32
      %add3A_111 = arith.addi %mul3A_107, %mul3A_110 : i32
      %mul3A_112 = arith.constant 80000 : i32
      %mul3A_113 = arith.muli %arg0, %mul3A_112 : i32
      %min3A_114 = arith.constant 624 : i32
      %min3A_115 = arith.minsi %add3A_23, %min3A_114 : i32
      %mul3A_116 = arith.constant 128 : i32
      %mul3A_117 = arith.muli %min3A_115, %mul3A_116 : i32
      %add3A_118 = arith.addi %mul3A_113, %mul3A_117 : i32
      %mul3A_119 = arith.constant 80000 : i32
      %mul3A_120 = arith.muli %arg0, %mul3A_119 : i32
      %min3A_121 = arith.constant 624 : i32
      %min3A_122 = arith.minsi %add3A_30, %min3A_121 : i32
      %mul3A_123 = arith.constant 128 : i32
      %mul3A_124 = arith.muli %min3A_122, %mul3A_123 : i32
      %add3A_125 = arith.addi %mul3A_120, %mul3A_124 : i32
      %mul3A_126 = arith.constant 80000 : i32
      %mul3A_127 = arith.muli %arg0, %mul3A_126 : i32
      %min3A_128 = arith.constant 624 : i32
      %min3A_129 = arith.minsi %add3A_37, %min3A_128 : i32
      %mul3A_130 = arith.constant 128 : i32
      %mul3A_131 = arith.muli %min3A_129, %mul3A_130 : i32
      %add3A_132 = arith.addi %mul3A_127, %mul3A_131 : i32
      %mul3A_133 = arith.constant 80000 : i32
      %mul3A_134 = arith.muli %arg0, %mul3A_133 : i32
      %min3A_135 = arith.constant 624 : i32
      %min3A_136 = arith.minsi %add3A_44, %min3A_135 : i32
      %mul3A_137 = arith.constant 128 : i32
      %mul3A_138 = arith.muli %min3A_136, %mul3A_137 : i32
      %add3A_139 = arith.addi %mul3A_134, %mul3A_138 : i32
      %mul3A_140 = arith.constant 80000 : i32
      %mul3A_141 = arith.muli %arg0, %mul3A_140 : i32
      %min3A_142 = arith.constant 624 : i32
      %min3A_143 = arith.minsi %add3A_51, %min3A_142 : i32
      %mul3A_144 = arith.constant 128 : i32
      %mul3A_145 = arith.muli %min3A_143, %mul3A_144 : i32
      %add3A_146 = arith.addi %mul3A_141, %mul3A_145 : i32
      %mul3A_147 = arith.constant 80000 : i32
      %mul3A_148 = arith.muli %arg0, %mul3A_147 : i32
      %min3A_149 = arith.constant 624 : i32
      %min3A_150 = arith.minsi %add3A_58, %min3A_149 : i32
      %mul3A_151 = arith.constant 128 : i32
      %mul3A_152 = arith.muli %min3A_150, %mul3A_151 : i32
      %add3A_153 = arith.addi %mul3A_148, %mul3A_152 : i32
      %mul3A_154 = arith.constant 80000 : i32
      %mul3A_155 = arith.muli %arg0, %mul3A_154 : i32
      %min3A_156 = arith.constant 624 : i32
      %min3A_157 = arith.minsi %add3A_65, %min3A_156 : i32
      %mul3A_158 = arith.constant 128 : i32
      %mul3A_159 = arith.muli %min3A_157, %mul3A_158 : i32
      %add3A_160 = arith.addi %mul3A_155, %mul3A_159 : i32
      %dma_start3A = arith.constant 0 : i32
      %dma_start3A_161 = arith.constant 0 : i32
      %dma_start3A_162 = tpu.memref_slice %arg6[%dma_start3A, %dma_start3A_161] : memref<8x128xi32, #tpu.memory_space<vmem>> -> memref<1x128xi32, #tpu.memory_space<vmem>>
      %dma_start3A_163 = tpu.memref_squeeze %dma_start3A_162 : memref<1x128xi32, #tpu.memory_space<vmem>> -> memref<128xi32, #tpu.memory_space<vmem>>
      %dma_start3A_164 = tpu.memref_slice %arg3[%add3A_70] : memref<163840xi32, #tpu.memory_space<hbm>> -> memref<128xi32, #tpu.memory_space<hbm>>
      %dma_start3A_165 = arith.constant 0 : i32
      %dma_start3A_166 = tpu.memref_slice %arg6[%dma_start3A, %dma_start3A_165] : memref<8x128xi32, #tpu.memory_space<vmem>> -> memref<1x128xi32, #tpu.memory_space<vmem>>
      %dma_start3A_167 = tpu.memref_squeeze %dma_start3A_166 : memref<1x128xi32, #tpu.memory_space<vmem>> -> memref<128xi32, #tpu.memory_space<vmem>>
      %dma_start3A_168 = tpu.memref_slice %arg3[%add3A_70] : memref<163840xi32, #tpu.memory_space<hbm>> -> memref<128xi32, #tpu.memory_space<hbm>>
      tpu.enqueue_dma source(%dma_start3A_168 : memref<128xi32, #tpu.memory_space<hbm>>) target(%dma_start3A_167 : memref<128xi32, #tpu.memory_space<vmem>>) target_semaphore(%arg9 : memref<!tpu.dma_semaphore, #tpu.memory_space<semaphore_mem>>)
      %dma_start3A_169 = arith.constant 1 : i32
      %dma_start3A_170 = arith.constant 0 : i32
      %dma_start3A_171 = tpu.memref_slice %arg6[%dma_start3A_169, %dma_start3A_170] : memref<8x128xi32, #tpu.memory_space<vmem>> -> memref<1x128xi32, #tpu.memory_space<vmem>>
      %dma_start3A_172 = tpu.memref_squeeze %dma_start3A_171 : memref<1x128xi32, #tpu.memory_space<vmem>> -> memref<128xi32, #tpu.memory_space<vmem>>
      %dma_start3A_173 = tpu.memref_slice %arg3[%add3A_75] : memref<163840xi32, #tpu.memory_space<hbm>> -> memref<128xi32, #tpu.memory_space<hbm>>
      %dma_start3A_174 = arith.constant 0 : i32
      %dma_start3A_175 = tpu.memref_slice %arg6[%dma_start3A_169, %dma_start3A_174] : memref<8x128xi32, #tpu.memory_space<vmem>> -> memref<1x128xi32, #tpu.memory_space<vmem>>
      %dma_start3A_176 = tpu.memref_squeeze %dma_start3A_175 : memref<1x128xi32, #tpu.memory_space<vmem>> -> memref<128xi32, #tpu.memory_space<vmem>>
      %dma_start3A_177 = tpu.memref_slice %arg3[%add3A_75] : memref<163840xi32, #tpu.memory_space<hbm>> -> memref<128xi32, #tpu.memory_space<hbm>>
      tpu.enqueue_dma source(%dma_start3A_177 : memref<128xi32, #tpu.memory_space<hbm>>) target(%dma_start3A_176 : memref<128xi32, #tpu.memory_space<vmem>>) target_semaphore(%arg9 : memref<!tpu.dma_semaphore, #tpu.memory_space<semaphore_mem>>)
      %dma_start3A_178 = arith.constant 2 : i32
      %dma_start3A_179 = arith.constant 0 : i32
      %dma_start3A_180 = tpu.memref_slice %arg6[%dma_start3A_178, %dma_start3A_179] : memref<8x128xi32, #tpu.memory_space<vmem>> -> memref<1x128xi32, #tpu.memory_space<vmem>>
      %dma_start3A_181 = tpu.memref_squeeze %dma_start3A_180 : memref<1x128xi32, #tpu.memory_space<vmem>> -> memref<128xi32, #tpu.memory_space<vmem>>
      %dma_start3A_182 = tpu.memref_slice %arg3[%add3A_80] : memref<163840xi32, #tpu.memory_space<hbm>> -> memref<128xi32, #tpu.memory_space<hbm>>
      %dma_start3A_183 = arith.constant 0 : i32
      %dma_start3A_184 = tpu.memref_slice %arg6[%dma_start3A_178, %dma_start3A_183] : memref<8x128xi32, #tpu.memory_space<vmem>> -> memref<1x128xi32, #tpu.memory_space<vmem>>
      %dma_start3A_185 = tpu.memref_squeeze %dma_start3A_184 : memref<1x128xi32, #tpu.memory_space<vmem>> -> memref<128xi32, #tpu.memory_space<vmem>>
      %dma_start3A_186 = tpu.memref_slice %arg3[%add3A_80] : memref<163840xi32, #tpu.memory_space<hbm>> -> memref<128xi32, #tpu.memory_space<hbm>>
      tpu.enqueue_dma source(%dma_start3A_186 : memref<128xi32, #tpu.memory_space<hbm>>) target(%dma_start3A_185 : memref<128xi32, #tpu.memory_space<vmem>>) target_semaphore(%arg9 : memref<!tpu.dma_semaphore, #tpu.memory_space<semaphore_mem>>)
      %dma_start3A_187 = arith.constant 3 : i32
      %dma_start3A_188 = arith.constant 0 : i32
      %dma_start3A_189 = tpu.memref_slice %arg6[%dma_start3A_187, %dma_start3A_188] : memref<8x128xi32, #tpu.memory_space<vmem>> -> memref<1x128xi32, #tpu.memory_space<vmem>>
      %dma_start3A_190 = tpu.memref_squeeze %dma_start3A_189 : memref<1x128xi32, #tpu.memory_space<vmem>> -> memref<128xi32, #tpu.memory_space<vmem>>
      %dma_start3A_191 = tpu.memref_slice %arg3[%add3A_85] : memref<163840xi32, #tpu.memory_space<hbm>> -> memref<128xi32, #tpu.memory_space<hbm>>
      %dma_start3A_192 = arith.constant 0 : i32
      %dma_start3A_193 = tpu.memref_slice %arg6[%dma_start3A_187, %dma_start3A_192] : memref<8x128xi32, #tpu.memory_space<vmem>> -> memref<1x128xi32, #tpu.memory_space<vmem>>
      %dma_start3A_194 = tpu.memref_squeeze %dma_start3A_193 : memref<1x128xi32, #tpu.memory_space<vmem>> -> memref<128xi32, #tpu.memory_space<vmem>>
      %dma_start3A_195 = tpu.memref_slice %arg3[%add3A_85] : memref<163840xi32, #tpu.memory_space<hbm>> -> memref<128xi32, #tpu.memory_space<hbm>>
      tpu.enqueue_dma source(%dma_start3A_195 : memref<128xi32, #tpu.memory_space<hbm>>) target(%dma_start3A_194 : memref<128xi32, #tpu.memory_space<vmem>>) target_semaphore(%arg9 : memref<!tpu.dma_semaphore, #tpu.memory_space<semaphore_mem>>)
      %dma_start3A_196 = arith.constant 4 : i32
      %dma_start3A_197 = arith.constant 0 : i32
      %dma_start3A_198 = tpu.memref_slice %arg6[%dma_start3A_196, %dma_start3A_197] : memref<8x128xi32, #tpu.memory_space<vmem>> -> memref<1x128xi32, #tpu.memory_space<vmem>>
      %dma_start3A_199 = tpu.memref_squeeze %dma_start3A_198 : memref<1x128xi32, #tpu.memory_space<vmem>> -> memref<128xi32, #tpu.memory_space<vmem>>
      %dma_start3A_200 = tpu.memref_slice %arg3[%add3A_90] : memref<163840xi32, #tpu.memory_space<hbm>> -> memref<128xi32, #tpu.memory_space<hbm>>
      %dma_start3A_201 = arith.constant 0 : i32
      %dma_start3A_202 = tpu.memref_slice %arg6[%dma_start3A_196, %dma_start3A_201] : memref<8x128xi32, #tpu.memory_space<vmem>> -> memref<1x128xi32, #tpu.memory_space<vmem>>
      %dma_start3A_203 = tpu.memref_squeeze %dma_start3A_202 : memref<1x128xi32, #tpu.memory_space<vmem>> -> memref<128xi32, #tpu.memory_space<vmem>>
      %dma_start3A_204 = tpu.memref_slice %arg3[%add3A_90] : memref<163840xi32, #tpu.memory_space<hbm>> -> memref<128xi32, #tpu.memory_space<hbm>>
      tpu.enqueue_dma source(%dma_start3A_204 : memref<128xi32, #tpu.memory_space<hbm>>) target(%dma_start3A_203 : memref<128xi32, #tpu.memory_space<vmem>>) target_semaphore(%arg9 : memref<!tpu.dma_semaphore, #tpu.memory_space<semaphore_mem>>)
      %dma_start3A_205 = arith.constant 5 : i32
      %dma_start3A_206 = arith.constant 0 : i32
      %dma_start3A_207 = tpu.memref_slice %arg6[%dma_start3A_205, %dma_start3A_206] : memref<8x128xi32, #tpu.memory_space<vmem>> -> memref<1x128xi32, #tpu.memory_space<vmem>>
      %dma_start3A_208 = tpu.memref_squeeze %dma_start3A_207 : memref<1x128xi32, #tpu.memory_space<vmem>> -> memref<128xi32, #tpu.memory_space<vmem>>
      %dma_start3A_209 = tpu.memref_slice %arg3[%add3A_95] : memref<163840xi32, #tpu.memory_space<hbm>> -> memref<128xi32, #tpu.memory_space<hbm>>
      %dma_start3A_210 = arith.constant 0 : i32
      %dma_start3A_211 = tpu.memref_slice %arg6[%dma_start3A_205, %dma_start3A_210] : memref<8x128xi32, #tpu.memory_space<vmem>> -> memref<1x128xi32, #tpu.memory_space<vmem>>
      %dma_start3A_212 = tpu.memref_squeeze %dma_start3A_211 : memref<1x128xi32, #tpu.memory_space<vmem>> -> memref<128xi32, #tpu.memory_space<vmem>>
      %dma_start3A_213 = tpu.memref_slice %arg3[%add3A_95] : memref<163840xi32, #tpu.memory_space<hbm>> -> memref<128xi32, #tpu.memory_space<hbm>>
      tpu.enqueue_dma source(%dma_start3A_213 : memref<128xi32, #tpu.memory_space<hbm>>) target(%dma_start3A_212 : memref<128xi32, #tpu.memory_space<vmem>>) target_semaphore(%arg9 : memref<!tpu.dma_semaphore, #tpu.memory_space<semaphore_mem>>)
      %dma_start3A_214 = arith.constant 6 : i32
      %dma_start3A_215 = arith.constant 0 : i32
      %dma_start3A_216 = tpu.memref_slice %arg6[%dma_start3A_214, %dma_start3A_215] : memref<8x128xi32, #tpu.memory_space<vmem>> -> memref<1x128xi32, #tpu.memory_space<vmem>>
      %dma_start3A_217 = tpu.memref_squeeze %dma_start3A_216 : memref<1x128xi32, #tpu.memory_space<vmem>> -> memref<128xi32, #tpu.memory_space<vmem>>
      %dma_start3A_218 = tpu.memref_slice %arg3[%add3A_100] : memref<163840xi32, #tpu.memory_space<hbm>> -> memref<128xi32, #tpu.memory_space<hbm>>
      %dma_start3A_219 = arith.constant 0 : i32
      %dma_start3A_220 = tpu.memref_slice %arg6[%dma_start3A_214, %dma_start3A_219] : memref<8x128xi32, #tpu.memory_space<vmem>> -> memref<1x128xi32, #tpu.memory_space<vmem>>
      %dma_start3A_221 = tpu.memref_squeeze %dma_start3A_220 : memref<1x128xi32, #tpu.memory_space<vmem>> -> memref<128xi32, #tpu.memory_space<vmem>>
      %dma_start3A_222 = tpu.memref_slice %arg3[%add3A_100] : memref<163840xi32, #tpu.memory_space<hbm>> -> memref<128xi32, #tpu.memory_space<hbm>>
      tpu.enqueue_dma source(%dma_start3A_222 : memref<128xi32, #tpu.memory_space<hbm>>) target(%dma_start3A_221 : memref<128xi32, #tpu.memory_space<vmem>>) target_semaphore(%arg9 : memref<!tpu.dma_semaphore, #tpu.memory_space<semaphore_mem>>)
      %dma_start3A_223 = arith.constant 7 : i32
      %dma_start3A_224 = arith.constant 0 : i32
      %dma_start3A_225 = tpu.memref_slice %arg6[%dma_start3A_223, %dma_start3A_224] : memref<8x128xi32, #tpu.memory_space<vmem>> -> memref<1x128xi32, #tpu.memory_space<vmem>>
      %dma_start3A_226 = tpu.memref_squeeze %dma_start3A_225 : memref<1x128xi32, #tpu.memory_space<vmem>> -> memref<128xi32, #tpu.memory_space<vmem>>
      %dma_start3A_227 = tpu.memref_slice %arg3[%add3A_105] : memref<163840xi32, #tpu.memory_space<hbm>> -> memref<128xi32, #tpu.memory_space<hbm>>
      %dma_start3A_228 = arith.constant 0 : i32
      %dma_start3A_229 = tpu.memref_slice %arg6[%dma_start3A_223, %dma_start3A_228] : memref<8x128xi32, #tpu.memory_space<vmem>> -> memref<1x128xi32, #tpu.memory_space<vmem>>
      %dma_start3A_230 = tpu.memref_squeeze %dma_start3A_229 : memref<1x128xi32, #tpu.memory_space<vmem>> -> memref<128xi32, #tpu.memory_space<vmem>>
      %dma_start3A_231 = tpu.memref_slice %arg3[%add3A_105] : memref<163840xi32, #tpu.memory_space<hbm>> -> memref<128xi32, #tpu.memory_space<hbm>>
      tpu.enqueue_dma source(%dma_start3A_231 : memref<128xi32, #tpu.memory_space<hbm>>) target(%dma_start3A_230 : memref<128xi32, #tpu.memory_space<vmem>>) target_semaphore(%arg9 : memref<!tpu.dma_semaphore, #tpu.memory_space<semaphore_mem>>)
      %dma_start3A_232 = arith.constant 0 : i32
      %dma_start3A_233 = arith.constant 0 : i32
      %dma_start3A_234 = arith.constant 0 : i32
      %dma_start3A_235 = tpu.memref_slice %arg7[%dma_start3A_232, %dma_start3A_233, %dma_start3A_234] : memref<8x128x16xf32, #tpu.memory_space<vmem>> -> memref<1x128x16xf32, #tpu.memory_space<vmem>>
      %dma_start3A_236 = tpu.memref_squeeze %dma_start3A_235 : memref<1x128x16xf32, #tpu.memory_space<vmem>> -> memref<128x16xf32, #tpu.memory_space<vmem>>
      %dma_start3A_237 = arith.constant 0 : i32
      %dma_start3A_238 = tpu.memref_slice %arg2[%add3A_111, %dma_start3A_237] : memref<160000x128xf32, #tpu.memory_space<hbm>> -> memref<128x16xf32, #tpu.memory_space<hbm>>
      %dma_start3A_239 = arith.constant 0 : i32
      %dma_start3A_240 = arith.constant 0 : i32
      %dma_start3A_241 = tpu.memref_slice %arg7[%dma_start3A_232, %dma_start3A_239, %dma_start3A_240] : memref<8x128x16xf32, #tpu.memory_space<vmem>> -> memref<1x128x16xf32, #tpu.memory_space<vmem>>
      %dma_start3A_242 = tpu.memref_squeeze %dma_start3A_241 : memref<1x128x16xf32, #tpu.memory_space<vmem>> -> memref<128x16xf32, #tpu.memory_space<vmem>>
      %dma_start3A_243 = arith.constant 0 : i32
      %dma_start3A_244 = tpu.memref_slice %arg2[%add3A_111, %dma_start3A_243] : memref<160000x128xf32, #tpu.memory_space<hbm>> -> memref<128x16xf32, #tpu.memory_space<hbm>>
      tpu.enqueue_dma source(%dma_start3A_244 : memref<128x16xf32, #tpu.memory_space<hbm>>) target(%dma_start3A_242 : memref<128x16xf32, #tpu.memory_space<vmem>>) target_semaphore(%arg10 : memref<!tpu.dma_semaphore, #tpu.memory_space<semaphore_mem>>)
      %dma_start3A_245 = arith.constant 1 : i32
      %dma_start3A_246 = arith.constant 0 : i32
      %dma_start3A_247 = arith.constant 0 : i32
      %dma_start3A_248 = tpu.memref_slice %arg7[%dma_start3A_245, %dma_start3A_246, %dma_start3A_247] : memref<8x128x16xf32, #tpu.memory_space<vmem>> -> memref<1x128x16xf32, #tpu.memory_space<vmem>>
      %dma_start3A_249 = tpu.memref_squeeze %dma_start3A_248 : memref<1x128x16xf32, #tpu.memory_space<vmem>> -> memref<128x16xf32, #tpu.memory_space<vmem>>
      %dma_start3A_250 = arith.constant 0 : i32
      %dma_start3A_251 = tpu.memref_slice %arg2[%add3A_118, %dma_start3A_250] : memref<160000x128xf32, #tpu.memory_space<hbm>> -> memref<128x16xf32, #tpu.memory_space<hbm>>
      %dma_start3A_252 = arith.constant 0 : i32
      %dma_start3A_253 = arith.constant 0 : i32
      %dma_start3A_254 = tpu.memref_slice %arg7[%dma_start3A_245, %dma_start3A_252, %dma_start3A_253] : memref<8x128x16xf32, #tpu.memory_space<vmem>> -> memref<1x128x16xf32, #tpu.memory_space<vmem>>
      %dma_start3A_255 = tpu.memref_squeeze %dma_start3A_254 : memref<1x128x16xf32, #tpu.memory_space<vmem>> -> memref<128x16xf32, #tpu.memory_space<vmem>>
      %dma_start3A_256 = arith.constant 0 : i32
      %dma_start3A_257 = tpu.memref_slice %arg2[%add3A_118, %dma_start3A_256] : memref<160000x128xf32, #tpu.memory_space<hbm>> -> memref<128x16xf32, #tpu.memory_space<hbm>>
      tpu.enqueue_dma source(%dma_start3A_257 : memref<128x16xf32, #tpu.memory_space<hbm>>) target(%dma_start3A_255 : memref<128x16xf32, #tpu.memory_space<vmem>>) target_semaphore(%arg10 : memref<!tpu.dma_semaphore, #tpu.memory_space<semaphore_mem>>)
      %dma_start3A_258 = arith.constant 2 : i32
      %dma_start3A_259 = arith.constant 0 : i32
      %dma_start3A_260 = arith.constant 0 : i32
      %dma_start3A_261 = tpu.memref_slice %arg7[%dma_start3A_258, %dma_start3A_259, %dma_start3A_260] : memref<8x128x16xf32, #tpu.memory_space<vmem>> -> memref<1x128x16xf32, #tpu.memory_space<vmem>>
      %dma_start3A_262 = tpu.memref_squeeze %dma_start3A_261 : memref<1x128x16xf32, #tpu.memory_space<vmem>> -> memref<128x16xf32, #tpu.memory_space<vmem>>
      %dma_start3A_263 = arith.constant 0 : i32
      %dma_start3A_264 = tpu.memref_slice %arg2[%add3A_125, %dma_start3A_263] : memref<160000x128xf32, #tpu.memory_space<hbm>> -> memref<128x16xf32, #tpu.memory_space<hbm>>
      %dma_start3A_265 = arith.constant 0 : i32
      %dma_start3A_266 = arith.constant 0 : i32
      %dma_start3A_267 = tpu.memref_slice %arg7[%dma_start3A_258, %dma_start3A_265, %dma_start3A_266] : memref<8x128x16xf32, #tpu.memory_space<vmem>> -> memref<1x128x16xf32, #tpu.memory_space<vmem>>
      %dma_start3A_268 = tpu.memref_squeeze %dma_start3A_267 : memref<1x128x16xf32, #tpu.memory_space<vmem>> -> memref<128x16xf32, #tpu.memory_space<vmem>>
      %dma_start3A_269 = arith.constant 0 : i32
      %dma_start3A_270 = tpu.memref_slice %arg2[%add3A_125, %dma_start3A_269] : memref<160000x128xf32, #tpu.memory_space<hbm>> -> memref<128x16xf32, #tpu.memory_space<hbm>>
      tpu.enqueue_dma source(%dma_start3A_270 : memref<128x16xf32, #tpu.memory_space<hbm>>) target(%dma_start3A_268 : memref<128x16xf32, #tpu.memory_space<vmem>>) target_semaphore(%arg10 : memref<!tpu.dma_semaphore, #tpu.memory_space<semaphore_mem>>)
      %dma_start3A_271 = arith.constant 3 : i32
      %dma_start3A_272 = arith.constant 0 : i32
      %dma_start3A_273 = arith.constant 0 : i32
      %dma_start3A_274 = tpu.memref_slice %arg7[%dma_start3A_271, %dma_start3A_272, %dma_start3A_273] : memref<8x128x16xf32, #tpu.memory_space<vmem>> -> memref<1x128x16xf32, #tpu.memory_space<vmem>>
      %dma_start3A_275 = tpu.memref_squeeze %dma_start3A_274 : memref<1x128x16xf32, #tpu.memory_space<vmem>> -> memref<128x16xf32, #tpu.memory_space<vmem>>
      %dma_start3A_276 = arith.constant 0 : i32
      %dma_start3A_277 = tpu.memref_slice %arg2[%add3A_132, %dma_start3A_276] : memref<160000x128xf32, #tpu.memory_space<hbm>> -> memref<128x16xf32, #tpu.memory_space<hbm>>
      %dma_start3A_278 = arith.constant 0 : i32
      %dma_start3A_279 = arith.constant 0 : i32
      %dma_start3A_280 = tpu.memref_slice %arg7[%dma_start3A_271, %dma_start3A_278, %dma_start3A_279] : memref<8x128x16xf32, #tpu.memory_space<vmem>> -> memref<1x128x16xf32, #tpu.memory_space<vmem>>
      %dma_start3A_281 = tpu.memref_squeeze %dma_start3A_280 : memref<1x128x16xf32, #tpu.memory_space<vmem>> -> memref<128x16xf32, #tpu.memory_space<vmem>>
      %dma_start3A_282 = arith.constant 0 : i32
      %dma_start3A_283 = tpu.memref_slice %arg2[%add3A_132, %dma_start3A_282] : memref<160000x128xf32, #tpu.memory_space<hbm>> -> memref<128x16xf32, #tpu.memory_space<hbm>>
      tpu.enqueue_dma source(%dma_start3A_283 : memref<128x16xf32, #tpu.memory_space<hbm>>) target(%dma_start3A_281 : memref<128x16xf32, #tpu.memory_space<vmem>>) target_semaphore(%arg10 : memref<!tpu.dma_semaphore, #tpu.memory_space<semaphore_mem>>)
      %dma_start3A_284 = arith.constant 4 : i32
      %dma_start3A_285 = arith.constant 0 : i32
      %dma_start3A_286 = arith.constant 0 : i32
      %dma_start3A_287 = tpu.memref_slice %arg7[%dma_start3A_284, %dma_start3A_285, %dma_start3A_286] : memref<8x128x16xf32, #tpu.memory_space<vmem>> -> memref<1x128x16xf32, #tpu.memory_space<vmem>>
      %dma_start3A_288 = tpu.memref_squeeze %dma_start3A_287 : memref<1x128x16xf32, #tpu.memory_space<vmem>> -> memref<128x16xf32, #tpu.memory_space<vmem>>
      %dma_start3A_289 = arith.constant 0 : i32
      %dma_start3A_290 = tpu.memref_slice %arg2[%add3A_139, %dma_start3A_289] : memref<160000x128xf32, #tpu.memory_space<hbm>> -> memref<128x16xf32, #tpu.memory_space<hbm>>
      %dma_start3A_291 = arith.constant 0 : i32
      %dma_start3A_292 = arith.constant 0 : i32
      %dma_start3A_293 = tpu.memref_slice %arg7[%dma_start3A_284, %dma_start3A_291, %dma_start3A_292] : memref<8x128x16xf32, #tpu.memory_space<vmem>> -> memref<1x128x16xf32, #tpu.memory_space<vmem>>
      %dma_start3A_294 = tpu.memref_squeeze %dma_start3A_293 : memref<1x128x16xf32, #tpu.memory_space<vmem>> -> memref<128x16xf32, #tpu.memory_space<vmem>>
      %dma_start3A_295 = arith.constant 0 : i32
      %dma_start3A_296 = tpu.memref_slice %arg2[%add3A_139, %dma_start3A_295] : memref<160000x128xf32, #tpu.memory_space<hbm>> -> memref<128x16xf32, #tpu.memory_space<hbm>>
      tpu.enqueue_dma source(%dma_start3A_296 : memref<128x16xf32, #tpu.memory_space<hbm>>) target(%dma_start3A_294 : memref<128x16xf32, #tpu.memory_space<vmem>>) target_semaphore(%arg10 : memref<!tpu.dma_semaphore, #tpu.memory_space<semaphore_mem>>)
      %dma_start3A_297 = arith.constant 5 : i32
      %dma_start3A_298 = arith.constant 0 : i32
      %dma_start3A_299 = arith.constant 0 : i32
      %dma_start3A_300 = tpu.memref_slice %arg7[%dma_start3A_297, %dma_start3A_298, %dma_start3A_299] : memref<8x128x16xf32, #tpu.memory_space<vmem>> -> memref<1x128x16xf32, #tpu.memory_space<vmem>>
      %dma_start3A_301 = tpu.memref_squeeze %dma_start3A_300 : memref<1x128x16xf32, #tpu.memory_space<vmem>> -> memref<128x16xf32, #tpu.memory_space<vmem>>
      %dma_start3A_302 = arith.constant 0 : i32
      %dma_start3A_303 = tpu.memref_slice %arg2[%add3A_146, %dma_start3A_302] : memref<160000x128xf32, #tpu.memory_space<hbm>> -> memref<128x16xf32, #tpu.memory_space<hbm>>
      %dma_start3A_304 = arith.constant 0 : i32
      %dma_start3A_305 = arith.constant 0 : i32
      %dma_start3A_306 = tpu.memref_slice %arg7[%dma_start3A_297, %dma_start3A_304, %dma_start3A_305] : memref<8x128x16xf32, #tpu.memory_space<vmem>> -> memref<1x128x16xf32, #tpu.memory_space<vmem>>
      %dma_start3A_307 = tpu.memref_squeeze %dma_start3A_306 : memref<1x128x16xf32, #tpu.memory_space<vmem>> -> memref<128x16xf32, #tpu.memory_space<vmem>>
      %dma_start3A_308 = arith.constant 0 : i32
      %dma_start3A_309 = tpu.memref_slice %arg2[%add3A_146, %dma_start3A_308] : memref<160000x128xf32, #tpu.memory_space<hbm>> -> memref<128x16xf32, #tpu.memory_space<hbm>>
      tpu.enqueue_dma source(%dma_start3A_309 : memref<128x16xf32, #tpu.memory_space<hbm>>) target(%dma_start3A_307 : memref<128x16xf32, #tpu.memory_space<vmem>>) target_semaphore(%arg10 : memref<!tpu.dma_semaphore, #tpu.memory_space<semaphore_mem>>)
      %dma_start3A_310 = arith.constant 6 : i32
      %dma_start3A_311 = arith.constant 0 : i32
      %dma_start3A_312 = arith.constant 0 : i32
      %dma_start3A_313 = tpu.memref_slice %arg7[%dma_start3A_310, %dma_start3A_311, %dma_start3A_312] : memref<8x128x16xf32, #tpu.memory_space<vmem>> -> memref<1x128x16xf32, #tpu.memory_space<vmem>>
      %dma_start3A_314 = tpu.memref_squeeze %dma_start3A_313 : memref<1x128x16xf32, #tpu.memory_space<vmem>> -> memref<128x16xf32, #tpu.memory_space<vmem>>
      %dma_start3A_315 = arith.constant 0 : i32
      %dma_start3A_316 = tpu.memref_slice %arg2[%add3A_153, %dma_start3A_315] : memref<160000x128xf32, #tpu.memory_space<hbm>> -> memref<128x16xf32, #tpu.memory_space<hbm>>
      %dma_start3A_317 = arith.constant 0 : i32
      %dma_start3A_318 = arith.constant 0 : i32
      %dma_start3A_319 = tpu.memref_slice %arg7[%dma_start3A_310, %dma_start3A_317, %dma_start3A_318] : memref<8x128x16xf32, #tpu.memory_space<vmem>> -> memref<1x128x16xf32, #tpu.memory_space<vmem>>
      %dma_start3A_320 = tpu.memref_squeeze %dma_start3A_319 : memref<1x128x16xf32, #tpu.memory_space<vmem>> -> memref<128x16xf32, #tpu.memory_space<vmem>>
      %dma_start3A_321 = arith.constant 0 : i32
      %dma_start3A_322 = tpu.memref_slice %arg2[%add3A_153, %dma_start3A_321] : memref<160000x128xf32, #tpu.memory_space<hbm>> -> memref<128x16xf32, #tpu.memory_space<hbm>>
      tpu.enqueue_dma source(%dma_start3A_322 : memref<128x16xf32, #tpu.memory_space<hbm>>) target(%dma_start3A_320 : memref<128x16xf32, #tpu.memory_space<vmem>>) target_semaphore(%arg10 : memref<!tpu.dma_semaphore, #tpu.memory_space<semaphore_mem>>)
      %dma_start3A_323 = arith.constant 7 : i32
      %dma_start3A_324 = arith.constant 0 : i32
      %dma_start3A_325 = arith.constant 0 : i32
      %dma_start3A_326 = tpu.memref_slice %arg7[%dma_start3A_323, %dma_start3A_324, %dma_start3A_325] : memref<8x128x16xf32, #tpu.memory_space<vmem>> -> memref<1x128x16xf32, #tpu.memory_space<vmem>>
      %dma_start3A_327 = tpu.memref_squeeze %dma_start3A_326 : memref<1x128x16xf32, #tpu.memory_space<vmem>> -> memref<128x16xf32, #tpu.memory_space<vmem>>
      %dma_start3A_328 = arith.constant 0 : i32
      %dma_start3A_329 = tpu.memref_slice %arg2[%add3A_160, %dma_start3A_328] : memref<160000x128xf32, #tpu.memory_space<hbm>> -> memref<128x16xf32, #tpu.memory_space<hbm>>
      %dma_start3A_330 = arith.constant 0 : i32
      %dma_start3A_331 = arith.constant 0 : i32
      %dma_start3A_332 = tpu.memref_slice %arg7[%dma_start3A_323, %dma_start3A_330, %dma_start3A_331] : memref<8x128x16xf32, #tpu.memory_space<vmem>> -> memref<1x128x16xf32, #tpu.memory_space<vmem>>
      %dma_start3A_333 = tpu.memref_squeeze %dma_start3A_332 : memref<1x128x16xf32, #tpu.memory_space<vmem>> -> memref<128x16xf32, #tpu.memory_space<vmem>>
      %dma_start3A_334 = arith.constant 0 : i32
      %dma_start3A_335 = tpu.memref_slice %arg2[%add3A_160, %dma_start3A_334] : memref<160000x128xf32, #tpu.memory_space<hbm>> -> memref<128x16xf32, #tpu.memory_space<hbm>>
      tpu.enqueue_dma source(%dma_start3A_335 : memref<128x16xf32, #tpu.memory_space<hbm>>) target(%dma_start3A_333 : memref<128x16xf32, #tpu.memory_space<vmem>>) target_semaphore(%arg10 : memref<!tpu.dma_semaphore, #tpu.memory_space<semaphore_mem>>)
      %dma_wait3A = arith.constant 0 : i32
      %dma_wait3A_336 = arith.constant 0 : i32
      %dma_wait3A_337 = tpu.memref_slice %arg6[%dma_wait3A, %dma_wait3A_336] : memref<8x128xi32, #tpu.memory_space<vmem>> -> memref<1x128xi32, #tpu.memory_space<vmem>>
      %dma_wait3A_338 = tpu.memref_squeeze %dma_wait3A_337 : memref<1x128xi32, #tpu.memory_space<vmem>> -> memref<128xi32, #tpu.memory_space<vmem>>
      %dma_wait3A_339 = tpu.memref_slice %arg3[%add3A_70] : memref<163840xi32, #tpu.memory_space<hbm>> -> memref<128xi32, #tpu.memory_space<hbm>>
      %dma_wait3A_340 = arith.constant 0 : i32
      %dma_wait3A_341 = tpu.memref_slice %arg6[%dma_wait3A, %dma_wait3A_340] : memref<8x128xi32, #tpu.memory_space<vmem>> -> memref<1x128xi32, #tpu.memory_space<vmem>>
      %dma_wait3A_342 = tpu.memref_squeeze %dma_wait3A_341 : memref<1x128xi32, #tpu.memory_space<vmem>> -> memref<128xi32, #tpu.memory_space<vmem>>
      %dma_wait3A_343 = tpu.memref_slice %arg3[%add3A_70] : memref<163840xi32, #tpu.memory_space<hbm>> -> memref<128xi32, #tpu.memory_space<hbm>>
      tpu.wait_dma2 semaphore(%arg9 : memref<!tpu.dma_semaphore, #tpu.memory_space<semaphore_mem>>) src(%dma_wait3A_343 : memref<128xi32, #tpu.memory_space<hbm>>) dst(%dma_wait3A_342 : memref<128xi32, #tpu.memory_space<vmem>>)
      %dma_wait3A_344 = arith.constant 1 : i32
      %dma_wait3A_345 = arith.constant 0 : i32
      %dma_wait3A_346 = tpu.memref_slice %arg6[%dma_wait3A_344, %dma_wait3A_345] : memref<8x128xi32, #tpu.memory_space<vmem>> -> memref<1x128xi32, #tpu.memory_space<vmem>>
      %dma_wait3A_347 = tpu.memref_squeeze %dma_wait3A_346 : memref<1x128xi32, #tpu.memory_space<vmem>> -> memref<128xi32, #tpu.memory_space<vmem>>
      %dma_wait3A_348 = tpu.memref_slice %arg3[%add3A_75] : memref<163840xi32, #tpu.memory_space<hbm>> -> memref<128xi32, #tpu.memory_space<hbm>>
      %dma_wait3A_349 = arith.constant 0 : i32
      %dma_wait3A_350 = tpu.memref_slice %arg6[%dma_wait3A_344, %dma_wait3A_349] : memref<8x128xi32, #tpu.memory_space<vmem>> -> memref<1x128xi32, #tpu.memory_space<vmem>>
      %dma_wait3A_351 = tpu.memref_squeeze %dma_wait3A_350 : memref<1x128xi32, #tpu.memory_space<vmem>> -> memref<128xi32, #tpu.memory_space<vmem>>
      %dma_wait3A_352 = tpu.memref_slice %arg3[%add3A_75] : memref<163840xi32, #tpu.memory_space<hbm>> -> memref<128xi32, #tpu.memory_space<hbm>>
      tpu.wait_dma2 semaphore(%arg9 : memref<!tpu.dma_semaphore, #tpu.memory_space<semaphore_mem>>) src(%dma_wait3A_352 : memref<128xi32, #tpu.memory_space<hbm>>) dst(%dma_wait3A_351 : memref<128xi32, #tpu.memory_space<vmem>>)
      %dma_wait3A_353 = arith.constant 2 : i32
      %dma_wait3A_354 = arith.constant 0 : i32
      %dma_wait3A_355 = tpu.memref_slice %arg6[%dma_wait3A_353, %dma_wait3A_354] : memref<8x128xi32, #tpu.memory_space<vmem>> -> memref<1x128xi32, #tpu.memory_space<vmem>>
      %dma_wait3A_356 = tpu.memref_squeeze %dma_wait3A_355 : memref<1x128xi32, #tpu.memory_space<vmem>> -> memref<128xi32, #tpu.memory_space<vmem>>
      %dma_wait3A_357 = tpu.memref_slice %arg3[%add3A_80] : memref<163840xi32, #tpu.memory_space<hbm>> -> memref<128xi32, #tpu.memory_space<hbm>>
      %dma_wait3A_358 = arith.constant 0 : i32
      %dma_wait3A_359 = tpu.memref_slice %arg6[%dma_wait3A_353, %dma_wait3A_358] : memref<8x128xi32, #tpu.memory_space<vmem>> -> memref<1x128xi32, #tpu.memory_space<vmem>>
      %dma_wait3A_360 = tpu.memref_squeeze %dma_wait3A_359 : memref<1x128xi32, #tpu.memory_space<vmem>> -> memref<128xi32, #tpu.memory_space<vmem>>
      %dma_wait3A_361 = tpu.memref_slice %arg3[%add3A_80] : memref<163840xi32, #tpu.memory_space<hbm>> -> memref<128xi32, #tpu.memory_space<hbm>>
      tpu.wait_dma2 semaphore(%arg9 : memref<!tpu.dma_semaphore, #tpu.memory_space<semaphore_mem>>) src(%dma_wait3A_361 : memref<128xi32, #tpu.memory_space<hbm>>) dst(%dma_wait3A_360 : memref<128xi32, #tpu.memory_space<vmem>>)
      %dma_wait3A_362 = arith.constant 3 : i32
      %dma_wait3A_363 = arith.constant 0 : i32
      %dma_wait3A_364 = tpu.memref_slice %arg6[%dma_wait3A_362, %dma_wait3A_363] : memref<8x128xi32, #tpu.memory_space<vmem>> -> memref<1x128xi32, #tpu.memory_space<vmem>>
      %dma_wait3A_365 = tpu.memref_squeeze %dma_wait3A_364 : memref<1x128xi32, #tpu.memory_space<vmem>> -> memref<128xi32, #tpu.memory_space<vmem>>
      %dma_wait3A_366 = tpu.memref_slice %arg3[%add3A_85] : memref<163840xi32, #tpu.memory_space<hbm>> -> memref<128xi32, #tpu.memory_space<hbm>>
      %dma_wait3A_367 = arith.constant 0 : i32
      %dma_wait3A_368 = tpu.memref_slice %arg6[%dma_wait3A_362, %dma_wait3A_367] : memref<8x128xi32, #tpu.memory_space<vmem>> -> memref<1x128xi32, #tpu.memory_space<vmem>>
      %dma_wait3A_369 = tpu.memref_squeeze %dma_wait3A_368 : memref<1x128xi32, #tpu.memory_space<vmem>> -> memref<128xi32, #tpu.memory_space<vmem>>
      %dma_wait3A_370 = tpu.memref_slice %arg3[%add3A_85] : memref<163840xi32, #tpu.memory_space<hbm>> -> memref<128xi32, #tpu.memory_space<hbm>>
      tpu.wait_dma2 semaphore(%arg9 : memref<!tpu.dma_semaphore, #tpu.memory_space<semaphore_mem>>) src(%dma_wait3A_370 : memref<128xi32, #tpu.memory_space<hbm>>) dst(%dma_wait3A_369 : memref<128xi32, #tpu.memory_space<vmem>>)
      %dma_wait3A_371 = arith.constant 4 : i32
      %dma_wait3A_372 = arith.constant 0 : i32
      %dma_wait3A_373 = tpu.memref_slice %arg6[%dma_wait3A_371, %dma_wait3A_372] : memref<8x128xi32, #tpu.memory_space<vmem>> -> memref<1x128xi32, #tpu.memory_space<vmem>>
      %dma_wait3A_374 = tpu.memref_squeeze %dma_wait3A_373 : memref<1x128xi32, #tpu.memory_space<vmem>> -> memref<128xi32, #tpu.memory_space<vmem>>
      %dma_wait3A_375 = tpu.memref_slice %arg3[%add3A_90] : memref<163840xi32, #tpu.memory_space<hbm>> -> memref<128xi32, #tpu.memory_space<hbm>>
      %dma_wait3A_376 = arith.constant 0 : i32
      %dma_wait3A_377 = tpu.memref_slice %arg6[%dma_wait3A_371, %dma_wait3A_376] : memref<8x128xi32, #tpu.memory_space<vmem>> -> memref<1x128xi32, #tpu.memory_space<vmem>>
      %dma_wait3A_378 = tpu.memref_squeeze %dma_wait3A_377 : memref<1x128xi32, #tpu.memory_space<vmem>> -> memref<128xi32, #tpu.memory_space<vmem>>
      %dma_wait3A_379 = tpu.memref_slice %arg3[%add3A_90] : memref<163840xi32, #tpu.memory_space<hbm>> -> memref<128xi32, #tpu.memory_space<hbm>>
      tpu.wait_dma2 semaphore(%arg9 : memref<!tpu.dma_semaphore, #tpu.memory_space<semaphore_mem>>) src(%dma_wait3A_379 : memref<128xi32, #tpu.memory_space<hbm>>) dst(%dma_wait3A_378 : memref<128xi32, #tpu.memory_space<vmem>>)
      %dma_wait3A_380 = arith.constant 5 : i32
      %dma_wait3A_381 = arith.constant 0 : i32
      %dma_wait3A_382 = tpu.memref_slice %arg6[%dma_wait3A_380, %dma_wait3A_381] : memref<8x128xi32, #tpu.memory_space<vmem>> -> memref<1x128xi32, #tpu.memory_space<vmem>>
      %dma_wait3A_383 = tpu.memref_squeeze %dma_wait3A_382 : memref<1x128xi32, #tpu.memory_space<vmem>> -> memref<128xi32, #tpu.memory_space<vmem>>
      %dma_wait3A_384 = tpu.memref_slice %arg3[%add3A_95] : memref<163840xi32, #tpu.memory_space<hbm>> -> memref<128xi32, #tpu.memory_space<hbm>>
      %dma_wait3A_385 = arith.constant 0 : i32
      %dma_wait3A_386 = tpu.memref_slice %arg6[%dma_wait3A_380, %dma_wait3A_385] : memref<8x128xi32, #tpu.memory_space<vmem>> -> memref<1x128xi32, #tpu.memory_space<vmem>>
      %dma_wait3A_387 = tpu.memref_squeeze %dma_wait3A_386 : memref<1x128xi32, #tpu.memory_space<vmem>> -> memref<128xi32, #tpu.memory_space<vmem>>
      %dma_wait3A_388 = tpu.memref_slice %arg3[%add3A_95] : memref<163840xi32, #tpu.memory_space<hbm>> -> memref<128xi32, #tpu.memory_space<hbm>>
      tpu.wait_dma2 semaphore(%arg9 : memref<!tpu.dma_semaphore, #tpu.memory_space<semaphore_mem>>) src(%dma_wait3A_388 : memref<128xi32, #tpu.memory_space<hbm>>) dst(%dma_wait3A_387 : memref<128xi32, #tpu.memory_space<vmem>>)
      %dma_wait3A_389 = arith.constant 6 : i32
      %dma_wait3A_390 = arith.constant 0 : i32
      %dma_wait3A_391 = tpu.memref_slice %arg6[%dma_wait3A_389, %dma_wait3A_390] : memref<8x128xi32, #tpu.memory_space<vmem>> -> memref<1x128xi32, #tpu.memory_space<vmem>>
      %dma_wait3A_392 = tpu.memref_squeeze %dma_wait3A_391 : memref<1x128xi32, #tpu.memory_space<vmem>> -> memref<128xi32, #tpu.memory_space<vmem>>
      %dma_wait3A_393 = tpu.memref_slice %arg3[%add3A_100] : memref<163840xi32, #tpu.memory_space<hbm>> -> memref<128xi32, #tpu.memory_space<hbm>>
      %dma_wait3A_394 = arith.constant 0 : i32
      %dma_wait3A_395 = tpu.memref_slice %arg6[%dma_wait3A_389, %dma_wait3A_394] : memref<8x128xi32, #tpu.memory_space<vmem>> -> memref<1x128xi32, #tpu.memory_space<vmem>>
      %dma_wait3A_396 = tpu.memref_squeeze %dma_wait3A_395 : memref<1x128xi32, #tpu.memory_space<vmem>> -> memref<128xi32, #tpu.memory_space<vmem>>
      %dma_wait3A_397 = tpu.memref_slice %arg3[%add3A_100] : memref<163840xi32, #tpu.memory_space<hbm>> -> memref<128xi32, #tpu.memory_space<hbm>>
      tpu.wait_dma2 semaphore(%arg9 : memref<!tpu.dma_semaphore, #tpu.memory_space<semaphore_mem>>) src(%dma_wait3A_397 : memref<128xi32, #tpu.memory_space<hbm>>) dst(%dma_wait3A_396 : memref<128xi32, #tpu.memory_space<vmem>>)
      %dma_wait3A_398 = arith.constant 7 : i32
      %dma_wait3A_399 = arith.constant 0 : i32
      %dma_wait3A_400 = tpu.memref_slice %arg6[%dma_wait3A_398, %dma_wait3A_399] : memref<8x128xi32, #tpu.memory_space<vmem>> -> memref<1x128xi32, #tpu.memory_space<vmem>>
      %dma_wait3A_401 = tpu.memref_squeeze %dma_wait3A_400 : memref<1x128xi32, #tpu.memory_space<vmem>> -> memref<128xi32, #tpu.memory_space<vmem>>
      %dma_wait3A_402 = tpu.memref_slice %arg3[%add3A_105] : memref<163840xi32, #tpu.memory_space<hbm>> -> memref<128xi32, #tpu.memory_space<hbm>>
      %dma_wait3A_403 = arith.constant 0 : i32
      %dma_wait3A_404 = tpu.memref_slice %arg6[%dma_wait3A_398, %dma_wait3A_403] : memref<8x128xi32, #tpu.memory_space<vmem>> -> memref<1x128xi32, #tpu.memory_space<vmem>>
      %dma_wait3A_405 = tpu.memref_squeeze %dma_wait3A_404 : memref<1x128xi32, #tpu.memory_space<vmem>> -> memref<128xi32, #tpu.memory_space<vmem>>
      %dma_wait3A_406 = tpu.memref_slice %arg3[%add3A_105] : memref<163840xi32, #tpu.memory_space<hbm>> -> memref<128xi32, #tpu.memory_space<hbm>>
      tpu.wait_dma2 semaphore(%arg9 : memref<!tpu.dma_semaphore, #tpu.memory_space<semaphore_mem>>) src(%dma_wait3A_406 : memref<128xi32, #tpu.memory_space<hbm>>) dst(%dma_wait3A_405 : memref<128xi32, #tpu.memory_space<vmem>>)
      %dma_wait3A_407 = arith.constant 0 : i32
      %dma_wait3A_408 = arith.constant 0 : i32
      %dma_wait3A_409 = arith.constant 0 : i32
      %dma_wait3A_410 = tpu.memref_slice %arg7[%dma_wait3A_407, %dma_wait3A_408, %dma_wait3A_409] : memref<8x128x16xf32, #tpu.memory_space<vmem>> -> memref<1x128x16xf32, #tpu.memory_space<vmem>>
      %dma_wait3A_411 = tpu.memref_squeeze %dma_wait3A_410 : memref<1x128x16xf32, #tpu.memory_space<vmem>> -> memref<128x16xf32, #tpu.memory_space<vmem>>
      %dma_wait3A_412 = arith.constant 0 : i32
      %dma_wait3A_413 = tpu.memref_slice %arg2[%add3A_111, %dma_wait3A_412] : memref<160000x128xf32, #tpu.memory_space<hbm>> -> memref<128x16xf32, #tpu.memory_space<hbm>>
      %dma_wait3A_414 = arith.constant 0 : i32
      %dma_wait3A_415 = arith.constant 0 : i32
      %dma_wait3A_416 = tpu.memref_slice %arg7[%dma_wait3A_407, %dma_wait3A_414, %dma_wait3A_415] : memref<8x128x16xf32, #tpu.memory_space<vmem>> -> memref<1x128x16xf32, #tpu.memory_space<vmem>>
      %dma_wait3A_417 = tpu.memref_squeeze %dma_wait3A_416 : memref<1x128x16xf32, #tpu.memory_space<vmem>> -> memref<128x16xf32, #tpu.memory_space<vmem>>
      %dma_wait3A_418 = arith.constant 0 : i32
      %dma_wait3A_419 = tpu.memref_slice %arg2[%add3A_111, %dma_wait3A_418] : memref<160000x128xf32, #tpu.memory_space<hbm>> -> memref<128x16xf32, #tpu.memory_space<hbm>>
      tpu.wait_dma2 semaphore(%arg10 : memref<!tpu.dma_semaphore, #tpu.memory_space<semaphore_mem>>) src(%dma_wait3A_419 : memref<128x16xf32, #tpu.memory_space<hbm>>) dst(%dma_wait3A_417 : memref<128x16xf32, #tpu.memory_space<vmem>>)
      %dma_wait3A_420 = arith.constant 1 : i32
      %dma_wait3A_421 = arith.constant 0 : i32
      %dma_wait3A_422 = arith.constant 0 : i32
      %dma_wait3A_423 = tpu.memref_slice %arg7[%dma_wait3A_420, %dma_wait3A_421, %dma_wait3A_422] : memref<8x128x16xf32, #tpu.memory_space<vmem>> -> memref<1x128x16xf32, #tpu.memory_space<vmem>>
      %dma_wait3A_424 = tpu.memref_squeeze %dma_wait3A_423 : memref<1x128x16xf32, #tpu.memory_space<vmem>> -> memref<128x16xf32, #tpu.memory_space<vmem>>
      %dma_wait3A_425 = arith.constant 0 : i32
      %dma_wait3A_426 = tpu.memref_slice %arg2[%add3A_118, %dma_wait3A_425] : memref<160000x128xf32, #tpu.memory_space<hbm>> -> memref<128x16xf32, #tpu.memory_space<hbm>>
      %dma_wait3A_427 = arith.constant 0 : i32
      %dma_wait3A_428 = arith.constant 0 : i32
      %dma_wait3A_429 = tpu.memref_slice %arg7[%dma_wait3A_420, %dma_wait3A_427, %dma_wait3A_428] : memref<8x128x16xf32, #tpu.memory_space<vmem>> -> memref<1x128x16xf32, #tpu.memory_space<vmem>>
      %dma_wait3A_430 = tpu.memref_squeeze %dma_wait3A_429 : memref<1x128x16xf32, #tpu.memory_space<vmem>> -> memref<128x16xf32, #tpu.memory_space<vmem>>
      %dma_wait3A_431 = arith.constant 0 : i32
      %dma_wait3A_432 = tpu.memref_slice %arg2[%add3A_118, %dma_wait3A_431] : memref<160000x128xf32, #tpu.memory_space<hbm>> -> memref<128x16xf32, #tpu.memory_space<hbm>>
      tpu.wait_dma2 semaphore(%arg10 : memref<!tpu.dma_semaphore, #tpu.memory_space<semaphore_mem>>) src(%dma_wait3A_432 : memref<128x16xf32, #tpu.memory_space<hbm>>) dst(%dma_wait3A_430 : memref<128x16xf32, #tpu.memory_space<vmem>>)
      %dma_wait3A_433 = arith.constant 2 : i32
      %dma_wait3A_434 = arith.constant 0 : i32
      %dma_wait3A_435 = arith.constant 0 : i32
      %dma_wait3A_436 = tpu.memref_slice %arg7[%dma_wait3A_433, %dma_wait3A_434, %dma_wait3A_435] : memref<8x128x16xf32, #tpu.memory_space<vmem>> -> memref<1x128x16xf32, #tpu.memory_space<vmem>>
      %dma_wait3A_437 = tpu.memref_squeeze %dma_wait3A_436 : memref<1x128x16xf32, #tpu.memory_space<vmem>> -> memref<128x16xf32, #tpu.memory_space<vmem>>
      %dma_wait3A_438 = arith.constant 0 : i32
      %dma_wait3A_439 = tpu.memref_slice %arg2[%add3A_125, %dma_wait3A_438] : memref<160000x128xf32, #tpu.memory_space<hbm>> -> memref<128x16xf32, #tpu.memory_space<hbm>>
      %dma_wait3A_440 = arith.constant 0 : i32
      %dma_wait3A_441 = arith.constant 0 : i32
      %dma_wait3A_442 = tpu.memref_slice %arg7[%dma_wait3A_433, %dma_wait3A_440, %dma_wait3A_441] : memref<8x128x16xf32, #tpu.memory_space<vmem>> -> memref<1x128x16xf32, #tpu.memory_space<vmem>>
      %dma_wait3A_443 = tpu.memref_squeeze %dma_wait3A_442 : memref<1x128x16xf32, #tpu.memory_space<vmem>> -> memref<128x16xf32, #tpu.memory_space<vmem>>
      %dma_wait3A_444 = arith.constant 0 : i32
      %dma_wait3A_445 = tpu.memref_slice %arg2[%add3A_125, %dma_wait3A_444] : memref<160000x128xf32, #tpu.memory_space<hbm>> -> memref<128x16xf32, #tpu.memory_space<hbm>>
      tpu.wait_dma2 semaphore(%arg10 : memref<!tpu.dma_semaphore, #tpu.memory_space<semaphore_mem>>) src(%dma_wait3A_445 : memref<128x16xf32, #tpu.memory_space<hbm>>) dst(%dma_wait3A_443 : memref<128x16xf32, #tpu.memory_space<vmem>>)
      %dma_wait3A_446 = arith.constant 3 : i32
      %dma_wait3A_447 = arith.constant 0 : i32
      %dma_wait3A_448 = arith.constant 0 : i32
      %dma_wait3A_449 = tpu.memref_slice %arg7[%dma_wait3A_446, %dma_wait3A_447, %dma_wait3A_448] : memref<8x128x16xf32, #tpu.memory_space<vmem>> -> memref<1x128x16xf32, #tpu.memory_space<vmem>>
      %dma_wait3A_450 = tpu.memref_squeeze %dma_wait3A_449 : memref<1x128x16xf32, #tpu.memory_space<vmem>> -> memref<128x16xf32, #tpu.memory_space<vmem>>
      %dma_wait3A_451 = arith.constant 0 : i32
      %dma_wait3A_452 = tpu.memref_slice %arg2[%add3A_132, %dma_wait3A_451] : memref<160000x128xf32, #tpu.memory_space<hbm>> -> memref<128x16xf32, #tpu.memory_space<hbm>>
      %dma_wait3A_453 = arith.constant 0 : i32
      %dma_wait3A_454 = arith.constant 0 : i32
      %dma_wait3A_455 = tpu.memref_slice %arg7[%dma_wait3A_446, %dma_wait3A_453, %dma_wait3A_454] : memref<8x128x16xf32, #tpu.memory_space<vmem>> -> memref<1x128x16xf32, #tpu.memory_space<vmem>>
      %dma_wait3A_456 = tpu.memref_squeeze %dma_wait3A_455 : memref<1x128x16xf32, #tpu.memory_space<vmem>> -> memref<128x16xf32, #tpu.memory_space<vmem>>
      %dma_wait3A_457 = arith.constant 0 : i32
      %dma_wait3A_458 = tpu.memref_slice %arg2[%add3A_132, %dma_wait3A_457] : memref<160000x128xf32, #tpu.memory_space<hbm>> -> memref<128x16xf32, #tpu.memory_space<hbm>>
      tpu.wait_dma2 semaphore(%arg10 : memref<!tpu.dma_semaphore, #tpu.memory_space<semaphore_mem>>) src(%dma_wait3A_458 : memref<128x16xf32, #tpu.memory_space<hbm>>) dst(%dma_wait3A_456 : memref<128x16xf32, #tpu.memory_space<vmem>>)
      %dma_wait3A_459 = arith.constant 4 : i32
      %dma_wait3A_460 = arith.constant 0 : i32
      %dma_wait3A_461 = arith.constant 0 : i32
      %dma_wait3A_462 = tpu.memref_slice %arg7[%dma_wait3A_459, %dma_wait3A_460, %dma_wait3A_461] : memref<8x128x16xf32, #tpu.memory_space<vmem>> -> memref<1x128x16xf32, #tpu.memory_space<vmem>>
      %dma_wait3A_463 = tpu.memref_squeeze %dma_wait3A_462 : memref<1x128x16xf32, #tpu.memory_space<vmem>> -> memref<128x16xf32, #tpu.memory_space<vmem>>
      %dma_wait3A_464 = arith.constant 0 : i32
      %dma_wait3A_465 = tpu.memref_slice %arg2[%add3A_139, %dma_wait3A_464] : memref<160000x128xf32, #tpu.memory_space<hbm>> -> memref<128x16xf32, #tpu.memory_space<hbm>>
      %dma_wait3A_466 = arith.constant 0 : i32
      %dma_wait3A_467 = arith.constant 0 : i32
      %dma_wait3A_468 = tpu.memref_slice %arg7[%dma_wait3A_459, %dma_wait3A_466, %dma_wait3A_467] : memref<8x128x16xf32, #tpu.memory_space<vmem>> -> memref<1x128x16xf32, #tpu.memory_space<vmem>>
      %dma_wait3A_469 = tpu.memref_squeeze %dma_wait3A_468 : memref<1x128x16xf32, #tpu.memory_space<vmem>> -> memref<128x16xf32, #tpu.memory_space<vmem>>
      %dma_wait3A_470 = arith.constant 0 : i32
      %dma_wait3A_471 = tpu.memref_slice %arg2[%add3A_139, %dma_wait3A_470] : memref<160000x128xf32, #tpu.memory_space<hbm>> -> memref<128x16xf32, #tpu.memory_space<hbm>>
      tpu.wait_dma2 semaphore(%arg10 : memref<!tpu.dma_semaphore, #tpu.memory_space<semaphore_mem>>) src(%dma_wait3A_471 : memref<128x16xf32, #tpu.memory_space<hbm>>) dst(%dma_wait3A_469 : memref<128x16xf32, #tpu.memory_space<vmem>>)
      %dma_wait3A_472 = arith.constant 5 : i32
      %dma_wait3A_473 = arith.constant 0 : i32
      %dma_wait3A_474 = arith.constant 0 : i32
      %dma_wait3A_475 = tpu.memref_slice %arg7[%dma_wait3A_472, %dma_wait3A_473, %dma_wait3A_474] : memref<8x128x16xf32, #tpu.memory_space<vmem>> -> memref<1x128x16xf32, #tpu.memory_space<vmem>>
      %dma_wait3A_476 = tpu.memref_squeeze %dma_wait3A_475 : memref<1x128x16xf32, #tpu.memory_space<vmem>> -> memref<128x16xf32, #tpu.memory_space<vmem>>
      %dma_wait3A_477 = arith.constant 0 : i32
      %dma_wait3A_478 = tpu.memref_slice %arg2[%add3A_146, %dma_wait3A_477] : memref<160000x128xf32, #tpu.memory_space<hbm>> -> memref<128x16xf32, #tpu.memory_space<hbm>>
      %dma_wait3A_479 = arith.constant 0 : i32
      %dma_wait3A_480 = arith.constant 0 : i32
      %dma_wait3A_481 = tpu.memref_slice %arg7[%dma_wait3A_472, %dma_wait3A_479, %dma_wait3A_480] : memref<8x128x16xf32, #tpu.memory_space<vmem>> -> memref<1x128x16xf32, #tpu.memory_space<vmem>>
      %dma_wait3A_482 = tpu.memref_squeeze %dma_wait3A_481 : memref<1x128x16xf32, #tpu.memory_space<vmem>> -> memref<128x16xf32, #tpu.memory_space<vmem>>
      %dma_wait3A_483 = arith.constant 0 : i32
      %dma_wait3A_484 = tpu.memref_slice %arg2[%add3A_146, %dma_wait3A_483] : memref<160000x128xf32, #tpu.memory_space<hbm>> -> memref<128x16xf32, #tpu.memory_space<hbm>>
      tpu.wait_dma2 semaphore(%arg10 : memref<!tpu.dma_semaphore, #tpu.memory_space<semaphore_mem>>) src(%dma_wait3A_484 : memref<128x16xf32, #tpu.memory_space<hbm>>) dst(%dma_wait3A_482 : memref<128x16xf32, #tpu.memory_space<vmem>>)
      %dma_wait3A_485 = arith.constant 6 : i32
      %dma_wait3A_486 = arith.constant 0 : i32
      %dma_wait3A_487 = arith.constant 0 : i32
      %dma_wait3A_488 = tpu.memref_slice %arg7[%dma_wait3A_485, %dma_wait3A_486, %dma_wait3A_487] : memref<8x128x16xf32, #tpu.memory_space<vmem>> -> memref<1x128x16xf32, #tpu.memory_space<vmem>>
      %dma_wait3A_489 = tpu.memref_squeeze %dma_wait3A_488 : memref<1x128x16xf32, #tpu.memory_space<vmem>> -> memref<128x16xf32, #tpu.memory_space<vmem>>
      %dma_wait3A_490 = arith.constant 0 : i32
      %dma_wait3A_491 = tpu.memref_slice %arg2[%add3A_153, %dma_wait3A_490] : memref<160000x128xf32, #tpu.memory_space<hbm>> -> memref<128x16xf32, #tpu.memory_space<hbm>>
      %dma_wait3A_492 = arith.constant 0 : i32
      %dma_wait3A_493 = arith.constant 0 : i32
      %dma_wait3A_494 = tpu.memref_slice %arg7[%dma_wait3A_485, %dma_wait3A_492, %dma_wait3A_493] : memref<8x128x16xf32, #tpu.memory_space<vmem>> -> memref<1x128x16xf32, #tpu.memory_space<vmem>>
      %dma_wait3A_495 = tpu.memref_squeeze %dma_wait3A_494 : memref<1x128x16xf32, #tpu.memory_space<vmem>> -> memref<128x16xf32, #tpu.memory_space<vmem>>
      %dma_wait3A_496 = arith.constant 0 : i32
      %dma_wait3A_497 = tpu.memref_slice %arg2[%add3A_153, %dma_wait3A_496] : memref<160000x128xf32, #tpu.memory_space<hbm>> -> memref<128x16xf32, #tpu.memory_space<hbm>>
      tpu.wait_dma2 semaphore(%arg10 : memref<!tpu.dma_semaphore, #tpu.memory_space<semaphore_mem>>) src(%dma_wait3A_497 : memref<128x16xf32, #tpu.memory_space<hbm>>) dst(%dma_wait3A_495 : memref<128x16xf32, #tpu.memory_space<vmem>>)
      %dma_wait3A_498 = arith.constant 7 : i32
      %dma_wait3A_499 = arith.constant 0 : i32
      %dma_wait3A_500 = arith.constant 0 : i32
      %dma_wait3A_501 = tpu.memref_slice %arg7[%dma_wait3A_498, %dma_wait3A_499, %dma_wait3A_500] : memref<8x128x16xf32, #tpu.memory_space<vmem>> -> memref<1x128x16xf32, #tpu.memory_space<vmem>>
      %dma_wait3A_502 = tpu.memref_squeeze %dma_wait3A_501 : memref<1x128x16xf32, #tpu.memory_space<vmem>> -> memref<128x16xf32, #tpu.memory_space<vmem>>
      %dma_wait3A_503 = arith.constant 0 : i32
      %dma_wait3A_504 = tpu.memref_slice %arg2[%add3A_160, %dma_wait3A_503] : memref<160000x128xf32, #tpu.memory_space<hbm>> -> memref<128x16xf32, #tpu.memory_space<hbm>>
      %dma_wait3A_505 = arith.constant 0 : i32
      %dma_wait3A_506 = arith.constant 0 : i32
      %dma_wait3A_507 = tpu.memref_slice %arg7[%dma_wait3A_498, %dma_wait3A_505, %dma_wait3A_506] : memref<8x128x16xf32, #tpu.memory_space<vmem>> -> memref<1x128x16xf32, #tpu.memory_space<vmem>>
      %dma_wait3A_508 = tpu.memref_squeeze %dma_wait3A_507 : memref<1x128x16xf32, #tpu.memory_space<vmem>> -> memref<128x16xf32, #tpu.memory_space<vmem>>
      %dma_wait3A_509 = arith.constant 0 : i32
      %dma_wait3A_510 = tpu.memref_slice %arg2[%add3A_160, %dma_wait3A_509] : memref<160000x128xf32, #tpu.memory_space<hbm>> -> memref<128x16xf32, #tpu.memory_space<hbm>>
      tpu.wait_dma2 semaphore(%arg10 : memref<!tpu.dma_semaphore, #tpu.memory_space<semaphore_mem>>) src(%dma_wait3A_510 : memref<128x16xf32, #tpu.memory_space<hbm>>) dst(%dma_wait3A_508 : memref<128x16xf32, #tpu.memory_space<vmem>>)
      %dma_start3A_511 = arith.constant 0 : i32
      %dma_start3A_512 = arith.constant 0 : i32
      %dma_start3A_513 = arith.constant 0 : i32
      %dma_start3A_514 = arith.constant 0 : i32
      %dma_start3A_515 = tpu.memref_slice %arg7[%dma_start3A_511, %dma_start3A_513, %dma_start3A_514] : memref<8x128x16xf32, #tpu.memory_space<vmem>> -> memref<1x128x16xf32, #tpu.memory_space<vmem>>
      %dma_start3A_516 = tpu.memref_squeeze %dma_start3A_515 : memref<1x128x16xf32, #tpu.memory_space<vmem>> -> memref<128x16xf32, #tpu.memory_space<vmem>>
      %dma_start3A_517 = arith.constant 0 : i32
      %dma_start3A_518 = tpu.memref_slice %arg6[%dma_start3A_512, %dma_start3A_517] : memref<8x128xi32, #tpu.memory_space<vmem>> -> memref<1x128xi32, #tpu.memory_space<vmem>>
      %dma_start3A_519 = tpu.memref_squeeze %dma_start3A_518 : memref<1x128xi32, #tpu.memory_space<vmem>> -> memref<128xi32, #tpu.memory_space<vmem>>
      %dma_start3A_520 = arith.constant 0 : i32
      %dma_start3A_521 = arith.constant 0 : i32
      %dma_start3A_522 = tpu.memref_slice %arg8[%dma_start3A_520, %dma_start3A_521] : memref<10008x16xf32, #tpu.memory_space<vmem_shared>> -> memref<10008x16xf32, #tpu.memory_space<vmem_shared>>
      tpu.enqueue_indirect_dma source(%dma_start3A_516 : memref<128x16xf32, #tpu.memory_space<vmem>>) target(%dma_start3A_522 : memref<10008x16xf32, #tpu.memory_space<vmem_shared>>) offsets(%dma_start3A_519 : memref<128xi32, #tpu.memory_space<vmem>>) semaphore(%arg11 : memref<!tpu.dma_semaphore, #tpu.memory_space<semaphore_mem>>) {add = true}
      %dma_start3A_523 = arith.constant 1 : i32
      %dma_start3A_524 = arith.constant 1 : i32
      %dma_start3A_525 = arith.constant 0 : i32
      %dma_start3A_526 = arith.constant 0 : i32
      %dma_start3A_527 = tpu.memref_slice %arg7[%dma_start3A_523, %dma_start3A_525, %dma_start3A_526] : memref<8x128x16xf32, #tpu.memory_space<vmem>> -> memref<1x128x16xf32, #tpu.memory_space<vmem>>
      %dma_start3A_528 = tpu.memref_squeeze %dma_start3A_527 : memref<1x128x16xf32, #tpu.memory_space<vmem>> -> memref<128x16xf32, #tpu.memory_space<vmem>>
      %dma_start3A_529 = arith.constant 0 : i32
      %dma_start3A_530 = tpu.memref_slice %arg6[%dma_start3A_524, %dma_start3A_529] : memref<8x128xi32, #tpu.memory_space<vmem>> -> memref<1x128xi32, #tpu.memory_space<vmem>>
      %dma_start3A_531 = tpu.memref_squeeze %dma_start3A_530 : memref<1x128xi32, #tpu.memory_space<vmem>> -> memref<128xi32, #tpu.memory_space<vmem>>
      %dma_start3A_532 = arith.constant 0 : i32
      %dma_start3A_533 = arith.constant 0 : i32
      %dma_start3A_534 = tpu.memref_slice %arg8[%dma_start3A_532, %dma_start3A_533] : memref<10008x16xf32, #tpu.memory_space<vmem_shared>> -> memref<10008x16xf32, #tpu.memory_space<vmem_shared>>
      tpu.enqueue_indirect_dma source(%dma_start3A_528 : memref<128x16xf32, #tpu.memory_space<vmem>>) target(%dma_start3A_534 : memref<10008x16xf32, #tpu.memory_space<vmem_shared>>) offsets(%dma_start3A_531 : memref<128xi32, #tpu.memory_space<vmem>>) semaphore(%arg11 : memref<!tpu.dma_semaphore, #tpu.memory_space<semaphore_mem>>) {add = true}
      %dma_start3A_535 = arith.constant 2 : i32
      %dma_start3A_536 = arith.constant 2 : i32
      %dma_start3A_537 = arith.constant 0 : i32
      %dma_start3A_538 = arith.constant 0 : i32
      %dma_start3A_539 = tpu.memref_slice %arg7[%dma_start3A_535, %dma_start3A_537, %dma_start3A_538] : memref<8x128x16xf32, #tpu.memory_space<vmem>> -> memref<1x128x16xf32, #tpu.memory_space<vmem>>
      %dma_start3A_540 = tpu.memref_squeeze %dma_start3A_539 : memref<1x128x16xf32, #tpu.memory_space<vmem>> -> memref<128x16xf32, #tpu.memory_space<vmem>>
      %dma_start3A_541 = arith.constant 0 : i32
      %dma_start3A_542 = tpu.memref_slice %arg6[%dma_start3A_536, %dma_start3A_541] : memref<8x128xi32, #tpu.memory_space<vmem>> -> memref<1x128xi32, #tpu.memory_space<vmem>>
      %dma_start3A_543 = tpu.memref_squeeze %dma_start3A_542 : memref<1x128xi32, #tpu.memory_space<vmem>> -> memref<128xi32, #tpu.memory_space<vmem>>
      %dma_start3A_544 = arith.constant 0 : i32
      %dma_start3A_545 = arith.constant 0 : i32
      %dma_start3A_546 = tpu.memref_slice %arg8[%dma_start3A_544, %dma_start3A_545] : memref<10008x16xf32, #tpu.memory_space<vmem_shared>> -> memref<10008x16xf32, #tpu.memory_space<vmem_shared>>
      tpu.enqueue_indirect_dma source(%dma_start3A_540 : memref<128x16xf32, #tpu.memory_space<vmem>>) target(%dma_start3A_546 : memref<10008x16xf32, #tpu.memory_space<vmem_shared>>) offsets(%dma_start3A_543 : memref<128xi32, #tpu.memory_space<vmem>>) semaphore(%arg11 : memref<!tpu.dma_semaphore, #tpu.memory_space<semaphore_mem>>) {add = true}
      %dma_start3A_547 = arith.constant 3 : i32
      %dma_start3A_548 = arith.constant 3 : i32
      %dma_start3A_549 = arith.constant 0 : i32
      %dma_start3A_550 = arith.constant 0 : i32
      %dma_start3A_551 = tpu.memref_slice %arg7[%dma_start3A_547, %dma_start3A_549, %dma_start3A_550] : memref<8x128x16xf32, #tpu.memory_space<vmem>> -> memref<1x128x16xf32, #tpu.memory_space<vmem>>
      %dma_start3A_552 = tpu.memref_squeeze %dma_start3A_551 : memref<1x128x16xf32, #tpu.memory_space<vmem>> -> memref<128x16xf32, #tpu.memory_space<vmem>>
      %dma_start3A_553 = arith.constant 0 : i32
      %dma_start3A_554 = tpu.memref_slice %arg6[%dma_start3A_548, %dma_start3A_553] : memref<8x128xi32, #tpu.memory_space<vmem>> -> memref<1x128xi32, #tpu.memory_space<vmem>>
      %dma_start3A_555 = tpu.memref_squeeze %dma_start3A_554 : memref<1x128xi32, #tpu.memory_space<vmem>> -> memref<128xi32, #tpu.memory_space<vmem>>
      %dma_start3A_556 = arith.constant 0 : i32
      %dma_start3A_557 = arith.constant 0 : i32
      %dma_start3A_558 = tpu.memref_slice %arg8[%dma_start3A_556, %dma_start3A_557] : memref<10008x16xf32, #tpu.memory_space<vmem_shared>> -> memref<10008x16xf32, #tpu.memory_space<vmem_shared>>
      tpu.enqueue_indirect_dma source(%dma_start3A_552 : memref<128x16xf32, #tpu.memory_space<vmem>>) target(%dma_start3A_558 : memref<10008x16xf32, #tpu.memory_space<vmem_shared>>) offsets(%dma_start3A_555 : memref<128xi32, #tpu.memory_space<vmem>>) semaphore(%arg11 : memref<!tpu.dma_semaphore, #tpu.memory_space<semaphore_mem>>) {add = true}
      %dma_start3A_559 = arith.constant 4 : i32
      %dma_start3A_560 = arith.constant 4 : i32
      %dma_start3A_561 = arith.constant 0 : i32
      %dma_start3A_562 = arith.constant 0 : i32
      %dma_start3A_563 = tpu.memref_slice %arg7[%dma_start3A_559, %dma_start3A_561, %dma_start3A_562] : memref<8x128x16xf32, #tpu.memory_space<vmem>> -> memref<1x128x16xf32, #tpu.memory_space<vmem>>
      %dma_start3A_564 = tpu.memref_squeeze %dma_start3A_563 : memref<1x128x16xf32, #tpu.memory_space<vmem>> -> memref<128x16xf32, #tpu.memory_space<vmem>>
      %dma_start3A_565 = arith.constant 0 : i32
      %dma_start3A_566 = tpu.memref_slice %arg6[%dma_start3A_560, %dma_start3A_565] : memref<8x128xi32, #tpu.memory_space<vmem>> -> memref<1x128xi32, #tpu.memory_space<vmem>>
      %dma_start3A_567 = tpu.memref_squeeze %dma_start3A_566 : memref<1x128xi32, #tpu.memory_space<vmem>> -> memref<128xi32, #tpu.memory_space<vmem>>
      %dma_start3A_568 = arith.constant 0 : i32
      %dma_start3A_569 = arith.constant 0 : i32
      %dma_start3A_570 = tpu.memref_slice %arg8[%dma_start3A_568, %dma_start3A_569] : memref<10008x16xf32, #tpu.memory_space<vmem_shared>> -> memref<10008x16xf32, #tpu.memory_space<vmem_shared>>
      tpu.enqueue_indirect_dma source(%dma_start3A_564 : memref<128x16xf32, #tpu.memory_space<vmem>>) target(%dma_start3A_570 : memref<10008x16xf32, #tpu.memory_space<vmem_shared>>) offsets(%dma_start3A_567 : memref<128xi32, #tpu.memory_space<vmem>>) semaphore(%arg11 : memref<!tpu.dma_semaphore, #tpu.memory_space<semaphore_mem>>) {add = true}
      %dma_start3A_571 = arith.constant 5 : i32
      %dma_start3A_572 = arith.constant 5 : i32
      %dma_start3A_573 = arith.constant 0 : i32
      %dma_start3A_574 = arith.constant 0 : i32
      %dma_start3A_575 = tpu.memref_slice %arg7[%dma_start3A_571, %dma_start3A_573, %dma_start3A_574] : memref<8x128x16xf32, #tpu.memory_space<vmem>> -> memref<1x128x16xf32, #tpu.memory_space<vmem>>
      %dma_start3A_576 = tpu.memref_squeeze %dma_start3A_575 : memref<1x128x16xf32, #tpu.memory_space<vmem>> -> memref<128x16xf32, #tpu.memory_space<vmem>>
      %dma_start3A_577 = arith.constant 0 : i32
      %dma_start3A_578 = tpu.memref_slice %arg6[%dma_start3A_572, %dma_start3A_577] : memref<8x128xi32, #tpu.memory_space<vmem>> -> memref<1x128xi32, #tpu.memory_space<vmem>>
      %dma_start3A_579 = tpu.memref_squeeze %dma_start3A_578 : memref<1x128xi32, #tpu.memory_space<vmem>> -> memref<128xi32, #tpu.memory_space<vmem>>
      %dma_start3A_580 = arith.constant 0 : i32
      %dma_start3A_581 = arith.constant 0 : i32
      %dma_start3A_582 = tpu.memref_slice %arg8[%dma_start3A_580, %dma_start3A_581] : memref<10008x16xf32, #tpu.memory_space<vmem_shared>> -> memref<10008x16xf32, #tpu.memory_space<vmem_shared>>
      tpu.enqueue_indirect_dma source(%dma_start3A_576 : memref<128x16xf32, #tpu.memory_space<vmem>>) target(%dma_start3A_582 : memref<10008x16xf32, #tpu.memory_space<vmem_shared>>) offsets(%dma_start3A_579 : memref<128xi32, #tpu.memory_space<vmem>>) semaphore(%arg11 : memref<!tpu.dma_semaphore, #tpu.memory_space<semaphore_mem>>) {add = true}
      %dma_start3A_583 = arith.constant 6 : i32
      %dma_start3A_584 = arith.constant 6 : i32
      %dma_start3A_585 = arith.constant 0 : i32
      %dma_start3A_586 = arith.constant 0 : i32
      %dma_start3A_587 = tpu.memref_slice %arg7[%dma_start3A_583, %dma_start3A_585, %dma_start3A_586] : memref<8x128x16xf32, #tpu.memory_space<vmem>> -> memref<1x128x16xf32, #tpu.memory_space<vmem>>
      %dma_start3A_588 = tpu.memref_squeeze %dma_start3A_587 : memref<1x128x16xf32, #tpu.memory_space<vmem>> -> memref<128x16xf32, #tpu.memory_space<vmem>>
      %dma_start3A_589 = arith.constant 0 : i32
      %dma_start3A_590 = tpu.memref_slice %arg6[%dma_start3A_584, %dma_start3A_589] : memref<8x128xi32, #tpu.memory_space<vmem>> -> memref<1x128xi32, #tpu.memory_space<vmem>>
      %dma_start3A_591 = tpu.memref_squeeze %dma_start3A_590 : memref<1x128xi32, #tpu.memory_space<vmem>> -> memref<128xi32, #tpu.memory_space<vmem>>
      %dma_start3A_592 = arith.constant 0 : i32
      %dma_start3A_593 = arith.constant 0 : i32
      %dma_start3A_594 = tpu.memref_slice %arg8[%dma_start3A_592, %dma_start3A_593] : memref<10008x16xf32, #tpu.memory_space<vmem_shared>> -> memref<10008x16xf32, #tpu.memory_space<vmem_shared>>
      tpu.enqueue_indirect_dma source(%dma_start3A_588 : memref<128x16xf32, #tpu.memory_space<vmem>>) target(%dma_start3A_594 : memref<10008x16xf32, #tpu.memory_space<vmem_shared>>) offsets(%dma_start3A_591 : memref<128xi32, #tpu.memory_space<vmem>>) semaphore(%arg11 : memref<!tpu.dma_semaphore, #tpu.memory_space<semaphore_mem>>) {add = true}
      %dma_start3A_595 = arith.constant 7 : i32
      %dma_start3A_596 = arith.constant 7 : i32
      %dma_start3A_597 = arith.constant 0 : i32
      %dma_start3A_598 = arith.constant 0 : i32
      %dma_start3A_599 = tpu.memref_slice %arg7[%dma_start3A_595, %dma_start3A_597, %dma_start3A_598] : memref<8x128x16xf32, #tpu.memory_space<vmem>> -> memref<1x128x16xf32, #tpu.memory_space<vmem>>
      %dma_start3A_600 = tpu.memref_squeeze %dma_start3A_599 : memref<1x128x16xf32, #tpu.memory_space<vmem>> -> memref<128x16xf32, #tpu.memory_space<vmem>>
      %dma_start3A_601 = arith.constant 0 : i32
      %dma_start3A_602 = tpu.memref_slice %arg6[%dma_start3A_596, %dma_start3A_601] : memref<8x128xi32, #tpu.memory_space<vmem>> -> memref<1x128xi32, #tpu.memory_space<vmem>>
      %dma_start3A_603 = tpu.memref_squeeze %dma_start3A_602 : memref<1x128xi32, #tpu.memory_space<vmem>> -> memref<128xi32, #tpu.memory_space<vmem>>
      %dma_start3A_604 = arith.constant 0 : i32
      %dma_start3A_605 = arith.constant 0 : i32
      %dma_start3A_606 = tpu.memref_slice %arg8[%dma_start3A_604, %dma_start3A_605] : memref<10008x16xf32, #tpu.memory_space<vmem_shared>> -> memref<10008x16xf32, #tpu.memory_space<vmem_shared>>
      tpu.enqueue_indirect_dma source(%dma_start3A_600 : memref<128x16xf32, #tpu.memory_space<vmem>>) target(%dma_start3A_606 : memref<10008x16xf32, #tpu.memory_space<vmem_shared>>) offsets(%dma_start3A_603 : memref<128xi32, #tpu.memory_space<vmem>>) semaphore(%arg11 : memref<!tpu.dma_semaphore, #tpu.memory_space<semaphore_mem>>) {add = true}
      %dma_wait3A_607 = arith.constant 0 : i32
      %dma_wait3A_608 = arith.constant 0 : i32
      %dma_wait3A_609 = arith.constant 0 : i32
      %dma_wait3A_610 = arith.constant 0 : i32
      %dma_wait3A_611 = tpu.memref_slice %arg7[%dma_wait3A_607, %dma_wait3A_609, %dma_wait3A_610] : memref<8x128x16xf32, #tpu.memory_space<vmem>> -> memref<1x128x16xf32, #tpu.memory_space<vmem>>
      %dma_wait3A_612 = tpu.memref_squeeze %dma_wait3A_611 : memref<1x128x16xf32, #tpu.memory_space<vmem>> -> memref<128x16xf32, #tpu.memory_space<vmem>>
      %dma_wait3A_613 = arith.constant 0 : i32
      %dma_wait3A_614 = tpu.memref_slice %arg6[%dma_wait3A_608, %dma_wait3A_613] : memref<8x128xi32, #tpu.memory_space<vmem>> -> memref<1x128xi32, #tpu.memory_space<vmem>>
      %dma_wait3A_615 = tpu.memref_squeeze %dma_wait3A_614 : memref<1x128xi32, #tpu.memory_space<vmem>> -> memref<128xi32, #tpu.memory_space<vmem>>
      %dma_wait3A_616 = arith.constant 0 : i32
      %dma_wait3A_617 = arith.constant 0 : i32
      %dma_wait3A_618 = tpu.memref_slice %arg8[%dma_wait3A_616, %dma_wait3A_617] : memref<10008x16xf32, #tpu.memory_space<vmem_shared>> -> memref<10008x16xf32, #tpu.memory_space<vmem_shared>>
      tpu.wait_indirect_dma semaphore(%arg11 : memref<!tpu.dma_semaphore, #tpu.memory_space<semaphore_mem>>) src(%dma_wait3A_612 : memref<128x16xf32, #tpu.memory_space<vmem>>) dst(%dma_wait3A_618 : memref<10008x16xf32, #tpu.memory_space<vmem_shared>>)
      %dma_wait3A_619 = arith.constant 1 : i32
      %dma_wait3A_620 = arith.constant 1 : i32
      %dma_wait3A_621 = arith.constant 0 : i32
      %dma_wait3A_622 = arith.constant 0 : i32
      %dma_wait3A_623 = tpu.memref_slice %arg7[%dma_wait3A_619, %dma_wait3A_621, %dma_wait3A_622] : memref<8x128x16xf32, #tpu.memory_space<vmem>> -> memref<1x128x16xf32, #tpu.memory_space<vmem>>
      %dma_wait3A_624 = tpu.memref_squeeze %dma_wait3A_623 : memref<1x128x16xf32, #tpu.memory_space<vmem>> -> memref<128x16xf32, #tpu.memory_space<vmem>>
      %dma_wait3A_625 = arith.constant 0 : i32
      %dma_wait3A_626 = tpu.memref_slice %arg6[%dma_wait3A_620, %dma_wait3A_625] : memref<8x128xi32, #tpu.memory_space<vmem>> -> memref<1x128xi32, #tpu.memory_space<vmem>>
      %dma_wait3A_627 = tpu.memref_squeeze %dma_wait3A_626 : memref<1x128xi32, #tpu.memory_space<vmem>> -> memref<128xi32, #tpu.memory_space<vmem>>
      %dma_wait3A_628 = arith.constant 0 : i32
      %dma_wait3A_629 = arith.constant 0 : i32
      %dma_wait3A_630 = tpu.memref_slice %arg8[%dma_wait3A_628, %dma_wait3A_629] : memref<10008x16xf32, #tpu.memory_space<vmem_shared>> -> memref<10008x16xf32, #tpu.memory_space<vmem_shared>>
      tpu.wait_indirect_dma semaphore(%arg11 : memref<!tpu.dma_semaphore, #tpu.memory_space<semaphore_mem>>) src(%dma_wait3A_624 : memref<128x16xf32, #tpu.memory_space<vmem>>) dst(%dma_wait3A_630 : memref<10008x16xf32, #tpu.memory_space<vmem_shared>>)
      %dma_wait3A_631 = arith.constant 2 : i32
      %dma_wait3A_632 = arith.constant 2 : i32
      %dma_wait3A_633 = arith.constant 0 : i32
      %dma_wait3A_634 = arith.constant 0 : i32
      %dma_wait3A_635 = tpu.memref_slice %arg7[%dma_wait3A_631, %dma_wait3A_633, %dma_wait3A_634] : memref<8x128x16xf32, #tpu.memory_space<vmem>> -> memref<1x128x16xf32, #tpu.memory_space<vmem>>
      %dma_wait3A_636 = tpu.memref_squeeze %dma_wait3A_635 : memref<1x128x16xf32, #tpu.memory_space<vmem>> -> memref<128x16xf32, #tpu.memory_space<vmem>>
      %dma_wait3A_637 = arith.constant 0 : i32
      %dma_wait3A_638 = tpu.memref_slice %arg6[%dma_wait3A_632, %dma_wait3A_637] : memref<8x128xi32, #tpu.memory_space<vmem>> -> memref<1x128xi32, #tpu.memory_space<vmem>>
      %dma_wait3A_639 = tpu.memref_squeeze %dma_wait3A_638 : memref<1x128xi32, #tpu.memory_space<vmem>> -> memref<128xi32, #tpu.memory_space<vmem>>
      %dma_wait3A_640 = arith.constant 0 : i32
      %dma_wait3A_641 = arith.constant 0 : i32
      %dma_wait3A_642 = tpu.memref_slice %arg8[%dma_wait3A_640, %dma_wait3A_641] : memref<10008x16xf32, #tpu.memory_space<vmem_shared>> -> memref<10008x16xf32, #tpu.memory_space<vmem_shared>>
      tpu.wait_indirect_dma semaphore(%arg11 : memref<!tpu.dma_semaphore, #tpu.memory_space<semaphore_mem>>) src(%dma_wait3A_636 : memref<128x16xf32, #tpu.memory_space<vmem>>) dst(%dma_wait3A_642 : memref<10008x16xf32, #tpu.memory_space<vmem_shared>>)
      %dma_wait3A_643 = arith.constant 3 : i32
      %dma_wait3A_644 = arith.constant 3 : i32
      %dma_wait3A_645 = arith.constant 0 : i32
      %dma_wait3A_646 = arith.constant 0 : i32
      %dma_wait3A_647 = tpu.memref_slice %arg7[%dma_wait3A_643, %dma_wait3A_645, %dma_wait3A_646] : memref<8x128x16xf32, #tpu.memory_space<vmem>> -> memref<1x128x16xf32, #tpu.memory_space<vmem>>
      %dma_wait3A_648 = tpu.memref_squeeze %dma_wait3A_647 : memref<1x128x16xf32, #tpu.memory_space<vmem>> -> memref<128x16xf32, #tpu.memory_space<vmem>>
      %dma_wait3A_649 = arith.constant 0 : i32
      %dma_wait3A_650 = tpu.memref_slice %arg6[%dma_wait3A_644, %dma_wait3A_649] : memref<8x128xi32, #tpu.memory_space<vmem>> -> memref<1x128xi32, #tpu.memory_space<vmem>>
      %dma_wait3A_651 = tpu.memref_squeeze %dma_wait3A_650 : memref<1x128xi32, #tpu.memory_space<vmem>> -> memref<128xi32, #tpu.memory_space<vmem>>
      %dma_wait3A_652 = arith.constant 0 : i32
      %dma_wait3A_653 = arith.constant 0 : i32
      %dma_wait3A_654 = tpu.memref_slice %arg8[%dma_wait3A_652, %dma_wait3A_653] : memref<10008x16xf32, #tpu.memory_space<vmem_shared>> -> memref<10008x16xf32, #tpu.memory_space<vmem_shared>>
      tpu.wait_indirect_dma semaphore(%arg11 : memref<!tpu.dma_semaphore, #tpu.memory_space<semaphore_mem>>) src(%dma_wait3A_648 : memref<128x16xf32, #tpu.memory_space<vmem>>) dst(%dma_wait3A_654 : memref<10008x16xf32, #tpu.memory_space<vmem_shared>>)
      %dma_wait3A_655 = arith.constant 4 : i32
      %dma_wait3A_656 = arith.constant 4 : i32
      %dma_wait3A_657 = arith.constant 0 : i32
      %dma_wait3A_658 = arith.constant 0 : i32
      %dma_wait3A_659 = tpu.memref_slice %arg7[%dma_wait3A_655, %dma_wait3A_657, %dma_wait3A_658] : memref<8x128x16xf32, #tpu.memory_space<vmem>> -> memref<1x128x16xf32, #tpu.memory_space<vmem>>
      %dma_wait3A_660 = tpu.memref_squeeze %dma_wait3A_659 : memref<1x128x16xf32, #tpu.memory_space<vmem>> -> memref<128x16xf32, #tpu.memory_space<vmem>>
      %dma_wait3A_661 = arith.constant 0 : i32
      %dma_wait3A_662 = tpu.memref_slice %arg6[%dma_wait3A_656, %dma_wait3A_661] : memref<8x128xi32, #tpu.memory_space<vmem>> -> memref<1x128xi32, #tpu.memory_space<vmem>>
      %dma_wait3A_663 = tpu.memref_squeeze %dma_wait3A_662 : memref<1x128xi32, #tpu.memory_space<vmem>> -> memref<128xi32, #tpu.memory_space<vmem>>
      %dma_wait3A_664 = arith.constant 0 : i32
      %dma_wait3A_665 = arith.constant 0 : i32
      %dma_wait3A_666 = tpu.memref_slice %arg8[%dma_wait3A_664, %dma_wait3A_665] : memref<10008x16xf32, #tpu.memory_space<vmem_shared>> -> memref<10008x16xf32, #tpu.memory_space<vmem_shared>>
      tpu.wait_indirect_dma semaphore(%arg11 : memref<!tpu.dma_semaphore, #tpu.memory_space<semaphore_mem>>) src(%dma_wait3A_660 : memref<128x16xf32, #tpu.memory_space<vmem>>) dst(%dma_wait3A_666 : memref<10008x16xf32, #tpu.memory_space<vmem_shared>>)
      %dma_wait3A_667 = arith.constant 5 : i32
      %dma_wait3A_668 = arith.constant 5 : i32
      %dma_wait3A_669 = arith.constant 0 : i32
      %dma_wait3A_670 = arith.constant 0 : i32
      %dma_wait3A_671 = tpu.memref_slice %arg7[%dma_wait3A_667, %dma_wait3A_669, %dma_wait3A_670] : memref<8x128x16xf32, #tpu.memory_space<vmem>> -> memref<1x128x16xf32, #tpu.memory_space<vmem>>
      %dma_wait3A_672 = tpu.memref_squeeze %dma_wait3A_671 : memref<1x128x16xf32, #tpu.memory_space<vmem>> -> memref<128x16xf32, #tpu.memory_space<vmem>>
      %dma_wait3A_673 = arith.constant 0 : i32
      %dma_wait3A_674 = tpu.memref_slice %arg6[%dma_wait3A_668, %dma_wait3A_673] : memref<8x128xi32, #tpu.memory_space<vmem>> -> memref<1x128xi32, #tpu.memory_space<vmem>>
      %dma_wait3A_675 = tpu.memref_squeeze %dma_wait3A_674 : memref<1x128xi32, #tpu.memory_space<vmem>> -> memref<128xi32, #tpu.memory_space<vmem>>
      %dma_wait3A_676 = arith.constant 0 : i32
      %dma_wait3A_677 = arith.constant 0 : i32
      %dma_wait3A_678 = tpu.memref_slice %arg8[%dma_wait3A_676, %dma_wait3A_677] : memref<10008x16xf32, #tpu.memory_space<vmem_shared>> -> memref<10008x16xf32, #tpu.memory_space<vmem_shared>>
      tpu.wait_indirect_dma semaphore(%arg11 : memref<!tpu.dma_semaphore, #tpu.memory_space<semaphore_mem>>) src(%dma_wait3A_672 : memref<128x16xf32, #tpu.memory_space<vmem>>) dst(%dma_wait3A_678 : memref<10008x16xf32, #tpu.memory_space<vmem_shared>>)
      %dma_wait3A_679 = arith.constant 6 : i32
      %dma_wait3A_680 = arith.constant 6 : i32
      %dma_wait3A_681 = arith.constant 0 : i32
      %dma_wait3A_682 = arith.constant 0 : i32
      %dma_wait3A_683 = tpu.memref_slice %arg7[%dma_wait3A_679, %dma_wait3A_681, %dma_wait3A_682] : memref<8x128x16xf32, #tpu.memory_space<vmem>> -> memref<1x128x16xf32, #tpu.memory_space<vmem>>
      %dma_wait3A_684 = tpu.memref_squeeze %dma_wait3A_683 : memref<1x128x16xf32, #tpu.memory_space<vmem>> -> memref<128x16xf32, #tpu.memory_space<vmem>>
      %dma_wait3A_685 = arith.constant 0 : i32
      %dma_wait3A_686 = tpu.memref_slice %arg6[%dma_wait3A_680, %dma_wait3A_685] : memref<8x128xi32, #tpu.memory_space<vmem>> -> memref<1x128xi32, #tpu.memory_space<vmem>>
      %dma_wait3A_687 = tpu.memref_squeeze %dma_wait3A_686 : memref<1x128xi32, #tpu.memory_space<vmem>> -> memref<128xi32, #tpu.memory_space<vmem>>
      %dma_wait3A_688 = arith.constant 0 : i32
      %dma_wait3A_689 = arith.constant 0 : i32
      %dma_wait3A_690 = tpu.memref_slice %arg8[%dma_wait3A_688, %dma_wait3A_689] : memref<10008x16xf32, #tpu.memory_space<vmem_shared>> -> memref<10008x16xf32, #tpu.memory_space<vmem_shared>>
      tpu.wait_indirect_dma semaphore(%arg11 : memref<!tpu.dma_semaphore, #tpu.memory_space<semaphore_mem>>) src(%dma_wait3A_684 : memref<128x16xf32, #tpu.memory_space<vmem>>) dst(%dma_wait3A_690 : memref<10008x16xf32, #tpu.memory_space<vmem_shared>>)
      %dma_wait3A_691 = arith.constant 7 : i32
      %dma_wait3A_692 = arith.constant 7 : i32
      %dma_wait3A_693 = arith.constant 0 : i32
      %dma_wait3A_694 = arith.constant 0 : i32
      %dma_wait3A_695 = tpu.memref_slice %arg7[%dma_wait3A_691, %dma_wait3A_693, %dma_wait3A_694] : memref<8x128x16xf32, #tpu.memory_space<vmem>> -> memref<1x128x16xf32, #tpu.memory_space<vmem>>
      %dma_wait3A_696 = tpu.memref_squeeze %dma_wait3A_695 : memref<1x128x16xf32, #tpu.memory_space<vmem>> -> memref<128x16xf32, #tpu.memory_space<vmem>>
      %dma_wait3A_697 = arith.constant 0 : i32
      %dma_wait3A_698 = tpu.memref_slice %arg6[%dma_wait3A_692, %dma_wait3A_697] : memref<8x128xi32, #tpu.memory_space<vmem>> -> memref<1x128xi32, #tpu.memory_space<vmem>>
      %dma_wait3A_699 = tpu.memref_squeeze %dma_wait3A_698 : memref<1x128xi32, #tpu.memory_space<vmem>> -> memref<128xi32, #tpu.memory_space<vmem>>
      %dma_wait3A_700 = arith.constant 0 : i32
      %dma_wait3A_701 = arith.constant 0 : i32
      %dma_wait3A_702 = tpu.memref_slice %arg8[%dma_wait3A_700, %dma_wait3A_701] : memref<10008x16xf32, #tpu.memory_space<vmem_shared>> -> memref<10008x16xf32, #tpu.memory_space<vmem_shared>>
      tpu.wait_indirect_dma semaphore(%arg11 : memref<!tpu.dma_semaphore, #tpu.memory_space<semaphore_mem>>) src(%dma_wait3A_696 : memref<128x16xf32, #tpu.memory_space<vmem>>) dst(%dma_wait3A_702 : memref<10008x16xf32, #tpu.memory_space<vmem_shared>>)
    }
    %scan3A_5 = arith.constant 5 : i32
    %barrier3A_6 = arith.constant 0 : index
    tpu.barrier barrier_id(%barrier3A_6)
    %mul3A_7 = arith.constant 10000 : i32
    %mul3A_8 = arith.muli %arg0, %mul3A_7 : i32
    %add3A = arith.addi %mul3A_8, %mul3A_0 : i32
    "tpu.region"() ({
      %run_scoped3A = tpu.sem_alloc : memref<!tpu.dma_semaphore, #tpu.memory_space<semaphore_mem>>
      %dma_start3A = arith.constant 0 : i32
      %dma_start3A_9 = tpu.memref_slice %arg5[%add3A, %dma_start3A] : memref<20000x128xf32, #tpu.memory_space<hbm>> -> memref<625x16xf32, #tpu.memory_space<hbm>>
      %dma_start3A_10 = arith.constant 0 : i32
      %dma_start3A_11 = tpu.memref_slice %arg8[%mul3A_0, %dma_start3A_10] : memref<10008x16xf32, #tpu.memory_space<vmem_shared>> -> memref<625x16xf32, #tpu.memory_space<vmem_shared>>
      tpu.enqueue_dma source(%dma_start3A_11 : memref<625x16xf32, #tpu.memory_space<vmem_shared>>) target(%dma_start3A_9 : memref<625x16xf32, #tpu.memory_space<hbm>>) target_semaphore(%run_scoped3A : memref<!tpu.dma_semaphore, #tpu.memory_space<semaphore_mem>>)
      %dma_wait3A = arith.constant 0 : i32
      %dma_wait3A_12 = tpu.memref_slice %arg5[%add3A, %dma_wait3A] : memref<20000x128xf32, #tpu.memory_space<hbm>> -> memref<625x16xf32, #tpu.memory_space<hbm>>
      %dma_wait3A_13 = arith.constant 0 : i32
      %dma_wait3A_14 = tpu.memref_slice %arg8[%mul3A_0, %dma_wait3A_13] : memref<10008x16xf32, #tpu.memory_space<vmem_shared>> -> memref<625x16xf32, #tpu.memory_space<vmem_shared>>
      tpu.wait_dma2 semaphore(%run_scoped3A : memref<!tpu.dma_semaphore, #tpu.memory_space<semaphore_mem>>) src(%dma_wait3A_14 : memref<625x16xf32, #tpu.memory_space<vmem_shared>>) dst(%dma_wait3A_12 : memref<625x16xf32, #tpu.memory_space<hbm>>)
      tpu.yield
    }) : () -> ()
    return
  }
}

#map = affine_map<(d0, d1) -> (0, 0)>
#map1 = affine_map<(d0, d1) -> (0)>
module attributes {stable_mosaic.version = 14 : i64} {
  func.func @gather_k(%arg0: i32, %arg1: i32, %arg2: memref<10000x16xf32, #tpu.memory_space<hbm>>, %arg3: memref<160000xi32, #tpu.memory_space<hbm>>, %arg4: memref<160000x128xf32, #tpu.memory_space<hbm>>, %arg5: memref<8x128xi32, #tpu.memory_space<vmem>>, %arg6: memref<8x128x16xf32, #tpu.memory_space<vmem>>, %arg7: memref<!tpu.dma_semaphore, #tpu.memory_space<semaphore_mem>>, %arg8: memref<!tpu.dma_semaphore, #tpu.memory_space<semaphore_mem>>, %arg9: memref<!tpu.dma_semaphore, #tpu.memory_space<semaphore_mem>>) attributes {dimension_semantics = [#tpu.dimension_semantics<core_parallel>, #tpu.dimension_semantics<subcore_parallel>], iteration_bounds = array<i64: 2, 16>, scalar_prefetch = 0 : i64, scratch_operands = 5 : i64, tpu.core_type = #tpu.core_type<sc_vector_subcore>, window_params = [{transform_indices = #map}, {transform_indices = #map1}, {transform_indices = #map}]} {
    %mul3A = arith.constant 2 : i32
    %mul3A_0 = arith.muli %arg1, %mul3A : i32
    %add3A = arith.addi %mul3A_0, %arg0 : i32
    %scan3A = arith.constant 0 : i32
    %scan3A_1 = arith.constant 0 : i32
    %scan3A_2 = arith.constant 5 : i32
    %scan3A_3 = arith.addi %scan3A_1, %scan3A_2 : i32
    %scan3A_4 = arith.constant 1 : i32
    scf.for %scan3A_6 = %scan3A_1 to %scan3A_3 step %scan3A_4  : i32 {
      %mul3A_7 = arith.constant 8 : i32
      %mul3A_8 = arith.muli %scan3A_6, %mul3A_7 : i32
      %add3A_9 = arith.constant 0 : i32
      %add3A_10 = arith.addi %mul3A_8, %add3A_9 : i32
      %mul3A_11 = arith.constant 32 : i32
      %mul3A_12 = arith.muli %add3A_10, %mul3A_11 : i32
      %add3A_13 = arith.addi %add3A, %mul3A_12 : i32
      %min3A = arith.constant 1249 : i32
      %min3A_14 = arith.minsi %add3A_13, %min3A : i32
      %mul3A_15 = arith.constant 8 : i32
      %mul3A_16 = arith.muli %scan3A_6, %mul3A_15 : i32
      %add3A_17 = arith.constant 1 : i32
      %add3A_18 = arith.addi %mul3A_16, %add3A_17 : i32
      %mul3A_19 = arith.constant 32 : i32
      %mul3A_20 = arith.muli %add3A_18, %mul3A_19 : i32
      %add3A_21 = arith.addi %add3A, %mul3A_20 : i32
      %min3A_22 = arith.constant 1249 : i32
      %min3A_23 = arith.minsi %add3A_21, %min3A_22 : i32
      %mul3A_24 = arith.constant 8 : i32
      %mul3A_25 = arith.muli %scan3A_6, %mul3A_24 : i32
      %add3A_26 = arith.constant 2 : i32
      %add3A_27 = arith.addi %mul3A_25, %add3A_26 : i32
      %mul3A_28 = arith.constant 32 : i32
      %mul3A_29 = arith.muli %add3A_27, %mul3A_28 : i32
      %add3A_30 = arith.addi %add3A, %mul3A_29 : i32
      %min3A_31 = arith.constant 1249 : i32
      %min3A_32 = arith.minsi %add3A_30, %min3A_31 : i32
      %mul3A_33 = arith.constant 8 : i32
      %mul3A_34 = arith.muli %scan3A_6, %mul3A_33 : i32
      %add3A_35 = arith.constant 3 : i32
      %add3A_36 = arith.addi %mul3A_34, %add3A_35 : i32
      %mul3A_37 = arith.constant 32 : i32
      %mul3A_38 = arith.muli %add3A_36, %mul3A_37 : i32
      %add3A_39 = arith.addi %add3A, %mul3A_38 : i32
      %min3A_40 = arith.constant 1249 : i32
      %min3A_41 = arith.minsi %add3A_39, %min3A_40 : i32
      %mul3A_42 = arith.constant 8 : i32
      %mul3A_43 = arith.muli %scan3A_6, %mul3A_42 : i32
      %add3A_44 = arith.constant 4 : i32
      %add3A_45 = arith.addi %mul3A_43, %add3A_44 : i32
      %mul3A_46 = arith.constant 32 : i32
      %mul3A_47 = arith.muli %add3A_45, %mul3A_46 : i32
      %add3A_48 = arith.addi %add3A, %mul3A_47 : i32
      %min3A_49 = arith.constant 1249 : i32
      %min3A_50 = arith.minsi %add3A_48, %min3A_49 : i32
      %mul3A_51 = arith.constant 8 : i32
      %mul3A_52 = arith.muli %scan3A_6, %mul3A_51 : i32
      %add3A_53 = arith.constant 5 : i32
      %add3A_54 = arith.addi %mul3A_52, %add3A_53 : i32
      %mul3A_55 = arith.constant 32 : i32
      %mul3A_56 = arith.muli %add3A_54, %mul3A_55 : i32
      %add3A_57 = arith.addi %add3A, %mul3A_56 : i32
      %min3A_58 = arith.constant 1249 : i32
      %min3A_59 = arith.minsi %add3A_57, %min3A_58 : i32
      %mul3A_60 = arith.constant 8 : i32
      %mul3A_61 = arith.muli %scan3A_6, %mul3A_60 : i32
      %add3A_62 = arith.constant 6 : i32
      %add3A_63 = arith.addi %mul3A_61, %add3A_62 : i32
      %mul3A_64 = arith.constant 32 : i32
      %mul3A_65 = arith.muli %add3A_63, %mul3A_64 : i32
      %add3A_66 = arith.addi %add3A, %mul3A_65 : i32
      %min3A_67 = arith.constant 1249 : i32
      %min3A_68 = arith.minsi %add3A_66, %min3A_67 : i32
      %mul3A_69 = arith.constant 8 : i32
      %mul3A_70 = arith.muli %scan3A_6, %mul3A_69 : i32
      %add3A_71 = arith.constant 7 : i32
      %add3A_72 = arith.addi %mul3A_70, %add3A_71 : i32
      %mul3A_73 = arith.constant 32 : i32
      %mul3A_74 = arith.muli %add3A_72, %mul3A_73 : i32
      %add3A_75 = arith.addi %add3A, %mul3A_74 : i32
      %min3A_76 = arith.constant 1249 : i32
      %min3A_77 = arith.minsi %add3A_75, %min3A_76 : i32
      %mul3A_78 = arith.constant 128 : i32
      %mul3A_79 = arith.muli %min3A_14, %mul3A_78 : i32
      %dma_start3A = arith.constant 0 : i32
      %dma_start3A_80 = arith.constant 0 : i32
      %dma_start3A_81 = tpu.memref_slice %arg5[%dma_start3A, %dma_start3A_80] : memref<8x128xi32, #tpu.memory_space<vmem>> -> memref<1x128xi32, #tpu.memory_space<vmem>>
      %dma_start3A_82 = tpu.memref_squeeze %dma_start3A_81 : memref<1x128xi32, #tpu.memory_space<vmem>> -> memref<128xi32, #tpu.memory_space<vmem>>
      %dma_start3A_83 = tpu.memref_slice %arg3[%mul3A_79] : memref<160000xi32, #tpu.memory_space<hbm>> -> memref<128xi32, #tpu.memory_space<hbm>>
      %dma_start3A_84 = arith.constant 0 : i32
      %dma_start3A_85 = tpu.memref_slice %arg5[%dma_start3A, %dma_start3A_84] : memref<8x128xi32, #tpu.memory_space<vmem>> -> memref<1x128xi32, #tpu.memory_space<vmem>>
      %dma_start3A_86 = tpu.memref_squeeze %dma_start3A_85 : memref<1x128xi32, #tpu.memory_space<vmem>> -> memref<128xi32, #tpu.memory_space<vmem>>
      %dma_start3A_87 = tpu.memref_slice %arg3[%mul3A_79] : memref<160000xi32, #tpu.memory_space<hbm>> -> memref<128xi32, #tpu.memory_space<hbm>>
      tpu.enqueue_dma source(%dma_start3A_87 : memref<128xi32, #tpu.memory_space<hbm>>) target(%dma_start3A_86 : memref<128xi32, #tpu.memory_space<vmem>>) target_semaphore(%arg7 : memref<!tpu.dma_semaphore, #tpu.memory_space<semaphore_mem>>)
      %mul3A_88 = arith.constant 128 : i32
      %mul3A_89 = arith.muli %min3A_23, %mul3A_88 : i32
      %dma_start3A_90 = arith.constant 1 : i32
      %dma_start3A_91 = arith.constant 0 : i32
      %dma_start3A_92 = tpu.memref_slice %arg5[%dma_start3A_90, %dma_start3A_91] : memref<8x128xi32, #tpu.memory_space<vmem>> -> memref<1x128xi32, #tpu.memory_space<vmem>>
      %dma_start3A_93 = tpu.memref_squeeze %dma_start3A_92 : memref<1x128xi32, #tpu.memory_space<vmem>> -> memref<128xi32, #tpu.memory_space<vmem>>
      %dma_start3A_94 = tpu.memref_slice %arg3[%mul3A_89] : memref<160000xi32, #tpu.memory_space<hbm>> -> memref<128xi32, #tpu.memory_space<hbm>>
      %dma_start3A_95 = arith.constant 0 : i32
      %dma_start3A_96 = tpu.memref_slice %arg5[%dma_start3A_90, %dma_start3A_95] : memref<8x128xi32, #tpu.memory_space<vmem>> -> memref<1x128xi32, #tpu.memory_space<vmem>>
      %dma_start3A_97 = tpu.memref_squeeze %dma_start3A_96 : memref<1x128xi32, #tpu.memory_space<vmem>> -> memref<128xi32, #tpu.memory_space<vmem>>
      %dma_start3A_98 = tpu.memref_slice %arg3[%mul3A_89] : memref<160000xi32, #tpu.memory_space<hbm>> -> memref<128xi32, #tpu.memory_space<hbm>>
      tpu.enqueue_dma source(%dma_start3A_98 : memref<128xi32, #tpu.memory_space<hbm>>) target(%dma_start3A_97 : memref<128xi32, #tpu.memory_space<vmem>>) target_semaphore(%arg7 : memref<!tpu.dma_semaphore, #tpu.memory_space<semaphore_mem>>)
      %mul3A_99 = arith.constant 128 : i32
      %mul3A_100 = arith.muli %min3A_32, %mul3A_99 : i32
      %dma_start3A_101 = arith.constant 2 : i32
      %dma_start3A_102 = arith.constant 0 : i32
      %dma_start3A_103 = tpu.memref_slice %arg5[%dma_start3A_101, %dma_start3A_102] : memref<8x128xi32, #tpu.memory_space<vmem>> -> memref<1x128xi32, #tpu.memory_space<vmem>>
      %dma_start3A_104 = tpu.memref_squeeze %dma_start3A_103 : memref<1x128xi32, #tpu.memory_space<vmem>> -> memref<128xi32, #tpu.memory_space<vmem>>
      %dma_start3A_105 = tpu.memref_slice %arg3[%mul3A_100] : memref<160000xi32, #tpu.memory_space<hbm>> -> memref<128xi32, #tpu.memory_space<hbm>>
      %dma_start3A_106 = arith.constant 0 : i32
      %dma_start3A_107 = tpu.memref_slice %arg5[%dma_start3A_101, %dma_start3A_106] : memref<8x128xi32, #tpu.memory_space<vmem>> -> memref<1x128xi32, #tpu.memory_space<vmem>>
      %dma_start3A_108 = tpu.memref_squeeze %dma_start3A_107 : memref<1x128xi32, #tpu.memory_space<vmem>> -> memref<128xi32, #tpu.memory_space<vmem>>
      %dma_start3A_109 = tpu.memref_slice %arg3[%mul3A_100] : memref<160000xi32, #tpu.memory_space<hbm>> -> memref<128xi32, #tpu.memory_space<hbm>>
      tpu.enqueue_dma source(%dma_start3A_109 : memref<128xi32, #tpu.memory_space<hbm>>) target(%dma_start3A_108 : memref<128xi32, #tpu.memory_space<vmem>>) target_semaphore(%arg7 : memref<!tpu.dma_semaphore, #tpu.memory_space<semaphore_mem>>)
      %mul3A_110 = arith.constant 128 : i32
      %mul3A_111 = arith.muli %min3A_41, %mul3A_110 : i32
      %dma_start3A_112 = arith.constant 3 : i32
      %dma_start3A_113 = arith.constant 0 : i32
      %dma_start3A_114 = tpu.memref_slice %arg5[%dma_start3A_112, %dma_start3A_113] : memref<8x128xi32, #tpu.memory_space<vmem>> -> memref<1x128xi32, #tpu.memory_space<vmem>>
      %dma_start3A_115 = tpu.memref_squeeze %dma_start3A_114 : memref<1x128xi32, #tpu.memory_space<vmem>> -> memref<128xi32, #tpu.memory_space<vmem>>
      %dma_start3A_116 = tpu.memref_slice %arg3[%mul3A_111] : memref<160000xi32, #tpu.memory_space<hbm>> -> memref<128xi32, #tpu.memory_space<hbm>>
      %dma_start3A_117 = arith.constant 0 : i32
      %dma_start3A_118 = tpu.memref_slice %arg5[%dma_start3A_112, %dma_start3A_117] : memref<8x128xi32, #tpu.memory_space<vmem>> -> memref<1x128xi32, #tpu.memory_space<vmem>>
      %dma_start3A_119 = tpu.memref_squeeze %dma_start3A_118 : memref<1x128xi32, #tpu.memory_space<vmem>> -> memref<128xi32, #tpu.memory_space<vmem>>
      %dma_start3A_120 = tpu.memref_slice %arg3[%mul3A_111] : memref<160000xi32, #tpu.memory_space<hbm>> -> memref<128xi32, #tpu.memory_space<hbm>>
      tpu.enqueue_dma source(%dma_start3A_120 : memref<128xi32, #tpu.memory_space<hbm>>) target(%dma_start3A_119 : memref<128xi32, #tpu.memory_space<vmem>>) target_semaphore(%arg7 : memref<!tpu.dma_semaphore, #tpu.memory_space<semaphore_mem>>)
      %mul3A_121 = arith.constant 128 : i32
      %mul3A_122 = arith.muli %min3A_50, %mul3A_121 : i32
      %dma_start3A_123 = arith.constant 4 : i32
      %dma_start3A_124 = arith.constant 0 : i32
      %dma_start3A_125 = tpu.memref_slice %arg5[%dma_start3A_123, %dma_start3A_124] : memref<8x128xi32, #tpu.memory_space<vmem>> -> memref<1x128xi32, #tpu.memory_space<vmem>>
      %dma_start3A_126 = tpu.memref_squeeze %dma_start3A_125 : memref<1x128xi32, #tpu.memory_space<vmem>> -> memref<128xi32, #tpu.memory_space<vmem>>
      %dma_start3A_127 = tpu.memref_slice %arg3[%mul3A_122] : memref<160000xi32, #tpu.memory_space<hbm>> -> memref<128xi32, #tpu.memory_space<hbm>>
      %dma_start3A_128 = arith.constant 0 : i32
      %dma_start3A_129 = tpu.memref_slice %arg5[%dma_start3A_123, %dma_start3A_128] : memref<8x128xi32, #tpu.memory_space<vmem>> -> memref<1x128xi32, #tpu.memory_space<vmem>>
      %dma_start3A_130 = tpu.memref_squeeze %dma_start3A_129 : memref<1x128xi32, #tpu.memory_space<vmem>> -> memref<128xi32, #tpu.memory_space<vmem>>
      %dma_start3A_131 = tpu.memref_slice %arg3[%mul3A_122] : memref<160000xi32, #tpu.memory_space<hbm>> -> memref<128xi32, #tpu.memory_space<hbm>>
      tpu.enqueue_dma source(%dma_start3A_131 : memref<128xi32, #tpu.memory_space<hbm>>) target(%dma_start3A_130 : memref<128xi32, #tpu.memory_space<vmem>>) target_semaphore(%arg7 : memref<!tpu.dma_semaphore, #tpu.memory_space<semaphore_mem>>)
      %mul3A_132 = arith.constant 128 : i32
      %mul3A_133 = arith.muli %min3A_59, %mul3A_132 : i32
      %dma_start3A_134 = arith.constant 5 : i32
      %dma_start3A_135 = arith.constant 0 : i32
      %dma_start3A_136 = tpu.memref_slice %arg5[%dma_start3A_134, %dma_start3A_135] : memref<8x128xi32, #tpu.memory_space<vmem>> -> memref<1x128xi32, #tpu.memory_space<vmem>>
      %dma_start3A_137 = tpu.memref_squeeze %dma_start3A_136 : memref<1x128xi32, #tpu.memory_space<vmem>> -> memref<128xi32, #tpu.memory_space<vmem>>
      %dma_start3A_138 = tpu.memref_slice %arg3[%mul3A_133] : memref<160000xi32, #tpu.memory_space<hbm>> -> memref<128xi32, #tpu.memory_space<hbm>>
      %dma_start3A_139 = arith.constant 0 : i32
      %dma_start3A_140 = tpu.memref_slice %arg5[%dma_start3A_134, %dma_start3A_139] : memref<8x128xi32, #tpu.memory_space<vmem>> -> memref<1x128xi32, #tpu.memory_space<vmem>>
      %dma_start3A_141 = tpu.memref_squeeze %dma_start3A_140 : memref<1x128xi32, #tpu.memory_space<vmem>> -> memref<128xi32, #tpu.memory_space<vmem>>
      %dma_start3A_142 = tpu.memref_slice %arg3[%mul3A_133] : memref<160000xi32, #tpu.memory_space<hbm>> -> memref<128xi32, #tpu.memory_space<hbm>>
      tpu.enqueue_dma source(%dma_start3A_142 : memref<128xi32, #tpu.memory_space<hbm>>) target(%dma_start3A_141 : memref<128xi32, #tpu.memory_space<vmem>>) target_semaphore(%arg7 : memref<!tpu.dma_semaphore, #tpu.memory_space<semaphore_mem>>)
      %mul3A_143 = arith.constant 128 : i32
      %mul3A_144 = arith.muli %min3A_68, %mul3A_143 : i32
      %dma_start3A_145 = arith.constant 6 : i32
      %dma_start3A_146 = arith.constant 0 : i32
      %dma_start3A_147 = tpu.memref_slice %arg5[%dma_start3A_145, %dma_start3A_146] : memref<8x128xi32, #tpu.memory_space<vmem>> -> memref<1x128xi32, #tpu.memory_space<vmem>>
      %dma_start3A_148 = tpu.memref_squeeze %dma_start3A_147 : memref<1x128xi32, #tpu.memory_space<vmem>> -> memref<128xi32, #tpu.memory_space<vmem>>
      %dma_start3A_149 = tpu.memref_slice %arg3[%mul3A_144] : memref<160000xi32, #tpu.memory_space<hbm>> -> memref<128xi32, #tpu.memory_space<hbm>>
      %dma_start3A_150 = arith.constant 0 : i32
      %dma_start3A_151 = tpu.memref_slice %arg5[%dma_start3A_145, %dma_start3A_150] : memref<8x128xi32, #tpu.memory_space<vmem>> -> memref<1x128xi32, #tpu.memory_space<vmem>>
      %dma_start3A_152 = tpu.memref_squeeze %dma_start3A_151 : memref<1x128xi32, #tpu.memory_space<vmem>> -> memref<128xi32, #tpu.memory_space<vmem>>
      %dma_start3A_153 = tpu.memref_slice %arg3[%mul3A_144] : memref<160000xi32, #tpu.memory_space<hbm>> -> memref<128xi32, #tpu.memory_space<hbm>>
      tpu.enqueue_dma source(%dma_start3A_153 : memref<128xi32, #tpu.memory_space<hbm>>) target(%dma_start3A_152 : memref<128xi32, #tpu.memory_space<vmem>>) target_semaphore(%arg7 : memref<!tpu.dma_semaphore, #tpu.memory_space<semaphore_mem>>)
      %mul3A_154 = arith.constant 128 : i32
      %mul3A_155 = arith.muli %min3A_77, %mul3A_154 : i32
      %dma_start3A_156 = arith.constant 7 : i32
      %dma_start3A_157 = arith.constant 0 : i32
      %dma_start3A_158 = tpu.memref_slice %arg5[%dma_start3A_156, %dma_start3A_157] : memref<8x128xi32, #tpu.memory_space<vmem>> -> memref<1x128xi32, #tpu.memory_space<vmem>>
      %dma_start3A_159 = tpu.memref_squeeze %dma_start3A_158 : memref<1x128xi32, #tpu.memory_space<vmem>> -> memref<128xi32, #tpu.memory_space<vmem>>
      %dma_start3A_160 = tpu.memref_slice %arg3[%mul3A_155] : memref<160000xi32, #tpu.memory_space<hbm>> -> memref<128xi32, #tpu.memory_space<hbm>>
      %dma_start3A_161 = arith.constant 0 : i32
      %dma_start3A_162 = tpu.memref_slice %arg5[%dma_start3A_156, %dma_start3A_161] : memref<8x128xi32, #tpu.memory_space<vmem>> -> memref<1x128xi32, #tpu.memory_space<vmem>>
      %dma_start3A_163 = tpu.memref_squeeze %dma_start3A_162 : memref<1x128xi32, #tpu.memory_space<vmem>> -> memref<128xi32, #tpu.memory_space<vmem>>
      %dma_start3A_164 = tpu.memref_slice %arg3[%mul3A_155] : memref<160000xi32, #tpu.memory_space<hbm>> -> memref<128xi32, #tpu.memory_space<hbm>>
      tpu.enqueue_dma source(%dma_start3A_164 : memref<128xi32, #tpu.memory_space<hbm>>) target(%dma_start3A_163 : memref<128xi32, #tpu.memory_space<vmem>>) target_semaphore(%arg7 : memref<!tpu.dma_semaphore, #tpu.memory_space<semaphore_mem>>)
      %dma_wait3A = arith.constant 0 : i32
      %dma_wait3A_165 = arith.constant 0 : i32
      %dma_wait3A_166 = tpu.memref_slice %arg5[%dma_wait3A, %dma_wait3A_165] : memref<8x128xi32, #tpu.memory_space<vmem>> -> memref<1x128xi32, #tpu.memory_space<vmem>>
      %dma_wait3A_167 = tpu.memref_squeeze %dma_wait3A_166 : memref<1x128xi32, #tpu.memory_space<vmem>> -> memref<128xi32, #tpu.memory_space<vmem>>
      %dma_wait3A_168 = tpu.memref_slice %arg3[%mul3A_79] : memref<160000xi32, #tpu.memory_space<hbm>> -> memref<128xi32, #tpu.memory_space<hbm>>
      %dma_wait3A_169 = arith.constant 0 : i32
      %dma_wait3A_170 = tpu.memref_slice %arg5[%dma_wait3A, %dma_wait3A_169] : memref<8x128xi32, #tpu.memory_space<vmem>> -> memref<1x128xi32, #tpu.memory_space<vmem>>
      %dma_wait3A_171 = tpu.memref_squeeze %dma_wait3A_170 : memref<1x128xi32, #tpu.memory_space<vmem>> -> memref<128xi32, #tpu.memory_space<vmem>>
      %dma_wait3A_172 = tpu.memref_slice %arg3[%mul3A_79] : memref<160000xi32, #tpu.memory_space<hbm>> -> memref<128xi32, #tpu.memory_space<hbm>>
      tpu.wait_dma2 semaphore(%arg7 : memref<!tpu.dma_semaphore, #tpu.memory_space<semaphore_mem>>) src(%dma_wait3A_172 : memref<128xi32, #tpu.memory_space<hbm>>) dst(%dma_wait3A_171 : memref<128xi32, #tpu.memory_space<vmem>>)
      %dma_wait3A_173 = arith.constant 1 : i32
      %dma_wait3A_174 = arith.constant 0 : i32
      %dma_wait3A_175 = tpu.memref_slice %arg5[%dma_wait3A_173, %dma_wait3A_174] : memref<8x128xi32, #tpu.memory_space<vmem>> -> memref<1x128xi32, #tpu.memory_space<vmem>>
      %dma_wait3A_176 = tpu.memref_squeeze %dma_wait3A_175 : memref<1x128xi32, #tpu.memory_space<vmem>> -> memref<128xi32, #tpu.memory_space<vmem>>
      %dma_wait3A_177 = tpu.memref_slice %arg3[%mul3A_89] : memref<160000xi32, #tpu.memory_space<hbm>> -> memref<128xi32, #tpu.memory_space<hbm>>
      %dma_wait3A_178 = arith.constant 0 : i32
      %dma_wait3A_179 = tpu.memref_slice %arg5[%dma_wait3A_173, %dma_wait3A_178] : memref<8x128xi32, #tpu.memory_space<vmem>> -> memref<1x128xi32, #tpu.memory_space<vmem>>
      %dma_wait3A_180 = tpu.memref_squeeze %dma_wait3A_179 : memref<1x128xi32, #tpu.memory_space<vmem>> -> memref<128xi32, #tpu.memory_space<vmem>>
      %dma_wait3A_181 = tpu.memref_slice %arg3[%mul3A_89] : memref<160000xi32, #tpu.memory_space<hbm>> -> memref<128xi32, #tpu.memory_space<hbm>>
      tpu.wait_dma2 semaphore(%arg7 : memref<!tpu.dma_semaphore, #tpu.memory_space<semaphore_mem>>) src(%dma_wait3A_181 : memref<128xi32, #tpu.memory_space<hbm>>) dst(%dma_wait3A_180 : memref<128xi32, #tpu.memory_space<vmem>>)
      %dma_wait3A_182 = arith.constant 2 : i32
      %dma_wait3A_183 = arith.constant 0 : i32
      %dma_wait3A_184 = tpu.memref_slice %arg5[%dma_wait3A_182, %dma_wait3A_183] : memref<8x128xi32, #tpu.memory_space<vmem>> -> memref<1x128xi32, #tpu.memory_space<vmem>>
      %dma_wait3A_185 = tpu.memref_squeeze %dma_wait3A_184 : memref<1x128xi32, #tpu.memory_space<vmem>> -> memref<128xi32, #tpu.memory_space<vmem>>
      %dma_wait3A_186 = tpu.memref_slice %arg3[%mul3A_100] : memref<160000xi32, #tpu.memory_space<hbm>> -> memref<128xi32, #tpu.memory_space<hbm>>
      %dma_wait3A_187 = arith.constant 0 : i32
      %dma_wait3A_188 = tpu.memref_slice %arg5[%dma_wait3A_182, %dma_wait3A_187] : memref<8x128xi32, #tpu.memory_space<vmem>> -> memref<1x128xi32, #tpu.memory_space<vmem>>
      %dma_wait3A_189 = tpu.memref_squeeze %dma_wait3A_188 : memref<1x128xi32, #tpu.memory_space<vmem>> -> memref<128xi32, #tpu.memory_space<vmem>>
      %dma_wait3A_190 = tpu.memref_slice %arg3[%mul3A_100] : memref<160000xi32, #tpu.memory_space<hbm>> -> memref<128xi32, #tpu.memory_space<hbm>>
      tpu.wait_dma2 semaphore(%arg7 : memref<!tpu.dma_semaphore, #tpu.memory_space<semaphore_mem>>) src(%dma_wait3A_190 : memref<128xi32, #tpu.memory_space<hbm>>) dst(%dma_wait3A_189 : memref<128xi32, #tpu.memory_space<vmem>>)
      %dma_wait3A_191 = arith.constant 3 : i32
      %dma_wait3A_192 = arith.constant 0 : i32
      %dma_wait3A_193 = tpu.memref_slice %arg5[%dma_wait3A_191, %dma_wait3A_192] : memref<8x128xi32, #tpu.memory_space<vmem>> -> memref<1x128xi32, #tpu.memory_space<vmem>>
      %dma_wait3A_194 = tpu.memref_squeeze %dma_wait3A_193 : memref<1x128xi32, #tpu.memory_space<vmem>> -> memref<128xi32, #tpu.memory_space<vmem>>
      %dma_wait3A_195 = tpu.memref_slice %arg3[%mul3A_111] : memref<160000xi32, #tpu.memory_space<hbm>> -> memref<128xi32, #tpu.memory_space<hbm>>
      %dma_wait3A_196 = arith.constant 0 : i32
      %dma_wait3A_197 = tpu.memref_slice %arg5[%dma_wait3A_191, %dma_wait3A_196] : memref<8x128xi32, #tpu.memory_space<vmem>> -> memref<1x128xi32, #tpu.memory_space<vmem>>
      %dma_wait3A_198 = tpu.memref_squeeze %dma_wait3A_197 : memref<1x128xi32, #tpu.memory_space<vmem>> -> memref<128xi32, #tpu.memory_space<vmem>>
      %dma_wait3A_199 = tpu.memref_slice %arg3[%mul3A_111] : memref<160000xi32, #tpu.memory_space<hbm>> -> memref<128xi32, #tpu.memory_space<hbm>>
      tpu.wait_dma2 semaphore(%arg7 : memref<!tpu.dma_semaphore, #tpu.memory_space<semaphore_mem>>) src(%dma_wait3A_199 : memref<128xi32, #tpu.memory_space<hbm>>) dst(%dma_wait3A_198 : memref<128xi32, #tpu.memory_space<vmem>>)
      %dma_wait3A_200 = arith.constant 4 : i32
      %dma_wait3A_201 = arith.constant 0 : i32
      %dma_wait3A_202 = tpu.memref_slice %arg5[%dma_wait3A_200, %dma_wait3A_201] : memref<8x128xi32, #tpu.memory_space<vmem>> -> memref<1x128xi32, #tpu.memory_space<vmem>>
      %dma_wait3A_203 = tpu.memref_squeeze %dma_wait3A_202 : memref<1x128xi32, #tpu.memory_space<vmem>> -> memref<128xi32, #tpu.memory_space<vmem>>
      %dma_wait3A_204 = tpu.memref_slice %arg3[%mul3A_122] : memref<160000xi32, #tpu.memory_space<hbm>> -> memref<128xi32, #tpu.memory_space<hbm>>
      %dma_wait3A_205 = arith.constant 0 : i32
      %dma_wait3A_206 = tpu.memref_slice %arg5[%dma_wait3A_200, %dma_wait3A_205] : memref<8x128xi32, #tpu.memory_space<vmem>> -> memref<1x128xi32, #tpu.memory_space<vmem>>
      %dma_wait3A_207 = tpu.memref_squeeze %dma_wait3A_206 : memref<1x128xi32, #tpu.memory_space<vmem>> -> memref<128xi32, #tpu.memory_space<vmem>>
      %dma_wait3A_208 = tpu.memref_slice %arg3[%mul3A_122] : memref<160000xi32, #tpu.memory_space<hbm>> -> memref<128xi32, #tpu.memory_space<hbm>>
      tpu.wait_dma2 semaphore(%arg7 : memref<!tpu.dma_semaphore, #tpu.memory_space<semaphore_mem>>) src(%dma_wait3A_208 : memref<128xi32, #tpu.memory_space<hbm>>) dst(%dma_wait3A_207 : memref<128xi32, #tpu.memory_space<vmem>>)
      %dma_wait3A_209 = arith.constant 5 : i32
      %dma_wait3A_210 = arith.constant 0 : i32
      %dma_wait3A_211 = tpu.memref_slice %arg5[%dma_wait3A_209, %dma_wait3A_210] : memref<8x128xi32, #tpu.memory_space<vmem>> -> memref<1x128xi32, #tpu.memory_space<vmem>>
      %dma_wait3A_212 = tpu.memref_squeeze %dma_wait3A_211 : memref<1x128xi32, #tpu.memory_space<vmem>> -> memref<128xi32, #tpu.memory_space<vmem>>
      %dma_wait3A_213 = tpu.memref_slice %arg3[%mul3A_133] : memref<160000xi32, #tpu.memory_space<hbm>> -> memref<128xi32, #tpu.memory_space<hbm>>
      %dma_wait3A_214 = arith.constant 0 : i32
      %dma_wait3A_215 = tpu.memref_slice %arg5[%dma_wait3A_209, %dma_wait3A_214] : memref<8x128xi32, #tpu.memory_space<vmem>> -> memref<1x128xi32, #tpu.memory_space<vmem>>
      %dma_wait3A_216 = tpu.memref_squeeze %dma_wait3A_215 : memref<1x128xi32, #tpu.memory_space<vmem>> -> memref<128xi32, #tpu.memory_space<vmem>>
      %dma_wait3A_217 = tpu.memref_slice %arg3[%mul3A_133] : memref<160000xi32, #tpu.memory_space<hbm>> -> memref<128xi32, #tpu.memory_space<hbm>>
      tpu.wait_dma2 semaphore(%arg7 : memref<!tpu.dma_semaphore, #tpu.memory_space<semaphore_mem>>) src(%dma_wait3A_217 : memref<128xi32, #tpu.memory_space<hbm>>) dst(%dma_wait3A_216 : memref<128xi32, #tpu.memory_space<vmem>>)
      %dma_wait3A_218 = arith.constant 6 : i32
      %dma_wait3A_219 = arith.constant 0 : i32
      %dma_wait3A_220 = tpu.memref_slice %arg5[%dma_wait3A_218, %dma_wait3A_219] : memref<8x128xi32, #tpu.memory_space<vmem>> -> memref<1x128xi32, #tpu.memory_space<vmem>>
      %dma_wait3A_221 = tpu.memref_squeeze %dma_wait3A_220 : memref<1x128xi32, #tpu.memory_space<vmem>> -> memref<128xi32, #tpu.memory_space<vmem>>
      %dma_wait3A_222 = tpu.memref_slice %arg3[%mul3A_144] : memref<160000xi32, #tpu.memory_space<hbm>> -> memref<128xi32, #tpu.memory_space<hbm>>
      %dma_wait3A_223 = arith.constant 0 : i32
      %dma_wait3A_224 = tpu.memref_slice %arg5[%dma_wait3A_218, %dma_wait3A_223] : memref<8x128xi32, #tpu.memory_space<vmem>> -> memref<1x128xi32, #tpu.memory_space<vmem>>
      %dma_wait3A_225 = tpu.memref_squeeze %dma_wait3A_224 : memref<1x128xi32, #tpu.memory_space<vmem>> -> memref<128xi32, #tpu.memory_space<vmem>>
      %dma_wait3A_226 = tpu.memref_slice %arg3[%mul3A_144] : memref<160000xi32, #tpu.memory_space<hbm>> -> memref<128xi32, #tpu.memory_space<hbm>>
      tpu.wait_dma2 semaphore(%arg7 : memref<!tpu.dma_semaphore, #tpu.memory_space<semaphore_mem>>) src(%dma_wait3A_226 : memref<128xi32, #tpu.memory_space<hbm>>) dst(%dma_wait3A_225 : memref<128xi32, #tpu.memory_space<vmem>>)
      %dma_wait3A_227 = arith.constant 7 : i32
      %dma_wait3A_228 = arith.constant 0 : i32
      %dma_wait3A_229 = tpu.memref_slice %arg5[%dma_wait3A_227, %dma_wait3A_228] : memref<8x128xi32, #tpu.memory_space<vmem>> -> memref<1x128xi32, #tpu.memory_space<vmem>>
      %dma_wait3A_230 = tpu.memref_squeeze %dma_wait3A_229 : memref<1x128xi32, #tpu.memory_space<vmem>> -> memref<128xi32, #tpu.memory_space<vmem>>
      %dma_wait3A_231 = tpu.memref_slice %arg3[%mul3A_155] : memref<160000xi32, #tpu.memory_space<hbm>> -> memref<128xi32, #tpu.memory_space<hbm>>
      %dma_wait3A_232 = arith.constant 0 : i32
      %dma_wait3A_233 = tpu.memref_slice %arg5[%dma_wait3A_227, %dma_wait3A_232] : memref<8x128xi32, #tpu.memory_space<vmem>> -> memref<1x128xi32, #tpu.memory_space<vmem>>
      %dma_wait3A_234 = tpu.memref_squeeze %dma_wait3A_233 : memref<1x128xi32, #tpu.memory_space<vmem>> -> memref<128xi32, #tpu.memory_space<vmem>>
      %dma_wait3A_235 = tpu.memref_slice %arg3[%mul3A_155] : memref<160000xi32, #tpu.memory_space<hbm>> -> memref<128xi32, #tpu.memory_space<hbm>>
      tpu.wait_dma2 semaphore(%arg7 : memref<!tpu.dma_semaphore, #tpu.memory_space<semaphore_mem>>) src(%dma_wait3A_235 : memref<128xi32, #tpu.memory_space<hbm>>) dst(%dma_wait3A_234 : memref<128xi32, #tpu.memory_space<vmem>>)
      %dma_start3A_236 = arith.constant 0 : i32
      %dma_start3A_237 = arith.constant 0 : i32
      %dma_start3A_238 = arith.constant 0 : i32
      %dma_start3A_239 = arith.constant 0 : i32
      %dma_start3A_240 = tpu.memref_slice %arg6[%dma_start3A_237, %dma_start3A_238, %dma_start3A_239] : memref<8x128x16xf32, #tpu.memory_space<vmem>> -> memref<1x128x16xf32, #tpu.memory_space<vmem>>
      %dma_start3A_241 = tpu.memref_squeeze %dma_start3A_240 : memref<1x128x16xf32, #tpu.memory_space<vmem>> -> memref<128x16xf32, #tpu.memory_space<vmem>>
      %dma_start3A_242 = arith.constant 0 : i32
      %dma_start3A_243 = tpu.memref_slice %arg5[%dma_start3A_236, %dma_start3A_242] : memref<8x128xi32, #tpu.memory_space<vmem>> -> memref<1x128xi32, #tpu.memory_space<vmem>>
      %dma_start3A_244 = tpu.memref_squeeze %dma_start3A_243 : memref<1x128xi32, #tpu.memory_space<vmem>> -> memref<128xi32, #tpu.memory_space<vmem>>
      %dma_start3A_245 = arith.constant 0 : i32
      %dma_start3A_246 = arith.constant 0 : i32
      %dma_start3A_247 = tpu.memref_slice %arg2[%dma_start3A_245, %dma_start3A_246] : memref<10000x16xf32, #tpu.memory_space<hbm>> -> memref<10000x16xf32, #tpu.memory_space<hbm>>
      tpu.enqueue_indirect_dma source(%dma_start3A_247 : memref<10000x16xf32, #tpu.memory_space<hbm>>) target(%dma_start3A_241 : memref<128x16xf32, #tpu.memory_space<vmem>>) offsets(%dma_start3A_244 : memref<128xi32, #tpu.memory_space<vmem>>) semaphore(%arg8 : memref<!tpu.dma_semaphore, #tpu.memory_space<semaphore_mem>>)
      %dma_start3A_248 = arith.constant 1 : i32
      %dma_start3A_249 = arith.constant 1 : i32
      %dma_start3A_250 = arith.constant 0 : i32
      %dma_start3A_251 = arith.constant 0 : i32
      %dma_start3A_252 = tpu.memref_slice %arg6[%dma_start3A_249, %dma_start3A_250, %dma_start3A_251] : memref<8x128x16xf32, #tpu.memory_space<vmem>> -> memref<1x128x16xf32, #tpu.memory_space<vmem>>
      %dma_start3A_253 = tpu.memref_squeeze %dma_start3A_252 : memref<1x128x16xf32, #tpu.memory_space<vmem>> -> memref<128x16xf32, #tpu.memory_space<vmem>>
      %dma_start3A_254 = arith.constant 0 : i32
      %dma_start3A_255 = tpu.memref_slice %arg5[%dma_start3A_248, %dma_start3A_254] : memref<8x128xi32, #tpu.memory_space<vmem>> -> memref<1x128xi32, #tpu.memory_space<vmem>>
      %dma_start3A_256 = tpu.memref_squeeze %dma_start3A_255 : memref<1x128xi32, #tpu.memory_space<vmem>> -> memref<128xi32, #tpu.memory_space<vmem>>
      %dma_start3A_257 = arith.constant 0 : i32
      %dma_start3A_258 = arith.constant 0 : i32
      %dma_start3A_259 = tpu.memref_slice %arg2[%dma_start3A_257, %dma_start3A_258] : memref<10000x16xf32, #tpu.memory_space<hbm>> -> memref<10000x16xf32, #tpu.memory_space<hbm>>
      tpu.enqueue_indirect_dma source(%dma_start3A_259 : memref<10000x16xf32, #tpu.memory_space<hbm>>) target(%dma_start3A_253 : memref<128x16xf32, #tpu.memory_space<vmem>>) offsets(%dma_start3A_256 : memref<128xi32, #tpu.memory_space<vmem>>) semaphore(%arg8 : memref<!tpu.dma_semaphore, #tpu.memory_space<semaphore_mem>>)
      %dma_start3A_260 = arith.constant 2 : i32
      %dma_start3A_261 = arith.constant 2 : i32
      %dma_start3A_262 = arith.constant 0 : i32
      %dma_start3A_263 = arith.constant 0 : i32
      %dma_start3A_264 = tpu.memref_slice %arg6[%dma_start3A_261, %dma_start3A_262, %dma_start3A_263] : memref<8x128x16xf32, #tpu.memory_space<vmem>> -> memref<1x128x16xf32, #tpu.memory_space<vmem>>
      %dma_start3A_265 = tpu.memref_squeeze %dma_start3A_264 : memref<1x128x16xf32, #tpu.memory_space<vmem>> -> memref<128x16xf32, #tpu.memory_space<vmem>>
      %dma_start3A_266 = arith.constant 0 : i32
      %dma_start3A_267 = tpu.memref_slice %arg5[%dma_start3A_260, %dma_start3A_266] : memref<8x128xi32, #tpu.memory_space<vmem>> -> memref<1x128xi32, #tpu.memory_space<vmem>>
      %dma_start3A_268 = tpu.memref_squeeze %dma_start3A_267 : memref<1x128xi32, #tpu.memory_space<vmem>> -> memref<128xi32, #tpu.memory_space<vmem>>
      %dma_start3A_269 = arith.constant 0 : i32
      %dma_start3A_270 = arith.constant 0 : i32
      %dma_start3A_271 = tpu.memref_slice %arg2[%dma_start3A_269, %dma_start3A_270] : memref<10000x16xf32, #tpu.memory_space<hbm>> -> memref<10000x16xf32, #tpu.memory_space<hbm>>
      tpu.enqueue_indirect_dma source(%dma_start3A_271 : memref<10000x16xf32, #tpu.memory_space<hbm>>) target(%dma_start3A_265 : memref<128x16xf32, #tpu.memory_space<vmem>>) offsets(%dma_start3A_268 : memref<128xi32, #tpu.memory_space<vmem>>) semaphore(%arg8 : memref<!tpu.dma_semaphore, #tpu.memory_space<semaphore_mem>>)
      %dma_start3A_272 = arith.constant 3 : i32
      %dma_start3A_273 = arith.constant 3 : i32
      %dma_start3A_274 = arith.constant 0 : i32
      %dma_start3A_275 = arith.constant 0 : i32
      %dma_start3A_276 = tpu.memref_slice %arg6[%dma_start3A_273, %dma_start3A_274, %dma_start3A_275] : memref<8x128x16xf32, #tpu.memory_space<vmem>> -> memref<1x128x16xf32, #tpu.memory_space<vmem>>
      %dma_start3A_277 = tpu.memref_squeeze %dma_start3A_276 : memref<1x128x16xf32, #tpu.memory_space<vmem>> -> memref<128x16xf32, #tpu.memory_space<vmem>>
      %dma_start3A_278 = arith.constant 0 : i32
      %dma_start3A_279 = tpu.memref_slice %arg5[%dma_start3A_272, %dma_start3A_278] : memref<8x128xi32, #tpu.memory_space<vmem>> -> memref<1x128xi32, #tpu.memory_space<vmem>>
      %dma_start3A_280 = tpu.memref_squeeze %dma_start3A_279 : memref<1x128xi32, #tpu.memory_space<vmem>> -> memref<128xi32, #tpu.memory_space<vmem>>
      %dma_start3A_281 = arith.constant 0 : i32
      %dma_start3A_282 = arith.constant 0 : i32
      %dma_start3A_283 = tpu.memref_slice %arg2[%dma_start3A_281, %dma_start3A_282] : memref<10000x16xf32, #tpu.memory_space<hbm>> -> memref<10000x16xf32, #tpu.memory_space<hbm>>
      tpu.enqueue_indirect_dma source(%dma_start3A_283 : memref<10000x16xf32, #tpu.memory_space<hbm>>) target(%dma_start3A_277 : memref<128x16xf32, #tpu.memory_space<vmem>>) offsets(%dma_start3A_280 : memref<128xi32, #tpu.memory_space<vmem>>) semaphore(%arg8 : memref<!tpu.dma_semaphore, #tpu.memory_space<semaphore_mem>>)
      %dma_start3A_284 = arith.constant 4 : i32
      %dma_start3A_285 = arith.constant 4 : i32
      %dma_start3A_286 = arith.constant 0 : i32
      %dma_start3A_287 = arith.constant 0 : i32
      %dma_start3A_288 = tpu.memref_slice %arg6[%dma_start3A_285, %dma_start3A_286, %dma_start3A_287] : memref<8x128x16xf32, #tpu.memory_space<vmem>> -> memref<1x128x16xf32, #tpu.memory_space<vmem>>
      %dma_start3A_289 = tpu.memref_squeeze %dma_start3A_288 : memref<1x128x16xf32, #tpu.memory_space<vmem>> -> memref<128x16xf32, #tpu.memory_space<vmem>>
      %dma_start3A_290 = arith.constant 0 : i32
      %dma_start3A_291 = tpu.memref_slice %arg5[%dma_start3A_284, %dma_start3A_290] : memref<8x128xi32, #tpu.memory_space<vmem>> -> memref<1x128xi32, #tpu.memory_space<vmem>>
      %dma_start3A_292 = tpu.memref_squeeze %dma_start3A_291 : memref<1x128xi32, #tpu.memory_space<vmem>> -> memref<128xi32, #tpu.memory_space<vmem>>
      %dma_start3A_293 = arith.constant 0 : i32
      %dma_start3A_294 = arith.constant 0 : i32
      %dma_start3A_295 = tpu.memref_slice %arg2[%dma_start3A_293, %dma_start3A_294] : memref<10000x16xf32, #tpu.memory_space<hbm>> -> memref<10000x16xf32, #tpu.memory_space<hbm>>
      tpu.enqueue_indirect_dma source(%dma_start3A_295 : memref<10000x16xf32, #tpu.memory_space<hbm>>) target(%dma_start3A_289 : memref<128x16xf32, #tpu.memory_space<vmem>>) offsets(%dma_start3A_292 : memref<128xi32, #tpu.memory_space<vmem>>) semaphore(%arg8 : memref<!tpu.dma_semaphore, #tpu.memory_space<semaphore_mem>>)
      %dma_start3A_296 = arith.constant 5 : i32
      %dma_start3A_297 = arith.constant 5 : i32
      %dma_start3A_298 = arith.constant 0 : i32
      %dma_start3A_299 = arith.constant 0 : i32
      %dma_start3A_300 = tpu.memref_slice %arg6[%dma_start3A_297, %dma_start3A_298, %dma_start3A_299] : memref<8x128x16xf32, #tpu.memory_space<vmem>> -> memref<1x128x16xf32, #tpu.memory_space<vmem>>
      %dma_start3A_301 = tpu.memref_squeeze %dma_start3A_300 : memref<1x128x16xf32, #tpu.memory_space<vmem>> -> memref<128x16xf32, #tpu.memory_space<vmem>>
      %dma_start3A_302 = arith.constant 0 : i32
      %dma_start3A_303 = tpu.memref_slice %arg5[%dma_start3A_296, %dma_start3A_302] : memref<8x128xi32, #tpu.memory_space<vmem>> -> memref<1x128xi32, #tpu.memory_space<vmem>>
      %dma_start3A_304 = tpu.memref_squeeze %dma_start3A_303 : memref<1x128xi32, #tpu.memory_space<vmem>> -> memref<128xi32, #tpu.memory_space<vmem>>
      %dma_start3A_305 = arith.constant 0 : i32
      %dma_start3A_306 = arith.constant 0 : i32
      %dma_start3A_307 = tpu.memref_slice %arg2[%dma_start3A_305, %dma_start3A_306] : memref<10000x16xf32, #tpu.memory_space<hbm>> -> memref<10000x16xf32, #tpu.memory_space<hbm>>
      tpu.enqueue_indirect_dma source(%dma_start3A_307 : memref<10000x16xf32, #tpu.memory_space<hbm>>) target(%dma_start3A_301 : memref<128x16xf32, #tpu.memory_space<vmem>>) offsets(%dma_start3A_304 : memref<128xi32, #tpu.memory_space<vmem>>) semaphore(%arg8 : memref<!tpu.dma_semaphore, #tpu.memory_space<semaphore_mem>>)
      %dma_start3A_308 = arith.constant 6 : i32
      %dma_start3A_309 = arith.constant 6 : i32
      %dma_start3A_310 = arith.constant 0 : i32
      %dma_start3A_311 = arith.constant 0 : i32
      %dma_start3A_312 = tpu.memref_slice %arg6[%dma_start3A_309, %dma_start3A_310, %dma_start3A_311] : memref<8x128x16xf32, #tpu.memory_space<vmem>> -> memref<1x128x16xf32, #tpu.memory_space<vmem>>
      %dma_start3A_313 = tpu.memref_squeeze %dma_start3A_312 : memref<1x128x16xf32, #tpu.memory_space<vmem>> -> memref<128x16xf32, #tpu.memory_space<vmem>>
      %dma_start3A_314 = arith.constant 0 : i32
      %dma_start3A_315 = tpu.memref_slice %arg5[%dma_start3A_308, %dma_start3A_314] : memref<8x128xi32, #tpu.memory_space<vmem>> -> memref<1x128xi32, #tpu.memory_space<vmem>>
      %dma_start3A_316 = tpu.memref_squeeze %dma_start3A_315 : memref<1x128xi32, #tpu.memory_space<vmem>> -> memref<128xi32, #tpu.memory_space<vmem>>
      %dma_start3A_317 = arith.constant 0 : i32
      %dma_start3A_318 = arith.constant 0 : i32
      %dma_start3A_319 = tpu.memref_slice %arg2[%dma_start3A_317, %dma_start3A_318] : memref<10000x16xf32, #tpu.memory_space<hbm>> -> memref<10000x16xf32, #tpu.memory_space<hbm>>
      tpu.enqueue_indirect_dma source(%dma_start3A_319 : memref<10000x16xf32, #tpu.memory_space<hbm>>) target(%dma_start3A_313 : memref<128x16xf32, #tpu.memory_space<vmem>>) offsets(%dma_start3A_316 : memref<128xi32, #tpu.memory_space<vmem>>) semaphore(%arg8 : memref<!tpu.dma_semaphore, #tpu.memory_space<semaphore_mem>>)
      %dma_start3A_320 = arith.constant 7 : i32
      %dma_start3A_321 = arith.constant 7 : i32
      %dma_start3A_322 = arith.constant 0 : i32
      %dma_start3A_323 = arith.constant 0 : i32
      %dma_start3A_324 = tpu.memref_slice %arg6[%dma_start3A_321, %dma_start3A_322, %dma_start3A_323] : memref<8x128x16xf32, #tpu.memory_space<vmem>> -> memref<1x128x16xf32, #tpu.memory_space<vmem>>
      %dma_start3A_325 = tpu.memref_squeeze %dma_start3A_324 : memref<1x128x16xf32, #tpu.memory_space<vmem>> -> memref<128x16xf32, #tpu.memory_space<vmem>>
      %dma_start3A_326 = arith.constant 0 : i32
      %dma_start3A_327 = tpu.memref_slice %arg5[%dma_start3A_320, %dma_start3A_326] : memref<8x128xi32, #tpu.memory_space<vmem>> -> memref<1x128xi32, #tpu.memory_space<vmem>>
      %dma_start3A_328 = tpu.memref_squeeze %dma_start3A_327 : memref<1x128xi32, #tpu.memory_space<vmem>> -> memref<128xi32, #tpu.memory_space<vmem>>
      %dma_start3A_329 = arith.constant 0 : i32
      %dma_start3A_330 = arith.constant 0 : i32
      %dma_start3A_331 = tpu.memref_slice %arg2[%dma_start3A_329, %dma_start3A_330] : memref<10000x16xf32, #tpu.memory_space<hbm>> -> memref<10000x16xf32, #tpu.memory_space<hbm>>
      tpu.enqueue_indirect_dma source(%dma_start3A_331 : memref<10000x16xf32, #tpu.memory_space<hbm>>) target(%dma_start3A_325 : memref<128x16xf32, #tpu.memory_space<vmem>>) offsets(%dma_start3A_328 : memref<128xi32, #tpu.memory_space<vmem>>) semaphore(%arg8 : memref<!tpu.dma_semaphore, #tpu.memory_space<semaphore_mem>>)
      %dma_wait3A_332 = arith.constant 0 : i32
      %dma_wait3A_333 = arith.constant 0 : i32
      %dma_wait3A_334 = arith.constant 0 : i32
      %dma_wait3A_335 = arith.constant 0 : i32
      %dma_wait3A_336 = tpu.memref_slice %arg6[%dma_wait3A_333, %dma_wait3A_334, %dma_wait3A_335] : memref<8x128x16xf32, #tpu.memory_space<vmem>> -> memref<1x128x16xf32, #tpu.memory_space<vmem>>
      %dma_wait3A_337 = tpu.memref_squeeze %dma_wait3A_336 : memref<1x128x16xf32, #tpu.memory_space<vmem>> -> memref<128x16xf32, #tpu.memory_space<vmem>>
      %dma_wait3A_338 = arith.constant 0 : i32
      %dma_wait3A_339 = tpu.memref_slice %arg5[%dma_wait3A_332, %dma_wait3A_338] : memref<8x128xi32, #tpu.memory_space<vmem>> -> memref<1x128xi32, #tpu.memory_space<vmem>>
      %dma_wait3A_340 = tpu.memref_squeeze %dma_wait3A_339 : memref<1x128xi32, #tpu.memory_space<vmem>> -> memref<128xi32, #tpu.memory_space<vmem>>
      %dma_wait3A_341 = arith.constant 0 : i32
      %dma_wait3A_342 = arith.constant 0 : i32
      %dma_wait3A_343 = tpu.memref_slice %arg2[%dma_wait3A_341, %dma_wait3A_342] : memref<10000x16xf32, #tpu.memory_space<hbm>> -> memref<10000x16xf32, #tpu.memory_space<hbm>>
      tpu.wait_indirect_dma semaphore(%arg8 : memref<!tpu.dma_semaphore, #tpu.memory_space<semaphore_mem>>) src(%dma_wait3A_343 : memref<10000x16xf32, #tpu.memory_space<hbm>>) dst(%dma_wait3A_337 : memref<128x16xf32, #tpu.memory_space<vmem>>)
      %dma_wait3A_344 = arith.constant 1 : i32
      %dma_wait3A_345 = arith.constant 1 : i32
      %dma_wait3A_346 = arith.constant 0 : i32
      %dma_wait3A_347 = arith.constant 0 : i32
      %dma_wait3A_348 = tpu.memref_slice %arg6[%dma_wait3A_345, %dma_wait3A_346, %dma_wait3A_347] : memref<8x128x16xf32, #tpu.memory_space<vmem>> -> memref<1x128x16xf32, #tpu.memory_space<vmem>>
      %dma_wait3A_349 = tpu.memref_squeeze %dma_wait3A_348 : memref<1x128x16xf32, #tpu.memory_space<vmem>> -> memref<128x16xf32, #tpu.memory_space<vmem>>
      %dma_wait3A_350 = arith.constant 0 : i32
      %dma_wait3A_351 = tpu.memref_slice %arg5[%dma_wait3A_344, %dma_wait3A_350] : memref<8x128xi32, #tpu.memory_space<vmem>> -> memref<1x128xi32, #tpu.memory_space<vmem>>
      %dma_wait3A_352 = tpu.memref_squeeze %dma_wait3A_351 : memref<1x128xi32, #tpu.memory_space<vmem>> -> memref<128xi32, #tpu.memory_space<vmem>>
      %dma_wait3A_353 = arith.constant 0 : i32
      %dma_wait3A_354 = arith.constant 0 : i32
      %dma_wait3A_355 = tpu.memref_slice %arg2[%dma_wait3A_353, %dma_wait3A_354] : memref<10000x16xf32, #tpu.memory_space<hbm>> -> memref<10000x16xf32, #tpu.memory_space<hbm>>
      tpu.wait_indirect_dma semaphore(%arg8 : memref<!tpu.dma_semaphore, #tpu.memory_space<semaphore_mem>>) src(%dma_wait3A_355 : memref<10000x16xf32, #tpu.memory_space<hbm>>) dst(%dma_wait3A_349 : memref<128x16xf32, #tpu.memory_space<vmem>>)
      %dma_wait3A_356 = arith.constant 2 : i32
      %dma_wait3A_357 = arith.constant 2 : i32
      %dma_wait3A_358 = arith.constant 0 : i32
      %dma_wait3A_359 = arith.constant 0 : i32
      %dma_wait3A_360 = tpu.memref_slice %arg6[%dma_wait3A_357, %dma_wait3A_358, %dma_wait3A_359] : memref<8x128x16xf32, #tpu.memory_space<vmem>> -> memref<1x128x16xf32, #tpu.memory_space<vmem>>
      %dma_wait3A_361 = tpu.memref_squeeze %dma_wait3A_360 : memref<1x128x16xf32, #tpu.memory_space<vmem>> -> memref<128x16xf32, #tpu.memory_space<vmem>>
      %dma_wait3A_362 = arith.constant 0 : i32
      %dma_wait3A_363 = tpu.memref_slice %arg5[%dma_wait3A_356, %dma_wait3A_362] : memref<8x128xi32, #tpu.memory_space<vmem>> -> memref<1x128xi32, #tpu.memory_space<vmem>>
      %dma_wait3A_364 = tpu.memref_squeeze %dma_wait3A_363 : memref<1x128xi32, #tpu.memory_space<vmem>> -> memref<128xi32, #tpu.memory_space<vmem>>
      %dma_wait3A_365 = arith.constant 0 : i32
      %dma_wait3A_366 = arith.constant 0 : i32
      %dma_wait3A_367 = tpu.memref_slice %arg2[%dma_wait3A_365, %dma_wait3A_366] : memref<10000x16xf32, #tpu.memory_space<hbm>> -> memref<10000x16xf32, #tpu.memory_space<hbm>>
      tpu.wait_indirect_dma semaphore(%arg8 : memref<!tpu.dma_semaphore, #tpu.memory_space<semaphore_mem>>) src(%dma_wait3A_367 : memref<10000x16xf32, #tpu.memory_space<hbm>>) dst(%dma_wait3A_361 : memref<128x16xf32, #tpu.memory_space<vmem>>)
      %dma_wait3A_368 = arith.constant 3 : i32
      %dma_wait3A_369 = arith.constant 3 : i32
      %dma_wait3A_370 = arith.constant 0 : i32
      %dma_wait3A_371 = arith.constant 0 : i32
      %dma_wait3A_372 = tpu.memref_slice %arg6[%dma_wait3A_369, %dma_wait3A_370, %dma_wait3A_371] : memref<8x128x16xf32, #tpu.memory_space<vmem>> -> memref<1x128x16xf32, #tpu.memory_space<vmem>>
      %dma_wait3A_373 = tpu.memref_squeeze %dma_wait3A_372 : memref<1x128x16xf32, #tpu.memory_space<vmem>> -> memref<128x16xf32, #tpu.memory_space<vmem>>
      %dma_wait3A_374 = arith.constant 0 : i32
      %dma_wait3A_375 = tpu.memref_slice %arg5[%dma_wait3A_368, %dma_wait3A_374] : memref<8x128xi32, #tpu.memory_space<vmem>> -> memref<1x128xi32, #tpu.memory_space<vmem>>
      %dma_wait3A_376 = tpu.memref_squeeze %dma_wait3A_375 : memref<1x128xi32, #tpu.memory_space<vmem>> -> memref<128xi32, #tpu.memory_space<vmem>>
      %dma_wait3A_377 = arith.constant 0 : i32
      %dma_wait3A_378 = arith.constant 0 : i32
      %dma_wait3A_379 = tpu.memref_slice %arg2[%dma_wait3A_377, %dma_wait3A_378] : memref<10000x16xf32, #tpu.memory_space<hbm>> -> memref<10000x16xf32, #tpu.memory_space<hbm>>
      tpu.wait_indirect_dma semaphore(%arg8 : memref<!tpu.dma_semaphore, #tpu.memory_space<semaphore_mem>>) src(%dma_wait3A_379 : memref<10000x16xf32, #tpu.memory_space<hbm>>) dst(%dma_wait3A_373 : memref<128x16xf32, #tpu.memory_space<vmem>>)
      %dma_wait3A_380 = arith.constant 4 : i32
      %dma_wait3A_381 = arith.constant 4 : i32
      %dma_wait3A_382 = arith.constant 0 : i32
      %dma_wait3A_383 = arith.constant 0 : i32
      %dma_wait3A_384 = tpu.memref_slice %arg6[%dma_wait3A_381, %dma_wait3A_382, %dma_wait3A_383] : memref<8x128x16xf32, #tpu.memory_space<vmem>> -> memref<1x128x16xf32, #tpu.memory_space<vmem>>
      %dma_wait3A_385 = tpu.memref_squeeze %dma_wait3A_384 : memref<1x128x16xf32, #tpu.memory_space<vmem>> -> memref<128x16xf32, #tpu.memory_space<vmem>>
      %dma_wait3A_386 = arith.constant 0 : i32
      %dma_wait3A_387 = tpu.memref_slice %arg5[%dma_wait3A_380, %dma_wait3A_386] : memref<8x128xi32, #tpu.memory_space<vmem>> -> memref<1x128xi32, #tpu.memory_space<vmem>>
      %dma_wait3A_388 = tpu.memref_squeeze %dma_wait3A_387 : memref<1x128xi32, #tpu.memory_space<vmem>> -> memref<128xi32, #tpu.memory_space<vmem>>
      %dma_wait3A_389 = arith.constant 0 : i32
      %dma_wait3A_390 = arith.constant 0 : i32
      %dma_wait3A_391 = tpu.memref_slice %arg2[%dma_wait3A_389, %dma_wait3A_390] : memref<10000x16xf32, #tpu.memory_space<hbm>> -> memref<10000x16xf32, #tpu.memory_space<hbm>>
      tpu.wait_indirect_dma semaphore(%arg8 : memref<!tpu.dma_semaphore, #tpu.memory_space<semaphore_mem>>) src(%dma_wait3A_391 : memref<10000x16xf32, #tpu.memory_space<hbm>>) dst(%dma_wait3A_385 : memref<128x16xf32, #tpu.memory_space<vmem>>)
      %dma_wait3A_392 = arith.constant 5 : i32
      %dma_wait3A_393 = arith.constant 5 : i32
      %dma_wait3A_394 = arith.constant 0 : i32
      %dma_wait3A_395 = arith.constant 0 : i32
      %dma_wait3A_396 = tpu.memref_slice %arg6[%dma_wait3A_393, %dma_wait3A_394, %dma_wait3A_395] : memref<8x128x16xf32, #tpu.memory_space<vmem>> -> memref<1x128x16xf32, #tpu.memory_space<vmem>>
      %dma_wait3A_397 = tpu.memref_squeeze %dma_wait3A_396 : memref<1x128x16xf32, #tpu.memory_space<vmem>> -> memref<128x16xf32, #tpu.memory_space<vmem>>
      %dma_wait3A_398 = arith.constant 0 : i32
      %dma_wait3A_399 = tpu.memref_slice %arg5[%dma_wait3A_392, %dma_wait3A_398] : memref<8x128xi32, #tpu.memory_space<vmem>> -> memref<1x128xi32, #tpu.memory_space<vmem>>
      %dma_wait3A_400 = tpu.memref_squeeze %dma_wait3A_399 : memref<1x128xi32, #tpu.memory_space<vmem>> -> memref<128xi32, #tpu.memory_space<vmem>>
      %dma_wait3A_401 = arith.constant 0 : i32
      %dma_wait3A_402 = arith.constant 0 : i32
      %dma_wait3A_403 = tpu.memref_slice %arg2[%dma_wait3A_401, %dma_wait3A_402] : memref<10000x16xf32, #tpu.memory_space<hbm>> -> memref<10000x16xf32, #tpu.memory_space<hbm>>
      tpu.wait_indirect_dma semaphore(%arg8 : memref<!tpu.dma_semaphore, #tpu.memory_space<semaphore_mem>>) src(%dma_wait3A_403 : memref<10000x16xf32, #tpu.memory_space<hbm>>) dst(%dma_wait3A_397 : memref<128x16xf32, #tpu.memory_space<vmem>>)
      %dma_wait3A_404 = arith.constant 6 : i32
      %dma_wait3A_405 = arith.constant 6 : i32
      %dma_wait3A_406 = arith.constant 0 : i32
      %dma_wait3A_407 = arith.constant 0 : i32
      %dma_wait3A_408 = tpu.memref_slice %arg6[%dma_wait3A_405, %dma_wait3A_406, %dma_wait3A_407] : memref<8x128x16xf32, #tpu.memory_space<vmem>> -> memref<1x128x16xf32, #tpu.memory_space<vmem>>
      %dma_wait3A_409 = tpu.memref_squeeze %dma_wait3A_408 : memref<1x128x16xf32, #tpu.memory_space<vmem>> -> memref<128x16xf32, #tpu.memory_space<vmem>>
      %dma_wait3A_410 = arith.constant 0 : i32
      %dma_wait3A_411 = tpu.memref_slice %arg5[%dma_wait3A_404, %dma_wait3A_410] : memref<8x128xi32, #tpu.memory_space<vmem>> -> memref<1x128xi32, #tpu.memory_space<vmem>>
      %dma_wait3A_412 = tpu.memref_squeeze %dma_wait3A_411 : memref<1x128xi32, #tpu.memory_space<vmem>> -> memref<128xi32, #tpu.memory_space<vmem>>
      %dma_wait3A_413 = arith.constant 0 : i32
      %dma_wait3A_414 = arith.constant 0 : i32
      %dma_wait3A_415 = tpu.memref_slice %arg2[%dma_wait3A_413, %dma_wait3A_414] : memref<10000x16xf32, #tpu.memory_space<hbm>> -> memref<10000x16xf32, #tpu.memory_space<hbm>>
      tpu.wait_indirect_dma semaphore(%arg8 : memref<!tpu.dma_semaphore, #tpu.memory_space<semaphore_mem>>) src(%dma_wait3A_415 : memref<10000x16xf32, #tpu.memory_space<hbm>>) dst(%dma_wait3A_409 : memref<128x16xf32, #tpu.memory_space<vmem>>)
      %dma_wait3A_416 = arith.constant 7 : i32
      %dma_wait3A_417 = arith.constant 7 : i32
      %dma_wait3A_418 = arith.constant 0 : i32
      %dma_wait3A_419 = arith.constant 0 : i32
      %dma_wait3A_420 = tpu.memref_slice %arg6[%dma_wait3A_417, %dma_wait3A_418, %dma_wait3A_419] : memref<8x128x16xf32, #tpu.memory_space<vmem>> -> memref<1x128x16xf32, #tpu.memory_space<vmem>>
      %dma_wait3A_421 = tpu.memref_squeeze %dma_wait3A_420 : memref<1x128x16xf32, #tpu.memory_space<vmem>> -> memref<128x16xf32, #tpu.memory_space<vmem>>
      %dma_wait3A_422 = arith.constant 0 : i32
      %dma_wait3A_423 = tpu.memref_slice %arg5[%dma_wait3A_416, %dma_wait3A_422] : memref<8x128xi32, #tpu.memory_space<vmem>> -> memref<1x128xi32, #tpu.memory_space<vmem>>
      %dma_wait3A_424 = tpu.memref_squeeze %dma_wait3A_423 : memref<1x128xi32, #tpu.memory_space<vmem>> -> memref<128xi32, #tpu.memory_space<vmem>>
      %dma_wait3A_425 = arith.constant 0 : i32
      %dma_wait3A_426 = arith.constant 0 : i32
      %dma_wait3A_427 = tpu.memref_slice %arg2[%dma_wait3A_425, %dma_wait3A_426] : memref<10000x16xf32, #tpu.memory_space<hbm>> -> memref<10000x16xf32, #tpu.memory_space<hbm>>
      tpu.wait_indirect_dma semaphore(%arg8 : memref<!tpu.dma_semaphore, #tpu.memory_space<semaphore_mem>>) src(%dma_wait3A_427 : memref<10000x16xf32, #tpu.memory_space<hbm>>) dst(%dma_wait3A_421 : memref<128x16xf32, #tpu.memory_space<vmem>>)
      %mul3A_428 = arith.constant 128 : i32
      %mul3A_429 = arith.muli %min3A_14, %mul3A_428 : i32
      %dma_start3A_430 = arith.constant 0 : i32
      %dma_start3A_431 = arith.constant 0 : i32
      %dma_start3A_432 = arith.constant 0 : i32
      %dma_start3A_433 = tpu.memref_slice %arg6[%dma_start3A_430, %dma_start3A_431, %dma_start3A_432] : memref<8x128x16xf32, #tpu.memory_space<vmem>> -> memref<1x128x16xf32, #tpu.memory_space<vmem>>
      %dma_start3A_434 = tpu.memref_squeeze %dma_start3A_433 : memref<1x128x16xf32, #tpu.memory_space<vmem>> -> memref<128x16xf32, #tpu.memory_space<vmem>>
      %dma_start3A_435 = arith.constant 0 : i32
      %dma_start3A_436 = tpu.memref_slice %arg4[%mul3A_429, %dma_start3A_435] : memref<160000x128xf32, #tpu.memory_space<hbm>> -> memref<128x16xf32, #tpu.memory_space<hbm>>
      %dma_start3A_437 = arith.constant 0 : i32
      %dma_start3A_438 = tpu.memref_slice %arg4[%mul3A_429, %dma_start3A_437] : memref<160000x128xf32, #tpu.memory_space<hbm>> -> memref<128x16xf32, #tpu.memory_space<hbm>>
      %dma_start3A_439 = arith.constant 0 : i32
      %dma_start3A_440 = arith.constant 0 : i32
      %dma_start3A_441 = tpu.memref_slice %arg6[%dma_start3A_430, %dma_start3A_439, %dma_start3A_440] : memref<8x128x16xf32, #tpu.memory_space<vmem>> -> memref<1x128x16xf32, #tpu.memory_space<vmem>>
      %dma_start3A_442 = tpu.memref_squeeze %dma_start3A_441 : memref<1x128x16xf32, #tpu.memory_space<vmem>> -> memref<128x16xf32, #tpu.memory_space<vmem>>
      tpu.enqueue_dma source(%dma_start3A_442 : memref<128x16xf32, #tpu.memory_space<vmem>>) target(%dma_start3A_438 : memref<128x16xf32, #tpu.memory_space<hbm>>) target_semaphore(%arg9 : memref<!tpu.dma_semaphore, #tpu.memory_space<semaphore_mem>>)
      %mul3A_443 = arith.constant 128 : i32
      %mul3A_444 = arith.muli %min3A_23, %mul3A_443 : i32
      %dma_start3A_445 = arith.constant 1 : i32
      %dma_start3A_446 = arith.constant 0 : i32
      %dma_start3A_447 = arith.constant 0 : i32
      %dma_start3A_448 = tpu.memref_slice %arg6[%dma_start3A_445, %dma_start3A_446, %dma_start3A_447] : memref<8x128x16xf32, #tpu.memory_space<vmem>> -> memref<1x128x16xf32, #tpu.memory_space<vmem>>
      %dma_start3A_449 = tpu.memref_squeeze %dma_start3A_448 : memref<1x128x16xf32, #tpu.memory_space<vmem>> -> memref<128x16xf32, #tpu.memory_space<vmem>>
      %dma_start3A_450 = arith.constant 0 : i32
      %dma_start3A_451 = tpu.memref_slice %arg4[%mul3A_444, %dma_start3A_450] : memref<160000x128xf32, #tpu.memory_space<hbm>> -> memref<128x16xf32, #tpu.memory_space<hbm>>
      %dma_start3A_452 = arith.constant 0 : i32
      %dma_start3A_453 = tpu.memref_slice %arg4[%mul3A_444, %dma_start3A_452] : memref<160000x128xf32, #tpu.memory_space<hbm>> -> memref<128x16xf32, #tpu.memory_space<hbm>>
      %dma_start3A_454 = arith.constant 0 : i32
      %dma_start3A_455 = arith.constant 0 : i32
      %dma_start3A_456 = tpu.memref_slice %arg6[%dma_start3A_445, %dma_start3A_454, %dma_start3A_455] : memref<8x128x16xf32, #tpu.memory_space<vmem>> -> memref<1x128x16xf32, #tpu.memory_space<vmem>>
      %dma_start3A_457 = tpu.memref_squeeze %dma_start3A_456 : memref<1x128x16xf32, #tpu.memory_space<vmem>> -> memref<128x16xf32, #tpu.memory_space<vmem>>
      tpu.enqueue_dma source(%dma_start3A_457 : memref<128x16xf32, #tpu.memory_space<vmem>>) target(%dma_start3A_453 : memref<128x16xf32, #tpu.memory_space<hbm>>) target_semaphore(%arg9 : memref<!tpu.dma_semaphore, #tpu.memory_space<semaphore_mem>>)
      %mul3A_458 = arith.constant 128 : i32
      %mul3A_459 = arith.muli %min3A_32, %mul3A_458 : i32
      %dma_start3A_460 = arith.constant 2 : i32
      %dma_start3A_461 = arith.constant 0 : i32
      %dma_start3A_462 = arith.constant 0 : i32
      %dma_start3A_463 = tpu.memref_slice %arg6[%dma_start3A_460, %dma_start3A_461, %dma_start3A_462] : memref<8x128x16xf32, #tpu.memory_space<vmem>> -> memref<1x128x16xf32, #tpu.memory_space<vmem>>
      %dma_start3A_464 = tpu.memref_squeeze %dma_start3A_463 : memref<1x128x16xf32, #tpu.memory_space<vmem>> -> memref<128x16xf32, #tpu.memory_space<vmem>>
      %dma_start3A_465 = arith.constant 0 : i32
      %dma_start3A_466 = tpu.memref_slice %arg4[%mul3A_459, %dma_start3A_465] : memref<160000x128xf32, #tpu.memory_space<hbm>> -> memref<128x16xf32, #tpu.memory_space<hbm>>
      %dma_start3A_467 = arith.constant 0 : i32
      %dma_start3A_468 = tpu.memref_slice %arg4[%mul3A_459, %dma_start3A_467] : memref<160000x128xf32, #tpu.memory_space<hbm>> -> memref<128x16xf32, #tpu.memory_space<hbm>>
      %dma_start3A_469 = arith.constant 0 : i32
      %dma_start3A_470 = arith.constant 0 : i32
      %dma_start3A_471 = tpu.memref_slice %arg6[%dma_start3A_460, %dma_start3A_469, %dma_start3A_470] : memref<8x128x16xf32, #tpu.memory_space<vmem>> -> memref<1x128x16xf32, #tpu.memory_space<vmem>>
      %dma_start3A_472 = tpu.memref_squeeze %dma_start3A_471 : memref<1x128x16xf32, #tpu.memory_space<vmem>> -> memref<128x16xf32, #tpu.memory_space<vmem>>
      tpu.enqueue_dma source(%dma_start3A_472 : memref<128x16xf32, #tpu.memory_space<vmem>>) target(%dma_start3A_468 : memref<128x16xf32, #tpu.memory_space<hbm>>) target_semaphore(%arg9 : memref<!tpu.dma_semaphore, #tpu.memory_space<semaphore_mem>>)
      %mul3A_473 = arith.constant 128 : i32
      %mul3A_474 = arith.muli %min3A_41, %mul3A_473 : i32
      %dma_start3A_475 = arith.constant 3 : i32
      %dma_start3A_476 = arith.constant 0 : i32
      %dma_start3A_477 = arith.constant 0 : i32
      %dma_start3A_478 = tpu.memref_slice %arg6[%dma_start3A_475, %dma_start3A_476, %dma_start3A_477] : memref<8x128x16xf32, #tpu.memory_space<vmem>> -> memref<1x128x16xf32, #tpu.memory_space<vmem>>
      %dma_start3A_479 = tpu.memref_squeeze %dma_start3A_478 : memref<1x128x16xf32, #tpu.memory_space<vmem>> -> memref<128x16xf32, #tpu.memory_space<vmem>>
      %dma_start3A_480 = arith.constant 0 : i32
      %dma_start3A_481 = tpu.memref_slice %arg4[%mul3A_474, %dma_start3A_480] : memref<160000x128xf32, #tpu.memory_space<hbm>> -> memref<128x16xf32, #tpu.memory_space<hbm>>
      %dma_start3A_482 = arith.constant 0 : i32
      %dma_start3A_483 = tpu.memref_slice %arg4[%mul3A_474, %dma_start3A_482] : memref<160000x128xf32, #tpu.memory_space<hbm>> -> memref<128x16xf32, #tpu.memory_space<hbm>>
      %dma_start3A_484 = arith.constant 0 : i32
      %dma_start3A_485 = arith.constant 0 : i32
      %dma_start3A_486 = tpu.memref_slice %arg6[%dma_start3A_475, %dma_start3A_484, %dma_start3A_485] : memref<8x128x16xf32, #tpu.memory_space<vmem>> -> memref<1x128x16xf32, #tpu.memory_space<vmem>>
      %dma_start3A_487 = tpu.memref_squeeze %dma_start3A_486 : memref<1x128x16xf32, #tpu.memory_space<vmem>> -> memref<128x16xf32, #tpu.memory_space<vmem>>
      tpu.enqueue_dma source(%dma_start3A_487 : memref<128x16xf32, #tpu.memory_space<vmem>>) target(%dma_start3A_483 : memref<128x16xf32, #tpu.memory_space<hbm>>) target_semaphore(%arg9 : memref<!tpu.dma_semaphore, #tpu.memory_space<semaphore_mem>>)
      %mul3A_488 = arith.constant 128 : i32
      %mul3A_489 = arith.muli %min3A_50, %mul3A_488 : i32
      %dma_start3A_490 = arith.constant 4 : i32
      %dma_start3A_491 = arith.constant 0 : i32
      %dma_start3A_492 = arith.constant 0 : i32
      %dma_start3A_493 = tpu.memref_slice %arg6[%dma_start3A_490, %dma_start3A_491, %dma_start3A_492] : memref<8x128x16xf32, #tpu.memory_space<vmem>> -> memref<1x128x16xf32, #tpu.memory_space<vmem>>
      %dma_start3A_494 = tpu.memref_squeeze %dma_start3A_493 : memref<1x128x16xf32, #tpu.memory_space<vmem>> -> memref<128x16xf32, #tpu.memory_space<vmem>>
      %dma_start3A_495 = arith.constant 0 : i32
      %dma_start3A_496 = tpu.memref_slice %arg4[%mul3A_489, %dma_start3A_495] : memref<160000x128xf32, #tpu.memory_space<hbm>> -> memref<128x16xf32, #tpu.memory_space<hbm>>
      %dma_start3A_497 = arith.constant 0 : i32
      %dma_start3A_498 = tpu.memref_slice %arg4[%mul3A_489, %dma_start3A_497] : memref<160000x128xf32, #tpu.memory_space<hbm>> -> memref<128x16xf32, #tpu.memory_space<hbm>>
      %dma_start3A_499 = arith.constant 0 : i32
      %dma_start3A_500 = arith.constant 0 : i32
      %dma_start3A_501 = tpu.memref_slice %arg6[%dma_start3A_490, %dma_start3A_499, %dma_start3A_500] : memref<8x128x16xf32, #tpu.memory_space<vmem>> -> memref<1x128x16xf32, #tpu.memory_space<vmem>>
      %dma_start3A_502 = tpu.memref_squeeze %dma_start3A_501 : memref<1x128x16xf32, #tpu.memory_space<vmem>> -> memref<128x16xf32, #tpu.memory_space<vmem>>
      tpu.enqueue_dma source(%dma_start3A_502 : memref<128x16xf32, #tpu.memory_space<vmem>>) target(%dma_start3A_498 : memref<128x16xf32, #tpu.memory_space<hbm>>) target_semaphore(%arg9 : memref<!tpu.dma_semaphore, #tpu.memory_space<semaphore_mem>>)
      %mul3A_503 = arith.constant 128 : i32
      %mul3A_504 = arith.muli %min3A_59, %mul3A_503 : i32
      %dma_start3A_505 = arith.constant 5 : i32
      %dma_start3A_506 = arith.constant 0 : i32
      %dma_start3A_507 = arith.constant 0 : i32
      %dma_start3A_508 = tpu.memref_slice %arg6[%dma_start3A_505, %dma_start3A_506, %dma_start3A_507] : memref<8x128x16xf32, #tpu.memory_space<vmem>> -> memref<1x128x16xf32, #tpu.memory_space<vmem>>
      %dma_start3A_509 = tpu.memref_squeeze %dma_start3A_508 : memref<1x128x16xf32, #tpu.memory_space<vmem>> -> memref<128x16xf32, #tpu.memory_space<vmem>>
      %dma_start3A_510 = arith.constant 0 : i32
      %dma_start3A_511 = tpu.memref_slice %arg4[%mul3A_504, %dma_start3A_510] : memref<160000x128xf32, #tpu.memory_space<hbm>> -> memref<128x16xf32, #tpu.memory_space<hbm>>
      %dma_start3A_512 = arith.constant 0 : i32
      %dma_start3A_513 = tpu.memref_slice %arg4[%mul3A_504, %dma_start3A_512] : memref<160000x128xf32, #tpu.memory_space<hbm>> -> memref<128x16xf32, #tpu.memory_space<hbm>>
      %dma_start3A_514 = arith.constant 0 : i32
      %dma_start3A_515 = arith.constant 0 : i32
      %dma_start3A_516 = tpu.memref_slice %arg6[%dma_start3A_505, %dma_start3A_514, %dma_start3A_515] : memref<8x128x16xf32, #tpu.memory_space<vmem>> -> memref<1x128x16xf32, #tpu.memory_space<vmem>>
      %dma_start3A_517 = tpu.memref_squeeze %dma_start3A_516 : memref<1x128x16xf32, #tpu.memory_space<vmem>> -> memref<128x16xf32, #tpu.memory_space<vmem>>
      tpu.enqueue_dma source(%dma_start3A_517 : memref<128x16xf32, #tpu.memory_space<vmem>>) target(%dma_start3A_513 : memref<128x16xf32, #tpu.memory_space<hbm>>) target_semaphore(%arg9 : memref<!tpu.dma_semaphore, #tpu.memory_space<semaphore_mem>>)
      %mul3A_518 = arith.constant 128 : i32
      %mul3A_519 = arith.muli %min3A_68, %mul3A_518 : i32
      %dma_start3A_520 = arith.constant 6 : i32
      %dma_start3A_521 = arith.constant 0 : i32
      %dma_start3A_522 = arith.constant 0 : i32
      %dma_start3A_523 = tpu.memref_slice %arg6[%dma_start3A_520, %dma_start3A_521, %dma_start3A_522] : memref<8x128x16xf32, #tpu.memory_space<vmem>> -> memref<1x128x16xf32, #tpu.memory_space<vmem>>
      %dma_start3A_524 = tpu.memref_squeeze %dma_start3A_523 : memref<1x128x16xf32, #tpu.memory_space<vmem>> -> memref<128x16xf32, #tpu.memory_space<vmem>>
      %dma_start3A_525 = arith.constant 0 : i32
      %dma_start3A_526 = tpu.memref_slice %arg4[%mul3A_519, %dma_start3A_525] : memref<160000x128xf32, #tpu.memory_space<hbm>> -> memref<128x16xf32, #tpu.memory_space<hbm>>
      %dma_start3A_527 = arith.constant 0 : i32
      %dma_start3A_528 = tpu.memref_slice %arg4[%mul3A_519, %dma_start3A_527] : memref<160000x128xf32, #tpu.memory_space<hbm>> -> memref<128x16xf32, #tpu.memory_space<hbm>>
      %dma_start3A_529 = arith.constant 0 : i32
      %dma_start3A_530 = arith.constant 0 : i32
      %dma_start3A_531 = tpu.memref_slice %arg6[%dma_start3A_520, %dma_start3A_529, %dma_start3A_530] : memref<8x128x16xf32, #tpu.memory_space<vmem>> -> memref<1x128x16xf32, #tpu.memory_space<vmem>>
      %dma_start3A_532 = tpu.memref_squeeze %dma_start3A_531 : memref<1x128x16xf32, #tpu.memory_space<vmem>> -> memref<128x16xf32, #tpu.memory_space<vmem>>
      tpu.enqueue_dma source(%dma_start3A_532 : memref<128x16xf32, #tpu.memory_space<vmem>>) target(%dma_start3A_528 : memref<128x16xf32, #tpu.memory_space<hbm>>) target_semaphore(%arg9 : memref<!tpu.dma_semaphore, #tpu.memory_space<semaphore_mem>>)
      %mul3A_533 = arith.constant 128 : i32
      %mul3A_534 = arith.muli %min3A_77, %mul3A_533 : i32
      %dma_start3A_535 = arith.constant 7 : i32
      %dma_start3A_536 = arith.constant 0 : i32
      %dma_start3A_537 = arith.constant 0 : i32
      %dma_start3A_538 = tpu.memref_slice %arg6[%dma_start3A_535, %dma_start3A_536, %dma_start3A_537] : memref<8x128x16xf32, #tpu.memory_space<vmem>> -> memref<1x128x16xf32, #tpu.memory_space<vmem>>
      %dma_start3A_539 = tpu.memref_squeeze %dma_start3A_538 : memref<1x128x16xf32, #tpu.memory_space<vmem>> -> memref<128x16xf32, #tpu.memory_space<vmem>>
      %dma_start3A_540 = arith.constant 0 : i32
      %dma_start3A_541 = tpu.memref_slice %arg4[%mul3A_534, %dma_start3A_540] : memref<160000x128xf32, #tpu.memory_space<hbm>> -> memref<128x16xf32, #tpu.memory_space<hbm>>
      %dma_start3A_542 = arith.constant 0 : i32
      %dma_start3A_543 = tpu.memref_slice %arg4[%mul3A_534, %dma_start3A_542] : memref<160000x128xf32, #tpu.memory_space<hbm>> -> memref<128x16xf32, #tpu.memory_space<hbm>>
      %dma_start3A_544 = arith.constant 0 : i32
      %dma_start3A_545 = arith.constant 0 : i32
      %dma_start3A_546 = tpu.memref_slice %arg6[%dma_start3A_535, %dma_start3A_544, %dma_start3A_545] : memref<8x128x16xf32, #tpu.memory_space<vmem>> -> memref<1x128x16xf32, #tpu.memory_space<vmem>>
      %dma_start3A_547 = tpu.memref_squeeze %dma_start3A_546 : memref<1x128x16xf32, #tpu.memory_space<vmem>> -> memref<128x16xf32, #tpu.memory_space<vmem>>
      tpu.enqueue_dma source(%dma_start3A_547 : memref<128x16xf32, #tpu.memory_space<vmem>>) target(%dma_start3A_543 : memref<128x16xf32, #tpu.memory_space<hbm>>) target_semaphore(%arg9 : memref<!tpu.dma_semaphore, #tpu.memory_space<semaphore_mem>>)
      %dma_wait3A_548 = arith.constant 0 : i32
      %dma_wait3A_549 = arith.constant 0 : i32
      %dma_wait3A_550 = arith.constant 0 : i32
      %dma_wait3A_551 = tpu.memref_slice %arg6[%dma_wait3A_548, %dma_wait3A_549, %dma_wait3A_550] : memref<8x128x16xf32, #tpu.memory_space<vmem>> -> memref<1x128x16xf32, #tpu.memory_space<vmem>>
      %dma_wait3A_552 = tpu.memref_squeeze %dma_wait3A_551 : memref<1x128x16xf32, #tpu.memory_space<vmem>> -> memref<128x16xf32, #tpu.memory_space<vmem>>
      %dma_wait3A_553 = arith.constant 0 : i32
      %dma_wait3A_554 = tpu.memref_slice %arg4[%mul3A_429, %dma_wait3A_553] : memref<160000x128xf32, #tpu.memory_space<hbm>> -> memref<128x16xf32, #tpu.memory_space<hbm>>
      %dma_wait3A_555 = arith.constant 0 : i32
      %dma_wait3A_556 = tpu.memref_slice %arg4[%mul3A_429, %dma_wait3A_555] : memref<160000x128xf32, #tpu.memory_space<hbm>> -> memref<128x16xf32, #tpu.memory_space<hbm>>
      %dma_wait3A_557 = arith.constant 0 : i32
      %dma_wait3A_558 = arith.constant 0 : i32
      %dma_wait3A_559 = tpu.memref_slice %arg6[%dma_wait3A_548, %dma_wait3A_557, %dma_wait3A_558] : memref<8x128x16xf32, #tpu.memory_space<vmem>> -> memref<1x128x16xf32, #tpu.memory_space<vmem>>
      %dma_wait3A_560 = tpu.memref_squeeze %dma_wait3A_559 : memref<1x128x16xf32, #tpu.memory_space<vmem>> -> memref<128x16xf32, #tpu.memory_space<vmem>>
      tpu.wait_dma2 semaphore(%arg9 : memref<!tpu.dma_semaphore, #tpu.memory_space<semaphore_mem>>) src(%dma_wait3A_560 : memref<128x16xf32, #tpu.memory_space<vmem>>) dst(%dma_wait3A_556 : memref<128x16xf32, #tpu.memory_space<hbm>>)
      %dma_wait3A_561 = arith.constant 1 : i32
      %dma_wait3A_562 = arith.constant 0 : i32
      %dma_wait3A_563 = arith.constant 0 : i32
      %dma_wait3A_564 = tpu.memref_slice %arg6[%dma_wait3A_561, %dma_wait3A_562, %dma_wait3A_563] : memref<8x128x16xf32, #tpu.memory_space<vmem>> -> memref<1x128x16xf32, #tpu.memory_space<vmem>>
      %dma_wait3A_565 = tpu.memref_squeeze %dma_wait3A_564 : memref<1x128x16xf32, #tpu.memory_space<vmem>> -> memref<128x16xf32, #tpu.memory_space<vmem>>
      %dma_wait3A_566 = arith.constant 0 : i32
      %dma_wait3A_567 = tpu.memref_slice %arg4[%mul3A_444, %dma_wait3A_566] : memref<160000x128xf32, #tpu.memory_space<hbm>> -> memref<128x16xf32, #tpu.memory_space<hbm>>
      %dma_wait3A_568 = arith.constant 0 : i32
      %dma_wait3A_569 = tpu.memref_slice %arg4[%mul3A_444, %dma_wait3A_568] : memref<160000x128xf32, #tpu.memory_space<hbm>> -> memref<128x16xf32, #tpu.memory_space<hbm>>
      %dma_wait3A_570 = arith.constant 0 : i32
      %dma_wait3A_571 = arith.constant 0 : i32
      %dma_wait3A_572 = tpu.memref_slice %arg6[%dma_wait3A_561, %dma_wait3A_570, %dma_wait3A_571] : memref<8x128x16xf32, #tpu.memory_space<vmem>> -> memref<1x128x16xf32, #tpu.memory_space<vmem>>
      %dma_wait3A_573 = tpu.memref_squeeze %dma_wait3A_572 : memref<1x128x16xf32, #tpu.memory_space<vmem>> -> memref<128x16xf32, #tpu.memory_space<vmem>>
      tpu.wait_dma2 semaphore(%arg9 : memref<!tpu.dma_semaphore, #tpu.memory_space<semaphore_mem>>) src(%dma_wait3A_573 : memref<128x16xf32, #tpu.memory_space<vmem>>) dst(%dma_wait3A_569 : memref<128x16xf32, #tpu.memory_space<hbm>>)
      %dma_wait3A_574 = arith.constant 2 : i32
      %dma_wait3A_575 = arith.constant 0 : i32
      %dma_wait3A_576 = arith.constant 0 : i32
      %dma_wait3A_577 = tpu.memref_slice %arg6[%dma_wait3A_574, %dma_wait3A_575, %dma_wait3A_576] : memref<8x128x16xf32, #tpu.memory_space<vmem>> -> memref<1x128x16xf32, #tpu.memory_space<vmem>>
      %dma_wait3A_578 = tpu.memref_squeeze %dma_wait3A_577 : memref<1x128x16xf32, #tpu.memory_space<vmem>> -> memref<128x16xf32, #tpu.memory_space<vmem>>
      %dma_wait3A_579 = arith.constant 0 : i32
      %dma_wait3A_580 = tpu.memref_slice %arg4[%mul3A_459, %dma_wait3A_579] : memref<160000x128xf32, #tpu.memory_space<hbm>> -> memref<128x16xf32, #tpu.memory_space<hbm>>
      %dma_wait3A_581 = arith.constant 0 : i32
      %dma_wait3A_582 = tpu.memref_slice %arg4[%mul3A_459, %dma_wait3A_581] : memref<160000x128xf32, #tpu.memory_space<hbm>> -> memref<128x16xf32, #tpu.memory_space<hbm>>
      %dma_wait3A_583 = arith.constant 0 : i32
      %dma_wait3A_584 = arith.constant 0 : i32
      %dma_wait3A_585 = tpu.memref_slice %arg6[%dma_wait3A_574, %dma_wait3A_583, %dma_wait3A_584] : memref<8x128x16xf32, #tpu.memory_space<vmem>> -> memref<1x128x16xf32, #tpu.memory_space<vmem>>
      %dma_wait3A_586 = tpu.memref_squeeze %dma_wait3A_585 : memref<1x128x16xf32, #tpu.memory_space<vmem>> -> memref<128x16xf32, #tpu.memory_space<vmem>>
      tpu.wait_dma2 semaphore(%arg9 : memref<!tpu.dma_semaphore, #tpu.memory_space<semaphore_mem>>) src(%dma_wait3A_586 : memref<128x16xf32, #tpu.memory_space<vmem>>) dst(%dma_wait3A_582 : memref<128x16xf32, #tpu.memory_space<hbm>>)
      %dma_wait3A_587 = arith.constant 3 : i32
      %dma_wait3A_588 = arith.constant 0 : i32
      %dma_wait3A_589 = arith.constant 0 : i32
      %dma_wait3A_590 = tpu.memref_slice %arg6[%dma_wait3A_587, %dma_wait3A_588, %dma_wait3A_589] : memref<8x128x16xf32, #tpu.memory_space<vmem>> -> memref<1x128x16xf32, #tpu.memory_space<vmem>>
      %dma_wait3A_591 = tpu.memref_squeeze %dma_wait3A_590 : memref<1x128x16xf32, #tpu.memory_space<vmem>> -> memref<128x16xf32, #tpu.memory_space<vmem>>
      %dma_wait3A_592 = arith.constant 0 : i32
      %dma_wait3A_593 = tpu.memref_slice %arg4[%mul3A_474, %dma_wait3A_592] : memref<160000x128xf32, #tpu.memory_space<hbm>> -> memref<128x16xf32, #tpu.memory_space<hbm>>
      %dma_wait3A_594 = arith.constant 0 : i32
      %dma_wait3A_595 = tpu.memref_slice %arg4[%mul3A_474, %dma_wait3A_594] : memref<160000x128xf32, #tpu.memory_space<hbm>> -> memref<128x16xf32, #tpu.memory_space<hbm>>
      %dma_wait3A_596 = arith.constant 0 : i32
      %dma_wait3A_597 = arith.constant 0 : i32
      %dma_wait3A_598 = tpu.memref_slice %arg6[%dma_wait3A_587, %dma_wait3A_596, %dma_wait3A_597] : memref<8x128x16xf32, #tpu.memory_space<vmem>> -> memref<1x128x16xf32, #tpu.memory_space<vmem>>
      %dma_wait3A_599 = tpu.memref_squeeze %dma_wait3A_598 : memref<1x128x16xf32, #tpu.memory_space<vmem>> -> memref<128x16xf32, #tpu.memory_space<vmem>>
      tpu.wait_dma2 semaphore(%arg9 : memref<!tpu.dma_semaphore, #tpu.memory_space<semaphore_mem>>) src(%dma_wait3A_599 : memref<128x16xf32, #tpu.memory_space<vmem>>) dst(%dma_wait3A_595 : memref<128x16xf32, #tpu.memory_space<hbm>>)
      %dma_wait3A_600 = arith.constant 4 : i32
      %dma_wait3A_601 = arith.constant 0 : i32
      %dma_wait3A_602 = arith.constant 0 : i32
      %dma_wait3A_603 = tpu.memref_slice %arg6[%dma_wait3A_600, %dma_wait3A_601, %dma_wait3A_602] : memref<8x128x16xf32, #tpu.memory_space<vmem>> -> memref<1x128x16xf32, #tpu.memory_space<vmem>>
      %dma_wait3A_604 = tpu.memref_squeeze %dma_wait3A_603 : memref<1x128x16xf32, #tpu.memory_space<vmem>> -> memref<128x16xf32, #tpu.memory_space<vmem>>
      %dma_wait3A_605 = arith.constant 0 : i32
      %dma_wait3A_606 = tpu.memref_slice %arg4[%mul3A_489, %dma_wait3A_605] : memref<160000x128xf32, #tpu.memory_space<hbm>> -> memref<128x16xf32, #tpu.memory_space<hbm>>
      %dma_wait3A_607 = arith.constant 0 : i32
      %dma_wait3A_608 = tpu.memref_slice %arg4[%mul3A_489, %dma_wait3A_607] : memref<160000x128xf32, #tpu.memory_space<hbm>> -> memref<128x16xf32, #tpu.memory_space<hbm>>
      %dma_wait3A_609 = arith.constant 0 : i32
      %dma_wait3A_610 = arith.constant 0 : i32
      %dma_wait3A_611 = tpu.memref_slice %arg6[%dma_wait3A_600, %dma_wait3A_609, %dma_wait3A_610] : memref<8x128x16xf32, #tpu.memory_space<vmem>> -> memref<1x128x16xf32, #tpu.memory_space<vmem>>
      %dma_wait3A_612 = tpu.memref_squeeze %dma_wait3A_611 : memref<1x128x16xf32, #tpu.memory_space<vmem>> -> memref<128x16xf32, #tpu.memory_space<vmem>>
      tpu.wait_dma2 semaphore(%arg9 : memref<!tpu.dma_semaphore, #tpu.memory_space<semaphore_mem>>) src(%dma_wait3A_612 : memref<128x16xf32, #tpu.memory_space<vmem>>) dst(%dma_wait3A_608 : memref<128x16xf32, #tpu.memory_space<hbm>>)
      %dma_wait3A_613 = arith.constant 5 : i32
      %dma_wait3A_614 = arith.constant 0 : i32
      %dma_wait3A_615 = arith.constant 0 : i32
      %dma_wait3A_616 = tpu.memref_slice %arg6[%dma_wait3A_613, %dma_wait3A_614, %dma_wait3A_615] : memref<8x128x16xf32, #tpu.memory_space<vmem>> -> memref<1x128x16xf32, #tpu.memory_space<vmem>>
      %dma_wait3A_617 = tpu.memref_squeeze %dma_wait3A_616 : memref<1x128x16xf32, #tpu.memory_space<vmem>> -> memref<128x16xf32, #tpu.memory_space<vmem>>
      %dma_wait3A_618 = arith.constant 0 : i32
      %dma_wait3A_619 = tpu.memref_slice %arg4[%mul3A_504, %dma_wait3A_618] : memref<160000x128xf32, #tpu.memory_space<hbm>> -> memref<128x16xf32, #tpu.memory_space<hbm>>
      %dma_wait3A_620 = arith.constant 0 : i32
      %dma_wait3A_621 = tpu.memref_slice %arg4[%mul3A_504, %dma_wait3A_620] : memref<160000x128xf32, #tpu.memory_space<hbm>> -> memref<128x16xf32, #tpu.memory_space<hbm>>
      %dma_wait3A_622 = arith.constant 0 : i32
      %dma_wait3A_623 = arith.constant 0 : i32
      %dma_wait3A_624 = tpu.memref_slice %arg6[%dma_wait3A_613, %dma_wait3A_622, %dma_wait3A_623] : memref<8x128x16xf32, #tpu.memory_space<vmem>> -> memref<1x128x16xf32, #tpu.memory_space<vmem>>
      %dma_wait3A_625 = tpu.memref_squeeze %dma_wait3A_624 : memref<1x128x16xf32, #tpu.memory_space<vmem>> -> memref<128x16xf32, #tpu.memory_space<vmem>>
      tpu.wait_dma2 semaphore(%arg9 : memref<!tpu.dma_semaphore, #tpu.memory_space<semaphore_mem>>) src(%dma_wait3A_625 : memref<128x16xf32, #tpu.memory_space<vmem>>) dst(%dma_wait3A_621 : memref<128x16xf32, #tpu.memory_space<hbm>>)
      %dma_wait3A_626 = arith.constant 6 : i32
      %dma_wait3A_627 = arith.constant 0 : i32
      %dma_wait3A_628 = arith.constant 0 : i32
      %dma_wait3A_629 = tpu.memref_slice %arg6[%dma_wait3A_626, %dma_wait3A_627, %dma_wait3A_628] : memref<8x128x16xf32, #tpu.memory_space<vmem>> -> memref<1x128x16xf32, #tpu.memory_space<vmem>>
      %dma_wait3A_630 = tpu.memref_squeeze %dma_wait3A_629 : memref<1x128x16xf32, #tpu.memory_space<vmem>> -> memref<128x16xf32, #tpu.memory_space<vmem>>
      %dma_wait3A_631 = arith.constant 0 : i32
      %dma_wait3A_632 = tpu.memref_slice %arg4[%mul3A_519, %dma_wait3A_631] : memref<160000x128xf32, #tpu.memory_space<hbm>> -> memref<128x16xf32, #tpu.memory_space<hbm>>
      %dma_wait3A_633 = arith.constant 0 : i32
      %dma_wait3A_634 = tpu.memref_slice %arg4[%mul3A_519, %dma_wait3A_633] : memref<160000x128xf32, #tpu.memory_space<hbm>> -> memref<128x16xf32, #tpu.memory_space<hbm>>
      %dma_wait3A_635 = arith.constant 0 : i32
      %dma_wait3A_636 = arith.constant 0 : i32
      %dma_wait3A_637 = tpu.memref_slice %arg6[%dma_wait3A_626, %dma_wait3A_635, %dma_wait3A_636] : memref<8x128x16xf32, #tpu.memory_space<vmem>> -> memref<1x128x16xf32, #tpu.memory_space<vmem>>
      %dma_wait3A_638 = tpu.memref_squeeze %dma_wait3A_637 : memref<1x128x16xf32, #tpu.memory_space<vmem>> -> memref<128x16xf32, #tpu.memory_space<vmem>>
      tpu.wait_dma2 semaphore(%arg9 : memref<!tpu.dma_semaphore, #tpu.memory_space<semaphore_mem>>) src(%dma_wait3A_638 : memref<128x16xf32, #tpu.memory_space<vmem>>) dst(%dma_wait3A_634 : memref<128x16xf32, #tpu.memory_space<hbm>>)
      %dma_wait3A_639 = arith.constant 7 : i32
      %dma_wait3A_640 = arith.constant 0 : i32
      %dma_wait3A_641 = arith.constant 0 : i32
      %dma_wait3A_642 = tpu.memref_slice %arg6[%dma_wait3A_639, %dma_wait3A_640, %dma_wait3A_641] : memref<8x128x16xf32, #tpu.memory_space<vmem>> -> memref<1x128x16xf32, #tpu.memory_space<vmem>>
      %dma_wait3A_643 = tpu.memref_squeeze %dma_wait3A_642 : memref<1x128x16xf32, #tpu.memory_space<vmem>> -> memref<128x16xf32, #tpu.memory_space<vmem>>
      %dma_wait3A_644 = arith.constant 0 : i32
      %dma_wait3A_645 = tpu.memref_slice %arg4[%mul3A_534, %dma_wait3A_644] : memref<160000x128xf32, #tpu.memory_space<hbm>> -> memref<128x16xf32, #tpu.memory_space<hbm>>
      %dma_wait3A_646 = arith.constant 0 : i32
      %dma_wait3A_647 = tpu.memref_slice %arg4[%mul3A_534, %dma_wait3A_646] : memref<160000x128xf32, #tpu.memory_space<hbm>> -> memref<128x16xf32, #tpu.memory_space<hbm>>
      %dma_wait3A_648 = arith.constant 0 : i32
      %dma_wait3A_649 = arith.constant 0 : i32
      %dma_wait3A_650 = tpu.memref_slice %arg6[%dma_wait3A_639, %dma_wait3A_648, %dma_wait3A_649] : memref<8x128x16xf32, #tpu.memory_space<vmem>> -> memref<1x128x16xf32, #tpu.memory_space<vmem>>
      %dma_wait3A_651 = tpu.memref_squeeze %dma_wait3A_650 : memref<1x128x16xf32, #tpu.memory_space<vmem>> -> memref<128x16xf32, #tpu.memory_space<vmem>>
      tpu.wait_dma2 semaphore(%arg9 : memref<!tpu.dma_semaphore, #tpu.memory_space<semaphore_mem>>) src(%dma_wait3A_651 : memref<128x16xf32, #tpu.memory_space<vmem>>) dst(%dma_wait3A_647 : memref<128x16xf32, #tpu.memory_space<hbm>>)
    }
    %scan3A_5 = arith.constant 5 : i32
    return
  }
}

#map = affine_map<(d0, d1) -> (0, 0)>
#map1 = affine_map<(d0, d1) -> (0)>
module attributes {stable_mosaic.version = 14 : i64} {
  func.func @scatter_k(%arg0: i32, %arg1: i32, %arg2: memref<160000x128xf32, #tpu.memory_space<hbm>>, %arg3: memref<163840xi32, #tpu.memory_space<hbm>>, %arg4: memref<10000x16xf32, #tpu.memory_space<hbm>>, %arg5: memref<20000x128xf32, #tpu.memory_space<hbm>>, %arg6: memref<8x128xi32, #tpu.memory_space<vmem>>, %arg7: memref<8x128x16xf32, #tpu.memory_space<vmem>>, %arg8: memref<10008x16xf32, #tpu.memory_space<vmem_shared>>, %arg9: memref<!tpu.dma_semaphore, #tpu.memory_space<semaphore_mem>>, %arg10: memref<!tpu.dma_semaphore, #tpu.memory_space<semaphore_mem>>, %arg11: memref<!tpu.dma_semaphore, #tpu.memory_space<semaphore_mem>>) attributes {dimension_semantics = [#tpu.dimension_semantics<core_parallel>, #tpu.dimension_semantics<subcore_parallel>], iteration_bounds = array<i64: 2, 16>, scalar_prefetch = 0 : i64, scratch_operands = 6 : i64, tpu.core_type = #tpu.core_type<sc_vector_subcore>, window_params = [{transform_indices = #map}, {transform_indices = #map1}, {transform_indices = #map}, {transform_indices = #map}]} {
    %mul3A = arith.constant 625 : i32
    %mul3A_0 = arith.muli %arg1, %mul3A : i32
    "tpu.region"() ({
      %run_scoped3A = tpu.sem_alloc : memref<!tpu.dma_semaphore, #tpu.memory_space<semaphore_mem>>
      %dma_start3A = arith.constant 0 : i32
      %dma_start3A_9 = tpu.memref_slice %arg8[%mul3A_0, %dma_start3A] : memref<10008x16xf32, #tpu.memory_space<vmem_shared>> -> memref<625x16xf32, #tpu.memory_space<vmem_shared>>
      %dma_start3A_10 = arith.constant 0 : i32
      %dma_start3A_11 = tpu.memref_slice %arg4[%mul3A_0, %dma_start3A_10] : memref<10000x16xf32, #tpu.memory_space<hbm>> -> memref<625x16xf32, #tpu.memory_space<hbm>>
      tpu.enqueue_dma source(%dma_start3A_11 : memref<625x16xf32, #tpu.memory_space<hbm>>) target(%dma_start3A_9 : memref<625x16xf32, #tpu.memory_space<vmem_shared>>) target_semaphore(%run_scoped3A : memref<!tpu.dma_semaphore, #tpu.memory_space<semaphore_mem>>)
      %dma_wait3A = arith.constant 0 : i32
      %dma_wait3A_12 = tpu.memref_slice %arg8[%mul3A_0, %dma_wait3A] : memref<10008x16xf32, #tpu.memory_space<vmem_shared>> -> memref<625x16xf32, #tpu.memory_space<vmem_shared>>
      %dma_wait3A_13 = arith.constant 0 : i32
      %dma_wait3A_14 = tpu.memref_slice %arg4[%mul3A_0, %dma_wait3A_13] : memref<10000x16xf32, #tpu.memory_space<hbm>> -> memref<625x16xf32, #tpu.memory_space<hbm>>
      tpu.wait_dma2 semaphore(%run_scoped3A : memref<!tpu.dma_semaphore, #tpu.memory_space<semaphore_mem>>) src(%dma_wait3A_14 : memref<625x16xf32, #tpu.memory_space<hbm>>) dst(%dma_wait3A_12 : memref<625x16xf32, #tpu.memory_space<vmem_shared>>)
      tpu.yield
    }) : () -> ()
    %barrier3A = arith.constant 0 : index
    tpu.barrier barrier_id(%barrier3A)
    %scan3A = arith.constant 0 : i32
    %scan3A_1 = arith.constant 0 : i32
    %scan3A_2 = arith.constant 5 : i32
    %scan3A_3 = arith.addi %scan3A_1, %scan3A_2 : i32
    %scan3A_4 = arith.constant 1 : i32
    scf.for %scan3A_9 = %scan3A_1 to %scan3A_3 step %scan3A_4  : i32 {
      %mul3A_10 = arith.constant 8 : i32
      %mul3A_11 = arith.muli %scan3A_9, %mul3A_10 : i32
      %add3A_12 = arith.constant 0 : i32
      %add3A_13 = arith.addi %mul3A_11, %add3A_12 : i32
      %mul3A_14 = arith.constant 16 : i32
      %mul3A_15 = arith.muli %add3A_13, %mul3A_14 : i32
      %add3A_16 = arith.addi %arg1, %mul3A_15 : i32
      %mul3A_17 = arith.constant 8 : i32
      %mul3A_18 = arith.muli %scan3A_9, %mul3A_17 : i32
      %add3A_19 = arith.constant 1 : i32
      %add3A_20 = arith.addi %mul3A_18, %add3A_19 : i32
      %mul3A_21 = arith.constant 16 : i32
      %mul3A_22 = arith.muli %add3A_20, %mul3A_21 : i32
      %add3A_23 = arith.addi %arg1, %mul3A_22 : i32
      %mul3A_24 = arith.constant 8 : i32
      %mul3A_25 = arith.muli %scan3A_9, %mul3A_24 : i32
      %add3A_26 = arith.constant 2 : i32
      %add3A_27 = arith.addi %mul3A_25, %add3A_26 : i32
      %mul3A_28 = arith.constant 16 : i32
      %mul3A_29 = arith.muli %add3A_27, %mul3A_28 : i32
      %add3A_30 = arith.addi %arg1, %mul3A_29 : i32
      %mul3A_31 = arith.constant 8 : i32
      %mul3A_32 = arith.muli %scan3A_9, %mul3A_31 : i32
      %add3A_33 = arith.constant 3 : i32
      %add3A_34 = arith.addi %mul3A_32, %add3A_33 : i32
      %mul3A_35 = arith.constant 16 : i32
      %mul3A_36 = arith.muli %add3A_34, %mul3A_35 : i32
      %add3A_37 = arith.addi %arg1, %mul3A_36 : i32
      %mul3A_38 = arith.constant 8 : i32
      %mul3A_39 = arith.muli %scan3A_9, %mul3A_38 : i32
      %add3A_40 = arith.constant 4 : i32
      %add3A_41 = arith.addi %mul3A_39, %add3A_40 : i32
      %mul3A_42 = arith.constant 16 : i32
      %mul3A_43 = arith.muli %add3A_41, %mul3A_42 : i32
      %add3A_44 = arith.addi %arg1, %mul3A_43 : i32
      %mul3A_45 = arith.constant 8 : i32
      %mul3A_46 = arith.muli %scan3A_9, %mul3A_45 : i32
      %add3A_47 = arith.constant 5 : i32
      %add3A_48 = arith.addi %mul3A_46, %add3A_47 : i32
      %mul3A_49 = arith.constant 16 : i32
      %mul3A_50 = arith.muli %add3A_48, %mul3A_49 : i32
      %add3A_51 = arith.addi %arg1, %mul3A_50 : i32
      %mul3A_52 = arith.constant 8 : i32
      %mul3A_53 = arith.muli %scan3A_9, %mul3A_52 : i32
      %add3A_54 = arith.constant 6 : i32
      %add3A_55 = arith.addi %mul3A_53, %add3A_54 : i32
      %mul3A_56 = arith.constant 16 : i32
      %mul3A_57 = arith.muli %add3A_55, %mul3A_56 : i32
      %add3A_58 = arith.addi %arg1, %mul3A_57 : i32
      %mul3A_59 = arith.constant 8 : i32
      %mul3A_60 = arith.muli %scan3A_9, %mul3A_59 : i32
      %add3A_61 = arith.constant 7 : i32
      %add3A_62 = arith.addi %mul3A_60, %add3A_61 : i32
      %mul3A_63 = arith.constant 16 : i32
      %mul3A_64 = arith.muli %add3A_62, %mul3A_63 : i32
      %add3A_65 = arith.addi %arg1, %mul3A_64 : i32
      %mul3A_66 = arith.constant 81920 : i32
      %mul3A_67 = arith.muli %arg0, %mul3A_66 : i32
      %mul3A_68 = arith.constant 128 : i32
      %mul3A_69 = arith.muli %add3A_16, %mul3A_68 : i32
      %add3A_70 = arith.addi %mul3A_67, %mul3A_69 : i32
      %mul3A_71 = arith.constant 81920 : i32
      %mul3A_72 = arith.muli %arg0, %mul3A_71 : i32
      %mul3A_73 = arith.constant 128 : i32
      %mul3A_74 = arith.muli %add3A_23, %mul3A_73 : i32
      %add3A_75 = arith.addi %mul3A_72, %mul3A_74 : i32
      %mul3A_76 = arith.constant 81920 : i32
      %mul3A_77 = arith.muli %arg0, %mul3A_76 : i32
      %mul3A_78 = arith.constant 128 : i32
      %mul3A_79 = arith.muli %add3A_30, %mul3A_78 : i32
      %add3A_80 = arith.addi %mul3A_77, %mul3A_79 : i32
      %mul3A_81 = arith.constant 81920 : i32
      %mul3A_82 = arith.muli %arg0, %mul3A_81 : i32
      %mul3A_83 = arith.constant 128 : i32
      %mul3A_84 = arith.muli %add3A_37, %mul3A_83 : i32
      %add3A_85 = arith.addi %mul3A_82, %mul3A_84 : i32
      %mul3A_86 = arith.constant 81920 : i32
      %mul3A_87 = arith.muli %arg0, %mul3A_86 : i32
      %mul3A_88 = arith.constant 128 : i32
      %mul3A_89 = arith.muli %add3A_44, %mul3A_88 : i32
      %add3A_90 = arith.addi %mul3A_87, %mul3A_89 : i32
      %mul3A_91 = arith.constant 81920 : i32
      %mul3A_92 = arith.muli %arg0, %mul3A_91 : i32
      %mul3A_93 = arith.constant 128 : i32
      %mul3A_94 = arith.muli %add3A_51, %mul3A_93 : i32
      %add3A_95 = arith.addi %mul3A_92, %mul3A_94 : i32
      %mul3A_96 = arith.constant 81920 : i32
      %mul3A_97 = arith.muli %arg0, %mul3A_96 : i32
      %mul3A_98 = arith.constant 128 : i32
      %mul3A_99 = arith.muli %add3A_58, %mul3A_98 : i32
      %add3A_100 = arith.addi %mul3A_97, %mul3A_99 : i32
      %mul3A_101 = arith.constant 81920 : i32
      %mul3A_102 = arith.muli %arg0, %mul3A_101 : i32
      %mul3A_103 = arith.constant 128 : i32
      %mul3A_104 = arith.muli %add3A_65, %mul3A_103 : i32
      %add3A_105 = arith.addi %mul3A_102, %mul3A_104 : i32
      %mul3A_106 = arith.constant 80000 : i32
      %mul3A_107 = arith.muli %arg0, %mul3A_106 : i32
      %min3A = arith.constant 624 : i32
      %min3A_108 = arith.minsi %add3A_16, %min3A : i32
      %mul3A_109 = arith.constant 128 : i32
      %mul3A_110 = arith.muli %min3A_108, %mul3A_109 : i32
      %add3A_111 = arith.addi %mul3A_107, %mul3A_110 : i32
      %mul3A_112 = arith.constant 80000 : i32
      %mul3A_113 = arith.muli %arg0, %mul3A_112 : i32
      %min3A_114 = arith.constant 624 : i32
      %min3A_115 = arith.minsi %add3A_23, %min3A_114 : i32
      %mul3A_116 = arith.constant 128 : i32
      %mul3A_117 = arith.muli %min3A_115, %mul3A_116 : i32
      %add3A_118 = arith.addi %mul3A_113, %mul3A_117 : i32
      %mul3A_119 = arith.constant 80000 : i32
      %mul3A_120 = arith.muli %arg0, %mul3A_119 : i32
      %min3A_121 = arith.constant 624 : i32
      %min3A_122 = arith.minsi %add3A_30, %min3A_121 : i32
      %mul3A_123 = arith.constant 128 : i32
      %mul3A_124 = arith.muli %min3A_122, %mul3A_123 : i32
      %add3A_125 = arith.addi %mul3A_120, %mul3A_124 : i32
      %mul3A_126 = arith.constant 80000 : i32
      %mul3A_127 = arith.muli %arg0, %mul3A_126 : i32
      %min3A_128 = arith.constant 624 : i32
      %min3A_129 = arith.minsi %add3A_37, %min3A_128 : i32
      %mul3A_130 = arith.constant 128 : i32
      %mul3A_131 = arith.muli %min3A_129, %mul3A_130 : i32
      %add3A_132 = arith.addi %mul3A_127, %mul3A_131 : i32
      %mul3A_133 = arith.constant 80000 : i32
      %mul3A_134 = arith.muli %arg0, %mul3A_133 : i32
      %min3A_135 = arith.constant 624 : i32
      %min3A_136 = arith.minsi %add3A_44, %min3A_135 : i32
      %mul3A_137 = arith.constant 128 : i32
      %mul3A_138 = arith.muli %min3A_136, %mul3A_137 : i32
      %add3A_139 = arith.addi %mul3A_134, %mul3A_138 : i32
      %mul3A_140 = arith.constant 80000 : i32
      %mul3A_141 = arith.muli %arg0, %mul3A_140 : i32
      %min3A_142 = arith.constant 624 : i32
      %min3A_143 = arith.minsi %add3A_51, %min3A_142 : i32
      %mul3A_144 = arith.constant 128 : i32
      %mul3A_145 = arith.muli %min3A_143, %mul3A_144 : i32
      %add3A_146 = arith.addi %mul3A_141, %mul3A_145 : i32
      %mul3A_147 = arith.constant 80000 : i32
      %mul3A_148 = arith.muli %arg0, %mul3A_147 : i32
      %min3A_149 = arith.constant 624 : i32
      %min3A_150 = arith.minsi %add3A_58, %min3A_149 : i32
      %mul3A_151 = arith.constant 128 : i32
      %mul3A_152 = arith.muli %min3A_150, %mul3A_151 : i32
      %add3A_153 = arith.addi %mul3A_148, %mul3A_152 : i32
      %mul3A_154 = arith.constant 80000 : i32
      %mul3A_155 = arith.muli %arg0, %mul3A_154 : i32
      %min3A_156 = arith.constant 624 : i32
      %min3A_157 = arith.minsi %add3A_65, %min3A_156 : i32
      %mul3A_158 = arith.constant 128 : i32
      %mul3A_159 = arith.muli %min3A_157, %mul3A_158 : i32
      %add3A_160 = arith.addi %mul3A_155, %mul3A_159 : i32
      %dma_start3A = arith.constant 0 : i32
      %dma_start3A_161 = arith.constant 0 : i32
      %dma_start3A_162 = tpu.memref_slice %arg6[%dma_start3A, %dma_start3A_161] : memref<8x128xi32, #tpu.memory_space<vmem>> -> memref<1x128xi32, #tpu.memory_space<vmem>>
      %dma_start3A_163 = tpu.memref_squeeze %dma_start3A_162 : memref<1x128xi32, #tpu.memory_space<vmem>> -> memref<128xi32, #tpu.memory_space<vmem>>
      %dma_start3A_164 = tpu.memref_slice %arg3[%add3A_70] : memref<163840xi32, #tpu.memory_space<hbm>> -> memref<128xi32, #tpu.memory_space<hbm>>
      %dma_start3A_165 = arith.constant 0 : i32
      %dma_start3A_166 = tpu.memref_slice %arg6[%dma_start3A, %dma_start3A_165] : memref<8x128xi32, #tpu.memory_space<vmem>> -> memref<1x128xi32, #tpu.memory_space<vmem>>
      %dma_start3A_167 = tpu.memref_squeeze %dma_start3A_166 : memref<1x128xi32, #tpu.memory_space<vmem>> -> memref<128xi32, #tpu.memory_space<vmem>>
      %dma_start3A_168 = tpu.memref_slice %arg3[%add3A_70] : memref<163840xi32, #tpu.memory_space<hbm>> -> memref<128xi32, #tpu.memory_space<hbm>>
      tpu.enqueue_dma source(%dma_start3A_168 : memref<128xi32, #tpu.memory_space<hbm>>) target(%dma_start3A_167 : memref<128xi32, #tpu.memory_space<vmem>>) target_semaphore(%arg9 : memref<!tpu.dma_semaphore, #tpu.memory_space<semaphore_mem>>)
      %dma_start3A_169 = arith.constant 1 : i32
      %dma_start3A_170 = arith.constant 0 : i32
      %dma_start3A_171 = tpu.memref_slice %arg6[%dma_start3A_169, %dma_start3A_170] : memref<8x128xi32, #tpu.memory_space<vmem>> -> memref<1x128xi32, #tpu.memory_space<vmem>>
      %dma_start3A_172 = tpu.memref_squeeze %dma_start3A_171 : memref<1x128xi32, #tpu.memory_space<vmem>> -> memref<128xi32, #tpu.memory_space<vmem>>
      %dma_start3A_173 = tpu.memref_slice %arg3[%add3A_75] : memref<163840xi32, #tpu.memory_space<hbm>> -> memref<128xi32, #tpu.memory_space<hbm>>
      %dma_start3A_174 = arith.constant 0 : i32
      %dma_start3A_175 = tpu.memref_slice %arg6[%dma_start3A_169, %dma_start3A_174] : memref<8x128xi32, #tpu.memory_space<vmem>> -> memref<1x128xi32, #tpu.memory_space<vmem>>
      %dma_start3A_176 = tpu.memref_squeeze %dma_start3A_175 : memref<1x128xi32, #tpu.memory_space<vmem>> -> memref<128xi32, #tpu.memory_space<vmem>>
      %dma_start3A_177 = tpu.memref_slice %arg3[%add3A_75] : memref<163840xi32, #tpu.memory_space<hbm>> -> memref<128xi32, #tpu.memory_space<hbm>>
      tpu.enqueue_dma source(%dma_start3A_177 : memref<128xi32, #tpu.memory_space<hbm>>) target(%dma_start3A_176 : memref<128xi32, #tpu.memory_space<vmem>>) target_semaphore(%arg9 : memref<!tpu.dma_semaphore, #tpu.memory_space<semaphore_mem>>)
      %dma_start3A_178 = arith.constant 2 : i32
      %dma_start3A_179 = arith.constant 0 : i32
      %dma_start3A_180 = tpu.memref_slice %arg6[%dma_start3A_178, %dma_start3A_179] : memref<8x128xi32, #tpu.memory_space<vmem>> -> memref<1x128xi32, #tpu.memory_space<vmem>>
      %dma_start3A_181 = tpu.memref_squeeze %dma_start3A_180 : memref<1x128xi32, #tpu.memory_space<vmem>> -> memref<128xi32, #tpu.memory_space<vmem>>
      %dma_start3A_182 = tpu.memref_slice %arg3[%add3A_80] : memref<163840xi32, #tpu.memory_space<hbm>> -> memref<128xi32, #tpu.memory_space<hbm>>
      %dma_start3A_183 = arith.constant 0 : i32
      %dma_start3A_184 = tpu.memref_slice %arg6[%dma_start3A_178, %dma_start3A_183] : memref<8x128xi32, #tpu.memory_space<vmem>> -> memref<1x128xi32, #tpu.memory_space<vmem>>
      %dma_start3A_185 = tpu.memref_squeeze %dma_start3A_184 : memref<1x128xi32, #tpu.memory_space<vmem>> -> memref<128xi32, #tpu.memory_space<vmem>>
      %dma_start3A_186 = tpu.memref_slice %arg3[%add3A_80] : memref<163840xi32, #tpu.memory_space<hbm>> -> memref<128xi32, #tpu.memory_space<hbm>>
      tpu.enqueue_dma source(%dma_start3A_186 : memref<128xi32, #tpu.memory_space<hbm>>) target(%dma_start3A_185 : memref<128xi32, #tpu.memory_space<vmem>>) target_semaphore(%arg9 : memref<!tpu.dma_semaphore, #tpu.memory_space<semaphore_mem>>)
      %dma_start3A_187 = arith.constant 3 : i32
      %dma_start3A_188 = arith.constant 0 : i32
      %dma_start3A_189 = tpu.memref_slice %arg6[%dma_start3A_187, %dma_start3A_188] : memref<8x128xi32, #tpu.memory_space<vmem>> -> memref<1x128xi32, #tpu.memory_space<vmem>>
      %dma_start3A_190 = tpu.memref_squeeze %dma_start3A_189 : memref<1x128xi32, #tpu.memory_space<vmem>> -> memref<128xi32, #tpu.memory_space<vmem>>
      %dma_start3A_191 = tpu.memref_slice %arg3[%add3A_85] : memref<163840xi32, #tpu.memory_space<hbm>> -> memref<128xi32, #tpu.memory_space<hbm>>
      %dma_start3A_192 = arith.constant 0 : i32
      %dma_start3A_193 = tpu.memref_slice %arg6[%dma_start3A_187, %dma_start3A_192] : memref<8x128xi32, #tpu.memory_space<vmem>> -> memref<1x128xi32, #tpu.memory_space<vmem>>
      %dma_start3A_194 = tpu.memref_squeeze %dma_start3A_193 : memref<1x128xi32, #tpu.memory_space<vmem>> -> memref<128xi32, #tpu.memory_space<vmem>>
      %dma_start3A_195 = tpu.memref_slice %arg3[%add3A_85] : memref<163840xi32, #tpu.memory_space<hbm>> -> memref<128xi32, #tpu.memory_space<hbm>>
      tpu.enqueue_dma source(%dma_start3A_195 : memref<128xi32, #tpu.memory_space<hbm>>) target(%dma_start3A_194 : memref<128xi32, #tpu.memory_space<vmem>>) target_semaphore(%arg9 : memref<!tpu.dma_semaphore, #tpu.memory_space<semaphore_mem>>)
      %dma_start3A_196 = arith.constant 4 : i32
      %dma_start3A_197 = arith.constant 0 : i32
      %dma_start3A_198 = tpu.memref_slice %arg6[%dma_start3A_196, %dma_start3A_197] : memref<8x128xi32, #tpu.memory_space<vmem>> -> memref<1x128xi32, #tpu.memory_space<vmem>>
      %dma_start3A_199 = tpu.memref_squeeze %dma_start3A_198 : memref<1x128xi32, #tpu.memory_space<vmem>> -> memref<128xi32, #tpu.memory_space<vmem>>
      %dma_start3A_200 = tpu.memref_slice %arg3[%add3A_90] : memref<163840xi32, #tpu.memory_space<hbm>> -> memref<128xi32, #tpu.memory_space<hbm>>
      %dma_start3A_201 = arith.constant 0 : i32
      %dma_start3A_202 = tpu.memref_slice %arg6[%dma_start3A_196, %dma_start3A_201] : memref<8x128xi32, #tpu.memory_space<vmem>> -> memref<1x128xi32, #tpu.memory_space<vmem>>
      %dma_start3A_203 = tpu.memref_squeeze %dma_start3A_202 : memref<1x128xi32, #tpu.memory_space<vmem>> -> memref<128xi32, #tpu.memory_space<vmem>>
      %dma_start3A_204 = tpu.memref_slice %arg3[%add3A_90] : memref<163840xi32, #tpu.memory_space<hbm>> -> memref<128xi32, #tpu.memory_space<hbm>>
      tpu.enqueue_dma source(%dma_start3A_204 : memref<128xi32, #tpu.memory_space<hbm>>) target(%dma_start3A_203 : memref<128xi32, #tpu.memory_space<vmem>>) target_semaphore(%arg9 : memref<!tpu.dma_semaphore, #tpu.memory_space<semaphore_mem>>)
      %dma_start3A_205 = arith.constant 5 : i32
      %dma_start3A_206 = arith.constant 0 : i32
      %dma_start3A_207 = tpu.memref_slice %arg6[%dma_start3A_205, %dma_start3A_206] : memref<8x128xi32, #tpu.memory_space<vmem>> -> memref<1x128xi32, #tpu.memory_space<vmem>>
      %dma_start3A_208 = tpu.memref_squeeze %dma_start3A_207 : memref<1x128xi32, #tpu.memory_space<vmem>> -> memref<128xi32, #tpu.memory_space<vmem>>
      %dma_start3A_209 = tpu.memref_slice %arg3[%add3A_95] : memref<163840xi32, #tpu.memory_space<hbm>> -> memref<128xi32, #tpu.memory_space<hbm>>
      %dma_start3A_210 = arith.constant 0 : i32
      %dma_start3A_211 = tpu.memref_slice %arg6[%dma_start3A_205, %dma_start3A_210] : memref<8x128xi32, #tpu.memory_space<vmem>> -> memref<1x128xi32, #tpu.memory_space<vmem>>
      %dma_start3A_212 = tpu.memref_squeeze %dma_start3A_211 : memref<1x128xi32, #tpu.memory_space<vmem>> -> memref<128xi32, #tpu.memory_space<vmem>>
      %dma_start3A_213 = tpu.memref_slice %arg3[%add3A_95] : memref<163840xi32, #tpu.memory_space<hbm>> -> memref<128xi32, #tpu.memory_space<hbm>>
      tpu.enqueue_dma source(%dma_start3A_213 : memref<128xi32, #tpu.memory_space<hbm>>) target(%dma_start3A_212 : memref<128xi32, #tpu.memory_space<vmem>>) target_semaphore(%arg9 : memref<!tpu.dma_semaphore, #tpu.memory_space<semaphore_mem>>)
      %dma_start3A_214 = arith.constant 6 : i32
      %dma_start3A_215 = arith.constant 0 : i32
      %dma_start3A_216 = tpu.memref_slice %arg6[%dma_start3A_214, %dma_start3A_215] : memref<8x128xi32, #tpu.memory_space<vmem>> -> memref<1x128xi32, #tpu.memory_space<vmem>>
      %dma_start3A_217 = tpu.memref_squeeze %dma_start3A_216 : memref<1x128xi32, #tpu.memory_space<vmem>> -> memref<128xi32, #tpu.memory_space<vmem>>
      %dma_start3A_218 = tpu.memref_slice %arg3[%add3A_100] : memref<163840xi32, #tpu.memory_space<hbm>> -> memref<128xi32, #tpu.memory_space<hbm>>
      %dma_start3A_219 = arith.constant 0 : i32
      %dma_start3A_220 = tpu.memref_slice %arg6[%dma_start3A_214, %dma_start3A_219] : memref<8x128xi32, #tpu.memory_space<vmem>> -> memref<1x128xi32, #tpu.memory_space<vmem>>
      %dma_start3A_221 = tpu.memref_squeeze %dma_start3A_220 : memref<1x128xi32, #tpu.memory_space<vmem>> -> memref<128xi32, #tpu.memory_space<vmem>>
      %dma_start3A_222 = tpu.memref_slice %arg3[%add3A_100] : memref<163840xi32, #tpu.memory_space<hbm>> -> memref<128xi32, #tpu.memory_space<hbm>>
      tpu.enqueue_dma source(%dma_start3A_222 : memref<128xi32, #tpu.memory_space<hbm>>) target(%dma_start3A_221 : memref<128xi32, #tpu.memory_space<vmem>>) target_semaphore(%arg9 : memref<!tpu.dma_semaphore, #tpu.memory_space<semaphore_mem>>)
      %dma_start3A_223 = arith.constant 7 : i32
      %dma_start3A_224 = arith.constant 0 : i32
      %dma_start3A_225 = tpu.memref_slice %arg6[%dma_start3A_223, %dma_start3A_224] : memref<8x128xi32, #tpu.memory_space<vmem>> -> memref<1x128xi32, #tpu.memory_space<vmem>>
      %dma_start3A_226 = tpu.memref_squeeze %dma_start3A_225 : memref<1x128xi32, #tpu.memory_space<vmem>> -> memref<128xi32, #tpu.memory_space<vmem>>
      %dma_start3A_227 = tpu.memref_slice %arg3[%add3A_105] : memref<163840xi32, #tpu.memory_space<hbm>> -> memref<128xi32, #tpu.memory_space<hbm>>
      %dma_start3A_228 = arith.constant 0 : i32
      %dma_start3A_229 = tpu.memref_slice %arg6[%dma_start3A_223, %dma_start3A_228] : memref<8x128xi32, #tpu.memory_space<vmem>> -> memref<1x128xi32, #tpu.memory_space<vmem>>
      %dma_start3A_230 = tpu.memref_squeeze %dma_start3A_229 : memref<1x128xi32, #tpu.memory_space<vmem>> -> memref<128xi32, #tpu.memory_space<vmem>>
      %dma_start3A_231 = tpu.memref_slice %arg3[%add3A_105] : memref<163840xi32, #tpu.memory_space<hbm>> -> memref<128xi32, #tpu.memory_space<hbm>>
      tpu.enqueue_dma source(%dma_start3A_231 : memref<128xi32, #tpu.memory_space<hbm>>) target(%dma_start3A_230 : memref<128xi32, #tpu.memory_space<vmem>>) target_semaphore(%arg9 : memref<!tpu.dma_semaphore, #tpu.memory_space<semaphore_mem>>)
      %dma_start3A_232 = arith.constant 0 : i32
      %dma_start3A_233 = arith.constant 0 : i32
      %dma_start3A_234 = arith.constant 0 : i32
      %dma_start3A_235 = tpu.memref_slice %arg7[%dma_start3A_232, %dma_start3A_233, %dma_start3A_234] : memref<8x128x16xf32, #tpu.memory_space<vmem>> -> memref<1x128x16xf32, #tpu.memory_space<vmem>>
      %dma_start3A_236 = tpu.memref_squeeze %dma_start3A_235 : memref<1x128x16xf32, #tpu.memory_space<vmem>> -> memref<128x16xf32, #tpu.memory_space<vmem>>
      %dma_start3A_237 = arith.constant 0 : i32
      %dma_start3A_238 = tpu.memref_slice %arg2[%add3A_111, %dma_start3A_237] : memref<160000x128xf32, #tpu.memory_space<hbm>> -> memref<128x16xf32, #tpu.memory_space<hbm>>
      %dma_start3A_239 = arith.constant 0 : i32
      %dma_start3A_240 = arith.constant 0 : i32
      %dma_start3A_241 = tpu.memref_slice %arg7[%dma_start3A_232, %dma_start3A_239, %dma_start3A_240] : memref<8x128x16xf32, #tpu.memory_space<vmem>> -> memref<1x128x16xf32, #tpu.memory_space<vmem>>
      %dma_start3A_242 = tpu.memref_squeeze %dma_start3A_241 : memref<1x128x16xf32, #tpu.memory_space<vmem>> -> memref<128x16xf32, #tpu.memory_space<vmem>>
      %dma_start3A_243 = arith.constant 0 : i32
      %dma_start3A_244 = tpu.memref_slice %arg2[%add3A_111, %dma_start3A_243] : memref<160000x128xf32, #tpu.memory_space<hbm>> -> memref<128x16xf32, #tpu.memory_space<hbm>>
      tpu.enqueue_dma source(%dma_start3A_244 : memref<128x16xf32, #tpu.memory_space<hbm>>) target(%dma_start3A_242 : memref<128x16xf32, #tpu.memory_space<vmem>>) target_semaphore(%arg10 : memref<!tpu.dma_semaphore, #tpu.memory_space<semaphore_mem>>)
      %dma_start3A_245 = arith.constant 1 : i32
      %dma_start3A_246 = arith.constant 0 : i32
      %dma_start3A_247 = arith.constant 0 : i32
      %dma_start3A_248 = tpu.memref_slice %arg7[%dma_start3A_245, %dma_start3A_246, %dma_start3A_247] : memref<8x128x16xf32, #tpu.memory_space<vmem>> -> memref<1x128x16xf32, #tpu.memory_space<vmem>>
      %dma_start3A_249 = tpu.memref_squeeze %dma_start3A_248 : memref<1x128x16xf32, #tpu.memory_space<vmem>> -> memref<128x16xf32, #tpu.memory_space<vmem>>
      %dma_start3A_250 = arith.constant 0 : i32
      %dma_start3A_251 = tpu.memref_slice %arg2[%add3A_118, %dma_start3A_250] : memref<160000x128xf32, #tpu.memory_space<hbm>> -> memref<128x16xf32, #tpu.memory_space<hbm>>
      %dma_start3A_252 = arith.constant 0 : i32
      %dma_start3A_253 = arith.constant 0 : i32
      %dma_start3A_254 = tpu.memref_slice %arg7[%dma_start3A_245, %dma_start3A_252, %dma_start3A_253] : memref<8x128x16xf32, #tpu.memory_space<vmem>> -> memref<1x128x16xf32, #tpu.memory_space<vmem>>
      %dma_start3A_255 = tpu.memref_squeeze %dma_start3A_254 : memref<1x128x16xf32, #tpu.memory_space<vmem>> -> memref<128x16xf32, #tpu.memory_space<vmem>>
      %dma_start3A_256 = arith.constant 0 : i32
      %dma_start3A_257 = tpu.memref_slice %arg2[%add3A_118, %dma_start3A_256] : memref<160000x128xf32, #tpu.memory_space<hbm>> -> memref<128x16xf32, #tpu.memory_space<hbm>>
      tpu.enqueue_dma source(%dma_start3A_257 : memref<128x16xf32, #tpu.memory_space<hbm>>) target(%dma_start3A_255 : memref<128x16xf32, #tpu.memory_space<vmem>>) target_semaphore(%arg10 : memref<!tpu.dma_semaphore, #tpu.memory_space<semaphore_mem>>)
      %dma_start3A_258 = arith.constant 2 : i32
      %dma_start3A_259 = arith.constant 0 : i32
      %dma_start3A_260 = arith.constant 0 : i32
      %dma_start3A_261 = tpu.memref_slice %arg7[%dma_start3A_258, %dma_start3A_259, %dma_start3A_260] : memref<8x128x16xf32, #tpu.memory_space<vmem>> -> memref<1x128x16xf32, #tpu.memory_space<vmem>>
      %dma_start3A_262 = tpu.memref_squeeze %dma_start3A_261 : memref<1x128x16xf32, #tpu.memory_space<vmem>> -> memref<128x16xf32, #tpu.memory_space<vmem>>
      %dma_start3A_263 = arith.constant 0 : i32
      %dma_start3A_264 = tpu.memref_slice %arg2[%add3A_125, %dma_start3A_263] : memref<160000x128xf32, #tpu.memory_space<hbm>> -> memref<128x16xf32, #tpu.memory_space<hbm>>
      %dma_start3A_265 = arith.constant 0 : i32
      %dma_start3A_266 = arith.constant 0 : i32
      %dma_start3A_267 = tpu.memref_slice %arg7[%dma_start3A_258, %dma_start3A_265, %dma_start3A_266] : memref<8x128x16xf32, #tpu.memory_space<vmem>> -> memref<1x128x16xf32, #tpu.memory_space<vmem>>
      %dma_start3A_268 = tpu.memref_squeeze %dma_start3A_267 : memref<1x128x16xf32, #tpu.memory_space<vmem>> -> memref<128x16xf32, #tpu.memory_space<vmem>>
      %dma_start3A_269 = arith.constant 0 : i32
      %dma_start3A_270 = tpu.memref_slice %arg2[%add3A_125, %dma_start3A_269] : memref<160000x128xf32, #tpu.memory_space<hbm>> -> memref<128x16xf32, #tpu.memory_space<hbm>>
      tpu.enqueue_dma source(%dma_start3A_270 : memref<128x16xf32, #tpu.memory_space<hbm>>) target(%dma_start3A_268 : memref<128x16xf32, #tpu.memory_space<vmem>>) target_semaphore(%arg10 : memref<!tpu.dma_semaphore, #tpu.memory_space<semaphore_mem>>)
      %dma_start3A_271 = arith.constant 3 : i32
      %dma_start3A_272 = arith.constant 0 : i32
      %dma_start3A_273 = arith.constant 0 : i32
      %dma_start3A_274 = tpu.memref_slice %arg7[%dma_start3A_271, %dma_start3A_272, %dma_start3A_273] : memref<8x128x16xf32, #tpu.memory_space<vmem>> -> memref<1x128x16xf32, #tpu.memory_space<vmem>>
      %dma_start3A_275 = tpu.memref_squeeze %dma_start3A_274 : memref<1x128x16xf32, #tpu.memory_space<vmem>> -> memref<128x16xf32, #tpu.memory_space<vmem>>
      %dma_start3A_276 = arith.constant 0 : i32
      %dma_start3A_277 = tpu.memref_slice %arg2[%add3A_132, %dma_start3A_276] : memref<160000x128xf32, #tpu.memory_space<hbm>> -> memref<128x16xf32, #tpu.memory_space<hbm>>
      %dma_start3A_278 = arith.constant 0 : i32
      %dma_start3A_279 = arith.constant 0 : i32
      %dma_start3A_280 = tpu.memref_slice %arg7[%dma_start3A_271, %dma_start3A_278, %dma_start3A_279] : memref<8x128x16xf32, #tpu.memory_space<vmem>> -> memref<1x128x16xf32, #tpu.memory_space<vmem>>
      %dma_start3A_281 = tpu.memref_squeeze %dma_start3A_280 : memref<1x128x16xf32, #tpu.memory_space<vmem>> -> memref<128x16xf32, #tpu.memory_space<vmem>>
      %dma_start3A_282 = arith.constant 0 : i32
      %dma_start3A_283 = tpu.memref_slice %arg2[%add3A_132, %dma_start3A_282] : memref<160000x128xf32, #tpu.memory_space<hbm>> -> memref<128x16xf32, #tpu.memory_space<hbm>>
      tpu.enqueue_dma source(%dma_start3A_283 : memref<128x16xf32, #tpu.memory_space<hbm>>) target(%dma_start3A_281 : memref<128x16xf32, #tpu.memory_space<vmem>>) target_semaphore(%arg10 : memref<!tpu.dma_semaphore, #tpu.memory_space<semaphore_mem>>)
      %dma_start3A_284 = arith.constant 4 : i32
      %dma_start3A_285 = arith.constant 0 : i32
      %dma_start3A_286 = arith.constant 0 : i32
      %dma_start3A_287 = tpu.memref_slice %arg7[%dma_start3A_284, %dma_start3A_285, %dma_start3A_286] : memref<8x128x16xf32, #tpu.memory_space<vmem>> -> memref<1x128x16xf32, #tpu.memory_space<vmem>>
      %dma_start3A_288 = tpu.memref_squeeze %dma_start3A_287 : memref<1x128x16xf32, #tpu.memory_space<vmem>> -> memref<128x16xf32, #tpu.memory_space<vmem>>
      %dma_start3A_289 = arith.constant 0 : i32
      %dma_start3A_290 = tpu.memref_slice %arg2[%add3A_139, %dma_start3A_289] : memref<160000x128xf32, #tpu.memory_space<hbm>> -> memref<128x16xf32, #tpu.memory_space<hbm>>
      %dma_start3A_291 = arith.constant 0 : i32
      %dma_start3A_292 = arith.constant 0 : i32
      %dma_start3A_293 = tpu.memref_slice %arg7[%dma_start3A_284, %dma_start3A_291, %dma_start3A_292] : memref<8x128x16xf32, #tpu.memory_space<vmem>> -> memref<1x128x16xf32, #tpu.memory_space<vmem>>
      %dma_start3A_294 = tpu.memref_squeeze %dma_start3A_293 : memref<1x128x16xf32, #tpu.memory_space<vmem>> -> memref<128x16xf32, #tpu.memory_space<vmem>>
      %dma_start3A_295 = arith.constant 0 : i32
      %dma_start3A_296 = tpu.memref_slice %arg2[%add3A_139, %dma_start3A_295] : memref<160000x128xf32, #tpu.memory_space<hbm>> -> memref<128x16xf32, #tpu.memory_space<hbm>>
      tpu.enqueue_dma source(%dma_start3A_296 : memref<128x16xf32, #tpu.memory_space<hbm>>) target(%dma_start3A_294 : memref<128x16xf32, #tpu.memory_space<vmem>>) target_semaphore(%arg10 : memref<!tpu.dma_semaphore, #tpu.memory_space<semaphore_mem>>)
      %dma_start3A_297 = arith.constant 5 : i32
      %dma_start3A_298 = arith.constant 0 : i32
      %dma_start3A_299 = arith.constant 0 : i32
      %dma_start3A_300 = tpu.memref_slice %arg7[%dma_start3A_297, %dma_start3A_298, %dma_start3A_299] : memref<8x128x16xf32, #tpu.memory_space<vmem>> -> memref<1x128x16xf32, #tpu.memory_space<vmem>>
      %dma_start3A_301 = tpu.memref_squeeze %dma_start3A_300 : memref<1x128x16xf32, #tpu.memory_space<vmem>> -> memref<128x16xf32, #tpu.memory_space<vmem>>
      %dma_start3A_302 = arith.constant 0 : i32
      %dma_start3A_303 = tpu.memref_slice %arg2[%add3A_146, %dma_start3A_302] : memref<160000x128xf32, #tpu.memory_space<hbm>> -> memref<128x16xf32, #tpu.memory_space<hbm>>
      %dma_start3A_304 = arith.constant 0 : i32
      %dma_start3A_305 = arith.constant 0 : i32
      %dma_start3A_306 = tpu.memref_slice %arg7[%dma_start3A_297, %dma_start3A_304, %dma_start3A_305] : memref<8x128x16xf32, #tpu.memory_space<vmem>> -> memref<1x128x16xf32, #tpu.memory_space<vmem>>
      %dma_start3A_307 = tpu.memref_squeeze %dma_start3A_306 : memref<1x128x16xf32, #tpu.memory_space<vmem>> -> memref<128x16xf32, #tpu.memory_space<vmem>>
      %dma_start3A_308 = arith.constant 0 : i32
      %dma_start3A_309 = tpu.memref_slice %arg2[%add3A_146, %dma_start3A_308] : memref<160000x128xf32, #tpu.memory_space<hbm>> -> memref<128x16xf32, #tpu.memory_space<hbm>>
      tpu.enqueue_dma source(%dma_start3A_309 : memref<128x16xf32, #tpu.memory_space<hbm>>) target(%dma_start3A_307 : memref<128x16xf32, #tpu.memory_space<vmem>>) target_semaphore(%arg10 : memref<!tpu.dma_semaphore, #tpu.memory_space<semaphore_mem>>)
      %dma_start3A_310 = arith.constant 6 : i32
      %dma_start3A_311 = arith.constant 0 : i32
      %dma_start3A_312 = arith.constant 0 : i32
      %dma_start3A_313 = tpu.memref_slice %arg7[%dma_start3A_310, %dma_start3A_311, %dma_start3A_312] : memref<8x128x16xf32, #tpu.memory_space<vmem>> -> memref<1x128x16xf32, #tpu.memory_space<vmem>>
      %dma_start3A_314 = tpu.memref_squeeze %dma_start3A_313 : memref<1x128x16xf32, #tpu.memory_space<vmem>> -> memref<128x16xf32, #tpu.memory_space<vmem>>
      %dma_start3A_315 = arith.constant 0 : i32
      %dma_start3A_316 = tpu.memref_slice %arg2[%add3A_153, %dma_start3A_315] : memref<160000x128xf32, #tpu.memory_space<hbm>> -> memref<128x16xf32, #tpu.memory_space<hbm>>
      %dma_start3A_317 = arith.constant 0 : i32
      %dma_start3A_318 = arith.constant 0 : i32
      %dma_start3A_319 = tpu.memref_slice %arg7[%dma_start3A_310, %dma_start3A_317, %dma_start3A_318] : memref<8x128x16xf32, #tpu.memory_space<vmem>> -> memref<1x128x16xf32, #tpu.memory_space<vmem>>
      %dma_start3A_320 = tpu.memref_squeeze %dma_start3A_319 : memref<1x128x16xf32, #tpu.memory_space<vmem>> -> memref<128x16xf32, #tpu.memory_space<vmem>>
      %dma_start3A_321 = arith.constant 0 : i32
      %dma_start3A_322 = tpu.memref_slice %arg2[%add3A_153, %dma_start3A_321] : memref<160000x128xf32, #tpu.memory_space<hbm>> -> memref<128x16xf32, #tpu.memory_space<hbm>>
      tpu.enqueue_dma source(%dma_start3A_322 : memref<128x16xf32, #tpu.memory_space<hbm>>) target(%dma_start3A_320 : memref<128x16xf32, #tpu.memory_space<vmem>>) target_semaphore(%arg10 : memref<!tpu.dma_semaphore, #tpu.memory_space<semaphore_mem>>)
      %dma_start3A_323 = arith.constant 7 : i32
      %dma_start3A_324 = arith.constant 0 : i32
      %dma_start3A_325 = arith.constant 0 : i32
      %dma_start3A_326 = tpu.memref_slice %arg7[%dma_start3A_323, %dma_start3A_324, %dma_start3A_325] : memref<8x128x16xf32, #tpu.memory_space<vmem>> -> memref<1x128x16xf32, #tpu.memory_space<vmem>>
      %dma_start3A_327 = tpu.memref_squeeze %dma_start3A_326 : memref<1x128x16xf32, #tpu.memory_space<vmem>> -> memref<128x16xf32, #tpu.memory_space<vmem>>
      %dma_start3A_328 = arith.constant 0 : i32
      %dma_start3A_329 = tpu.memref_slice %arg2[%add3A_160, %dma_start3A_328] : memref<160000x128xf32, #tpu.memory_space<hbm>> -> memref<128x16xf32, #tpu.memory_space<hbm>>
      %dma_start3A_330 = arith.constant 0 : i32
      %dma_start3A_331 = arith.constant 0 : i32
      %dma_start3A_332 = tpu.memref_slice %arg7[%dma_start3A_323, %dma_start3A_330, %dma_start3A_331] : memref<8x128x16xf32, #tpu.memory_space<vmem>> -> memref<1x128x16xf32, #tpu.memory_space<vmem>>
      %dma_start3A_333 = tpu.memref_squeeze %dma_start3A_332 : memref<1x128x16xf32, #tpu.memory_space<vmem>> -> memref<128x16xf32, #tpu.memory_space<vmem>>
      %dma_start3A_334 = arith.constant 0 : i32
      %dma_start3A_335 = tpu.memref_slice %arg2[%add3A_160, %dma_start3A_334] : memref<160000x128xf32, #tpu.memory_space<hbm>> -> memref<128x16xf32, #tpu.memory_space<hbm>>
      tpu.enqueue_dma source(%dma_start3A_335 : memref<128x16xf32, #tpu.memory_space<hbm>>) target(%dma_start3A_333 : memref<128x16xf32, #tpu.memory_space<vmem>>) target_semaphore(%arg10 : memref<!tpu.dma_semaphore, #tpu.memory_space<semaphore_mem>>)
      %dma_wait3A = arith.constant 0 : i32
      %dma_wait3A_336 = arith.constant 0 : i32
      %dma_wait3A_337 = tpu.memref_slice %arg6[%dma_wait3A, %dma_wait3A_336] : memref<8x128xi32, #tpu.memory_space<vmem>> -> memref<1x128xi32, #tpu.memory_space<vmem>>
      %dma_wait3A_338 = tpu.memref_squeeze %dma_wait3A_337 : memref<1x128xi32, #tpu.memory_space<vmem>> -> memref<128xi32, #tpu.memory_space<vmem>>
      %dma_wait3A_339 = tpu.memref_slice %arg3[%add3A_70] : memref<163840xi32, #tpu.memory_space<hbm>> -> memref<128xi32, #tpu.memory_space<hbm>>
      %dma_wait3A_340 = arith.constant 0 : i32
      %dma_wait3A_341 = tpu.memref_slice %arg6[%dma_wait3A, %dma_wait3A_340] : memref<8x128xi32, #tpu.memory_space<vmem>> -> memref<1x128xi32, #tpu.memory_space<vmem>>
      %dma_wait3A_342 = tpu.memref_squeeze %dma_wait3A_341 : memref<1x128xi32, #tpu.memory_space<vmem>> -> memref<128xi32, #tpu.memory_space<vmem>>
      %dma_wait3A_343 = tpu.memref_slice %arg3[%add3A_70] : memref<163840xi32, #tpu.memory_space<hbm>> -> memref<128xi32, #tpu.memory_space<hbm>>
      tpu.wait_dma2 semaphore(%arg9 : memref<!tpu.dma_semaphore, #tpu.memory_space<semaphore_mem>>) src(%dma_wait3A_343 : memref<128xi32, #tpu.memory_space<hbm>>) dst(%dma_wait3A_342 : memref<128xi32, #tpu.memory_space<vmem>>)
      %dma_wait3A_344 = arith.constant 1 : i32
      %dma_wait3A_345 = arith.constant 0 : i32
      %dma_wait3A_346 = tpu.memref_slice %arg6[%dma_wait3A_344, %dma_wait3A_345] : memref<8x128xi32, #tpu.memory_space<vmem>> -> memref<1x128xi32, #tpu.memory_space<vmem>>
      %dma_wait3A_347 = tpu.memref_squeeze %dma_wait3A_346 : memref<1x128xi32, #tpu.memory_space<vmem>> -> memref<128xi32, #tpu.memory_space<vmem>>
      %dma_wait3A_348 = tpu.memref_slice %arg3[%add3A_75] : memref<163840xi32, #tpu.memory_space<hbm>> -> memref<128xi32, #tpu.memory_space<hbm>>
      %dma_wait3A_349 = arith.constant 0 : i32
      %dma_wait3A_350 = tpu.memref_slice %arg6[%dma_wait3A_344, %dma_wait3A_349] : memref<8x128xi32, #tpu.memory_space<vmem>> -> memref<1x128xi32, #tpu.memory_space<vmem>>
      %dma_wait3A_351 = tpu.memref_squeeze %dma_wait3A_350 : memref<1x128xi32, #tpu.memory_space<vmem>> -> memref<128xi32, #tpu.memory_space<vmem>>
      %dma_wait3A_352 = tpu.memref_slice %arg3[%add3A_75] : memref<163840xi32, #tpu.memory_space<hbm>> -> memref<128xi32, #tpu.memory_space<hbm>>
      tpu.wait_dma2 semaphore(%arg9 : memref<!tpu.dma_semaphore, #tpu.memory_space<semaphore_mem>>) src(%dma_wait3A_352 : memref<128xi32, #tpu.memory_space<hbm>>) dst(%dma_wait3A_351 : memref<128xi32, #tpu.memory_space<vmem>>)
      %dma_wait3A_353 = arith.constant 2 : i32
      %dma_wait3A_354 = arith.constant 0 : i32
      %dma_wait3A_355 = tpu.memref_slice %arg6[%dma_wait3A_353, %dma_wait3A_354] : memref<8x128xi32, #tpu.memory_space<vmem>> -> memref<1x128xi32, #tpu.memory_space<vmem>>
      %dma_wait3A_356 = tpu.memref_squeeze %dma_wait3A_355 : memref<1x128xi32, #tpu.memory_space<vmem>> -> memref<128xi32, #tpu.memory_space<vmem>>
      %dma_wait3A_357 = tpu.memref_slice %arg3[%add3A_80] : memref<163840xi32, #tpu.memory_space<hbm>> -> memref<128xi32, #tpu.memory_space<hbm>>
      %dma_wait3A_358 = arith.constant 0 : i32
      %dma_wait3A_359 = tpu.memref_slice %arg6[%dma_wait3A_353, %dma_wait3A_358] : memref<8x128xi32, #tpu.memory_space<vmem>> -> memref<1x128xi32, #tpu.memory_space<vmem>>
      %dma_wait3A_360 = tpu.memref_squeeze %dma_wait3A_359 : memref<1x128xi32, #tpu.memory_space<vmem>> -> memref<128xi32, #tpu.memory_space<vmem>>
      %dma_wait3A_361 = tpu.memref_slice %arg3[%add3A_80] : memref<163840xi32, #tpu.memory_space<hbm>> -> memref<128xi32, #tpu.memory_space<hbm>>
      tpu.wait_dma2 semaphore(%arg9 : memref<!tpu.dma_semaphore, #tpu.memory_space<semaphore_mem>>) src(%dma_wait3A_361 : memref<128xi32, #tpu.memory_space<hbm>>) dst(%dma_wait3A_360 : memref<128xi32, #tpu.memory_space<vmem>>)
      %dma_wait3A_362 = arith.constant 3 : i32
      %dma_wait3A_363 = arith.constant 0 : i32
      %dma_wait3A_364 = tpu.memref_slice %arg6[%dma_wait3A_362, %dma_wait3A_363] : memref<8x128xi32, #tpu.memory_space<vmem>> -> memref<1x128xi32, #tpu.memory_space<vmem>>
      %dma_wait3A_365 = tpu.memref_squeeze %dma_wait3A_364 : memref<1x128xi32, #tpu.memory_space<vmem>> -> memref<128xi32, #tpu.memory_space<vmem>>
      %dma_wait3A_366 = tpu.memref_slice %arg3[%add3A_85] : memref<163840xi32, #tpu.memory_space<hbm>> -> memref<128xi32, #tpu.memory_space<hbm>>
      %dma_wait3A_367 = arith.constant 0 : i32
      %dma_wait3A_368 = tpu.memref_slice %arg6[%dma_wait3A_362, %dma_wait3A_367] : memref<8x128xi32, #tpu.memory_space<vmem>> -> memref<1x128xi32, #tpu.memory_space<vmem>>
      %dma_wait3A_369 = tpu.memref_squeeze %dma_wait3A_368 : memref<1x128xi32, #tpu.memory_space<vmem>> -> memref<128xi32, #tpu.memory_space<vmem>>
      %dma_wait3A_370 = tpu.memref_slice %arg3[%add3A_85] : memref<163840xi32, #tpu.memory_space<hbm>> -> memref<128xi32, #tpu.memory_space<hbm>>
      tpu.wait_dma2 semaphore(%arg9 : memref<!tpu.dma_semaphore, #tpu.memory_space<semaphore_mem>>) src(%dma_wait3A_370 : memref<128xi32, #tpu.memory_space<hbm>>) dst(%dma_wait3A_369 : memref<128xi32, #tpu.memory_space<vmem>>)
      %dma_wait3A_371 = arith.constant 4 : i32
      %dma_wait3A_372 = arith.constant 0 : i32
      %dma_wait3A_373 = tpu.memref_slice %arg6[%dma_wait3A_371, %dma_wait3A_372] : memref<8x128xi32, #tpu.memory_space<vmem>> -> memref<1x128xi32, #tpu.memory_space<vmem>>
      %dma_wait3A_374 = tpu.memref_squeeze %dma_wait3A_373 : memref<1x128xi32, #tpu.memory_space<vmem>> -> memref<128xi32, #tpu.memory_space<vmem>>
      %dma_wait3A_375 = tpu.memref_slice %arg3[%add3A_90] : memref<163840xi32, #tpu.memory_space<hbm>> -> memref<128xi32, #tpu.memory_space<hbm>>
      %dma_wait3A_376 = arith.constant 0 : i32
      %dma_wait3A_377 = tpu.memref_slice %arg6[%dma_wait3A_371, %dma_wait3A_376] : memref<8x128xi32, #tpu.memory_space<vmem>> -> memref<1x128xi32, #tpu.memory_space<vmem>>
      %dma_wait3A_378 = tpu.memref_squeeze %dma_wait3A_377 : memref<1x128xi32, #tpu.memory_space<vmem>> -> memref<128xi32, #tpu.memory_space<vmem>>
      %dma_wait3A_379 = tpu.memref_slice %arg3[%add3A_90] : memref<163840xi32, #tpu.memory_space<hbm>> -> memref<128xi32, #tpu.memory_space<hbm>>
      tpu.wait_dma2 semaphore(%arg9 : memref<!tpu.dma_semaphore, #tpu.memory_space<semaphore_mem>>) src(%dma_wait3A_379 : memref<128xi32, #tpu.memory_space<hbm>>) dst(%dma_wait3A_378 : memref<128xi32, #tpu.memory_space<vmem>>)
      %dma_wait3A_380 = arith.constant 5 : i32
      %dma_wait3A_381 = arith.constant 0 : i32
      %dma_wait3A_382 = tpu.memref_slice %arg6[%dma_wait3A_380, %dma_wait3A_381] : memref<8x128xi32, #tpu.memory_space<vmem>> -> memref<1x128xi32, #tpu.memory_space<vmem>>
      %dma_wait3A_383 = tpu.memref_squeeze %dma_wait3A_382 : memref<1x128xi32, #tpu.memory_space<vmem>> -> memref<128xi32, #tpu.memory_space<vmem>>
      %dma_wait3A_384 = tpu.memref_slice %arg3[%add3A_95] : memref<163840xi32, #tpu.memory_space<hbm>> -> memref<128xi32, #tpu.memory_space<hbm>>
      %dma_wait3A_385 = arith.constant 0 : i32
      %dma_wait3A_386 = tpu.memref_slice %arg6[%dma_wait3A_380, %dma_wait3A_385] : memref<8x128xi32, #tpu.memory_space<vmem>> -> memref<1x128xi32, #tpu.memory_space<vmem>>
      %dma_wait3A_387 = tpu.memref_squeeze %dma_wait3A_386 : memref<1x128xi32, #tpu.memory_space<vmem>> -> memref<128xi32, #tpu.memory_space<vmem>>
      %dma_wait3A_388 = tpu.memref_slice %arg3[%add3A_95] : memref<163840xi32, #tpu.memory_space<hbm>> -> memref<128xi32, #tpu.memory_space<hbm>>
      tpu.wait_dma2 semaphore(%arg9 : memref<!tpu.dma_semaphore, #tpu.memory_space<semaphore_mem>>) src(%dma_wait3A_388 : memref<128xi32, #tpu.memory_space<hbm>>) dst(%dma_wait3A_387 : memref<128xi32, #tpu.memory_space<vmem>>)
      %dma_wait3A_389 = arith.constant 6 : i32
      %dma_wait3A_390 = arith.constant 0 : i32
      %dma_wait3A_391 = tpu.memref_slice %arg6[%dma_wait3A_389, %dma_wait3A_390] : memref<8x128xi32, #tpu.memory_space<vmem>> -> memref<1x128xi32, #tpu.memory_space<vmem>>
      %dma_wait3A_392 = tpu.memref_squeeze %dma_wait3A_391 : memref<1x128xi32, #tpu.memory_space<vmem>> -> memref<128xi32, #tpu.memory_space<vmem>>
      %dma_wait3A_393 = tpu.memref_slice %arg3[%add3A_100] : memref<163840xi32, #tpu.memory_space<hbm>> -> memref<128xi32, #tpu.memory_space<hbm>>
      %dma_wait3A_394 = arith.constant 0 : i32
      %dma_wait3A_395 = tpu.memref_slice %arg6[%dma_wait3A_389, %dma_wait3A_394] : memref<8x128xi32, #tpu.memory_space<vmem>> -> memref<1x128xi32, #tpu.memory_space<vmem>>
      %dma_wait3A_396 = tpu.memref_squeeze %dma_wait3A_395 : memref<1x128xi32, #tpu.memory_space<vmem>> -> memref<128xi32, #tpu.memory_space<vmem>>
      %dma_wait3A_397 = tpu.memref_slice %arg3[%add3A_100] : memref<163840xi32, #tpu.memory_space<hbm>> -> memref<128xi32, #tpu.memory_space<hbm>>
      tpu.wait_dma2 semaphore(%arg9 : memref<!tpu.dma_semaphore, #tpu.memory_space<semaphore_mem>>) src(%dma_wait3A_397 : memref<128xi32, #tpu.memory_space<hbm>>) dst(%dma_wait3A_396 : memref<128xi32, #tpu.memory_space<vmem>>)
      %dma_wait3A_398 = arith.constant 7 : i32
      %dma_wait3A_399 = arith.constant 0 : i32
      %dma_wait3A_400 = tpu.memref_slice %arg6[%dma_wait3A_398, %dma_wait3A_399] : memref<8x128xi32, #tpu.memory_space<vmem>> -> memref<1x128xi32, #tpu.memory_space<vmem>>
      %dma_wait3A_401 = tpu.memref_squeeze %dma_wait3A_400 : memref<1x128xi32, #tpu.memory_space<vmem>> -> memref<128xi32, #tpu.memory_space<vmem>>
      %dma_wait3A_402 = tpu.memref_slice %arg3[%add3A_105] : memref<163840xi32, #tpu.memory_space<hbm>> -> memref<128xi32, #tpu.memory_space<hbm>>
      %dma_wait3A_403 = arith.constant 0 : i32
      %dma_wait3A_404 = tpu.memref_slice %arg6[%dma_wait3A_398, %dma_wait3A_403] : memref<8x128xi32, #tpu.memory_space<vmem>> -> memref<1x128xi32, #tpu.memory_space<vmem>>
      %dma_wait3A_405 = tpu.memref_squeeze %dma_wait3A_404 : memref<1x128xi32, #tpu.memory_space<vmem>> -> memref<128xi32, #tpu.memory_space<vmem>>
      %dma_wait3A_406 = tpu.memref_slice %arg3[%add3A_105] : memref<163840xi32, #tpu.memory_space<hbm>> -> memref<128xi32, #tpu.memory_space<hbm>>
      tpu.wait_dma2 semaphore(%arg9 : memref<!tpu.dma_semaphore, #tpu.memory_space<semaphore_mem>>) src(%dma_wait3A_406 : memref<128xi32, #tpu.memory_space<hbm>>) dst(%dma_wait3A_405 : memref<128xi32, #tpu.memory_space<vmem>>)
      %dma_wait3A_407 = arith.constant 0 : i32
      %dma_wait3A_408 = arith.constant 0 : i32
      %dma_wait3A_409 = arith.constant 0 : i32
      %dma_wait3A_410 = tpu.memref_slice %arg7[%dma_wait3A_407, %dma_wait3A_408, %dma_wait3A_409] : memref<8x128x16xf32, #tpu.memory_space<vmem>> -> memref<1x128x16xf32, #tpu.memory_space<vmem>>
      %dma_wait3A_411 = tpu.memref_squeeze %dma_wait3A_410 : memref<1x128x16xf32, #tpu.memory_space<vmem>> -> memref<128x16xf32, #tpu.memory_space<vmem>>
      %dma_wait3A_412 = arith.constant 0 : i32
      %dma_wait3A_413 = tpu.memref_slice %arg2[%add3A_111, %dma_wait3A_412] : memref<160000x128xf32, #tpu.memory_space<hbm>> -> memref<128x16xf32, #tpu.memory_space<hbm>>
      %dma_wait3A_414 = arith.constant 0 : i32
      %dma_wait3A_415 = arith.constant 0 : i32
      %dma_wait3A_416 = tpu.memref_slice %arg7[%dma_wait3A_407, %dma_wait3A_414, %dma_wait3A_415] : memref<8x128x16xf32, #tpu.memory_space<vmem>> -> memref<1x128x16xf32, #tpu.memory_space<vmem>>
      %dma_wait3A_417 = tpu.memref_squeeze %dma_wait3A_416 : memref<1x128x16xf32, #tpu.memory_space<vmem>> -> memref<128x16xf32, #tpu.memory_space<vmem>>
      %dma_wait3A_418 = arith.constant 0 : i32
      %dma_wait3A_419 = tpu.memref_slice %arg2[%add3A_111, %dma_wait3A_418] : memref<160000x128xf32, #tpu.memory_space<hbm>> -> memref<128x16xf32, #tpu.memory_space<hbm>>
      tpu.wait_dma2 semaphore(%arg10 : memref<!tpu.dma_semaphore, #tpu.memory_space<semaphore_mem>>) src(%dma_wait3A_419 : memref<128x16xf32, #tpu.memory_space<hbm>>) dst(%dma_wait3A_417 : memref<128x16xf32, #tpu.memory_space<vmem>>)
      %dma_wait3A_420 = arith.constant 1 : i32
      %dma_wait3A_421 = arith.constant 0 : i32
      %dma_wait3A_422 = arith.constant 0 : i32
      %dma_wait3A_423 = tpu.memref_slice %arg7[%dma_wait3A_420, %dma_wait3A_421, %dma_wait3A_422] : memref<8x128x16xf32, #tpu.memory_space<vmem>> -> memref<1x128x16xf32, #tpu.memory_space<vmem>>
      %dma_wait3A_424 = tpu.memref_squeeze %dma_wait3A_423 : memref<1x128x16xf32, #tpu.memory_space<vmem>> -> memref<128x16xf32, #tpu.memory_space<vmem>>
      %dma_wait3A_425 = arith.constant 0 : i32
      %dma_wait3A_426 = tpu.memref_slice %arg2[%add3A_118, %dma_wait3A_425] : memref<160000x128xf32, #tpu.memory_space<hbm>> -> memref<128x16xf32, #tpu.memory_space<hbm>>
      %dma_wait3A_427 = arith.constant 0 : i32
      %dma_wait3A_428 = arith.constant 0 : i32
      %dma_wait3A_429 = tpu.memref_slice %arg7[%dma_wait3A_420, %dma_wait3A_427, %dma_wait3A_428] : memref<8x128x16xf32, #tpu.memory_space<vmem>> -> memref<1x128x16xf32, #tpu.memory_space<vmem>>
      %dma_wait3A_430 = tpu.memref_squeeze %dma_wait3A_429 : memref<1x128x16xf32, #tpu.memory_space<vmem>> -> memref<128x16xf32, #tpu.memory_space<vmem>>
      %dma_wait3A_431 = arith.constant 0 : i32
      %dma_wait3A_432 = tpu.memref_slice %arg2[%add3A_118, %dma_wait3A_431] : memref<160000x128xf32, #tpu.memory_space<hbm>> -> memref<128x16xf32, #tpu.memory_space<hbm>>
      tpu.wait_dma2 semaphore(%arg10 : memref<!tpu.dma_semaphore, #tpu.memory_space<semaphore_mem>>) src(%dma_wait3A_432 : memref<128x16xf32, #tpu.memory_space<hbm>>) dst(%dma_wait3A_430 : memref<128x16xf32, #tpu.memory_space<vmem>>)
      %dma_wait3A_433 = arith.constant 2 : i32
      %dma_wait3A_434 = arith.constant 0 : i32
      %dma_wait3A_435 = arith.constant 0 : i32
      %dma_wait3A_436 = tpu.memref_slice %arg7[%dma_wait3A_433, %dma_wait3A_434, %dma_wait3A_435] : memref<8x128x16xf32, #tpu.memory_space<vmem>> -> memref<1x128x16xf32, #tpu.memory_space<vmem>>
      %dma_wait3A_437 = tpu.memref_squeeze %dma_wait3A_436 : memref<1x128x16xf32, #tpu.memory_space<vmem>> -> memref<128x16xf32, #tpu.memory_space<vmem>>
      %dma_wait3A_438 = arith.constant 0 : i32
      %dma_wait3A_439 = tpu.memref_slice %arg2[%add3A_125, %dma_wait3A_438] : memref<160000x128xf32, #tpu.memory_space<hbm>> -> memref<128x16xf32, #tpu.memory_space<hbm>>
      %dma_wait3A_440 = arith.constant 0 : i32
      %dma_wait3A_441 = arith.constant 0 : i32
      %dma_wait3A_442 = tpu.memref_slice %arg7[%dma_wait3A_433, %dma_wait3A_440, %dma_wait3A_441] : memref<8x128x16xf32, #tpu.memory_space<vmem>> -> memref<1x128x16xf32, #tpu.memory_space<vmem>>
      %dma_wait3A_443 = tpu.memref_squeeze %dma_wait3A_442 : memref<1x128x16xf32, #tpu.memory_space<vmem>> -> memref<128x16xf32, #tpu.memory_space<vmem>>
      %dma_wait3A_444 = arith.constant 0 : i32
      %dma_wait3A_445 = tpu.memref_slice %arg2[%add3A_125, %dma_wait3A_444] : memref<160000x128xf32, #tpu.memory_space<hbm>> -> memref<128x16xf32, #tpu.memory_space<hbm>>
      tpu.wait_dma2 semaphore(%arg10 : memref<!tpu.dma_semaphore, #tpu.memory_space<semaphore_mem>>) src(%dma_wait3A_445 : memref<128x16xf32, #tpu.memory_space<hbm>>) dst(%dma_wait3A_443 : memref<128x16xf32, #tpu.memory_space<vmem>>)
      %dma_wait3A_446 = arith.constant 3 : i32
      %dma_wait3A_447 = arith.constant 0 : i32
      %dma_wait3A_448 = arith.constant 0 : i32
      %dma_wait3A_449 = tpu.memref_slice %arg7[%dma_wait3A_446, %dma_wait3A_447, %dma_wait3A_448] : memref<8x128x16xf32, #tpu.memory_space<vmem>> -> memref<1x128x16xf32, #tpu.memory_space<vmem>>
      %dma_wait3A_450 = tpu.memref_squeeze %dma_wait3A_449 : memref<1x128x16xf32, #tpu.memory_space<vmem>> -> memref<128x16xf32, #tpu.memory_space<vmem>>
      %dma_wait3A_451 = arith.constant 0 : i32
      %dma_wait3A_452 = tpu.memref_slice %arg2[%add3A_132, %dma_wait3A_451] : memref<160000x128xf32, #tpu.memory_space<hbm>> -> memref<128x16xf32, #tpu.memory_space<hbm>>
      %dma_wait3A_453 = arith.constant 0 : i32
      %dma_wait3A_454 = arith.constant 0 : i32
      %dma_wait3A_455 = tpu.memref_slice %arg7[%dma_wait3A_446, %dma_wait3A_453, %dma_wait3A_454] : memref<8x128x16xf32, #tpu.memory_space<vmem>> -> memref<1x128x16xf32, #tpu.memory_space<vmem>>
      %dma_wait3A_456 = tpu.memref_squeeze %dma_wait3A_455 : memref<1x128x16xf32, #tpu.memory_space<vmem>> -> memref<128x16xf32, #tpu.memory_space<vmem>>
      %dma_wait3A_457 = arith.constant 0 : i32
      %dma_wait3A_458 = tpu.memref_slice %arg2[%add3A_132, %dma_wait3A_457] : memref<160000x128xf32, #tpu.memory_space<hbm>> -> memref<128x16xf32, #tpu.memory_space<hbm>>
      tpu.wait_dma2 semaphore(%arg10 : memref<!tpu.dma_semaphore, #tpu.memory_space<semaphore_mem>>) src(%dma_wait3A_458 : memref<128x16xf32, #tpu.memory_space<hbm>>) dst(%dma_wait3A_456 : memref<128x16xf32, #tpu.memory_space<vmem>>)
      %dma_wait3A_459 = arith.constant 4 : i32
      %dma_wait3A_460 = arith.constant 0 : i32
      %dma_wait3A_461 = arith.constant 0 : i32
      %dma_wait3A_462 = tpu.memref_slice %arg7[%dma_wait3A_459, %dma_wait3A_460, %dma_wait3A_461] : memref<8x128x16xf32, #tpu.memory_space<vmem>> -> memref<1x128x16xf32, #tpu.memory_space<vmem>>
      %dma_wait3A_463 = tpu.memref_squeeze %dma_wait3A_462 : memref<1x128x16xf32, #tpu.memory_space<vmem>> -> memref<128x16xf32, #tpu.memory_space<vmem>>
      %dma_wait3A_464 = arith.constant 0 : i32
      %dma_wait3A_465 = tpu.memref_slice %arg2[%add3A_139, %dma_wait3A_464] : memref<160000x128xf32, #tpu.memory_space<hbm>> -> memref<128x16xf32, #tpu.memory_space<hbm>>
      %dma_wait3A_466 = arith.constant 0 : i32
      %dma_wait3A_467 = arith.constant 0 : i32
      %dma_wait3A_468 = tpu.memref_slice %arg7[%dma_wait3A_459, %dma_wait3A_466, %dma_wait3A_467] : memref<8x128x16xf32, #tpu.memory_space<vmem>> -> memref<1x128x16xf32, #tpu.memory_space<vmem>>
      %dma_wait3A_469 = tpu.memref_squeeze %dma_wait3A_468 : memref<1x128x16xf32, #tpu.memory_space<vmem>> -> memref<128x16xf32, #tpu.memory_space<vmem>>
      %dma_wait3A_470 = arith.constant 0 : i32
      %dma_wait3A_471 = tpu.memref_slice %arg2[%add3A_139, %dma_wait3A_470] : memref<160000x128xf32, #tpu.memory_space<hbm>> -> memref<128x16xf32, #tpu.memory_space<hbm>>
      tpu.wait_dma2 semaphore(%arg10 : memref<!tpu.dma_semaphore, #tpu.memory_space<semaphore_mem>>) src(%dma_wait3A_471 : memref<128x16xf32, #tpu.memory_space<hbm>>) dst(%dma_wait3A_469 : memref<128x16xf32, #tpu.memory_space<vmem>>)
      %dma_wait3A_472 = arith.constant 5 : i32
      %dma_wait3A_473 = arith.constant 0 : i32
      %dma_wait3A_474 = arith.constant 0 : i32
      %dma_wait3A_475 = tpu.memref_slice %arg7[%dma_wait3A_472, %dma_wait3A_473, %dma_wait3A_474] : memref<8x128x16xf32, #tpu.memory_space<vmem>> -> memref<1x128x16xf32, #tpu.memory_space<vmem>>
      %dma_wait3A_476 = tpu.memref_squeeze %dma_wait3A_475 : memref<1x128x16xf32, #tpu.memory_space<vmem>> -> memref<128x16xf32, #tpu.memory_space<vmem>>
      %dma_wait3A_477 = arith.constant 0 : i32
      %dma_wait3A_478 = tpu.memref_slice %arg2[%add3A_146, %dma_wait3A_477] : memref<160000x128xf32, #tpu.memory_space<hbm>> -> memref<128x16xf32, #tpu.memory_space<hbm>>
      %dma_wait3A_479 = arith.constant 0 : i32
      %dma_wait3A_480 = arith.constant 0 : i32
      %dma_wait3A_481 = tpu.memref_slice %arg7[%dma_wait3A_472, %dma_wait3A_479, %dma_wait3A_480] : memref<8x128x16xf32, #tpu.memory_space<vmem>> -> memref<1x128x16xf32, #tpu.memory_space<vmem>>
      %dma_wait3A_482 = tpu.memref_squeeze %dma_wait3A_481 : memref<1x128x16xf32, #tpu.memory_space<vmem>> -> memref<128x16xf32, #tpu.memory_space<vmem>>
      %dma_wait3A_483 = arith.constant 0 : i32
      %dma_wait3A_484 = tpu.memref_slice %arg2[%add3A_146, %dma_wait3A_483] : memref<160000x128xf32, #tpu.memory_space<hbm>> -> memref<128x16xf32, #tpu.memory_space<hbm>>
      tpu.wait_dma2 semaphore(%arg10 : memref<!tpu.dma_semaphore, #tpu.memory_space<semaphore_mem>>) src(%dma_wait3A_484 : memref<128x16xf32, #tpu.memory_space<hbm>>) dst(%dma_wait3A_482 : memref<128x16xf32, #tpu.memory_space<vmem>>)
      %dma_wait3A_485 = arith.constant 6 : i32
      %dma_wait3A_486 = arith.constant 0 : i32
      %dma_wait3A_487 = arith.constant 0 : i32
      %dma_wait3A_488 = tpu.memref_slice %arg7[%dma_wait3A_485, %dma_wait3A_486, %dma_wait3A_487] : memref<8x128x16xf32, #tpu.memory_space<vmem>> -> memref<1x128x16xf32, #tpu.memory_space<vmem>>
      %dma_wait3A_489 = tpu.memref_squeeze %dma_wait3A_488 : memref<1x128x16xf32, #tpu.memory_space<vmem>> -> memref<128x16xf32, #tpu.memory_space<vmem>>
      %dma_wait3A_490 = arith.constant 0 : i32
      %dma_wait3A_491 = tpu.memref_slice %arg2[%add3A_153, %dma_wait3A_490] : memref<160000x128xf32, #tpu.memory_space<hbm>> -> memref<128x16xf32, #tpu.memory_space<hbm>>
      %dma_wait3A_492 = arith.constant 0 : i32
      %dma_wait3A_493 = arith.constant 0 : i32
      %dma_wait3A_494 = tpu.memref_slice %arg7[%dma_wait3A_485, %dma_wait3A_492, %dma_wait3A_493] : memref<8x128x16xf32, #tpu.memory_space<vmem>> -> memref<1x128x16xf32, #tpu.memory_space<vmem>>
      %dma_wait3A_495 = tpu.memref_squeeze %dma_wait3A_494 : memref<1x128x16xf32, #tpu.memory_space<vmem>> -> memref<128x16xf32, #tpu.memory_space<vmem>>
      %dma_wait3A_496 = arith.constant 0 : i32
      %dma_wait3A_497 = tpu.memref_slice %arg2[%add3A_153, %dma_wait3A_496] : memref<160000x128xf32, #tpu.memory_space<hbm>> -> memref<128x16xf32, #tpu.memory_space<hbm>>
      tpu.wait_dma2 semaphore(%arg10 : memref<!tpu.dma_semaphore, #tpu.memory_space<semaphore_mem>>) src(%dma_wait3A_497 : memref<128x16xf32, #tpu.memory_space<hbm>>) dst(%dma_wait3A_495 : memref<128x16xf32, #tpu.memory_space<vmem>>)
      %dma_wait3A_498 = arith.constant 7 : i32
      %dma_wait3A_499 = arith.constant 0 : i32
      %dma_wait3A_500 = arith.constant 0 : i32
      %dma_wait3A_501 = tpu.memref_slice %arg7[%dma_wait3A_498, %dma_wait3A_499, %dma_wait3A_500] : memref<8x128x16xf32, #tpu.memory_space<vmem>> -> memref<1x128x16xf32, #tpu.memory_space<vmem>>
      %dma_wait3A_502 = tpu.memref_squeeze %dma_wait3A_501 : memref<1x128x16xf32, #tpu.memory_space<vmem>> -> memref<128x16xf32, #tpu.memory_space<vmem>>
      %dma_wait3A_503 = arith.constant 0 : i32
      %dma_wait3A_504 = tpu.memref_slice %arg2[%add3A_160, %dma_wait3A_503] : memref<160000x128xf32, #tpu.memory_space<hbm>> -> memref<128x16xf32, #tpu.memory_space<hbm>>
      %dma_wait3A_505 = arith.constant 0 : i32
      %dma_wait3A_506 = arith.constant 0 : i32
      %dma_wait3A_507 = tpu.memref_slice %arg7[%dma_wait3A_498, %dma_wait3A_505, %dma_wait3A_506] : memref<8x128x16xf32, #tpu.memory_space<vmem>> -> memref<1x128x16xf32, #tpu.memory_space<vmem>>
      %dma_wait3A_508 = tpu.memref_squeeze %dma_wait3A_507 : memref<1x128x16xf32, #tpu.memory_space<vmem>> -> memref<128x16xf32, #tpu.memory_space<vmem>>
      %dma_wait3A_509 = arith.constant 0 : i32
      %dma_wait3A_510 = tpu.memref_slice %arg2[%add3A_160, %dma_wait3A_509] : memref<160000x128xf32, #tpu.memory_space<hbm>> -> memref<128x16xf32, #tpu.memory_space<hbm>>
      tpu.wait_dma2 semaphore(%arg10 : memref<!tpu.dma_semaphore, #tpu.memory_space<semaphore_mem>>) src(%dma_wait3A_510 : memref<128x16xf32, #tpu.memory_space<hbm>>) dst(%dma_wait3A_508 : memref<128x16xf32, #tpu.memory_space<vmem>>)
      %dma_start3A_511 = arith.constant 0 : i32
      %dma_start3A_512 = arith.constant 0 : i32
      %dma_start3A_513 = arith.constant 0 : i32
      %dma_start3A_514 = arith.constant 0 : i32
      %dma_start3A_515 = tpu.memref_slice %arg7[%dma_start3A_511, %dma_start3A_513, %dma_start3A_514] : memref<8x128x16xf32, #tpu.memory_space<vmem>> -> memref<1x128x16xf32, #tpu.memory_space<vmem>>
      %dma_start3A_516 = tpu.memref_squeeze %dma_start3A_515 : memref<1x128x16xf32, #tpu.memory_space<vmem>> -> memref<128x16xf32, #tpu.memory_space<vmem>>
      %dma_start3A_517 = arith.constant 0 : i32
      %dma_start3A_518 = tpu.memref_slice %arg6[%dma_start3A_512, %dma_start3A_517] : memref<8x128xi32, #tpu.memory_space<vmem>> -> memref<1x128xi32, #tpu.memory_space<vmem>>
      %dma_start3A_519 = tpu.memref_squeeze %dma_start3A_518 : memref<1x128xi32, #tpu.memory_space<vmem>> -> memref<128xi32, #tpu.memory_space<vmem>>
      %dma_start3A_520 = arith.constant 0 : i32
      %dma_start3A_521 = arith.constant 0 : i32
      %dma_start3A_522 = tpu.memref_slice %arg8[%dma_start3A_520, %dma_start3A_521] : memref<10008x16xf32, #tpu.memory_space<vmem_shared>> -> memref<10008x16xf32, #tpu.memory_space<vmem_shared>>
      tpu.enqueue_indirect_dma source(%dma_start3A_516 : memref<128x16xf32, #tpu.memory_space<vmem>>) target(%dma_start3A_522 : memref<10008x16xf32, #tpu.memory_space<vmem_shared>>) offsets(%dma_start3A_519 : memref<128xi32, #tpu.memory_space<vmem>>) semaphore(%arg11 : memref<!tpu.dma_semaphore, #tpu.memory_space<semaphore_mem>>) {add = true}
      %dma_start3A_523 = arith.constant 1 : i32
      %dma_start3A_524 = arith.constant 1 : i32
      %dma_start3A_525 = arith.constant 0 : i32
      %dma_start3A_526 = arith.constant 0 : i32
      %dma_start3A_527 = tpu.memref_slice %arg7[%dma_start3A_523, %dma_start3A_525, %dma_start3A_526] : memref<8x128x16xf32, #tpu.memory_space<vmem>> -> memref<1x128x16xf32, #tpu.memory_space<vmem>>
      %dma_start3A_528 = tpu.memref_squeeze %dma_start3A_527 : memref<1x128x16xf32, #tpu.memory_space<vmem>> -> memref<128x16xf32, #tpu.memory_space<vmem>>
      %dma_start3A_529 = arith.constant 0 : i32
      %dma_start3A_530 = tpu.memref_slice %arg6[%dma_start3A_524, %dma_start3A_529] : memref<8x128xi32, #tpu.memory_space<vmem>> -> memref<1x128xi32, #tpu.memory_space<vmem>>
      %dma_start3A_531 = tpu.memref_squeeze %dma_start3A_530 : memref<1x128xi32, #tpu.memory_space<vmem>> -> memref<128xi32, #tpu.memory_space<vmem>>
      %dma_start3A_532 = arith.constant 0 : i32
      %dma_start3A_533 = arith.constant 0 : i32
      %dma_start3A_534 = tpu.memref_slice %arg8[%dma_start3A_532, %dma_start3A_533] : memref<10008x16xf32, #tpu.memory_space<vmem_shared>> -> memref<10008x16xf32, #tpu.memory_space<vmem_shared>>
      tpu.enqueue_indirect_dma source(%dma_start3A_528 : memref<128x16xf32, #tpu.memory_space<vmem>>) target(%dma_start3A_534 : memref<10008x16xf32, #tpu.memory_space<vmem_shared>>) offsets(%dma_start3A_531 : memref<128xi32, #tpu.memory_space<vmem>>) semaphore(%arg11 : memref<!tpu.dma_semaphore, #tpu.memory_space<semaphore_mem>>) {add = true}
      %dma_start3A_535 = arith.constant 2 : i32
      %dma_start3A_536 = arith.constant 2 : i32
      %dma_start3A_537 = arith.constant 0 : i32
      %dma_start3A_538 = arith.constant 0 : i32
      %dma_start3A_539 = tpu.memref_slice %arg7[%dma_start3A_535, %dma_start3A_537, %dma_start3A_538] : memref<8x128x16xf32, #tpu.memory_space<vmem>> -> memref<1x128x16xf32, #tpu.memory_space<vmem>>
      %dma_start3A_540 = tpu.memref_squeeze %dma_start3A_539 : memref<1x128x16xf32, #tpu.memory_space<vmem>> -> memref<128x16xf32, #tpu.memory_space<vmem>>
      %dma_start3A_541 = arith.constant 0 : i32
      %dma_start3A_542 = tpu.memref_slice %arg6[%dma_start3A_536, %dma_start3A_541] : memref<8x128xi32, #tpu.memory_space<vmem>> -> memref<1x128xi32, #tpu.memory_space<vmem>>
      %dma_start3A_543 = tpu.memref_squeeze %dma_start3A_542 : memref<1x128xi32, #tpu.memory_space<vmem>> -> memref<128xi32, #tpu.memory_space<vmem>>
      %dma_start3A_544 = arith.constant 0 : i32
      %dma_start3A_545 = arith.constant 0 : i32
      %dma_start3A_546 = tpu.memref_slice %arg8[%dma_start3A_544, %dma_start3A_545] : memref<10008x16xf32, #tpu.memory_space<vmem_shared>> -> memref<10008x16xf32, #tpu.memory_space<vmem_shared>>
      tpu.enqueue_indirect_dma source(%dma_start3A_540 : memref<128x16xf32, #tpu.memory_space<vmem>>) target(%dma_start3A_546 : memref<10008x16xf32, #tpu.memory_space<vmem_shared>>) offsets(%dma_start3A_543 : memref<128xi32, #tpu.memory_space<vmem>>) semaphore(%arg11 : memref<!tpu.dma_semaphore, #tpu.memory_space<semaphore_mem>>) {add = true}
      %dma_start3A_547 = arith.constant 3 : i32
      %dma_start3A_548 = arith.constant 3 : i32
      %dma_start3A_549 = arith.constant 0 : i32
      %dma_start3A_550 = arith.constant 0 : i32
      %dma_start3A_551 = tpu.memref_slice %arg7[%dma_start3A_547, %dma_start3A_549, %dma_start3A_550] : memref<8x128x16xf32, #tpu.memory_space<vmem>> -> memref<1x128x16xf32, #tpu.memory_space<vmem>>
      %dma_start3A_552 = tpu.memref_squeeze %dma_start3A_551 : memref<1x128x16xf32, #tpu.memory_space<vmem>> -> memref<128x16xf32, #tpu.memory_space<vmem>>
      %dma_start3A_553 = arith.constant 0 : i32
      %dma_start3A_554 = tpu.memref_slice %arg6[%dma_start3A_548, %dma_start3A_553] : memref<8x128xi32, #tpu.memory_space<vmem>> -> memref<1x128xi32, #tpu.memory_space<vmem>>
      %dma_start3A_555 = tpu.memref_squeeze %dma_start3A_554 : memref<1x128xi32, #tpu.memory_space<vmem>> -> memref<128xi32, #tpu.memory_space<vmem>>
      %dma_start3A_556 = arith.constant 0 : i32
      %dma_start3A_557 = arith.constant 0 : i32
      %dma_start3A_558 = tpu.memref_slice %arg8[%dma_start3A_556, %dma_start3A_557] : memref<10008x16xf32, #tpu.memory_space<vmem_shared>> -> memref<10008x16xf32, #tpu.memory_space<vmem_shared>>
      tpu.enqueue_indirect_dma source(%dma_start3A_552 : memref<128x16xf32, #tpu.memory_space<vmem>>) target(%dma_start3A_558 : memref<10008x16xf32, #tpu.memory_space<vmem_shared>>) offsets(%dma_start3A_555 : memref<128xi32, #tpu.memory_space<vmem>>) semaphore(%arg11 : memref<!tpu.dma_semaphore, #tpu.memory_space<semaphore_mem>>) {add = true}
      %dma_start3A_559 = arith.constant 4 : i32
      %dma_start3A_560 = arith.constant 4 : i32
      %dma_start3A_561 = arith.constant 0 : i32
      %dma_start3A_562 = arith.constant 0 : i32
      %dma_start3A_563 = tpu.memref_slice %arg7[%dma_start3A_559, %dma_start3A_561, %dma_start3A_562] : memref<8x128x16xf32, #tpu.memory_space<vmem>> -> memref<1x128x16xf32, #tpu.memory_space<vmem>>
      %dma_start3A_564 = tpu.memref_squeeze %dma_start3A_563 : memref<1x128x16xf32, #tpu.memory_space<vmem>> -> memref<128x16xf32, #tpu.memory_space<vmem>>
      %dma_start3A_565 = arith.constant 0 : i32
      %dma_start3A_566 = tpu.memref_slice %arg6[%dma_start3A_560, %dma_start3A_565] : memref<8x128xi32, #tpu.memory_space<vmem>> -> memref<1x128xi32, #tpu.memory_space<vmem>>
      %dma_start3A_567 = tpu.memref_squeeze %dma_start3A_566 : memref<1x128xi32, #tpu.memory_space<vmem>> -> memref<128xi32, #tpu.memory_space<vmem>>
      %dma_start3A_568 = arith.constant 0 : i32
      %dma_start3A_569 = arith.constant 0 : i32
      %dma_start3A_570 = tpu.memref_slice %arg8[%dma_start3A_568, %dma_start3A_569] : memref<10008x16xf32, #tpu.memory_space<vmem_shared>> -> memref<10008x16xf32, #tpu.memory_space<vmem_shared>>
      tpu.enqueue_indirect_dma source(%dma_start3A_564 : memref<128x16xf32, #tpu.memory_space<vmem>>) target(%dma_start3A_570 : memref<10008x16xf32, #tpu.memory_space<vmem_shared>>) offsets(%dma_start3A_567 : memref<128xi32, #tpu.memory_space<vmem>>) semaphore(%arg11 : memref<!tpu.dma_semaphore, #tpu.memory_space<semaphore_mem>>) {add = true}
      %dma_start3A_571 = arith.constant 5 : i32
      %dma_start3A_572 = arith.constant 5 : i32
      %dma_start3A_573 = arith.constant 0 : i32
      %dma_start3A_574 = arith.constant 0 : i32
      %dma_start3A_575 = tpu.memref_slice %arg7[%dma_start3A_571, %dma_start3A_573, %dma_start3A_574] : memref<8x128x16xf32, #tpu.memory_space<vmem>> -> memref<1x128x16xf32, #tpu.memory_space<vmem>>
      %dma_start3A_576 = tpu.memref_squeeze %dma_start3A_575 : memref<1x128x16xf32, #tpu.memory_space<vmem>> -> memref<128x16xf32, #tpu.memory_space<vmem>>
      %dma_start3A_577 = arith.constant 0 : i32
      %dma_start3A_578 = tpu.memref_slice %arg6[%dma_start3A_572, %dma_start3A_577] : memref<8x128xi32, #tpu.memory_space<vmem>> -> memref<1x128xi32, #tpu.memory_space<vmem>>
      %dma_start3A_579 = tpu.memref_squeeze %dma_start3A_578 : memref<1x128xi32, #tpu.memory_space<vmem>> -> memref<128xi32, #tpu.memory_space<vmem>>
      %dma_start3A_580 = arith.constant 0 : i32
      %dma_start3A_581 = arith.constant 0 : i32
      %dma_start3A_582 = tpu.memref_slice %arg8[%dma_start3A_580, %dma_start3A_581] : memref<10008x16xf32, #tpu.memory_space<vmem_shared>> -> memref<10008x16xf32, #tpu.memory_space<vmem_shared>>
      tpu.enqueue_indirect_dma source(%dma_start3A_576 : memref<128x16xf32, #tpu.memory_space<vmem>>) target(%dma_start3A_582 : memref<10008x16xf32, #tpu.memory_space<vmem_shared>>) offsets(%dma_start3A_579 : memref<128xi32, #tpu.memory_space<vmem>>) semaphore(%arg11 : memref<!tpu.dma_semaphore, #tpu.memory_space<semaphore_mem>>) {add = true}
      %dma_start3A_583 = arith.constant 6 : i32
      %dma_start3A_584 = arith.constant 6 : i32
      %dma_start3A_585 = arith.constant 0 : i32
      %dma_start3A_586 = arith.constant 0 : i32
      %dma_start3A_587 = tpu.memref_slice %arg7[%dma_start3A_583, %dma_start3A_585, %dma_start3A_586] : memref<8x128x16xf32, #tpu.memory_space<vmem>> -> memref<1x128x16xf32, #tpu.memory_space<vmem>>
      %dma_start3A_588 = tpu.memref_squeeze %dma_start3A_587 : memref<1x128x16xf32, #tpu.memory_space<vmem>> -> memref<128x16xf32, #tpu.memory_space<vmem>>
      %dma_start3A_589 = arith.constant 0 : i32
      %dma_start3A_590 = tpu.memref_slice %arg6[%dma_start3A_584, %dma_start3A_589] : memref<8x128xi32, #tpu.memory_space<vmem>> -> memref<1x128xi32, #tpu.memory_space<vmem>>
      %dma_start3A_591 = tpu.memref_squeeze %dma_start3A_590 : memref<1x128xi32, #tpu.memory_space<vmem>> -> memref<128xi32, #tpu.memory_space<vmem>>
      %dma_start3A_592 = arith.constant 0 : i32
      %dma_start3A_593 = arith.constant 0 : i32
      %dma_start3A_594 = tpu.memref_slice %arg8[%dma_start3A_592, %dma_start3A_593] : memref<10008x16xf32, #tpu.memory_space<vmem_shared>> -> memref<10008x16xf32, #tpu.memory_space<vmem_shared>>
      tpu.enqueue_indirect_dma source(%dma_start3A_588 : memref<128x16xf32, #tpu.memory_space<vmem>>) target(%dma_start3A_594 : memref<10008x16xf32, #tpu.memory_space<vmem_shared>>) offsets(%dma_start3A_591 : memref<128xi32, #tpu.memory_space<vmem>>) semaphore(%arg11 : memref<!tpu.dma_semaphore, #tpu.memory_space<semaphore_mem>>) {add = true}
      %dma_start3A_595 = arith.constant 7 : i32
      %dma_start3A_596 = arith.constant 7 : i32
      %dma_start3A_597 = arith.constant 0 : i32
      %dma_start3A_598 = arith.constant 0 : i32
      %dma_start3A_599 = tpu.memref_slice %arg7[%dma_start3A_595, %dma_start3A_597, %dma_start3A_598] : memref<8x128x16xf32, #tpu.memory_space<vmem>> -> memref<1x128x16xf32, #tpu.memory_space<vmem>>
      %dma_start3A_600 = tpu.memref_squeeze %dma_start3A_599 : memref<1x128x16xf32, #tpu.memory_space<vmem>> -> memref<128x16xf32, #tpu.memory_space<vmem>>
      %dma_start3A_601 = arith.constant 0 : i32
      %dma_start3A_602 = tpu.memref_slice %arg6[%dma_start3A_596, %dma_start3A_601] : memref<8x128xi32, #tpu.memory_space<vmem>> -> memref<1x128xi32, #tpu.memory_space<vmem>>
      %dma_start3A_603 = tpu.memref_squeeze %dma_start3A_602 : memref<1x128xi32, #tpu.memory_space<vmem>> -> memref<128xi32, #tpu.memory_space<vmem>>
      %dma_start3A_604 = arith.constant 0 : i32
      %dma_start3A_605 = arith.constant 0 : i32
      %dma_start3A_606 = tpu.memref_slice %arg8[%dma_start3A_604, %dma_start3A_605] : memref<10008x16xf32, #tpu.memory_space<vmem_shared>> -> memref<10008x16xf32, #tpu.memory_space<vmem_shared>>
      tpu.enqueue_indirect_dma source(%dma_start3A_600 : memref<128x16xf32, #tpu.memory_space<vmem>>) target(%dma_start3A_606 : memref<10008x16xf32, #tpu.memory_space<vmem_shared>>) offsets(%dma_start3A_603 : memref<128xi32, #tpu.memory_space<vmem>>) semaphore(%arg11 : memref<!tpu.dma_semaphore, #tpu.memory_space<semaphore_mem>>) {add = true}
      %dma_wait3A_607 = arith.constant 0 : i32
      %dma_wait3A_608 = arith.constant 0 : i32
      %dma_wait3A_609 = arith.constant 0 : i32
      %dma_wait3A_610 = arith.constant 0 : i32
      %dma_wait3A_611 = tpu.memref_slice %arg7[%dma_wait3A_607, %dma_wait3A_609, %dma_wait3A_610] : memref<8x128x16xf32, #tpu.memory_space<vmem>> -> memref<1x128x16xf32, #tpu.memory_space<vmem>>
      %dma_wait3A_612 = tpu.memref_squeeze %dma_wait3A_611 : memref<1x128x16xf32, #tpu.memory_space<vmem>> -> memref<128x16xf32, #tpu.memory_space<vmem>>
      %dma_wait3A_613 = arith.constant 0 : i32
      %dma_wait3A_614 = tpu.memref_slice %arg6[%dma_wait3A_608, %dma_wait3A_613] : memref<8x128xi32, #tpu.memory_space<vmem>> -> memref<1x128xi32, #tpu.memory_space<vmem>>
      %dma_wait3A_615 = tpu.memref_squeeze %dma_wait3A_614 : memref<1x128xi32, #tpu.memory_space<vmem>> -> memref<128xi32, #tpu.memory_space<vmem>>
      %dma_wait3A_616 = arith.constant 0 : i32
      %dma_wait3A_617 = arith.constant 0 : i32
      %dma_wait3A_618 = tpu.memref_slice %arg8[%dma_wait3A_616, %dma_wait3A_617] : memref<10008x16xf32, #tpu.memory_space<vmem_shared>> -> memref<10008x16xf32, #tpu.memory_space<vmem_shared>>
      tpu.wait_indirect_dma semaphore(%arg11 : memref<!tpu.dma_semaphore, #tpu.memory_space<semaphore_mem>>) src(%dma_wait3A_612 : memref<128x16xf32, #tpu.memory_space<vmem>>) dst(%dma_wait3A_618 : memref<10008x16xf32, #tpu.memory_space<vmem_shared>>)
      %dma_wait3A_619 = arith.constant 1 : i32
      %dma_wait3A_620 = arith.constant 1 : i32
      %dma_wait3A_621 = arith.constant 0 : i32
      %dma_wait3A_622 = arith.constant 0 : i32
      %dma_wait3A_623 = tpu.memref_slice %arg7[%dma_wait3A_619, %dma_wait3A_621, %dma_wait3A_622] : memref<8x128x16xf32, #tpu.memory_space<vmem>> -> memref<1x128x16xf32, #tpu.memory_space<vmem>>
      %dma_wait3A_624 = tpu.memref_squeeze %dma_wait3A_623 : memref<1x128x16xf32, #tpu.memory_space<vmem>> -> memref<128x16xf32, #tpu.memory_space<vmem>>
      %dma_wait3A_625 = arith.constant 0 : i32
      %dma_wait3A_626 = tpu.memref_slice %arg6[%dma_wait3A_620, %dma_wait3A_625] : memref<8x128xi32, #tpu.memory_space<vmem>> -> memref<1x128xi32, #tpu.memory_space<vmem>>
      %dma_wait3A_627 = tpu.memref_squeeze %dma_wait3A_626 : memref<1x128xi32, #tpu.memory_space<vmem>> -> memref<128xi32, #tpu.memory_space<vmem>>
      %dma_wait3A_628 = arith.constant 0 : i32
      %dma_wait3A_629 = arith.constant 0 : i32
      %dma_wait3A_630 = tpu.memref_slice %arg8[%dma_wait3A_628, %dma_wait3A_629] : memref<10008x16xf32, #tpu.memory_space<vmem_shared>> -> memref<10008x16xf32, #tpu.memory_space<vmem_shared>>
      tpu.wait_indirect_dma semaphore(%arg11 : memref<!tpu.dma_semaphore, #tpu.memory_space<semaphore_mem>>) src(%dma_wait3A_624 : memref<128x16xf32, #tpu.memory_space<vmem>>) dst(%dma_wait3A_630 : memref<10008x16xf32, #tpu.memory_space<vmem_shared>>)
      %dma_wait3A_631 = arith.constant 2 : i32
      %dma_wait3A_632 = arith.constant 2 : i32
      %dma_wait3A_633 = arith.constant 0 : i32
      %dma_wait3A_634 = arith.constant 0 : i32
      %dma_wait3A_635 = tpu.memref_slice %arg7[%dma_wait3A_631, %dma_wait3A_633, %dma_wait3A_634] : memref<8x128x16xf32, #tpu.memory_space<vmem>> -> memref<1x128x16xf32, #tpu.memory_space<vmem>>
      %dma_wait3A_636 = tpu.memref_squeeze %dma_wait3A_635 : memref<1x128x16xf32, #tpu.memory_space<vmem>> -> memref<128x16xf32, #tpu.memory_space<vmem>>
      %dma_wait3A_637 = arith.constant 0 : i32
      %dma_wait3A_638 = tpu.memref_slice %arg6[%dma_wait3A_632, %dma_wait3A_637] : memref<8x128xi32, #tpu.memory_space<vmem>> -> memref<1x128xi32, #tpu.memory_space<vmem>>
      %dma_wait3A_639 = tpu.memref_squeeze %dma_wait3A_638 : memref<1x128xi32, #tpu.memory_space<vmem>> -> memref<128xi32, #tpu.memory_space<vmem>>
      %dma_wait3A_640 = arith.constant 0 : i32
      %dma_wait3A_641 = arith.constant 0 : i32
      %dma_wait3A_642 = tpu.memref_slice %arg8[%dma_wait3A_640, %dma_wait3A_641] : memref<10008x16xf32, #tpu.memory_space<vmem_shared>> -> memref<10008x16xf32, #tpu.memory_space<vmem_shared>>
      tpu.wait_indirect_dma semaphore(%arg11 : memref<!tpu.dma_semaphore, #tpu.memory_space<semaphore_mem>>) src(%dma_wait3A_636 : memref<128x16xf32, #tpu.memory_space<vmem>>) dst(%dma_wait3A_642 : memref<10008x16xf32, #tpu.memory_space<vmem_shared>>)
      %dma_wait3A_643 = arith.constant 3 : i32
      %dma_wait3A_644 = arith.constant 3 : i32
      %dma_wait3A_645 = arith.constant 0 : i32
      %dma_wait3A_646 = arith.constant 0 : i32
      %dma_wait3A_647 = tpu.memref_slice %arg7[%dma_wait3A_643, %dma_wait3A_645, %dma_wait3A_646] : memref<8x128x16xf32, #tpu.memory_space<vmem>> -> memref<1x128x16xf32, #tpu.memory_space<vmem>>
      %dma_wait3A_648 = tpu.memref_squeeze %dma_wait3A_647 : memref<1x128x16xf32, #tpu.memory_space<vmem>> -> memref<128x16xf32, #tpu.memory_space<vmem>>
      %dma_wait3A_649 = arith.constant 0 : i32
      %dma_wait3A_650 = tpu.memref_slice %arg6[%dma_wait3A_644, %dma_wait3A_649] : memref<8x128xi32, #tpu.memory_space<vmem>> -> memref<1x128xi32, #tpu.memory_space<vmem>>
      %dma_wait3A_651 = tpu.memref_squeeze %dma_wait3A_650 : memref<1x128xi32, #tpu.memory_space<vmem>> -> memref<128xi32, #tpu.memory_space<vmem>>
      %dma_wait3A_652 = arith.constant 0 : i32
      %dma_wait3A_653 = arith.constant 0 : i32
      %dma_wait3A_654 = tpu.memref_slice %arg8[%dma_wait3A_652, %dma_wait3A_653] : memref<10008x16xf32, #tpu.memory_space<vmem_shared>> -> memref<10008x16xf32, #tpu.memory_space<vmem_shared>>
      tpu.wait_indirect_dma semaphore(%arg11 : memref<!tpu.dma_semaphore, #tpu.memory_space<semaphore_mem>>) src(%dma_wait3A_648 : memref<128x16xf32, #tpu.memory_space<vmem>>) dst(%dma_wait3A_654 : memref<10008x16xf32, #tpu.memory_space<vmem_shared>>)
      %dma_wait3A_655 = arith.constant 4 : i32
      %dma_wait3A_656 = arith.constant 4 : i32
      %dma_wait3A_657 = arith.constant 0 : i32
      %dma_wait3A_658 = arith.constant 0 : i32
      %dma_wait3A_659 = tpu.memref_slice %arg7[%dma_wait3A_655, %dma_wait3A_657, %dma_wait3A_658] : memref<8x128x16xf32, #tpu.memory_space<vmem>> -> memref<1x128x16xf32, #tpu.memory_space<vmem>>
      %dma_wait3A_660 = tpu.memref_squeeze %dma_wait3A_659 : memref<1x128x16xf32, #tpu.memory_space<vmem>> -> memref<128x16xf32, #tpu.memory_space<vmem>>
      %dma_wait3A_661 = arith.constant 0 : i32
      %dma_wait3A_662 = tpu.memref_slice %arg6[%dma_wait3A_656, %dma_wait3A_661] : memref<8x128xi32, #tpu.memory_space<vmem>> -> memref<1x128xi32, #tpu.memory_space<vmem>>
      %dma_wait3A_663 = tpu.memref_squeeze %dma_wait3A_662 : memref<1x128xi32, #tpu.memory_space<vmem>> -> memref<128xi32, #tpu.memory_space<vmem>>
      %dma_wait3A_664 = arith.constant 0 : i32
      %dma_wait3A_665 = arith.constant 0 : i32
      %dma_wait3A_666 = tpu.memref_slice %arg8[%dma_wait3A_664, %dma_wait3A_665] : memref<10008x16xf32, #tpu.memory_space<vmem_shared>> -> memref<10008x16xf32, #tpu.memory_space<vmem_shared>>
      tpu.wait_indirect_dma semaphore(%arg11 : memref<!tpu.dma_semaphore, #tpu.memory_space<semaphore_mem>>) src(%dma_wait3A_660 : memref<128x16xf32, #tpu.memory_space<vmem>>) dst(%dma_wait3A_666 : memref<10008x16xf32, #tpu.memory_space<vmem_shared>>)
      %dma_wait3A_667 = arith.constant 5 : i32
      %dma_wait3A_668 = arith.constant 5 : i32
      %dma_wait3A_669 = arith.constant 0 : i32
      %dma_wait3A_670 = arith.constant 0 : i32
      %dma_wait3A_671 = tpu.memref_slice %arg7[%dma_wait3A_667, %dma_wait3A_669, %dma_wait3A_670] : memref<8x128x16xf32, #tpu.memory_space<vmem>> -> memref<1x128x16xf32, #tpu.memory_space<vmem>>
      %dma_wait3A_672 = tpu.memref_squeeze %dma_wait3A_671 : memref<1x128x16xf32, #tpu.memory_space<vmem>> -> memref<128x16xf32, #tpu.memory_space<vmem>>
      %dma_wait3A_673 = arith.constant 0 : i32
      %dma_wait3A_674 = tpu.memref_slice %arg6[%dma_wait3A_668, %dma_wait3A_673] : memref<8x128xi32, #tpu.memory_space<vmem>> -> memref<1x128xi32, #tpu.memory_space<vmem>>
      %dma_wait3A_675 = tpu.memref_squeeze %dma_wait3A_674 : memref<1x128xi32, #tpu.memory_space<vmem>> -> memref<128xi32, #tpu.memory_space<vmem>>
      %dma_wait3A_676 = arith.constant 0 : i32
      %dma_wait3A_677 = arith.constant 0 : i32
      %dma_wait3A_678 = tpu.memref_slice %arg8[%dma_wait3A_676, %dma_wait3A_677] : memref<10008x16xf32, #tpu.memory_space<vmem_shared>> -> memref<10008x16xf32, #tpu.memory_space<vmem_shared>>
      tpu.wait_indirect_dma semaphore(%arg11 : memref<!tpu.dma_semaphore, #tpu.memory_space<semaphore_mem>>) src(%dma_wait3A_672 : memref<128x16xf32, #tpu.memory_space<vmem>>) dst(%dma_wait3A_678 : memref<10008x16xf32, #tpu.memory_space<vmem_shared>>)
      %dma_wait3A_679 = arith.constant 6 : i32
      %dma_wait3A_680 = arith.constant 6 : i32
      %dma_wait3A_681 = arith.constant 0 : i32
      %dma_wait3A_682 = arith.constant 0 : i32
      %dma_wait3A_683 = tpu.memref_slice %arg7[%dma_wait3A_679, %dma_wait3A_681, %dma_wait3A_682] : memref<8x128x16xf32, #tpu.memory_space<vmem>> -> memref<1x128x16xf32, #tpu.memory_space<vmem>>
      %dma_wait3A_684 = tpu.memref_squeeze %dma_wait3A_683 : memref<1x128x16xf32, #tpu.memory_space<vmem>> -> memref<128x16xf32, #tpu.memory_space<vmem>>
      %dma_wait3A_685 = arith.constant 0 : i32
      %dma_wait3A_686 = tpu.memref_slice %arg6[%dma_wait3A_680, %dma_wait3A_685] : memref<8x128xi32, #tpu.memory_space<vmem>> -> memref<1x128xi32, #tpu.memory_space<vmem>>
      %dma_wait3A_687 = tpu.memref_squeeze %dma_wait3A_686 : memref<1x128xi32, #tpu.memory_space<vmem>> -> memref<128xi32, #tpu.memory_space<vmem>>
      %dma_wait3A_688 = arith.constant 0 : i32
      %dma_wait3A_689 = arith.constant 0 : i32
      %dma_wait3A_690 = tpu.memref_slice %arg8[%dma_wait3A_688, %dma_wait3A_689] : memref<10008x16xf32, #tpu.memory_space<vmem_shared>> -> memref<10008x16xf32, #tpu.memory_space<vmem_shared>>
      tpu.wait_indirect_dma semaphore(%arg11 : memref<!tpu.dma_semaphore, #tpu.memory_space<semaphore_mem>>) src(%dma_wait3A_684 : memref<128x16xf32, #tpu.memory_space<vmem>>) dst(%dma_wait3A_690 : memref<10008x16xf32, #tpu.memory_space<vmem_shared>>)
      %dma_wait3A_691 = arith.constant 7 : i32
      %dma_wait3A_692 = arith.constant 7 : i32
      %dma_wait3A_693 = arith.constant 0 : i32
      %dma_wait3A_694 = arith.constant 0 : i32
      %dma_wait3A_695 = tpu.memref_slice %arg7[%dma_wait3A_691, %dma_wait3A_693, %dma_wait3A_694] : memref<8x128x16xf32, #tpu.memory_space<vmem>> -> memref<1x128x16xf32, #tpu.memory_space<vmem>>
      %dma_wait3A_696 = tpu.memref_squeeze %dma_wait3A_695 : memref<1x128x16xf32, #tpu.memory_space<vmem>> -> memref<128x16xf32, #tpu.memory_space<vmem>>
      %dma_wait3A_697 = arith.constant 0 : i32
      %dma_wait3A_698 = tpu.memref_slice %arg6[%dma_wait3A_692, %dma_wait3A_697] : memref<8x128xi32, #tpu.memory_space<vmem>> -> memref<1x128xi32, #tpu.memory_space<vmem>>
      %dma_wait3A_699 = tpu.memref_squeeze %dma_wait3A_698 : memref<1x128xi32, #tpu.memory_space<vmem>> -> memref<128xi32, #tpu.memory_space<vmem>>
      %dma_wait3A_700 = arith.constant 0 : i32
      %dma_wait3A_701 = arith.constant 0 : i32
      %dma_wait3A_702 = tpu.memref_slice %arg8[%dma_wait3A_700, %dma_wait3A_701] : memref<10008x16xf32, #tpu.memory_space<vmem_shared>> -> memref<10008x16xf32, #tpu.memory_space<vmem_shared>>
      tpu.wait_indirect_dma semaphore(%arg11 : memref<!tpu.dma_semaphore, #tpu.memory_space<semaphore_mem>>) src(%dma_wait3A_696 : memref<128x16xf32, #tpu.memory_space<vmem>>) dst(%dma_wait3A_702 : memref<10008x16xf32, #tpu.memory_space<vmem_shared>>)
    }
    %scan3A_5 = arith.constant 5 : i32
    %barrier3A_6 = arith.constant 0 : index
    tpu.barrier barrier_id(%barrier3A_6)
    %mul3A_7 = arith.constant 10000 : i32
    %mul3A_8 = arith.muli %arg0, %mul3A_7 : i32
    %add3A = arith.addi %mul3A_8, %mul3A_0 : i32
    "tpu.region"() ({
      %run_scoped3A = tpu.sem_alloc : memref<!tpu.dma_semaphore, #tpu.memory_space<semaphore_mem>>
      %dma_start3A = arith.constant 0 : i32
      %dma_start3A_9 = tpu.memref_slice %arg5[%add3A, %dma_start3A] : memref<20000x128xf32, #tpu.memory_space<hbm>> -> memref<625x16xf32, #tpu.memory_space<hbm>>
      %dma_start3A_10 = arith.constant 0 : i32
      %dma_start3A_11 = tpu.memref_slice %arg8[%mul3A_0, %dma_start3A_10] : memref<10008x16xf32, #tpu.memory_space<vmem_shared>> -> memref<625x16xf32, #tpu.memory_space<vmem_shared>>
      tpu.enqueue_dma source(%dma_start3A_11 : memref<625x16xf32, #tpu.memory_space<vmem_shared>>) target(%dma_start3A_9 : memref<625x16xf32, #tpu.memory_space<hbm>>) target_semaphore(%run_scoped3A : memref<!tpu.dma_semaphore, #tpu.memory_space<semaphore_mem>>)
      %dma_wait3A = arith.constant 0 : i32
      %dma_wait3A_12 = tpu.memref_slice %arg5[%add3A, %dma_wait3A] : memref<20000x128xf32, #tpu.memory_space<hbm>> -> memref<625x16xf32, #tpu.memory_space<hbm>>
      %dma_wait3A_13 = arith.constant 0 : i32
      %dma_wait3A_14 = tpu.memref_slice %arg8[%mul3A_0, %dma_wait3A_13] : memref<10008x16xf32, #tpu.memory_space<vmem_shared>> -> memref<625x16xf32, #tpu.memory_space<vmem_shared>>
      tpu.wait_dma2 semaphore(%run_scoped3A : memref<!tpu.dma_semaphore, #tpu.memory_space<semaphore_mem>>) src(%dma_wait3A_14 : memref<625x16xf32, #tpu.memory_space<vmem_shared>>) dst(%dma_wait3A_12 : memref<625x16xf32, #tpu.memory_space<hbm>>)
      tpu.yield
    }) : () -> ()
    return
  }
}

#map = affine_map<(d0, d1) -> (0, 0)>
#map1 = affine_map<(d0, d1) -> (0)>
module attributes {stable_mosaic.version = 14 : i64} {
  func.func @gather_k(%arg0: i32, %arg1: i32, %arg2: memref<10000x16xf32, #tpu.memory_space<hbm>>, %arg3: memref<160000xi32, #tpu.memory_space<hbm>>, %arg4: memref<160000x128xf32, #tpu.memory_space<hbm>>, %arg5: memref<8x128xi32, #tpu.memory_space<vmem>>, %arg6: memref<8x128x16xf32, #tpu.memory_space<vmem>>, %arg7: memref<!tpu.dma_semaphore, #tpu.memory_space<semaphore_mem>>, %arg8: memref<!tpu.dma_semaphore, #tpu.memory_space<semaphore_mem>>, %arg9: memref<!tpu.dma_semaphore, #tpu.memory_space<semaphore_mem>>) attributes {dimension_semantics = [#tpu.dimension_semantics<core_parallel>, #tpu.dimension_semantics<subcore_parallel>], iteration_bounds = array<i64: 2, 16>, scalar_prefetch = 0 : i64, scratch_operands = 5 : i64, tpu.core_type = #tpu.core_type<sc_vector_subcore>, window_params = [{transform_indices = #map}, {transform_indices = #map1}, {transform_indices = #map}]} {
    %mul3A = arith.constant 2 : i32
    %mul3A_0 = arith.muli %arg1, %mul3A : i32
    %add3A = arith.addi %mul3A_0, %arg0 : i32
    %scan3A = arith.constant 0 : i32
    %scan3A_1 = arith.constant 0 : i32
    %scan3A_2 = arith.constant 5 : i32
    %scan3A_3 = arith.addi %scan3A_1, %scan3A_2 : i32
    %scan3A_4 = arith.constant 1 : i32
    scf.for %scan3A_6 = %scan3A_1 to %scan3A_3 step %scan3A_4  : i32 {
      %mul3A_7 = arith.constant 8 : i32
      %mul3A_8 = arith.muli %scan3A_6, %mul3A_7 : i32
      %add3A_9 = arith.constant 0 : i32
      %add3A_10 = arith.addi %mul3A_8, %add3A_9 : i32
      %mul3A_11 = arith.constant 32 : i32
      %mul3A_12 = arith.muli %add3A_10, %mul3A_11 : i32
      %add3A_13 = arith.addi %add3A, %mul3A_12 : i32
      %min3A = arith.constant 1249 : i32
      %min3A_14 = arith.minsi %add3A_13, %min3A : i32
      %mul3A_15 = arith.constant 8 : i32
      %mul3A_16 = arith.muli %scan3A_6, %mul3A_15 : i32
      %add3A_17 = arith.constant 1 : i32
      %add3A_18 = arith.addi %mul3A_16, %add3A_17 : i32
      %mul3A_19 = arith.constant 32 : i32
      %mul3A_20 = arith.muli %add3A_18, %mul3A_19 : i32
      %add3A_21 = arith.addi %add3A, %mul3A_20 : i32
      %min3A_22 = arith.constant 1249 : i32
      %min3A_23 = arith.minsi %add3A_21, %min3A_22 : i32
      %mul3A_24 = arith.constant 8 : i32
      %mul3A_25 = arith.muli %scan3A_6, %mul3A_24 : i32
      %add3A_26 = arith.constant 2 : i32
      %add3A_27 = arith.addi %mul3A_25, %add3A_26 : i32
      %mul3A_28 = arith.constant 32 : i32
      %mul3A_29 = arith.muli %add3A_27, %mul3A_28 : i32
      %add3A_30 = arith.addi %add3A, %mul3A_29 : i32
      %min3A_31 = arith.constant 1249 : i32
      %min3A_32 = arith.minsi %add3A_30, %min3A_31 : i32
      %mul3A_33 = arith.constant 8 : i32
      %mul3A_34 = arith.muli %scan3A_6, %mul3A_33 : i32
      %add3A_35 = arith.constant 3 : i32
      %add3A_36 = arith.addi %mul3A_34, %add3A_35 : i32
      %mul3A_37 = arith.constant 32 : i32
      %mul3A_38 = arith.muli %add3A_36, %mul3A_37 : i32
      %add3A_39 = arith.addi %add3A, %mul3A_38 : i32
      %min3A_40 = arith.constant 1249 : i32
      %min3A_41 = arith.minsi %add3A_39, %min3A_40 : i32
      %mul3A_42 = arith.constant 8 : i32
      %mul3A_43 = arith.muli %scan3A_6, %mul3A_42 : i32
      %add3A_44 = arith.constant 4 : i32
      %add3A_45 = arith.addi %mul3A_43, %add3A_44 : i32
      %mul3A_46 = arith.constant 32 : i32
      %mul3A_47 = arith.muli %add3A_45, %mul3A_46 : i32
      %add3A_48 = arith.addi %add3A, %mul3A_47 : i32
      %min3A_49 = arith.constant 1249 : i32
      %min3A_50 = arith.minsi %add3A_48, %min3A_49 : i32
      %mul3A_51 = arith.constant 8 : i32
      %mul3A_52 = arith.muli %scan3A_6, %mul3A_51 : i32
      %add3A_53 = arith.constant 5 : i32
      %add3A_54 = arith.addi %mul3A_52, %add3A_53 : i32
      %mul3A_55 = arith.constant 32 : i32
      %mul3A_56 = arith.muli %add3A_54, %mul3A_55 : i32
      %add3A_57 = arith.addi %add3A, %mul3A_56 : i32
      %min3A_58 = arith.constant 1249 : i32
      %min3A_59 = arith.minsi %add3A_57, %min3A_58 : i32
      %mul3A_60 = arith.constant 8 : i32
      %mul3A_61 = arith.muli %scan3A_6, %mul3A_60 : i32
      %add3A_62 = arith.constant 6 : i32
      %add3A_63 = arith.addi %mul3A_61, %add3A_62 : i32
      %mul3A_64 = arith.constant 32 : i32
      %mul3A_65 = arith.muli %add3A_63, %mul3A_64 : i32
      %add3A_66 = arith.addi %add3A, %mul3A_65 : i32
      %min3A_67 = arith.constant 1249 : i32
      %min3A_68 = arith.minsi %add3A_66, %min3A_67 : i32
      %mul3A_69 = arith.constant 8 : i32
      %mul3A_70 = arith.muli %scan3A_6, %mul3A_69 : i32
      %add3A_71 = arith.constant 7 : i32
      %add3A_72 = arith.addi %mul3A_70, %add3A_71 : i32
      %mul3A_73 = arith.constant 32 : i32
      %mul3A_74 = arith.muli %add3A_72, %mul3A_73 : i32
      %add3A_75 = arith.addi %add3A, %mul3A_74 : i32
      %min3A_76 = arith.constant 1249 : i32
      %min3A_77 = arith.minsi %add3A_75, %min3A_76 : i32
      %mul3A_78 = arith.constant 128 : i32
      %mul3A_79 = arith.muli %min3A_14, %mul3A_78 : i32
      %dma_start3A = arith.constant 0 : i32
      %dma_start3A_80 = arith.constant 0 : i32
      %dma_start3A_81 = tpu.memref_slice %arg5[%dma_start3A, %dma_start3A_80] : memref<8x128xi32, #tpu.memory_space<vmem>> -> memref<1x128xi32, #tpu.memory_space<vmem>>
      %dma_start3A_82 = tpu.memref_squeeze %dma_start3A_81 : memref<1x128xi32, #tpu.memory_space<vmem>> -> memref<128xi32, #tpu.memory_space<vmem>>
      %dma_start3A_83 = tpu.memref_slice %arg3[%mul3A_79] : memref<160000xi32, #tpu.memory_space<hbm>> -> memref<128xi32, #tpu.memory_space<hbm>>
      %dma_start3A_84 = arith.constant 0 : i32
      %dma_start3A_85 = tpu.memref_slice %arg5[%dma_start3A, %dma_start3A_84] : memref<8x128xi32, #tpu.memory_space<vmem>> -> memref<1x128xi32, #tpu.memory_space<vmem>>
      %dma_start3A_86 = tpu.memref_squeeze %dma_start3A_85 : memref<1x128xi32, #tpu.memory_space<vmem>> -> memref<128xi32, #tpu.memory_space<vmem>>
      %dma_start3A_87 = tpu.memref_slice %arg3[%mul3A_79] : memref<160000xi32, #tpu.memory_space<hbm>> -> memref<128xi32, #tpu.memory_space<hbm>>
      tpu.enqueue_dma source(%dma_start3A_87 : memref<128xi32, #tpu.memory_space<hbm>>) target(%dma_start3A_86 : memref<128xi32, #tpu.memory_space<vmem>>) target_semaphore(%arg7 : memref<!tpu.dma_semaphore, #tpu.memory_space<semaphore_mem>>)
      %mul3A_88 = arith.constant 128 : i32
      %mul3A_89 = arith.muli %min3A_23, %mul3A_88 : i32
      %dma_start3A_90 = arith.constant 1 : i32
      %dma_start3A_91 = arith.constant 0 : i32
      %dma_start3A_92 = tpu.memref_slice %arg5[%dma_start3A_90, %dma_start3A_91] : memref<8x128xi32, #tpu.memory_space<vmem>> -> memref<1x128xi32, #tpu.memory_space<vmem>>
      %dma_start3A_93 = tpu.memref_squeeze %dma_start3A_92 : memref<1x128xi32, #tpu.memory_space<vmem>> -> memref<128xi32, #tpu.memory_space<vmem>>
      %dma_start3A_94 = tpu.memref_slice %arg3[%mul3A_89] : memref<160000xi32, #tpu.memory_space<hbm>> -> memref<128xi32, #tpu.memory_space<hbm>>
      %dma_start3A_95 = arith.constant 0 : i32
      %dma_start3A_96 = tpu.memref_slice %arg5[%dma_start3A_90, %dma_start3A_95] : memref<8x128xi32, #tpu.memory_space<vmem>> -> memref<1x128xi32, #tpu.memory_space<vmem>>
      %dma_start3A_97 = tpu.memref_squeeze %dma_start3A_96 : memref<1x128xi32, #tpu.memory_space<vmem>> -> memref<128xi32, #tpu.memory_space<vmem>>
      %dma_start3A_98 = tpu.memref_slice %arg3[%mul3A_89] : memref<160000xi32, #tpu.memory_space<hbm>> -> memref<128xi32, #tpu.memory_space<hbm>>
      tpu.enqueue_dma source(%dma_start3A_98 : memref<128xi32, #tpu.memory_space<hbm>>) target(%dma_start3A_97 : memref<128xi32, #tpu.memory_space<vmem>>) target_semaphore(%arg7 : memref<!tpu.dma_semaphore, #tpu.memory_space<semaphore_mem>>)
      %mul3A_99 = arith.constant 128 : i32
      %mul3A_100 = arith.muli %min3A_32, %mul3A_99 : i32
      %dma_start3A_101 = arith.constant 2 : i32
      %dma_start3A_102 = arith.constant 0 : i32
      %dma_start3A_103 = tpu.memref_slice %arg5[%dma_start3A_101, %dma_start3A_102] : memref<8x128xi32, #tpu.memory_space<vmem>> -> memref<1x128xi32, #tpu.memory_space<vmem>>
      %dma_start3A_104 = tpu.memref_squeeze %dma_start3A_103 : memref<1x128xi32, #tpu.memory_space<vmem>> -> memref<128xi32, #tpu.memory_space<vmem>>
      %dma_start3A_105 = tpu.memref_slice %arg3[%mul3A_100] : memref<160000xi32, #tpu.memory_space<hbm>> -> memref<128xi32, #tpu.memory_space<hbm>>
      %dma_start3A_106 = arith.constant 0 : i32
      %dma_start3A_107 = tpu.memref_slice %arg5[%dma_start3A_101, %dma_start3A_106] : memref<8x128xi32, #tpu.memory_space<vmem>> -> memref<1x128xi32, #tpu.memory_space<vmem>>
      %dma_start3A_108 = tpu.memref_squeeze %dma_start3A_107 : memref<1x128xi32, #tpu.memory_space<vmem>> -> memref<128xi32, #tpu.memory_space<vmem>>
      %dma_start3A_109 = tpu.memref_slice %arg3[%mul3A_100] : memref<160000xi32, #tpu.memory_space<hbm>> -> memref<128xi32, #tpu.memory_space<hbm>>
      tpu.enqueue_dma source(%dma_start3A_109 : memref<128xi32, #tpu.memory_space<hbm>>) target(%dma_start3A_108 : memref<128xi32, #tpu.memory_space<vmem>>) target_semaphore(%arg7 : memref<!tpu.dma_semaphore, #tpu.memory_space<semaphore_mem>>)
      %mul3A_110 = arith.constant 128 : i32
      %mul3A_111 = arith.muli %min3A_41, %mul3A_110 : i32
      %dma_start3A_112 = arith.constant 3 : i32
      %dma_start3A_113 = arith.constant 0 : i32
      %dma_start3A_114 = tpu.memref_slice %arg5[%dma_start3A_112, %dma_start3A_113] : memref<8x128xi32, #tpu.memory_space<vmem>> -> memref<1x128xi32, #tpu.memory_space<vmem>>
      %dma_start3A_115 = tpu.memref_squeeze %dma_start3A_114 : memref<1x128xi32, #tpu.memory_space<vmem>> -> memref<128xi32, #tpu.memory_space<vmem>>
      %dma_start3A_116 = tpu.memref_slice %arg3[%mul3A_111] : memref<160000xi32, #tpu.memory_space<hbm>> -> memref<128xi32, #tpu.memory_space<hbm>>
      %dma_start3A_117 = arith.constant 0 : i32
      %dma_start3A_118 = tpu.memref_slice %arg5[%dma_start3A_112, %dma_start3A_117] : memref<8x128xi32, #tpu.memory_space<vmem>> -> memref<1x128xi32, #tpu.memory_space<vmem>>
      %dma_start3A_119 = tpu.memref_squeeze %dma_start3A_118 : memref<1x128xi32, #tpu.memory_space<vmem>> -> memref<128xi32, #tpu.memory_space<vmem>>
      %dma_start3A_120 = tpu.memref_slice %arg3[%mul3A_111] : memref<160000xi32, #tpu.memory_space<hbm>> -> memref<128xi32, #tpu.memory_space<hbm>>
      tpu.enqueue_dma source(%dma_start3A_120 : memref<128xi32, #tpu.memory_space<hbm>>) target(%dma_start3A_119 : memref<128xi32, #tpu.memory_space<vmem>>) target_semaphore(%arg7 : memref<!tpu.dma_semaphore, #tpu.memory_space<semaphore_mem>>)
      %mul3A_121 = arith.constant 128 : i32
      %mul3A_122 = arith.muli %min3A_50, %mul3A_121 : i32
      %dma_start3A_123 = arith.constant 4 : i32
      %dma_start3A_124 = arith.constant 0 : i32
      %dma_start3A_125 = tpu.memref_slice %arg5[%dma_start3A_123, %dma_start3A_124] : memref<8x128xi32, #tpu.memory_space<vmem>> -> memref<1x128xi32, #tpu.memory_space<vmem>>
      %dma_start3A_126 = tpu.memref_squeeze %dma_start3A_125 : memref<1x128xi32, #tpu.memory_space<vmem>> -> memref<128xi32, #tpu.memory_space<vmem>>
      %dma_start3A_127 = tpu.memref_slice %arg3[%mul3A_122] : memref<160000xi32, #tpu.memory_space<hbm>> -> memref<128xi32, #tpu.memory_space<hbm>>
      %dma_start3A_128 = arith.constant 0 : i32
      %dma_start3A_129 = tpu.memref_slice %arg5[%dma_start3A_123, %dma_start3A_128] : memref<8x128xi32, #tpu.memory_space<vmem>> -> memref<1x128xi32, #tpu.memory_space<vmem>>
      %dma_start3A_130 = tpu.memref_squeeze %dma_start3A_129 : memref<1x128xi32, #tpu.memory_space<vmem>> -> memref<128xi32, #tpu.memory_space<vmem>>
      %dma_start3A_131 = tpu.memref_slice %arg3[%mul3A_122] : memref<160000xi32, #tpu.memory_space<hbm>> -> memref<128xi32, #tpu.memory_space<hbm>>
      tpu.enqueue_dma source(%dma_start3A_131 : memref<128xi32, #tpu.memory_space<hbm>>) target(%dma_start3A_130 : memref<128xi32, #tpu.memory_space<vmem>>) target_semaphore(%arg7 : memref<!tpu.dma_semaphore, #tpu.memory_space<semaphore_mem>>)
      %mul3A_132 = arith.constant 128 : i32
      %mul3A_133 = arith.muli %min3A_59, %mul3A_132 : i32
      %dma_start3A_134 = arith.constant 5 : i32
      %dma_start3A_135 = arith.constant 0 : i32
      %dma_start3A_136 = tpu.memref_slice %arg5[%dma_start3A_134, %dma_start3A_135] : memref<8x128xi32, #tpu.memory_space<vmem>> -> memref<1x128xi32, #tpu.memory_space<vmem>>
      %dma_start3A_137 = tpu.memref_squeeze %dma_start3A_136 : memref<1x128xi32, #tpu.memory_space<vmem>> -> memref<128xi32, #tpu.memory_space<vmem>>
      %dma_start3A_138 = tpu.memref_slice %arg3[%mul3A_133] : memref<160000xi32, #tpu.memory_space<hbm>> -> memref<128xi32, #tpu.memory_space<hbm>>
      %dma_start3A_139 = arith.constant 0 : i32
      %dma_start3A_140 = tpu.memref_slice %arg5[%dma_start3A_134, %dma_start3A_139] : memref<8x128xi32, #tpu.memory_space<vmem>> -> memref<1x128xi32, #tpu.memory_space<vmem>>
      %dma_start3A_141 = tpu.memref_squeeze %dma_start3A_140 : memref<1x128xi32, #tpu.memory_space<vmem>> -> memref<128xi32, #tpu.memory_space<vmem>>
      %dma_start3A_142 = tpu.memref_slice %arg3[%mul3A_133] : memref<160000xi32, #tpu.memory_space<hbm>> -> memref<128xi32, #tpu.memory_space<hbm>>
      tpu.enqueue_dma source(%dma_start3A_142 : memref<128xi32, #tpu.memory_space<hbm>>) target(%dma_start3A_141 : memref<128xi32, #tpu.memory_space<vmem>>) target_semaphore(%arg7 : memref<!tpu.dma_semaphore, #tpu.memory_space<semaphore_mem>>)
      %mul3A_143 = arith.constant 128 : i32
      %mul3A_144 = arith.muli %min3A_68, %mul3A_143 : i32
      %dma_start3A_145 = arith.constant 6 : i32
      %dma_start3A_146 = arith.constant 0 : i32
      %dma_start3A_147 = tpu.memref_slice %arg5[%dma_start3A_145, %dma_start3A_146] : memref<8x128xi32, #tpu.memory_space<vmem>> -> memref<1x128xi32, #tpu.memory_space<vmem>>
      %dma_start3A_148 = tpu.memref_squeeze %dma_start3A_147 : memref<1x128xi32, #tpu.memory_space<vmem>> -> memref<128xi32, #tpu.memory_space<vmem>>
      %dma_start3A_149 = tpu.memref_slice %arg3[%mul3A_144] : memref<160000xi32, #tpu.memory_space<hbm>> -> memref<128xi32, #tpu.memory_space<hbm>>
      %dma_start3A_150 = arith.constant 0 : i32
      %dma_start3A_151 = tpu.memref_slice %arg5[%dma_start3A_145, %dma_start3A_150] : memref<8x128xi32, #tpu.memory_space<vmem>> -> memref<1x128xi32, #tpu.memory_space<vmem>>
      %dma_start3A_152 = tpu.memref_squeeze %dma_start3A_151 : memref<1x128xi32, #tpu.memory_space<vmem>> -> memref<128xi32, #tpu.memory_space<vmem>>
      %dma_start3A_153 = tpu.memref_slice %arg3[%mul3A_144] : memref<160000xi32, #tpu.memory_space<hbm>> -> memref<128xi32, #tpu.memory_space<hbm>>
      tpu.enqueue_dma source(%dma_start3A_153 : memref<128xi32, #tpu.memory_space<hbm>>) target(%dma_start3A_152 : memref<128xi32, #tpu.memory_space<vmem>>) target_semaphore(%arg7 : memref<!tpu.dma_semaphore, #tpu.memory_space<semaphore_mem>>)
      %mul3A_154 = arith.constant 128 : i32
      %mul3A_155 = arith.muli %min3A_77, %mul3A_154 : i32
      %dma_start3A_156 = arith.constant 7 : i32
      %dma_start3A_157 = arith.constant 0 : i32
      %dma_start3A_158 = tpu.memref_slice %arg5[%dma_start3A_156, %dma_start3A_157] : memref<8x128xi32, #tpu.memory_space<vmem>> -> memref<1x128xi32, #tpu.memory_space<vmem>>
      %dma_start3A_159 = tpu.memref_squeeze %dma_start3A_158 : memref<1x128xi32, #tpu.memory_space<vmem>> -> memref<128xi32, #tpu.memory_space<vmem>>
      %dma_start3A_160 = tpu.memref_slice %arg3[%mul3A_155] : memref<160000xi32, #tpu.memory_space<hbm>> -> memref<128xi32, #tpu.memory_space<hbm>>
      %dma_start3A_161 = arith.constant 0 : i32
      %dma_start3A_162 = tpu.memref_slice %arg5[%dma_start3A_156, %dma_start3A_161] : memref<8x128xi32, #tpu.memory_space<vmem>> -> memref<1x128xi32, #tpu.memory_space<vmem>>
      %dma_start3A_163 = tpu.memref_squeeze %dma_start3A_162 : memref<1x128xi32, #tpu.memory_space<vmem>> -> memref<128xi32, #tpu.memory_space<vmem>>
      %dma_start3A_164 = tpu.memref_slice %arg3[%mul3A_155] : memref<160000xi32, #tpu.memory_space<hbm>> -> memref<128xi32, #tpu.memory_space<hbm>>
      tpu.enqueue_dma source(%dma_start3A_164 : memref<128xi32, #tpu.memory_space<hbm>>) target(%dma_start3A_163 : memref<128xi32, #tpu.memory_space<vmem>>) target_semaphore(%arg7 : memref<!tpu.dma_semaphore, #tpu.memory_space<semaphore_mem>>)
      %dma_wait3A = arith.constant 0 : i32
      %dma_wait3A_165 = arith.constant 0 : i32
      %dma_wait3A_166 = tpu.memref_slice %arg5[%dma_wait3A, %dma_wait3A_165] : memref<8x128xi32, #tpu.memory_space<vmem>> -> memref<1x128xi32, #tpu.memory_space<vmem>>
      %dma_wait3A_167 = tpu.memref_squeeze %dma_wait3A_166 : memref<1x128xi32, #tpu.memory_space<vmem>> -> memref<128xi32, #tpu.memory_space<vmem>>
      %dma_wait3A_168 = tpu.memref_slice %arg3[%mul3A_79] : memref<160000xi32, #tpu.memory_space<hbm>> -> memref<128xi32, #tpu.memory_space<hbm>>
      %dma_wait3A_169 = arith.constant 0 : i32
      %dma_wait3A_170 = tpu.memref_slice %arg5[%dma_wait3A, %dma_wait3A_169] : memref<8x128xi32, #tpu.memory_space<vmem>> -> memref<1x128xi32, #tpu.memory_space<vmem>>
      %dma_wait3A_171 = tpu.memref_squeeze %dma_wait3A_170 : memref<1x128xi32, #tpu.memory_space<vmem>> -> memref<128xi32, #tpu.memory_space<vmem>>
      %dma_wait3A_172 = tpu.memref_slice %arg3[%mul3A_79] : memref<160000xi32, #tpu.memory_space<hbm>> -> memref<128xi32, #tpu.memory_space<hbm>>
      tpu.wait_dma2 semaphore(%arg7 : memref<!tpu.dma_semaphore, #tpu.memory_space<semaphore_mem>>) src(%dma_wait3A_172 : memref<128xi32, #tpu.memory_space<hbm>>) dst(%dma_wait3A_171 : memref<128xi32, #tpu.memory_space<vmem>>)
      %dma_wait3A_173 = arith.constant 1 : i32
      %dma_wait3A_174 = arith.constant 0 : i32
      %dma_wait3A_175 = tpu.memref_slice %arg5[%dma_wait3A_173, %dma_wait3A_174] : memref<8x128xi32, #tpu.memory_space<vmem>> -> memref<1x128xi32, #tpu.memory_space<vmem>>
      %dma_wait3A_176 = tpu.memref_squeeze %dma_wait3A_175 : memref<1x128xi32, #tpu.memory_space<vmem>> -> memref<128xi32, #tpu.memory_space<vmem>>
      %dma_wait3A_177 = tpu.memref_slice %arg3[%mul3A_89] : memref<160000xi32, #tpu.memory_space<hbm>> -> memref<128xi32, #tpu.memory_space<hbm>>
      %dma_wait3A_178 = arith.constant 0 : i32
      %dma_wait3A_179 = tpu.memref_slice %arg5[%dma_wait3A_173, %dma_wait3A_178] : memref<8x128xi32, #tpu.memory_space<vmem>> -> memref<1x128xi32, #tpu.memory_space<vmem>>
      %dma_wait3A_180 = tpu.memref_squeeze %dma_wait3A_179 : memref<1x128xi32, #tpu.memory_space<vmem>> -> memref<128xi32, #tpu.memory_space<vmem>>
      %dma_wait3A_181 = tpu.memref_slice %arg3[%mul3A_89] : memref<160000xi32, #tpu.memory_space<hbm>> -> memref<128xi32, #tpu.memory_space<hbm>>
      tpu.wait_dma2 semaphore(%arg7 : memref<!tpu.dma_semaphore, #tpu.memory_space<semaphore_mem>>) src(%dma_wait3A_181 : memref<128xi32, #tpu.memory_space<hbm>>) dst(%dma_wait3A_180 : memref<128xi32, #tpu.memory_space<vmem>>)
      %dma_wait3A_182 = arith.constant 2 : i32
      %dma_wait3A_183 = arith.constant 0 : i32
      %dma_wait3A_184 = tpu.memref_slice %arg5[%dma_wait3A_182, %dma_wait3A_183] : memref<8x128xi32, #tpu.memory_space<vmem>> -> memref<1x128xi32, #tpu.memory_space<vmem>>
      %dma_wait3A_185 = tpu.memref_squeeze %dma_wait3A_184 : memref<1x128xi32, #tpu.memory_space<vmem>> -> memref<128xi32, #tpu.memory_space<vmem>>
      %dma_wait3A_186 = tpu.memref_slice %arg3[%mul3A_100] : memref<160000xi32, #tpu.memory_space<hbm>> -> memref<128xi32, #tpu.memory_space<hbm>>
      %dma_wait3A_187 = arith.constant 0 : i32
      %dma_wait3A_188 = tpu.memref_slice %arg5[%dma_wait3A_182, %dma_wait3A_187] : memref<8x128xi32, #tpu.memory_space<vmem>> -> memref<1x128xi32, #tpu.memory_space<vmem>>
      %dma_wait3A_189 = tpu.memref_squeeze %dma_wait3A_188 : memref<1x128xi32, #tpu.memory_space<vmem>> -> memref<128xi32, #tpu.memory_space<vmem>>
      %dma_wait3A_190 = tpu.memref_slice %arg3[%mul3A_100] : memref<160000xi32, #tpu.memory_space<hbm>> -> memref<128xi32, #tpu.memory_space<hbm>>
      tpu.wait_dma2 semaphore(%arg7 : memref<!tpu.dma_semaphore, #tpu.memory_space<semaphore_mem>>) src(%dma_wait3A_190 : memref<128xi32, #tpu.memory_space<hbm>>) dst(%dma_wait3A_189 : memref<128xi32, #tpu.memory_space<vmem>>)
      %dma_wait3A_191 = arith.constant 3 : i32
      %dma_wait3A_192 = arith.constant 0 : i32
      %dma_wait3A_193 = tpu.memref_slice %arg5[%dma_wait3A_191, %dma_wait3A_192] : memref<8x128xi32, #tpu.memory_space<vmem>> -> memref<1x128xi32, #tpu.memory_space<vmem>>
      %dma_wait3A_194 = tpu.memref_squeeze %dma_wait3A_193 : memref<1x128xi32, #tpu.memory_space<vmem>> -> memref<128xi32, #tpu.memory_space<vmem>>
      %dma_wait3A_195 = tpu.memref_slice %arg3[%mul3A_111] : memref<160000xi32, #tpu.memory_space<hbm>> -> memref<128xi32, #tpu.memory_space<hbm>>
      %dma_wait3A_196 = arith.constant 0 : i32
      %dma_wait3A_197 = tpu.memref_slice %arg5[%dma_wait3A_191, %dma_wait3A_196] : memref<8x128xi32, #tpu.memory_space<vmem>> -> memref<1x128xi32, #tpu.memory_space<vmem>>
      %dma_wait3A_198 = tpu.memref_squeeze %dma_wait3A_197 : memref<1x128xi32, #tpu.memory_space<vmem>> -> memref<128xi32, #tpu.memory_space<vmem>>
      %dma_wait3A_199 = tpu.memref_slice %arg3[%mul3A_111] : memref<160000xi32, #tpu.memory_space<hbm>> -> memref<128xi32, #tpu.memory_space<hbm>>
      tpu.wait_dma2 semaphore(%arg7 : memref<!tpu.dma_semaphore, #tpu.memory_space<semaphore_mem>>) src(%dma_wait3A_199 : memref<128xi32, #tpu.memory_space<hbm>>) dst(%dma_wait3A_198 : memref<128xi32, #tpu.memory_space<vmem>>)
      %dma_wait3A_200 = arith.constant 4 : i32
      %dma_wait3A_201 = arith.constant 0 : i32
      %dma_wait3A_202 = tpu.memref_slice %arg5[%dma_wait3A_200, %dma_wait3A_201] : memref<8x128xi32, #tpu.memory_space<vmem>> -> memref<1x128xi32, #tpu.memory_space<vmem>>
      %dma_wait3A_203 = tpu.memref_squeeze %dma_wait3A_202 : memref<1x128xi32, #tpu.memory_space<vmem>> -> memref<128xi32, #tpu.memory_space<vmem>>
      %dma_wait3A_204 = tpu.memref_slice %arg3[%mul3A_122] : memref<160000xi32, #tpu.memory_space<hbm>> -> memref<128xi32, #tpu.memory_space<hbm>>
      %dma_wait3A_205 = arith.constant 0 : i32
      %dma_wait3A_206 = tpu.memref_slice %arg5[%dma_wait3A_200, %dma_wait3A_205] : memref<8x128xi32, #tpu.memory_space<vmem>> -> memref<1x128xi32, #tpu.memory_space<vmem>>
      %dma_wait3A_207 = tpu.memref_squeeze %dma_wait3A_206 : memref<1x128xi32, #tpu.memory_space<vmem>> -> memref<128xi32, #tpu.memory_space<vmem>>
      %dma_wait3A_208 = tpu.memref_slice %arg3[%mul3A_122] : memref<160000xi32, #tpu.memory_space<hbm>> -> memref<128xi32, #tpu.memory_space<hbm>>
      tpu.wait_dma2 semaphore(%arg7 : memref<!tpu.dma_semaphore, #tpu.memory_space<semaphore_mem>>) src(%dma_wait3A_208 : memref<128xi32, #tpu.memory_space<hbm>>) dst(%dma_wait3A_207 : memref<128xi32, #tpu.memory_space<vmem>>)
      %dma_wait3A_209 = arith.constant 5 : i32
      %dma_wait3A_210 = arith.constant 0 : i32
      %dma_wait3A_211 = tpu.memref_slice %arg5[%dma_wait3A_209, %dma_wait3A_210] : memref<8x128xi32, #tpu.memory_space<vmem>> -> memref<1x128xi32, #tpu.memory_space<vmem>>
      %dma_wait3A_212 = tpu.memref_squeeze %dma_wait3A_211 : memref<1x128xi32, #tpu.memory_space<vmem>> -> memref<128xi32, #tpu.memory_space<vmem>>
      %dma_wait3A_213 = tpu.memref_slice %arg3[%mul3A_133] : memref<160000xi32, #tpu.memory_space<hbm>> -> memref<128xi32, #tpu.memory_space<hbm>>
      %dma_wait3A_214 = arith.constant 0 : i32
      %dma_wait3A_215 = tpu.memref_slice %arg5[%dma_wait3A_209, %dma_wait3A_214] : memref<8x128xi32, #tpu.memory_space<vmem>> -> memref<1x128xi32, #tpu.memory_space<vmem>>
      %dma_wait3A_216 = tpu.memref_squeeze %dma_wait3A_215 : memref<1x128xi32, #tpu.memory_space<vmem>> -> memref<128xi32, #tpu.memory_space<vmem>>
      %dma_wait3A_217 = tpu.memref_slice %arg3[%mul3A_133] : memref<160000xi32, #tpu.memory_space<hbm>> -> memref<128xi32, #tpu.memory_space<hbm>>
      tpu.wait_dma2 semaphore(%arg7 : memref<!tpu.dma_semaphore, #tpu.memory_space<semaphore_mem>>) src(%dma_wait3A_217 : memref<128xi32, #tpu.memory_space<hbm>>) dst(%dma_wait3A_216 : memref<128xi32, #tpu.memory_space<vmem>>)
      %dma_wait3A_218 = arith.constant 6 : i32
      %dma_wait3A_219 = arith.constant 0 : i32
      %dma_wait3A_220 = tpu.memref_slice %arg5[%dma_wait3A_218, %dma_wait3A_219] : memref<8x128xi32, #tpu.memory_space<vmem>> -> memref<1x128xi32, #tpu.memory_space<vmem>>
      %dma_wait3A_221 = tpu.memref_squeeze %dma_wait3A_220 : memref<1x128xi32, #tpu.memory_space<vmem>> -> memref<128xi32, #tpu.memory_space<vmem>>
      %dma_wait3A_222 = tpu.memref_slice %arg3[%mul3A_144] : memref<160000xi32, #tpu.memory_space<hbm>> -> memref<128xi32, #tpu.memory_space<hbm>>
      %dma_wait3A_223 = arith.constant 0 : i32
      %dma_wait3A_224 = tpu.memref_slice %arg5[%dma_wait3A_218, %dma_wait3A_223] : memref<8x128xi32, #tpu.memory_space<vmem>> -> memref<1x128xi32, #tpu.memory_space<vmem>>
      %dma_wait3A_225 = tpu.memref_squeeze %dma_wait3A_224 : memref<1x128xi32, #tpu.memory_space<vmem>> -> memref<128xi32, #tpu.memory_space<vmem>>
      %dma_wait3A_226 = tpu.memref_slice %arg3[%mul3A_144] : memref<160000xi32, #tpu.memory_space<hbm>> -> memref<128xi32, #tpu.memory_space<hbm>>
      tpu.wait_dma2 semaphore(%arg7 : memref<!tpu.dma_semaphore, #tpu.memory_space<semaphore_mem>>) src(%dma_wait3A_226 : memref<128xi32, #tpu.memory_space<hbm>>) dst(%dma_wait3A_225 : memref<128xi32, #tpu.memory_space<vmem>>)
      %dma_wait3A_227 = arith.constant 7 : i32
      %dma_wait3A_228 = arith.constant 0 : i32
      %dma_wait3A_229 = tpu.memref_slice %arg5[%dma_wait3A_227, %dma_wait3A_228] : memref<8x128xi32, #tpu.memory_space<vmem>> -> memref<1x128xi32, #tpu.memory_space<vmem>>
      %dma_wait3A_230 = tpu.memref_squeeze %dma_wait3A_229 : memref<1x128xi32, #tpu.memory_space<vmem>> -> memref<128xi32, #tpu.memory_space<vmem>>
      %dma_wait3A_231 = tpu.memref_slice %arg3[%mul3A_155] : memref<160000xi32, #tpu.memory_space<hbm>> -> memref<128xi32, #tpu.memory_space<hbm>>
      %dma_wait3A_232 = arith.constant 0 : i32
      %dma_wait3A_233 = tpu.memref_slice %arg5[%dma_wait3A_227, %dma_wait3A_232] : memref<8x128xi32, #tpu.memory_space<vmem>> -> memref<1x128xi32, #tpu.memory_space<vmem>>
      %dma_wait3A_234 = tpu.memref_squeeze %dma_wait3A_233 : memref<1x128xi32, #tpu.memory_space<vmem>> -> memref<128xi32, #tpu.memory_space<vmem>>
      %dma_wait3A_235 = tpu.memref_slice %arg3[%mul3A_155] : memref<160000xi32, #tpu.memory_space<hbm>> -> memref<128xi32, #tpu.memory_space<hbm>>
      tpu.wait_dma2 semaphore(%arg7 : memref<!tpu.dma_semaphore, #tpu.memory_space<semaphore_mem>>) src(%dma_wait3A_235 : memref<128xi32, #tpu.memory_space<hbm>>) dst(%dma_wait3A_234 : memref<128xi32, #tpu.memory_space<vmem>>)
      %dma_start3A_236 = arith.constant 0 : i32
      %dma_start3A_237 = arith.constant 0 : i32
      %dma_start3A_238 = arith.constant 0 : i32
      %dma_start3A_239 = arith.constant 0 : i32
      %dma_start3A_240 = tpu.memref_slice %arg6[%dma_start3A_237, %dma_start3A_238, %dma_start3A_239] : memref<8x128x16xf32, #tpu.memory_space<vmem>> -> memref<1x128x16xf32, #tpu.memory_space<vmem>>
      %dma_start3A_241 = tpu.memref_squeeze %dma_start3A_240 : memref<1x128x16xf32, #tpu.memory_space<vmem>> -> memref<128x16xf32, #tpu.memory_space<vmem>>
      %dma_start3A_242 = arith.constant 0 : i32
      %dma_start3A_243 = tpu.memref_slice %arg5[%dma_start3A_236, %dma_start3A_242] : memref<8x128xi32, #tpu.memory_space<vmem>> -> memref<1x128xi32, #tpu.memory_space<vmem>>
      %dma_start3A_244 = tpu.memref_squeeze %dma_start3A_243 : memref<1x128xi32, #tpu.memory_space<vmem>> -> memref<128xi32, #tpu.memory_space<vmem>>
      %dma_start3A_245 = arith.constant 0 : i32
      %dma_start3A_246 = arith.constant 0 : i32
      %dma_start3A_247 = tpu.memref_slice %arg2[%dma_start3A_245, %dma_start3A_246] : memref<10000x16xf32, #tpu.memory_space<hbm>> -> memref<10000x16xf32, #tpu.memory_space<hbm>>
      tpu.enqueue_indirect_dma source(%dma_start3A_247 : memref<10000x16xf32, #tpu.memory_space<hbm>>) target(%dma_start3A_241 : memref<128x16xf32, #tpu.memory_space<vmem>>) offsets(%dma_start3A_244 : memref<128xi32, #tpu.memory_space<vmem>>) semaphore(%arg8 : memref<!tpu.dma_semaphore, #tpu.memory_space<semaphore_mem>>)
      %dma_start3A_248 = arith.constant 1 : i32
      %dma_start3A_249 = arith.constant 1 : i32
      %dma_start3A_250 = arith.constant 0 : i32
      %dma_start3A_251 = arith.constant 0 : i32
      %dma_start3A_252 = tpu.memref_slice %arg6[%dma_start3A_249, %dma_start3A_250, %dma_start3A_251] : memref<8x128x16xf32, #tpu.memory_space<vmem>> -> memref<1x128x16xf32, #tpu.memory_space<vmem>>
      %dma_start3A_253 = tpu.memref_squeeze %dma_start3A_252 : memref<1x128x16xf32, #tpu.memory_space<vmem>> -> memref<128x16xf32, #tpu.memory_space<vmem>>
      %dma_start3A_254 = arith.constant 0 : i32
      %dma_start3A_255 = tpu.memref_slice %arg5[%dma_start3A_248, %dma_start3A_254] : memref<8x128xi32, #tpu.memory_space<vmem>> -> memref<1x128xi32, #tpu.memory_space<vmem>>
      %dma_start3A_256 = tpu.memref_squeeze %dma_start3A_255 : memref<1x128xi32, #tpu.memory_space<vmem>> -> memref<128xi32, #tpu.memory_space<vmem>>
      %dma_start3A_257 = arith.constant 0 : i32
      %dma_start3A_258 = arith.constant 0 : i32
      %dma_start3A_259 = tpu.memref_slice %arg2[%dma_start3A_257, %dma_start3A_258] : memref<10000x16xf32, #tpu.memory_space<hbm>> -> memref<10000x16xf32, #tpu.memory_space<hbm>>
      tpu.enqueue_indirect_dma source(%dma_start3A_259 : memref<10000x16xf32, #tpu.memory_space<hbm>>) target(%dma_start3A_253 : memref<128x16xf32, #tpu.memory_space<vmem>>) offsets(%dma_start3A_256 : memref<128xi32, #tpu.memory_space<vmem>>) semaphore(%arg8 : memref<!tpu.dma_semaphore, #tpu.memory_space<semaphore_mem>>)
      %dma_start3A_260 = arith.constant 2 : i32
      %dma_start3A_261 = arith.constant 2 : i32
      %dma_start3A_262 = arith.constant 0 : i32
      %dma_start3A_263 = arith.constant 0 : i32
      %dma_start3A_264 = tpu.memref_slice %arg6[%dma_start3A_261, %dma_start3A_262, %dma_start3A_263] : memref<8x128x16xf32, #tpu.memory_space<vmem>> -> memref<1x128x16xf32, #tpu.memory_space<vmem>>
      %dma_start3A_265 = tpu.memref_squeeze %dma_start3A_264 : memref<1x128x16xf32, #tpu.memory_space<vmem>> -> memref<128x16xf32, #tpu.memory_space<vmem>>
      %dma_start3A_266 = arith.constant 0 : i32
      %dma_start3A_267 = tpu.memref_slice %arg5[%dma_start3A_260, %dma_start3A_266] : memref<8x128xi32, #tpu.memory_space<vmem>> -> memref<1x128xi32, #tpu.memory_space<vmem>>
      %dma_start3A_268 = tpu.memref_squeeze %dma_start3A_267 : memref<1x128xi32, #tpu.memory_space<vmem>> -> memref<128xi32, #tpu.memory_space<vmem>>
      %dma_start3A_269 = arith.constant 0 : i32
      %dma_start3A_270 = arith.constant 0 : i32
      %dma_start3A_271 = tpu.memref_slice %arg2[%dma_start3A_269, %dma_start3A_270] : memref<10000x16xf32, #tpu.memory_space<hbm>> -> memref<10000x16xf32, #tpu.memory_space<hbm>>
      tpu.enqueue_indirect_dma source(%dma_start3A_271 : memref<10000x16xf32, #tpu.memory_space<hbm>>) target(%dma_start3A_265 : memref<128x16xf32, #tpu.memory_space<vmem>>) offsets(%dma_start3A_268 : memref<128xi32, #tpu.memory_space<vmem>>) semaphore(%arg8 : memref<!tpu.dma_semaphore, #tpu.memory_space<semaphore_mem>>)
      %dma_start3A_272 = arith.constant 3 : i32
      %dma_start3A_273 = arith.constant 3 : i32
      %dma_start3A_274 = arith.constant 0 : i32
      %dma_start3A_275 = arith.constant 0 : i32
      %dma_start3A_276 = tpu.memref_slice %arg6[%dma_start3A_273, %dma_start3A_274, %dma_start3A_275] : memref<8x128x16xf32, #tpu.memory_space<vmem>> -> memref<1x128x16xf32, #tpu.memory_space<vmem>>
      %dma_start3A_277 = tpu.memref_squeeze %dma_start3A_276 : memref<1x128x16xf32, #tpu.memory_space<vmem>> -> memref<128x16xf32, #tpu.memory_space<vmem>>
      %dma_start3A_278 = arith.constant 0 : i32
      %dma_start3A_279 = tpu.memref_slice %arg5[%dma_start3A_272, %dma_start3A_278] : memref<8x128xi32, #tpu.memory_space<vmem>> -> memref<1x128xi32, #tpu.memory_space<vmem>>
      %dma_start3A_280 = tpu.memref_squeeze %dma_start3A_279 : memref<1x128xi32, #tpu.memory_space<vmem>> -> memref<128xi32, #tpu.memory_space<vmem>>
      %dma_start3A_281 = arith.constant 0 : i32
      %dma_start3A_282 = arith.constant 0 : i32
      %dma_start3A_283 = tpu.memref_slice %arg2[%dma_start3A_281, %dma_start3A_282] : memref<10000x16xf32, #tpu.memory_space<hbm>> -> memref<10000x16xf32, #tpu.memory_space<hbm>>
      tpu.enqueue_indirect_dma source(%dma_start3A_283 : memref<10000x16xf32, #tpu.memory_space<hbm>>) target(%dma_start3A_277 : memref<128x16xf32, #tpu.memory_space<vmem>>) offsets(%dma_start3A_280 : memref<128xi32, #tpu.memory_space<vmem>>) semaphore(%arg8 : memref<!tpu.dma_semaphore, #tpu.memory_space<semaphore_mem>>)
      %dma_start3A_284 = arith.constant 4 : i32
      %dma_start3A_285 = arith.constant 4 : i32
      %dma_start3A_286 = arith.constant 0 : i32
      %dma_start3A_287 = arith.constant 0 : i32
      %dma_start3A_288 = tpu.memref_slice %arg6[%dma_start3A_285, %dma_start3A_286, %dma_start3A_287] : memref<8x128x16xf32, #tpu.memory_space<vmem>> -> memref<1x128x16xf32, #tpu.memory_space<vmem>>
      %dma_start3A_289 = tpu.memref_squeeze %dma_start3A_288 : memref<1x128x16xf32, #tpu.memory_space<vmem>> -> memref<128x16xf32, #tpu.memory_space<vmem>>
      %dma_start3A_290 = arith.constant 0 : i32
      %dma_start3A_291 = tpu.memref_slice %arg5[%dma_start3A_284, %dma_start3A_290] : memref<8x128xi32, #tpu.memory_space<vmem>> -> memref<1x128xi32, #tpu.memory_space<vmem>>
      %dma_start3A_292 = tpu.memref_squeeze %dma_start3A_291 : memref<1x128xi32, #tpu.memory_space<vmem>> -> memref<128xi32, #tpu.memory_space<vmem>>
      %dma_start3A_293 = arith.constant 0 : i32
      %dma_start3A_294 = arith.constant 0 : i32
      %dma_start3A_295 = tpu.memref_slice %arg2[%dma_start3A_293, %dma_start3A_294] : memref<10000x16xf32, #tpu.memory_space<hbm>> -> memref<10000x16xf32, #tpu.memory_space<hbm>>
      tpu.enqueue_indirect_dma source(%dma_start3A_295 : memref<10000x16xf32, #tpu.memory_space<hbm>>) target(%dma_start3A_289 : memref<128x16xf32, #tpu.memory_space<vmem>>) offsets(%dma_start3A_292 : memref<128xi32, #tpu.memory_space<vmem>>) semaphore(%arg8 : memref<!tpu.dma_semaphore, #tpu.memory_space<semaphore_mem>>)
      %dma_start3A_296 = arith.constant 5 : i32
      %dma_start3A_297 = arith.constant 5 : i32
      %dma_start3A_298 = arith.constant 0 : i32
      %dma_start3A_299 = arith.constant 0 : i32
      %dma_start3A_300 = tpu.memref_slice %arg6[%dma_start3A_297, %dma_start3A_298, %dma_start3A_299] : memref<8x128x16xf32, #tpu.memory_space<vmem>> -> memref<1x128x16xf32, #tpu.memory_space<vmem>>
      %dma_start3A_301 = tpu.memref_squeeze %dma_start3A_300 : memref<1x128x16xf32, #tpu.memory_space<vmem>> -> memref<128x16xf32, #tpu.memory_space<vmem>>
      %dma_start3A_302 = arith.constant 0 : i32
      %dma_start3A_303 = tpu.memref_slice %arg5[%dma_start3A_296, %dma_start3A_302] : memref<8x128xi32, #tpu.memory_space<vmem>> -> memref<1x128xi32, #tpu.memory_space<vmem>>
      %dma_start3A_304 = tpu.memref_squeeze %dma_start3A_303 : memref<1x128xi32, #tpu.memory_space<vmem>> -> memref<128xi32, #tpu.memory_space<vmem>>
      %dma_start3A_305 = arith.constant 0 : i32
      %dma_start3A_306 = arith.constant 0 : i32
      %dma_start3A_307 = tpu.memref_slice %arg2[%dma_start3A_305, %dma_start3A_306] : memref<10000x16xf32, #tpu.memory_space<hbm>> -> memref<10000x16xf32, #tpu.memory_space<hbm>>
      tpu.enqueue_indirect_dma source(%dma_start3A_307 : memref<10000x16xf32, #tpu.memory_space<hbm>>) target(%dma_start3A_301 : memref<128x16xf32, #tpu.memory_space<vmem>>) offsets(%dma_start3A_304 : memref<128xi32, #tpu.memory_space<vmem>>) semaphore(%arg8 : memref<!tpu.dma_semaphore, #tpu.memory_space<semaphore_mem>>)
      %dma_start3A_308 = arith.constant 6 : i32
      %dma_start3A_309 = arith.constant 6 : i32
      %dma_start3A_310 = arith.constant 0 : i32
      %dma_start3A_311 = arith.constant 0 : i32
      %dma_start3A_312 = tpu.memref_slice %arg6[%dma_start3A_309, %dma_start3A_310, %dma_start3A_311] : memref<8x128x16xf32, #tpu.memory_space<vmem>> -> memref<1x128x16xf32, #tpu.memory_space<vmem>>
      %dma_start3A_313 = tpu.memref_squeeze %dma_start3A_312 : memref<1x128x16xf32, #tpu.memory_space<vmem>> -> memref<128x16xf32, #tpu.memory_space<vmem>>
      %dma_start3A_314 = arith.constant 0 : i32
      %dma_start3A_315 = tpu.memref_slice %arg5[%dma_start3A_308, %dma_start3A_314] : memref<8x128xi32, #tpu.memory_space<vmem>> -> memref<1x128xi32, #tpu.memory_space<vmem>>
      %dma_start3A_316 = tpu.memref_squeeze %dma_start3A_315 : memref<1x128xi32, #tpu.memory_space<vmem>> -> memref<128xi32, #tpu.memory_space<vmem>>
      %dma_start3A_317 = arith.constant 0 : i32
      %dma_start3A_318 = arith.constant 0 : i32
      %dma_start3A_319 = tpu.memref_slice %arg2[%dma_start3A_317, %dma_start3A_318] : memref<10000x16xf32, #tpu.memory_space<hbm>> -> memref<10000x16xf32, #tpu.memory_space<hbm>>
      tpu.enqueue_indirect_dma source(%dma_start3A_319 : memref<10000x16xf32, #tpu.memory_space<hbm>>) target(%dma_start3A_313 : memref<128x16xf32, #tpu.memory_space<vmem>>) offsets(%dma_start3A_316 : memref<128xi32, #tpu.memory_space<vmem>>) semaphore(%arg8 : memref<!tpu.dma_semaphore, #tpu.memory_space<semaphore_mem>>)
      %dma_start3A_320 = arith.constant 7 : i32
      %dma_start3A_321 = arith.constant 7 : i32
      %dma_start3A_322 = arith.constant 0 : i32
      %dma_start3A_323 = arith.constant 0 : i32
      %dma_start3A_324 = tpu.memref_slice %arg6[%dma_start3A_321, %dma_start3A_322, %dma_start3A_323] : memref<8x128x16xf32, #tpu.memory_space<vmem>> -> memref<1x128x16xf32, #tpu.memory_space<vmem>>
      %dma_start3A_325 = tpu.memref_squeeze %dma_start3A_324 : memref<1x128x16xf32, #tpu.memory_space<vmem>> -> memref<128x16xf32, #tpu.memory_space<vmem>>
      %dma_start3A_326 = arith.constant 0 : i32
      %dma_start3A_327 = tpu.memref_slice %arg5[%dma_start3A_320, %dma_start3A_326] : memref<8x128xi32, #tpu.memory_space<vmem>> -> memref<1x128xi32, #tpu.memory_space<vmem>>
      %dma_start3A_328 = tpu.memref_squeeze %dma_start3A_327 : memref<1x128xi32, #tpu.memory_space<vmem>> -> memref<128xi32, #tpu.memory_space<vmem>>
      %dma_start3A_329 = arith.constant 0 : i32
      %dma_start3A_330 = arith.constant 0 : i32
      %dma_start3A_331 = tpu.memref_slice %arg2[%dma_start3A_329, %dma_start3A_330] : memref<10000x16xf32, #tpu.memory_space<hbm>> -> memref<10000x16xf32, #tpu.memory_space<hbm>>
      tpu.enqueue_indirect_dma source(%dma_start3A_331 : memref<10000x16xf32, #tpu.memory_space<hbm>>) target(%dma_start3A_325 : memref<128x16xf32, #tpu.memory_space<vmem>>) offsets(%dma_start3A_328 : memref<128xi32, #tpu.memory_space<vmem>>) semaphore(%arg8 : memref<!tpu.dma_semaphore, #tpu.memory_space<semaphore_mem>>)
      %dma_wait3A_332 = arith.constant 0 : i32
      %dma_wait3A_333 = arith.constant 0 : i32
      %dma_wait3A_334 = arith.constant 0 : i32
      %dma_wait3A_335 = arith.constant 0 : i32
      %dma_wait3A_336 = tpu.memref_slice %arg6[%dma_wait3A_333, %dma_wait3A_334, %dma_wait3A_335] : memref<8x128x16xf32, #tpu.memory_space<vmem>> -> memref<1x128x16xf32, #tpu.memory_space<vmem>>
      %dma_wait3A_337 = tpu.memref_squeeze %dma_wait3A_336 : memref<1x128x16xf32, #tpu.memory_space<vmem>> -> memref<128x16xf32, #tpu.memory_space<vmem>>
      %dma_wait3A_338 = arith.constant 0 : i32
      %dma_wait3A_339 = tpu.memref_slice %arg5[%dma_wait3A_332, %dma_wait3A_338] : memref<8x128xi32, #tpu.memory_space<vmem>> -> memref<1x128xi32, #tpu.memory_space<vmem>>
      %dma_wait3A_340 = tpu.memref_squeeze %dma_wait3A_339 : memref<1x128xi32, #tpu.memory_space<vmem>> -> memref<128xi32, #tpu.memory_space<vmem>>
      %dma_wait3A_341 = arith.constant 0 : i32
      %dma_wait3A_342 = arith.constant 0 : i32
      %dma_wait3A_343 = tpu.memref_slice %arg2[%dma_wait3A_341, %dma_wait3A_342] : memref<10000x16xf32, #tpu.memory_space<hbm>> -> memref<10000x16xf32, #tpu.memory_space<hbm>>
      tpu.wait_indirect_dma semaphore(%arg8 : memref<!tpu.dma_semaphore, #tpu.memory_space<semaphore_mem>>) src(%dma_wait3A_343 : memref<10000x16xf32, #tpu.memory_space<hbm>>) dst(%dma_wait3A_337 : memref<128x16xf32, #tpu.memory_space<vmem>>)
      %dma_wait3A_344 = arith.constant 1 : i32
      %dma_wait3A_345 = arith.constant 1 : i32
      %dma_wait3A_346 = arith.constant 0 : i32
      %dma_wait3A_347 = arith.constant 0 : i32
      %dma_wait3A_348 = tpu.memref_slice %arg6[%dma_wait3A_345, %dma_wait3A_346, %dma_wait3A_347] : memref<8x128x16xf32, #tpu.memory_space<vmem>> -> memref<1x128x16xf32, #tpu.memory_space<vmem>>
      %dma_wait3A_349 = tpu.memref_squeeze %dma_wait3A_348 : memref<1x128x16xf32, #tpu.memory_space<vmem>> -> memref<128x16xf32, #tpu.memory_space<vmem>>
      %dma_wait3A_350 = arith.constant 0 : i32
      %dma_wait3A_351 = tpu.memref_slice %arg5[%dma_wait3A_344, %dma_wait3A_350] : memref<8x128xi32, #tpu.memory_space<vmem>> -> memref<1x128xi32, #tpu.memory_space<vmem>>
      %dma_wait3A_352 = tpu.memref_squeeze %dma_wait3A_351 : memref<1x128xi32, #tpu.memory_space<vmem>> -> memref<128xi32, #tpu.memory_space<vmem>>
      %dma_wait3A_353 = arith.constant 0 : i32
      %dma_wait3A_354 = arith.constant 0 : i32
      %dma_wait3A_355 = tpu.memref_slice %arg2[%dma_wait3A_353, %dma_wait3A_354] : memref<10000x16xf32, #tpu.memory_space<hbm>> -> memref<10000x16xf32, #tpu.memory_space<hbm>>
      tpu.wait_indirect_dma semaphore(%arg8 : memref<!tpu.dma_semaphore, #tpu.memory_space<semaphore_mem>>) src(%dma_wait3A_355 : memref<10000x16xf32, #tpu.memory_space<hbm>>) dst(%dma_wait3A_349 : memref<128x16xf32, #tpu.memory_space<vmem>>)
      %dma_wait3A_356 = arith.constant 2 : i32
      %dma_wait3A_357 = arith.constant 2 : i32
      %dma_wait3A_358 = arith.constant 0 : i32
      %dma_wait3A_359 = arith.constant 0 : i32
      %dma_wait3A_360 = tpu.memref_slice %arg6[%dma_wait3A_357, %dma_wait3A_358, %dma_wait3A_359] : memref<8x128x16xf32, #tpu.memory_space<vmem>> -> memref<1x128x16xf32, #tpu.memory_space<vmem>>
      %dma_wait3A_361 = tpu.memref_squeeze %dma_wait3A_360 : memref<1x128x16xf32, #tpu.memory_space<vmem>> -> memref<128x16xf32, #tpu.memory_space<vmem>>
      %dma_wait3A_362 = arith.constant 0 : i32
      %dma_wait3A_363 = tpu.memref_slice %arg5[%dma_wait3A_356, %dma_wait3A_362] : memref<8x128xi32, #tpu.memory_space<vmem>> -> memref<1x128xi32, #tpu.memory_space<vmem>>
      %dma_wait3A_364 = tpu.memref_squeeze %dma_wait3A_363 : memref<1x128xi32, #tpu.memory_space<vmem>> -> memref<128xi32, #tpu.memory_space<vmem>>
      %dma_wait3A_365 = arith.constant 0 : i32
      %dma_wait3A_366 = arith.constant 0 : i32
      %dma_wait3A_367 = tpu.memref_slice %arg2[%dma_wait3A_365, %dma_wait3A_366] : memref<10000x16xf32, #tpu.memory_space<hbm>> -> memref<10000x16xf32, #tpu.memory_space<hbm>>
      tpu.wait_indirect_dma semaphore(%arg8 : memref<!tpu.dma_semaphore, #tpu.memory_space<semaphore_mem>>) src(%dma_wait3A_367 : memref<10000x16xf32, #tpu.memory_space<hbm>>) dst(%dma_wait3A_361 : memref<128x16xf32, #tpu.memory_space<vmem>>)
      %dma_wait3A_368 = arith.constant 3 : i32
      %dma_wait3A_369 = arith.constant 3 : i32
      %dma_wait3A_370 = arith.constant 0 : i32
      %dma_wait3A_371 = arith.constant 0 : i32
      %dma_wait3A_372 = tpu.memref_slice %arg6[%dma_wait3A_369, %dma_wait3A_370, %dma_wait3A_371] : memref<8x128x16xf32, #tpu.memory_space<vmem>> -> memref<1x128x16xf32, #tpu.memory_space<vmem>>
      %dma_wait3A_373 = tpu.memref_squeeze %dma_wait3A_372 : memref<1x128x16xf32, #tpu.memory_space<vmem>> -> memref<128x16xf32, #tpu.memory_space<vmem>>
      %dma_wait3A_374 = arith.constant 0 : i32
      %dma_wait3A_375 = tpu.memref_slice %arg5[%dma_wait3A_368, %dma_wait3A_374] : memref<8x128xi32, #tpu.memory_space<vmem>> -> memref<1x128xi32, #tpu.memory_space<vmem>>
      %dma_wait3A_376 = tpu.memref_squeeze %dma_wait3A_375 : memref<1x128xi32, #tpu.memory_space<vmem>> -> memref<128xi32, #tpu.memory_space<vmem>>
      %dma_wait3A_377 = arith.constant 0 : i32
      %dma_wait3A_378 = arith.constant 0 : i32
      %dma_wait3A_379 = tpu.memref_slice %arg2[%dma_wait3A_377, %dma_wait3A_378] : memref<10000x16xf32, #tpu.memory_space<hbm>> -> memref<10000x16xf32, #tpu.memory_space<hbm>>
      tpu.wait_indirect_dma semaphore(%arg8 : memref<!tpu.dma_semaphore, #tpu.memory_space<semaphore_mem>>) src(%dma_wait3A_379 : memref<10000x16xf32, #tpu.memory_space<hbm>>) dst(%dma_wait3A_373 : memref<128x16xf32, #tpu.memory_space<vmem>>)
      %dma_wait3A_380 = arith.constant 4 : i32
      %dma_wait3A_381 = arith.constant 4 : i32
      %dma_wait3A_382 = arith.constant 0 : i32
      %dma_wait3A_383 = arith.constant 0 : i32
      %dma_wait3A_384 = tpu.memref_slice %arg6[%dma_wait3A_381, %dma_wait3A_382, %dma_wait3A_383] : memref<8x128x16xf32, #tpu.memory_space<vmem>> -> memref<1x128x16xf32, #tpu.memory_space<vmem>>
      %dma_wait3A_385 = tpu.memref_squeeze %dma_wait3A_384 : memref<1x128x16xf32, #tpu.memory_space<vmem>> -> memref<128x16xf32, #tpu.memory_space<vmem>>
      %dma_wait3A_386 = arith.constant 0 : i32
      %dma_wait3A_387 = tpu.memref_slice %arg5[%dma_wait3A_380, %dma_wait3A_386] : memref<8x128xi32, #tpu.memory_space<vmem>> -> memref<1x128xi32, #tpu.memory_space<vmem>>
      %dma_wait3A_388 = tpu.memref_squeeze %dma_wait3A_387 : memref<1x128xi32, #tpu.memory_space<vmem>> -> memref<128xi32, #tpu.memory_space<vmem>>
      %dma_wait3A_389 = arith.constant 0 : i32
      %dma_wait3A_390 = arith.constant 0 : i32
      %dma_wait3A_391 = tpu.memref_slice %arg2[%dma_wait3A_389, %dma_wait3A_390] : memref<10000x16xf32, #tpu.memory_space<hbm>> -> memref<10000x16xf32, #tpu.memory_space<hbm>>
      tpu.wait_indirect_dma semaphore(%arg8 : memref<!tpu.dma_semaphore, #tpu.memory_space<semaphore_mem>>) src(%dma_wait3A_391 : memref<10000x16xf32, #tpu.memory_space<hbm>>) dst(%dma_wait3A_385 : memref<128x16xf32, #tpu.memory_space<vmem>>)
      %dma_wait3A_392 = arith.constant 5 : i32
      %dma_wait3A_393 = arith.constant 5 : i32
      %dma_wait3A_394 = arith.constant 0 : i32
      %dma_wait3A_395 = arith.constant 0 : i32
      %dma_wait3A_396 = tpu.memref_slice %arg6[%dma_wait3A_393, %dma_wait3A_394, %dma_wait3A_395] : memref<8x128x16xf32, #tpu.memory_space<vmem>> -> memref<1x128x16xf32, #tpu.memory_space<vmem>>
      %dma_wait3A_397 = tpu.memref_squeeze %dma_wait3A_396 : memref<1x128x16xf32, #tpu.memory_space<vmem>> -> memref<128x16xf32, #tpu.memory_space<vmem>>
      %dma_wait3A_398 = arith.constant 0 : i32
      %dma_wait3A_399 = tpu.memref_slice %arg5[%dma_wait3A_392, %dma_wait3A_398] : memref<8x128xi32, #tpu.memory_space<vmem>> -> memref<1x128xi32, #tpu.memory_space<vmem>>
      %dma_wait3A_400 = tpu.memref_squeeze %dma_wait3A_399 : memref<1x128xi32, #tpu.memory_space<vmem>> -> memref<128xi32, #tpu.memory_space<vmem>>
      %dma_wait3A_401 = arith.constant 0 : i32
      %dma_wait3A_402 = arith.constant 0 : i32
      %dma_wait3A_403 = tpu.memref_slice %arg2[%dma_wait3A_401, %dma_wait3A_402] : memref<10000x16xf32, #tpu.memory_space<hbm>> -> memref<10000x16xf32, #tpu.memory_space<hbm>>
      tpu.wait_indirect_dma semaphore(%arg8 : memref<!tpu.dma_semaphore, #tpu.memory_space<semaphore_mem>>) src(%dma_wait3A_403 : memref<10000x16xf32, #tpu.memory_space<hbm>>) dst(%dma_wait3A_397 : memref<128x16xf32, #tpu.memory_space<vmem>>)
      %dma_wait3A_404 = arith.constant 6 : i32
      %dma_wait3A_405 = arith.constant 6 : i32
      %dma_wait3A_406 = arith.constant 0 : i32
      %dma_wait3A_407 = arith.constant 0 : i32
      %dma_wait3A_408 = tpu.memref_slice %arg6[%dma_wait3A_405, %dma_wait3A_406, %dma_wait3A_407] : memref<8x128x16xf32, #tpu.memory_space<vmem>> -> memref<1x128x16xf32, #tpu.memory_space<vmem>>
      %dma_wait3A_409 = tpu.memref_squeeze %dma_wait3A_408 : memref<1x128x16xf32, #tpu.memory_space<vmem>> -> memref<128x16xf32, #tpu.memory_space<vmem>>
      %dma_wait3A_410 = arith.constant 0 : i32
      %dma_wait3A_411 = tpu.memref_slice %arg5[%dma_wait3A_404, %dma_wait3A_410] : memref<8x128xi32, #tpu.memory_space<vmem>> -> memref<1x128xi32, #tpu.memory_space<vmem>>
      %dma_wait3A_412 = tpu.memref_squeeze %dma_wait3A_411 : memref<1x128xi32, #tpu.memory_space<vmem>> -> memref<128xi32, #tpu.memory_space<vmem>>
      %dma_wait3A_413 = arith.constant 0 : i32
      %dma_wait3A_414 = arith.constant 0 : i32
      %dma_wait3A_415 = tpu.memref_slice %arg2[%dma_wait3A_413, %dma_wait3A_414] : memref<10000x16xf32, #tpu.memory_space<hbm>> -> memref<10000x16xf32, #tpu.memory_space<hbm>>
      tpu.wait_indirect_dma semaphore(%arg8 : memref<!tpu.dma_semaphore, #tpu.memory_space<semaphore_mem>>) src(%dma_wait3A_415 : memref<10000x16xf32, #tpu.memory_space<hbm>>) dst(%dma_wait3A_409 : memref<128x16xf32, #tpu.memory_space<vmem>>)
      %dma_wait3A_416 = arith.constant 7 : i32
      %dma_wait3A_417 = arith.constant 7 : i32
      %dma_wait3A_418 = arith.constant 0 : i32
      %dma_wait3A_419 = arith.constant 0 : i32
      %dma_wait3A_420 = tpu.memref_slice %arg6[%dma_wait3A_417, %dma_wait3A_418, %dma_wait3A_419] : memref<8x128x16xf32, #tpu.memory_space<vmem>> -> memref<1x128x16xf32, #tpu.memory_space<vmem>>
      %dma_wait3A_421 = tpu.memref_squeeze %dma_wait3A_420 : memref<1x128x16xf32, #tpu.memory_space<vmem>> -> memref<128x16xf32, #tpu.memory_space<vmem>>
      %dma_wait3A_422 = arith.constant 0 : i32
      %dma_wait3A_423 = tpu.memref_slice %arg5[%dma_wait3A_416, %dma_wait3A_422] : memref<8x128xi32, #tpu.memory_space<vmem>> -> memref<1x128xi32, #tpu.memory_space<vmem>>
      %dma_wait3A_424 = tpu.memref_squeeze %dma_wait3A_423 : memref<1x128xi32, #tpu.memory_space<vmem>> -> memref<128xi32, #tpu.memory_space<vmem>>
      %dma_wait3A_425 = arith.constant 0 : i32
      %dma_wait3A_426 = arith.constant 0 : i32
      %dma_wait3A_427 = tpu.memref_slice %arg2[%dma_wait3A_425, %dma_wait3A_426] : memref<10000x16xf32, #tpu.memory_space<hbm>> -> memref<10000x16xf32, #tpu.memory_space<hbm>>
      tpu.wait_indirect_dma semaphore(%arg8 : memref<!tpu.dma_semaphore, #tpu.memory_space<semaphore_mem>>) src(%dma_wait3A_427 : memref<10000x16xf32, #tpu.memory_space<hbm>>) dst(%dma_wait3A_421 : memref<128x16xf32, #tpu.memory_space<vmem>>)
      %mul3A_428 = arith.constant 128 : i32
      %mul3A_429 = arith.muli %min3A_14, %mul3A_428 : i32
      %dma_start3A_430 = arith.constant 0 : i32
      %dma_start3A_431 = arith.constant 0 : i32
      %dma_start3A_432 = arith.constant 0 : i32
      %dma_start3A_433 = tpu.memref_slice %arg6[%dma_start3A_430, %dma_start3A_431, %dma_start3A_432] : memref<8x128x16xf32, #tpu.memory_space<vmem>> -> memref<1x128x16xf32, #tpu.memory_space<vmem>>
      %dma_start3A_434 = tpu.memref_squeeze %dma_start3A_433 : memref<1x128x16xf32, #tpu.memory_space<vmem>> -> memref<128x16xf32, #tpu.memory_space<vmem>>
      %dma_start3A_435 = arith.constant 0 : i32
      %dma_start3A_436 = tpu.memref_slice %arg4[%mul3A_429, %dma_start3A_435] : memref<160000x128xf32, #tpu.memory_space<hbm>> -> memref<128x16xf32, #tpu.memory_space<hbm>>
      %dma_start3A_437 = arith.constant 0 : i32
      %dma_start3A_438 = tpu.memref_slice %arg4[%mul3A_429, %dma_start3A_437] : memref<160000x128xf32, #tpu.memory_space<hbm>> -> memref<128x16xf32, #tpu.memory_space<hbm>>
      %dma_start3A_439 = arith.constant 0 : i32
      %dma_start3A_440 = arith.constant 0 : i32
      %dma_start3A_441 = tpu.memref_slice %arg6[%dma_start3A_430, %dma_start3A_439, %dma_start3A_440] : memref<8x128x16xf32, #tpu.memory_space<vmem>> -> memref<1x128x16xf32, #tpu.memory_space<vmem>>
      %dma_start3A_442 = tpu.memref_squeeze %dma_start3A_441 : memref<1x128x16xf32, #tpu.memory_space<vmem>> -> memref<128x16xf32, #tpu.memory_space<vmem>>
      tpu.enqueue_dma source(%dma_start3A_442 : memref<128x16xf32, #tpu.memory_space<vmem>>) target(%dma_start3A_438 : memref<128x16xf32, #tpu.memory_space<hbm>>) target_semaphore(%arg9 : memref<!tpu.dma_semaphore, #tpu.memory_space<semaphore_mem>>)
      %mul3A_443 = arith.constant 128 : i32
      %mul3A_444 = arith.muli %min3A_23, %mul3A_443 : i32
      %dma_start3A_445 = arith.constant 1 : i32
      %dma_start3A_446 = arith.constant 0 : i32
      %dma_start3A_447 = arith.constant 0 : i32
      %dma_start3A_448 = tpu.memref_slice %arg6[%dma_start3A_445, %dma_start3A_446, %dma_start3A_447] : memref<8x128x16xf32, #tpu.memory_space<vmem>> -> memref<1x128x16xf32, #tpu.memory_space<vmem>>
      %dma_start3A_449 = tpu.memref_squeeze %dma_start3A_448 : memref<1x128x16xf32, #tpu.memory_space<vmem>> -> memref<128x16xf32, #tpu.memory_space<vmem>>
      %dma_start3A_450 = arith.constant 0 : i32
      %dma_start3A_451 = tpu.memref_slice %arg4[%mul3A_444, %dma_start3A_450] : memref<160000x128xf32, #tpu.memory_space<hbm>> -> memref<128x16xf32, #tpu.memory_space<hbm>>
      %dma_start3A_452 = arith.constant 0 : i32
      %dma_start3A_453 = tpu.memref_slice %arg4[%mul3A_444, %dma_start3A_452] : memref<160000x128xf32, #tpu.memory_space<hbm>> -> memref<128x16xf32, #tpu.memory_space<hbm>>
      %dma_start3A_454 = arith.constant 0 : i32
      %dma_start3A_455 = arith.constant 0 : i32
      %dma_start3A_456 = tpu.memref_slice %arg6[%dma_start3A_445, %dma_start3A_454, %dma_start3A_455] : memref<8x128x16xf32, #tpu.memory_space<vmem>> -> memref<1x128x16xf32, #tpu.memory_space<vmem>>
      %dma_start3A_457 = tpu.memref_squeeze %dma_start3A_456 : memref<1x128x16xf32, #tpu.memory_space<vmem>> -> memref<128x16xf32, #tpu.memory_space<vmem>>
      tpu.enqueue_dma source(%dma_start3A_457 : memref<128x16xf32, #tpu.memory_space<vmem>>) target(%dma_start3A_453 : memref<128x16xf32, #tpu.memory_space<hbm>>) target_semaphore(%arg9 : memref<!tpu.dma_semaphore, #tpu.memory_space<semaphore_mem>>)
      %mul3A_458 = arith.constant 128 : i32
      %mul3A_459 = arith.muli %min3A_32, %mul3A_458 : i32
      %dma_start3A_460 = arith.constant 2 : i32
      %dma_start3A_461 = arith.constant 0 : i32
      %dma_start3A_462 = arith.constant 0 : i32
      %dma_start3A_463 = tpu.memref_slice %arg6[%dma_start3A_460, %dma_start3A_461, %dma_start3A_462] : memref<8x128x16xf32, #tpu.memory_space<vmem>> -> memref<1x128x16xf32, #tpu.memory_space<vmem>>
      %dma_start3A_464 = tpu.memref_squeeze %dma_start3A_463 : memref<1x128x16xf32, #tpu.memory_space<vmem>> -> memref<128x16xf32, #tpu.memory_space<vmem>>
      %dma_start3A_465 = arith.constant 0 : i32
      %dma_start3A_466 = tpu.memref_slice %arg4[%mul3A_459, %dma_start3A_465] : memref<160000x128xf32, #tpu.memory_space<hbm>> -> memref<128x16xf32, #tpu.memory_space<hbm>>
      %dma_start3A_467 = arith.constant 0 : i32
      %dma_start3A_468 = tpu.memref_slice %arg4[%mul3A_459, %dma_start3A_467] : memref<160000x128xf32, #tpu.memory_space<hbm>> -> memref<128x16xf32, #tpu.memory_space<hbm>>
      %dma_start3A_469 = arith.constant 0 : i32
      %dma_start3A_470 = arith.constant 0 : i32
      %dma_start3A_471 = tpu.memref_slice %arg6[%dma_start3A_460, %dma_start3A_469, %dma_start3A_470] : memref<8x128x16xf32, #tpu.memory_space<vmem>> -> memref<1x128x16xf32, #tpu.memory_space<vmem>>
      %dma_start3A_472 = tpu.memref_squeeze %dma_start3A_471 : memref<1x128x16xf32, #tpu.memory_space<vmem>> -> memref<128x16xf32, #tpu.memory_space<vmem>>
      tpu.enqueue_dma source(%dma_start3A_472 : memref<128x16xf32, #tpu.memory_space<vmem>>) target(%dma_start3A_468 : memref<128x16xf32, #tpu.memory_space<hbm>>) target_semaphore(%arg9 : memref<!tpu.dma_semaphore, #tpu.memory_space<semaphore_mem>>)
      %mul3A_473 = arith.constant 128 : i32
      %mul3A_474 = arith.muli %min3A_41, %mul3A_473 : i32
      %dma_start3A_475 = arith.constant 3 : i32
      %dma_start3A_476 = arith.constant 0 : i32
      %dma_start3A_477 = arith.constant 0 : i32
      %dma_start3A_478 = tpu.memref_slice %arg6[%dma_start3A_475, %dma_start3A_476, %dma_start3A_477] : memref<8x128x16xf32, #tpu.memory_space<vmem>> -> memref<1x128x16xf32, #tpu.memory_space<vmem>>
      %dma_start3A_479 = tpu.memref_squeeze %dma_start3A_478 : memref<1x128x16xf32, #tpu.memory_space<vmem>> -> memref<128x16xf32, #tpu.memory_space<vmem>>
      %dma_start3A_480 = arith.constant 0 : i32
      %dma_start3A_481 = tpu.memref_slice %arg4[%mul3A_474, %dma_start3A_480] : memref<160000x128xf32, #tpu.memory_space<hbm>> -> memref<128x16xf32, #tpu.memory_space<hbm>>
      %dma_start3A_482 = arith.constant 0 : i32
      %dma_start3A_483 = tpu.memref_slice %arg4[%mul3A_474, %dma_start3A_482] : memref<160000x128xf32, #tpu.memory_space<hbm>> -> memref<128x16xf32, #tpu.memory_space<hbm>>
      %dma_start3A_484 = arith.constant 0 : i32
      %dma_start3A_485 = arith.constant 0 : i32
      %dma_start3A_486 = tpu.memref_slice %arg6[%dma_start3A_475, %dma_start3A_484, %dma_start3A_485] : memref<8x128x16xf32, #tpu.memory_space<vmem>> -> memref<1x128x16xf32, #tpu.memory_space<vmem>>
      %dma_start3A_487 = tpu.memref_squeeze %dma_start3A_486 : memref<1x128x16xf32, #tpu.memory_space<vmem>> -> memref<128x16xf32, #tpu.memory_space<vmem>>
      tpu.enqueue_dma source(%dma_start3A_487 : memref<128x16xf32, #tpu.memory_space<vmem>>) target(%dma_start3A_483 : memref<128x16xf32, #tpu.memory_space<hbm>>) target_semaphore(%arg9 : memref<!tpu.dma_semaphore, #tpu.memory_space<semaphore_mem>>)
      %mul3A_488 = arith.constant 128 : i32
      %mul3A_489 = arith.muli %min3A_50, %mul3A_488 : i32
      %dma_start3A_490 = arith.constant 4 : i32
      %dma_start3A_491 = arith.constant 0 : i32
      %dma_start3A_492 = arith.constant 0 : i32
      %dma_start3A_493 = tpu.memref_slice %arg6[%dma_start3A_490, %dma_start3A_491, %dma_start3A_492] : memref<8x128x16xf32, #tpu.memory_space<vmem>> -> memref<1x128x16xf32, #tpu.memory_space<vmem>>
      %dma_start3A_494 = tpu.memref_squeeze %dma_start3A_493 : memref<1x128x16xf32, #tpu.memory_space<vmem>> -> memref<128x16xf32, #tpu.memory_space<vmem>>
      %dma_start3A_495 = arith.constant 0 : i32
      %dma_start3A_496 = tpu.memref_slice %arg4[%mul3A_489, %dma_start3A_495] : memref<160000x128xf32, #tpu.memory_space<hbm>> -> memref<128x16xf32, #tpu.memory_space<hbm>>
      %dma_start3A_497 = arith.constant 0 : i32
      %dma_start3A_498 = tpu.memref_slice %arg4[%mul3A_489, %dma_start3A_497] : memref<160000x128xf32, #tpu.memory_space<hbm>> -> memref<128x16xf32, #tpu.memory_space<hbm>>
      %dma_start3A_499 = arith.constant 0 : i32
      %dma_start3A_500 = arith.constant 0 : i32
      %dma_start3A_501 = tpu.memref_slice %arg6[%dma_start3A_490, %dma_start3A_499, %dma_start3A_500] : memref<8x128x16xf32, #tpu.memory_space<vmem>> -> memref<1x128x16xf32, #tpu.memory_space<vmem>>
      %dma_start3A_502 = tpu.memref_squeeze %dma_start3A_501 : memref<1x128x16xf32, #tpu.memory_space<vmem>> -> memref<128x16xf32, #tpu.memory_space<vmem>>
      tpu.enqueue_dma source(%dma_start3A_502 : memref<128x16xf32, #tpu.memory_space<vmem>>) target(%dma_start3A_498 : memref<128x16xf32, #tpu.memory_space<hbm>>) target_semaphore(%arg9 : memref<!tpu.dma_semaphore, #tpu.memory_space<semaphore_mem>>)
      %mul3A_503 = arith.constant 128 : i32
      %mul3A_504 = arith.muli %min3A_59, %mul3A_503 : i32
      %dma_start3A_505 = arith.constant 5 : i32
      %dma_start3A_506 = arith.constant 0 : i32
      %dma_start3A_507 = arith.constant 0 : i32
      %dma_start3A_508 = tpu.memref_slice %arg6[%dma_start3A_505, %dma_start3A_506, %dma_start3A_507] : memref<8x128x16xf32, #tpu.memory_space<vmem>> -> memref<1x128x16xf32, #tpu.memory_space<vmem>>
      %dma_start3A_509 = tpu.memref_squeeze %dma_start3A_508 : memref<1x128x16xf32, #tpu.memory_space<vmem>> -> memref<128x16xf32, #tpu.memory_space<vmem>>
      %dma_start3A_510 = arith.constant 0 : i32
      %dma_start3A_511 = tpu.memref_slice %arg4[%mul3A_504, %dma_start3A_510] : memref<160000x128xf32, #tpu.memory_space<hbm>> -> memref<128x16xf32, #tpu.memory_space<hbm>>
      %dma_start3A_512 = arith.constant 0 : i32
      %dma_start3A_513 = tpu.memref_slice %arg4[%mul3A_504, %dma_start3A_512] : memref<160000x128xf32, #tpu.memory_space<hbm>> -> memref<128x16xf32, #tpu.memory_space<hbm>>
      %dma_start3A_514 = arith.constant 0 : i32
      %dma_start3A_515 = arith.constant 0 : i32
      %dma_start3A_516 = tpu.memref_slice %arg6[%dma_start3A_505, %dma_start3A_514, %dma_start3A_515] : memref<8x128x16xf32, #tpu.memory_space<vmem>> -> memref<1x128x16xf32, #tpu.memory_space<vmem>>
      %dma_start3A_517 = tpu.memref_squeeze %dma_start3A_516 : memref<1x128x16xf32, #tpu.memory_space<vmem>> -> memref<128x16xf32, #tpu.memory_space<vmem>>
      tpu.enqueue_dma source(%dma_start3A_517 : memref<128x16xf32, #tpu.memory_space<vmem>>) target(%dma_start3A_513 : memref<128x16xf32, #tpu.memory_space<hbm>>) target_semaphore(%arg9 : memref<!tpu.dma_semaphore, #tpu.memory_space<semaphore_mem>>)
      %mul3A_518 = arith.constant 128 : i32
      %mul3A_519 = arith.muli %min3A_68, %mul3A_518 : i32
      %dma_start3A_520 = arith.constant 6 : i32
      %dma_start3A_521 = arith.constant 0 : i32
      %dma_start3A_522 = arith.constant 0 : i32
      %dma_start3A_523 = tpu.memref_slice %arg6[%dma_start3A_520, %dma_start3A_521, %dma_start3A_522] : memref<8x128x16xf32, #tpu.memory_space<vmem>> -> memref<1x128x16xf32, #tpu.memory_space<vmem>>
      %dma_start3A_524 = tpu.memref_squeeze %dma_start3A_523 : memref<1x128x16xf32, #tpu.memory_space<vmem>> -> memref<128x16xf32, #tpu.memory_space<vmem>>
      %dma_start3A_525 = arith.constant 0 : i32
      %dma_start3A_526 = tpu.memref_slice %arg4[%mul3A_519, %dma_start3A_525] : memref<160000x128xf32, #tpu.memory_space<hbm>> -> memref<128x16xf32, #tpu.memory_space<hbm>>
      %dma_start3A_527 = arith.constant 0 : i32
      %dma_start3A_528 = tpu.memref_slice %arg4[%mul3A_519, %dma_start3A_527] : memref<160000x128xf32, #tpu.memory_space<hbm>> -> memref<128x16xf32, #tpu.memory_space<hbm>>
      %dma_start3A_529 = arith.constant 0 : i32
      %dma_start3A_530 = arith.constant 0 : i32
      %dma_start3A_531 = tpu.memref_slice %arg6[%dma_start3A_520, %dma_start3A_529, %dma_start3A_530] : memref<8x128x16xf32, #tpu.memory_space<vmem>> -> memref<1x128x16xf32, #tpu.memory_space<vmem>>
      %dma_start3A_532 = tpu.memref_squeeze %dma_start3A_531 : memref<1x128x16xf32, #tpu.memory_space<vmem>> -> memref<128x16xf32, #tpu.memory_space<vmem>>
      tpu.enqueue_dma source(%dma_start3A_532 : memref<128x16xf32, #tpu.memory_space<vmem>>) target(%dma_start3A_528 : memref<128x16xf32, #tpu.memory_space<hbm>>) target_semaphore(%arg9 : memref<!tpu.dma_semaphore, #tpu.memory_space<semaphore_mem>>)
      %mul3A_533 = arith.constant 128 : i32
      %mul3A_534 = arith.muli %min3A_77, %mul3A_533 : i32
      %dma_start3A_535 = arith.constant 7 : i32
      %dma_start3A_536 = arith.constant 0 : i32
      %dma_start3A_537 = arith.constant 0 : i32
      %dma_start3A_538 = tpu.memref_slice %arg6[%dma_start3A_535, %dma_start3A_536, %dma_start3A_537] : memref<8x128x16xf32, #tpu.memory_space<vmem>> -> memref<1x128x16xf32, #tpu.memory_space<vmem>>
      %dma_start3A_539 = tpu.memref_squeeze %dma_start3A_538 : memref<1x128x16xf32, #tpu.memory_space<vmem>> -> memref<128x16xf32, #tpu.memory_space<vmem>>
      %dma_start3A_540 = arith.constant 0 : i32
      %dma_start3A_541 = tpu.memref_slice %arg4[%mul3A_534, %dma_start3A_540] : memref<160000x128xf32, #tpu.memory_space<hbm>> -> memref<128x16xf32, #tpu.memory_space<hbm>>
      %dma_start3A_542 = arith.constant 0 : i32
      %dma_start3A_543 = tpu.memref_slice %arg4[%mul3A_534, %dma_start3A_542] : memref<160000x128xf32, #tpu.memory_space<hbm>> -> memref<128x16xf32, #tpu.memory_space<hbm>>
      %dma_start3A_544 = arith.constant 0 : i32
      %dma_start3A_545 = arith.constant 0 : i32
      %dma_start3A_546 = tpu.memref_slice %arg6[%dma_start3A_535, %dma_start3A_544, %dma_start3A_545] : memref<8x128x16xf32, #tpu.memory_space<vmem>> -> memref<1x128x16xf32, #tpu.memory_space<vmem>>
      %dma_start3A_547 = tpu.memref_squeeze %dma_start3A_546 : memref<1x128x16xf32, #tpu.memory_space<vmem>> -> memref<128x16xf32, #tpu.memory_space<vmem>>
      tpu.enqueue_dma source(%dma_start3A_547 : memref<128x16xf32, #tpu.memory_space<vmem>>) target(%dma_start3A_543 : memref<128x16xf32, #tpu.memory_space<hbm>>) target_semaphore(%arg9 : memref<!tpu.dma_semaphore, #tpu.memory_space<semaphore_mem>>)
      %dma_wait3A_548 = arith.constant 0 : i32
      %dma_wait3A_549 = arith.constant 0 : i32
      %dma_wait3A_550 = arith.constant 0 : i32
      %dma_wait3A_551 = tpu.memref_slice %arg6[%dma_wait3A_548, %dma_wait3A_549, %dma_wait3A_550] : memref<8x128x16xf32, #tpu.memory_space<vmem>> -> memref<1x128x16xf32, #tpu.memory_space<vmem>>
      %dma_wait3A_552 = tpu.memref_squeeze %dma_wait3A_551 : memref<1x128x16xf32, #tpu.memory_space<vmem>> -> memref<128x16xf32, #tpu.memory_space<vmem>>
      %dma_wait3A_553 = arith.constant 0 : i32
      %dma_wait3A_554 = tpu.memref_slice %arg4[%mul3A_429, %dma_wait3A_553] : memref<160000x128xf32, #tpu.memory_space<hbm>> -> memref<128x16xf32, #tpu.memory_space<hbm>>
      %dma_wait3A_555 = arith.constant 0 : i32
      %dma_wait3A_556 = tpu.memref_slice %arg4[%mul3A_429, %dma_wait3A_555] : memref<160000x128xf32, #tpu.memory_space<hbm>> -> memref<128x16xf32, #tpu.memory_space<hbm>>
      %dma_wait3A_557 = arith.constant 0 : i32
      %dma_wait3A_558 = arith.constant 0 : i32
      %dma_wait3A_559 = tpu.memref_slice %arg6[%dma_wait3A_548, %dma_wait3A_557, %dma_wait3A_558] : memref<8x128x16xf32, #tpu.memory_space<vmem>> -> memref<1x128x16xf32, #tpu.memory_space<vmem>>
      %dma_wait3A_560 = tpu.memref_squeeze %dma_wait3A_559 : memref<1x128x16xf32, #tpu.memory_space<vmem>> -> memref<128x16xf32, #tpu.memory_space<vmem>>
      tpu.wait_dma2 semaphore(%arg9 : memref<!tpu.dma_semaphore, #tpu.memory_space<semaphore_mem>>) src(%dma_wait3A_560 : memref<128x16xf32, #tpu.memory_space<vmem>>) dst(%dma_wait3A_556 : memref<128x16xf32, #tpu.memory_space<hbm>>)
      %dma_wait3A_561 = arith.constant 1 : i32
      %dma_wait3A_562 = arith.constant 0 : i32
      %dma_wait3A_563 = arith.constant 0 : i32
      %dma_wait3A_564 = tpu.memref_slice %arg6[%dma_wait3A_561, %dma_wait3A_562, %dma_wait3A_563] : memref<8x128x16xf32, #tpu.memory_space<vmem>> -> memref<1x128x16xf32, #tpu.memory_space<vmem>>
      %dma_wait3A_565 = tpu.memref_squeeze %dma_wait3A_564 : memref<1x128x16xf32, #tpu.memory_space<vmem>> -> memref<128x16xf32, #tpu.memory_space<vmem>>
      %dma_wait3A_566 = arith.constant 0 : i32
      %dma_wait3A_567 = tpu.memref_slice %arg4[%mul3A_444, %dma_wait3A_566] : memref<160000x128xf32, #tpu.memory_space<hbm>> -> memref<128x16xf32, #tpu.memory_space<hbm>>
      %dma_wait3A_568 = arith.constant 0 : i32
      %dma_wait3A_569 = tpu.memref_slice %arg4[%mul3A_444, %dma_wait3A_568] : memref<160000x128xf32, #tpu.memory_space<hbm>> -> memref<128x16xf32, #tpu.memory_space<hbm>>
      %dma_wait3A_570 = arith.constant 0 : i32
      %dma_wait3A_571 = arith.constant 0 : i32
      %dma_wait3A_572 = tpu.memref_slice %arg6[%dma_wait3A_561, %dma_wait3A_570, %dma_wait3A_571] : memref<8x128x16xf32, #tpu.memory_space<vmem>> -> memref<1x128x16xf32, #tpu.memory_space<vmem>>
      %dma_wait3A_573 = tpu.memref_squeeze %dma_wait3A_572 : memref<1x128x16xf32, #tpu.memory_space<vmem>> -> memref<128x16xf32, #tpu.memory_space<vmem>>
      tpu.wait_dma2 semaphore(%arg9 : memref<!tpu.dma_semaphore, #tpu.memory_space<semaphore_mem>>) src(%dma_wait3A_573 : memref<128x16xf32, #tpu.memory_space<vmem>>) dst(%dma_wait3A_569 : memref<128x16xf32, #tpu.memory_space<hbm>>)
      %dma_wait3A_574 = arith.constant 2 : i32
      %dma_wait3A_575 = arith.constant 0 : i32
      %dma_wait3A_576 = arith.constant 0 : i32
      %dma_wait3A_577 = tpu.memref_slice %arg6[%dma_wait3A_574, %dma_wait3A_575, %dma_wait3A_576] : memref<8x128x16xf32, #tpu.memory_space<vmem>> -> memref<1x128x16xf32, #tpu.memory_space<vmem>>
      %dma_wait3A_578 = tpu.memref_squeeze %dma_wait3A_577 : memref<1x128x16xf32, #tpu.memory_space<vmem>> -> memref<128x16xf32, #tpu.memory_space<vmem>>
      %dma_wait3A_579 = arith.constant 0 : i32
      %dma_wait3A_580 = tpu.memref_slice %arg4[%mul3A_459, %dma_wait3A_579] : memref<160000x128xf32, #tpu.memory_space<hbm>> -> memref<128x16xf32, #tpu.memory_space<hbm>>
      %dma_wait3A_581 = arith.constant 0 : i32
      %dma_wait3A_582 = tpu.memref_slice %arg4[%mul3A_459, %dma_wait3A_581] : memref<160000x128xf32, #tpu.memory_space<hbm>> -> memref<128x16xf32, #tpu.memory_space<hbm>>
      %dma_wait3A_583 = arith.constant 0 : i32
      %dma_wait3A_584 = arith.constant 0 : i32
      %dma_wait3A_585 = tpu.memref_slice %arg6[%dma_wait3A_574, %dma_wait3A_583, %dma_wait3A_584] : memref<8x128x16xf32, #tpu.memory_space<vmem>> -> memref<1x128x16xf32, #tpu.memory_space<vmem>>
      %dma_wait3A_586 = tpu.memref_squeeze %dma_wait3A_585 : memref<1x128x16xf32, #tpu.memory_space<vmem>> -> memref<128x16xf32, #tpu.memory_space<vmem>>
      tpu.wait_dma2 semaphore(%arg9 : memref<!tpu.dma_semaphore, #tpu.memory_space<semaphore_mem>>) src(%dma_wait3A_586 : memref<128x16xf32, #tpu.memory_space<vmem>>) dst(%dma_wait3A_582 : memref<128x16xf32, #tpu.memory_space<hbm>>)
      %dma_wait3A_587 = arith.constant 3 : i32
      %dma_wait3A_588 = arith.constant 0 : i32
      %dma_wait3A_589 = arith.constant 0 : i32
      %dma_wait3A_590 = tpu.memref_slice %arg6[%dma_wait3A_587, %dma_wait3A_588, %dma_wait3A_589] : memref<8x128x16xf32, #tpu.memory_space<vmem>> -> memref<1x128x16xf32, #tpu.memory_space<vmem>>
      %dma_wait3A_591 = tpu.memref_squeeze %dma_wait3A_590 : memref<1x128x16xf32, #tpu.memory_space<vmem>> -> memref<128x16xf32, #tpu.memory_space<vmem>>
      %dma_wait3A_592 = arith.constant 0 : i32
      %dma_wait3A_593 = tpu.memref_slice %arg4[%mul3A_474, %dma_wait3A_592] : memref<160000x128xf32, #tpu.memory_space<hbm>> -> memref<128x16xf32, #tpu.memory_space<hbm>>
      %dma_wait3A_594 = arith.constant 0 : i32
      %dma_wait3A_595 = tpu.memref_slice %arg4[%mul3A_474, %dma_wait3A_594] : memref<160000x128xf32, #tpu.memory_space<hbm>> -> memref<128x16xf32, #tpu.memory_space<hbm>>
      %dma_wait3A_596 = arith.constant 0 : i32
      %dma_wait3A_597 = arith.constant 0 : i32
      %dma_wait3A_598 = tpu.memref_slice %arg6[%dma_wait3A_587, %dma_wait3A_596, %dma_wait3A_597] : memref<8x128x16xf32, #tpu.memory_space<vmem>> -> memref<1x128x16xf32, #tpu.memory_space<vmem>>
      %dma_wait3A_599 = tpu.memref_squeeze %dma_wait3A_598 : memref<1x128x16xf32, #tpu.memory_space<vmem>> -> memref<128x16xf32, #tpu.memory_space<vmem>>
      tpu.wait_dma2 semaphore(%arg9 : memref<!tpu.dma_semaphore, #tpu.memory_space<semaphore_mem>>) src(%dma_wait3A_599 : memref<128x16xf32, #tpu.memory_space<vmem>>) dst(%dma_wait3A_595 : memref<128x16xf32, #tpu.memory_space<hbm>>)
      %dma_wait3A_600 = arith.constant 4 : i32
      %dma_wait3A_601 = arith.constant 0 : i32
      %dma_wait3A_602 = arith.constant 0 : i32
      %dma_wait3A_603 = tpu.memref_slice %arg6[%dma_wait3A_600, %dma_wait3A_601, %dma_wait3A_602] : memref<8x128x16xf32, #tpu.memory_space<vmem>> -> memref<1x128x16xf32, #tpu.memory_space<vmem>>
      %dma_wait3A_604 = tpu.memref_squeeze %dma_wait3A_603 : memref<1x128x16xf32, #tpu.memory_space<vmem>> -> memref<128x16xf32, #tpu.memory_space<vmem>>
      %dma_wait3A_605 = arith.constant 0 : i32
      %dma_wait3A_606 = tpu.memref_slice %arg4[%mul3A_489, %dma_wait3A_605] : memref<160000x128xf32, #tpu.memory_space<hbm>> -> memref<128x16xf32, #tpu.memory_space<hbm>>
      %dma_wait3A_607 = arith.constant 0 : i32
      %dma_wait3A_608 = tpu.memref_slice %arg4[%mul3A_489, %dma_wait3A_607] : memref<160000x128xf32, #tpu.memory_space<hbm>> -> memref<128x16xf32, #tpu.memory_space<hbm>>
      %dma_wait3A_609 = arith.constant 0 : i32
      %dma_wait3A_610 = arith.constant 0 : i32
      %dma_wait3A_611 = tpu.memref_slice %arg6[%dma_wait3A_600, %dma_wait3A_609, %dma_wait3A_610] : memref<8x128x16xf32, #tpu.memory_space<vmem>> -> memref<1x128x16xf32, #tpu.memory_space<vmem>>
      %dma_wait3A_612 = tpu.memref_squeeze %dma_wait3A_611 : memref<1x128x16xf32, #tpu.memory_space<vmem>> -> memref<128x16xf32, #tpu.memory_space<vmem>>
      tpu.wait_dma2 semaphore(%arg9 : memref<!tpu.dma_semaphore, #tpu.memory_space<semaphore_mem>>) src(%dma_wait3A_612 : memref<128x16xf32, #tpu.memory_space<vmem>>) dst(%dma_wait3A_608 : memref<128x16xf32, #tpu.memory_space<hbm>>)
      %dma_wait3A_613 = arith.constant 5 : i32
      %dma_wait3A_614 = arith.constant 0 : i32
      %dma_wait3A_615 = arith.constant 0 : i32
      %dma_wait3A_616 = tpu.memref_slice %arg6[%dma_wait3A_613, %dma_wait3A_614, %dma_wait3A_615] : memref<8x128x16xf32, #tpu.memory_space<vmem>> -> memref<1x128x16xf32, #tpu.memory_space<vmem>>
      %dma_wait3A_617 = tpu.memref_squeeze %dma_wait3A_616 : memref<1x128x16xf32, #tpu.memory_space<vmem>> -> memref<128x16xf32, #tpu.memory_space<vmem>>
      %dma_wait3A_618 = arith.constant 0 : i32
      %dma_wait3A_619 = tpu.memref_slice %arg4[%mul3A_504, %dma_wait3A_618] : memref<160000x128xf32, #tpu.memory_space<hbm>> -> memref<128x16xf32, #tpu.memory_space<hbm>>
      %dma_wait3A_620 = arith.constant 0 : i32
      %dma_wait3A_621 = tpu.memref_slice %arg4[%mul3A_504, %dma_wait3A_620] : memref<160000x128xf32, #tpu.memory_space<hbm>> -> memref<128x16xf32, #tpu.memory_space<hbm>>
      %dma_wait3A_622 = arith.constant 0 : i32
      %dma_wait3A_623 = arith.constant 0 : i32
      %dma_wait3A_624 = tpu.memref_slice %arg6[%dma_wait3A_613, %dma_wait3A_622, %dma_wait3A_623] : memref<8x128x16xf32, #tpu.memory_space<vmem>> -> memref<1x128x16xf32, #tpu.memory_space<vmem>>
      %dma_wait3A_625 = tpu.memref_squeeze %dma_wait3A_624 : memref<1x128x16xf32, #tpu.memory_space<vmem>> -> memref<128x16xf32, #tpu.memory_space<vmem>>
      tpu.wait_dma2 semaphore(%arg9 : memref<!tpu.dma_semaphore, #tpu.memory_space<semaphore_mem>>) src(%dma_wait3A_625 : memref<128x16xf32, #tpu.memory_space<vmem>>) dst(%dma_wait3A_621 : memref<128x16xf32, #tpu.memory_space<hbm>>)
      %dma_wait3A_626 = arith.constant 6 : i32
      %dma_wait3A_627 = arith.constant 0 : i32
      %dma_wait3A_628 = arith.constant 0 : i32
      %dma_wait3A_629 = tpu.memref_slice %arg6[%dma_wait3A_626, %dma_wait3A_627, %dma_wait3A_628] : memref<8x128x16xf32, #tpu.memory_space<vmem>> -> memref<1x128x16xf32, #tpu.memory_space<vmem>>
      %dma_wait3A_630 = tpu.memref_squeeze %dma_wait3A_629 : memref<1x128x16xf32, #tpu.memory_space<vmem>> -> memref<128x16xf32, #tpu.memory_space<vmem>>
      %dma_wait3A_631 = arith.constant 0 : i32
      %dma_wait3A_632 = tpu.memref_slice %arg4[%mul3A_519, %dma_wait3A_631] : memref<160000x128xf32, #tpu.memory_space<hbm>> -> memref<128x16xf32, #tpu.memory_space<hbm>>
      %dma_wait3A_633 = arith.constant 0 : i32
      %dma_wait3A_634 = tpu.memref_slice %arg4[%mul3A_519, %dma_wait3A_633] : memref<160000x128xf32, #tpu.memory_space<hbm>> -> memref<128x16xf32, #tpu.memory_space<hbm>>
      %dma_wait3A_635 = arith.constant 0 : i32
      %dma_wait3A_636 = arith.constant 0 : i32
      %dma_wait3A_637 = tpu.memref_slice %arg6[%dma_wait3A_626, %dma_wait3A_635, %dma_wait3A_636] : memref<8x128x16xf32, #tpu.memory_space<vmem>> -> memref<1x128x16xf32, #tpu.memory_space<vmem>>
      %dma_wait3A_638 = tpu.memref_squeeze %dma_wait3A_637 : memref<1x128x16xf32, #tpu.memory_space<vmem>> -> memref<128x16xf32, #tpu.memory_space<vmem>>
      tpu.wait_dma2 semaphore(%arg9 : memref<!tpu.dma_semaphore, #tpu.memory_space<semaphore_mem>>) src(%dma_wait3A_638 : memref<128x16xf32, #tpu.memory_space<vmem>>) dst(%dma_wait3A_634 : memref<128x16xf32, #tpu.memory_space<hbm>>)
      %dma_wait3A_639 = arith.constant 7 : i32
      %dma_wait3A_640 = arith.constant 0 : i32
      %dma_wait3A_641 = arith.constant 0 : i32
      %dma_wait3A_642 = tpu.memref_slice %arg6[%dma_wait3A_639, %dma_wait3A_640, %dma_wait3A_641] : memref<8x128x16xf32, #tpu.memory_space<vmem>> -> memref<1x128x16xf32, #tpu.memory_space<vmem>>
      %dma_wait3A_643 = tpu.memref_squeeze %dma_wait3A_642 : memref<1x128x16xf32, #tpu.memory_space<vmem>> -> memref<128x16xf32, #tpu.memory_space<vmem>>
      %dma_wait3A_644 = arith.constant 0 : i32
      %dma_wait3A_645 = tpu.memref_slice %arg4[%mul3A_534, %dma_wait3A_644] : memref<160000x128xf32, #tpu.memory_space<hbm>> -> memref<128x16xf32, #tpu.memory_space<hbm>>
      %dma_wait3A_646 = arith.constant 0 : i32
      %dma_wait3A_647 = tpu.memref_slice %arg4[%mul3A_534, %dma_wait3A_646] : memref<160000x128xf32, #tpu.memory_space<hbm>> -> memref<128x16xf32, #tpu.memory_space<hbm>>
      %dma_wait3A_648 = arith.constant 0 : i32
      %dma_wait3A_649 = arith.constant 0 : i32
      %dma_wait3A_650 = tpu.memref_slice %arg6[%dma_wait3A_639, %dma_wait3A_648, %dma_wait3A_649] : memref<8x128x16xf32, #tpu.memory_space<vmem>> -> memref<1x128x16xf32, #tpu.memory_space<vmem>>
      %dma_wait3A_651 = tpu.memref_squeeze %dma_wait3A_650 : memref<1x128x16xf32, #tpu.memory_space<vmem>> -> memref<128x16xf32, #tpu.memory_space<vmem>>
      tpu.wait_dma2 semaphore(%arg9 : memref<!tpu.dma_semaphore, #tpu.memory_space<semaphore_mem>>) src(%dma_wait3A_651 : memref<128x16xf32, #tpu.memory_space<vmem>>) dst(%dma_wait3A_647 : memref<128x16xf32, #tpu.memory_space<hbm>>)
    }
    %scan3A_5 = arith.constant 5 : i32
    return
  }
}

module attributes {stable_mosaic.version = 14 : i64} {
  func.func @_main_body(%arg0: i32, %arg1: memref<8000x128xf32, #tpu.memory_space<vmem>>, %arg2: memref<1x1x8000xf32, #tpu.memory_space<vmem>>, %arg3: memref<1x1x8000xf32, #tpu.memory_space<vmem>>, %arg4: memref<8x64xf32, #tpu.memory_space<vmem>>, %arg5: memref<64x256xf32, #tpu.memory_space<vmem>>, %arg6: memref<8000x128xf32, #tpu.memory_space<vmem>>) attributes {dimension_semantics = [#tpu.dimension_semantics<arbitrary>], iteration_bounds = array<i64: 20>, scalar_prefetch = 0 : i64, scratch_operands = 0 : i64, tpu.core_type = #tpu.core_type<tc>, window_params = [{transform_indices = @transform_0, window_bounds = array<i64: 8000, 128>}, {transform_indices = @transform_1, window_bounds = array<i64: 1, 1, 8000>}, {transform_indices = @transform_2, window_bounds = array<i64: 1, 1, 8000>}, {pipeline_mode = #tpu.pipeline_mode<synchronous>, transform_indices = @transform_3, window_bounds = array<i64: 8, 64>}, {pipeline_mode = #tpu.pipeline_mode<synchronous>, transform_indices = @transform_4, window_bounds = array<i64: 64, 256>}, {transform_indices = @transform_5, window_bounds = array<i64: 8000, 128>}]} {
    %get3A = arith.constant 0 : index
    %get3A_0 = arith.constant 0 : index
    %get3A_1 = vector.load %arg1[%get3A, %get3A_0] : memref<8000x128xf32, #tpu.memory_space<vmem>>, vector<8000x128xf32>
    %get3A_2 = arith.constant 0 : index
    %get3A_3 = arith.constant 0 : index
    %get3A_4 = arith.constant 0 : index
    %get3A_5 = vector.load %arg2[%get3A_2, %get3A_3, %get3A_4] : memref<1x1x8000xf32, #tpu.memory_space<vmem>>, vector<1x1x8000xf32>
    %reshape3A = vector.shape_cast %get3A_5 : vector<1x1x8000xf32> to vector<1x8000xf32>
    %get3A_6 = arith.constant 0 : index
    %get3A_7 = arith.constant 0 : index
    %get3A_8 = arith.constant 0 : index
    %get3A_9 = vector.load %arg3[%get3A_6, %get3A_7, %get3A_8] : memref<1x1x8000xf32, #tpu.memory_space<vmem>>, vector<1x1x8000xf32>
    %reshape3A_10 = vector.shape_cast %get3A_9 : vector<1x1x8000xf32> to vector<1x8000xf32>
    %slice3A = vector.extract_strided_slice %get3A_1 {offsets = [0, 0], sizes = [8000, 16], strides = [1, 1]} : vector<8000x128xf32> to vector<8000x16xf32>
    %iota3A = tpu.iota {dimensions = array<i32: 0>} : vector<8x1xi32>
    %convert_element_type3A = arith.sitofp %iota3A : vector<8x1xi32> to vector<8x1xf32>
    %mul3A = arith.constant 0.714285731 : f32
    %mul3A_11 = vector.broadcast %mul3A : f32 to vector<8x1xf32>
    %mul3A_12 = arith.mulf %convert_element_type3A, %mul3A_11 : vector<8x1xf32>
    %sub3A = vector.broadcast %reshape3A : vector<1x8000xf32> to vector<8x8000xf32>
    %sub3A_13 = vector.broadcast %mul3A_12 : vector<8x1xf32> to vector<8x8000xf32>
    %sub3A_14 = arith.subf %sub3A, %sub3A_13 : vector<8x8000xf32>
    %mul3A_15 = arith.constant -5.000000e-01 : f32
    %mul3A_16 = vector.broadcast %mul3A_15 : f32 to vector<8x8000xf32>
    %mul3A_17 = arith.mulf %mul3A_16, %sub3A_14 : vector<8x8000xf32>
    %mul3A_18 = arith.mulf %mul3A_17, %sub3A_14 : vector<8x8000xf32>
    %exp3A = math.exp %mul3A_18 : vector<8x8000xf32>
    %get3A_19 = arith.constant 0 : index
    %get3A_20 = arith.constant 0 : index
    %get3A_21 = vector.load %arg4[%get3A_19, %get3A_20] : memref<8x64xf32, #tpu.memory_space<vmem>>, vector<8x64xf32>
    %mul3A_22 = arith.constant 0.353553385 : f32
    %mul3A_23 = vector.broadcast %mul3A_22 : f32 to vector<8x64xf32>
    %mul3A_24 = arith.mulf %get3A_21, %mul3A_23 : vector<8x64xf32>
    %transpose3A = tpu.transpose %mul3A_24, [1, 0] : vector<8x64xf32> -> vector<64x8xf32>
    %dot_general3A = arith.constant dense<0.000000e+00> : vector<64x8000xf32>
    %dot_general3A_25 = tpu.matmul %transpose3A, %exp3A, %dot_general3A {dimension_numbers = #tpu.dot_dimension_numbers<[1], [0], [0], [1], [0, 0, 1, 1], [], []>, transpose_lhs_hint = false} : vector<64x8xf32>, vector<8x8000xf32>, vector<64x8000xf32> -> vector<64x8000xf32>
    %neg3A = arith.constant 0.000000e+00 : f32
    %neg3A_26 = vector.broadcast %neg3A : f32 to vector<64x8000xf32>
    %neg3A_27 = arith.subf %neg3A_26, %dot_general3A_25 : vector<64x8000xf32>
    %exp3A_28 = math.exp %neg3A_27 : vector<64x8000xf32>
    %add3A = arith.constant 1.000000e+00 : f32
    %add3A_29 = vector.broadcast %add3A : f32 to vector<64x8000xf32>
    %add3A_30 = arith.addf %add3A_29, %exp3A_28 : vector<64x8000xf32>
    %div3A = arith.divf %dot_general3A_25, %add3A_30 : vector<64x8000xf32>
    %mul3A_31 = arith.constant 2.500000e-01 : f32
    %mul3A_32 = vector.broadcast %mul3A_31 : f32 to vector<1x8000xf32>
    %mul3A_33 = arith.mulf %reshape3A_10, %mul3A_32 : vector<1x8000xf32>
    %mul3A_34 = vector.broadcast %mul3A_33 : vector<1x8000xf32> to vector<64x8000xf32>
    %mul3A_35 = arith.mulf %div3A, %mul3A_34 : vector<64x8000xf32>
    %transpose3A_36 = tpu.transpose %mul3A_35, [1, 0] : vector<64x8000xf32> -> vector<8000x64xf32>
    %get3A_37 = arith.constant 0 : index
    %get3A_38 = arith.constant 0 : index
    %get3A_39 = vector.load %arg5[%get3A_37, %get3A_38] : memref<64x256xf32, #tpu.memory_space<vmem>>, vector<64x256xf32>
    %mul3A_40 = arith.constant 1.250000e-01 : f32
    %mul3A_41 = vector.broadcast %mul3A_40 : f32 to vector<64x256xf32>
    %mul3A_42 = arith.mulf %get3A_39, %mul3A_41 : vector<64x256xf32>
    %dot_general3A_43 = arith.constant dense<0.000000e+00> : vector<8000x256xf32>
    %dot_general3A_44 = tpu.matmul %transpose3A_36, %mul3A_42, %dot_general3A_43 {dimension_numbers = #tpu.dot_dimension_numbers<[1], [0], [0], [1], [0, 0, 1, 1], [], []>, transpose_lhs_hint = false} : vector<8000x64xf32>, vector<64x256xf32>, vector<8000x256xf32> -> vector<8000x256xf32>
    %iota3A_45 = tpu.iota {dimensions = array<i32: 0>} : vector<16x256xi32>
    %iota3A_46 = tpu.iota {dimensions = array<i32: 1>} : vector<16x256xi32>
    %jit3A = arith.constant 16 : i32
    %eq3A = arith.constant 0 : i32
    %eq3A_47 = arith.cmpi eq, %jit3A, %eq3A : i32
    %jit3A_48 = arith.constant 1 : i32
    %select_n3A = arith.select %eq3A_47, %jit3A_48, %jit3A : i32
    %rem3A = vector.broadcast %select_n3A : i32 to vector<16x256xi32>
    %rem3A_49 = arith.remsi %iota3A_46, %rem3A : vector<16x256xi32>
    %ne3A = arith.constant 0 : i32
    %ne3A_50 = vector.broadcast %ne3A : i32 to vector<16x256xi32>
    %ne3A_51 = arith.cmpi ne, %rem3A_49, %ne3A_50 : vector<16x256xi32>
    %lt3A = arith.constant 0 : i32
    %lt3A_52 = vector.broadcast %lt3A : i32 to vector<16x256xi32>
    %lt3A_53 = arith.cmpi slt, %rem3A_49, %lt3A_52 : vector<16x256xi32>
    %lt3A_54 = arith.constant 0 : i32
    %lt3A_55 = arith.cmpi slt, %select_n3A, %lt3A_54 : i32
    %ne3A_56 = vector.broadcast %lt3A_55 : i1 to vector<16x256xi1>
    %ne3A_57 = vector.broadcast %ne3A_56 : vector<16x256xi1> to vector<16x256xi1>
    %ne3A_58 = arith.xori %lt3A_53, %ne3A_57 : vector<16x256xi1>
    %and3A = arith.andi %ne3A_58, %ne3A_51 : vector<16x256xi1>
    %add3A_59 = vector.broadcast %select_n3A : i32 to vector<16x256xi32>
    %add3A_60 = arith.addi %rem3A_49, %add3A_59 : vector<16x256xi32>
    %select_n3A_61 = arith.select %and3A, %add3A_60, %rem3A_49 : vector<16x256xi1>, vector<16x256xi32>
    %eq3A_62 = arith.cmpi eq, %select_n3A_61, %iota3A_45 : vector<16x256xi32>
    %jit3A_63 = arith.constant 1.000000e+00 : f32
    %jit3A_64 = arith.constant 0.000000e+00 : f32
    %broadcast_in_dim3A = vector.broadcast %jit3A_63 : f32 to vector<16x256xf32>
    %broadcast_in_dim3A_65 = vector.broadcast %jit3A_64 : f32 to vector<16x256xf32>
    %select_n3A_66 = arith.select %eq3A_62, %broadcast_in_dim3A, %broadcast_in_dim3A_65 : vector<16x256xi1>, vector<16x256xf32>
    %dot_general3A_67 = arith.constant dense<0.000000e+00> : vector<8000x256xf32>
    %dot_general3A_68 = tpu.matmul %slice3A, %select_n3A_66, %dot_general3A_67 {dimension_numbers = #tpu.dot_dimension_numbers<[1], [0], [0], [1], [0, 0, 1, 1], [], []>, transpose_lhs_hint = false} : vector<8000x16xf32>, vector<16x256xf32>, vector<8000x256xf32> -> vector<8000x256xf32>
    %mul3A_69 = arith.mulf %dot_general3A_44, %dot_general3A_68 : vector<8000x256xf32>
    %iota3A_70 = tpu.iota {dimensions = array<i32: 0>} : vector<256x16xi32>
    %iota3A_71 = tpu.iota {dimensions = array<i32: 1>} : vector<256x16xi32>
    %jit3A_72 = arith.constant 16 : i32
    %div3A_73 = vector.broadcast %jit3A_72 : i32 to vector<256x16xi32>
    %div3A_74 = arith.divsi %iota3A_70, %div3A_73 : vector<256x16xi32>
    %sign3A = arith.constant 0 : i32
    %sign3A_75 = vector.broadcast %sign3A : i32 to vector<256x16xi32>
    %sign3A_76 = arith.cmpi sgt, %iota3A_70, %sign3A_75 : vector<256x16xi32>
    %sign3A_77 = arith.extui %sign3A_76 : vector<256x16xi1> to vector<256x16xi32>
    %sign3A_78 = arith.constant 0 : i32
    %sign3A_79 = vector.broadcast %sign3A_78 : i32 to vector<256x16xi32>
    %sign3A_80 = arith.cmpi slt, %iota3A_70, %sign3A_79 : vector<256x16xi32>
    %sign3A_81 = arith.extui %sign3A_80 : vector<256x16xi1> to vector<256x16xi32>
    %sign3A_82 = arith.subi %sign3A_77, %sign3A_81 : vector<256x16xi32>
    %sign3A_83 = arith.constant 0 : i32
    %sign3A_84 = arith.cmpi sgt, %jit3A_72, %sign3A_83 : i32
    %sign3A_85 = arith.extui %sign3A_84 : i1 to i32
    %sign3A_86 = arith.constant 0 : i32
    %sign3A_87 = arith.cmpi slt, %jit3A_72, %sign3A_86 : i32
    %sign3A_88 = arith.extui %sign3A_87 : i1 to i32
    %sign3A_89 = arith.subi %sign3A_85, %sign3A_88 : i32
    %ne3A_90 = vector.broadcast %sign3A_89 : i32 to vector<256x16xi32>
    %ne3A_91 = arith.cmpi ne, %sign3A_82, %ne3A_90 : vector<256x16xi32>
    %rem3A_92 = vector.broadcast %jit3A_72 : i32 to vector<256x16xi32>
    %rem3A_93 = arith.remsi %iota3A_70, %rem3A_92 : vector<256x16xi32>
    %ne3A_94 = arith.constant 0 : i32
    %ne3A_95 = vector.broadcast %ne3A_94 : i32 to vector<256x16xi32>
    %ne3A_96 = arith.cmpi ne, %rem3A_93, %ne3A_95 : vector<256x16xi32>
    %and3A_97 = arith.andi %ne3A_91, %ne3A_96 : vector<256x16xi1>
    %sub3A_98 = arith.constant 1 : i32
    %sub3A_99 = vector.broadcast %sub3A_98 : i32 to vector<256x16xi32>
    %sub3A_100 = arith.subi %div3A_74, %sub3A_99 : vector<256x16xi32>
    %select_n3A_101 = arith.select %and3A_97, %sub3A_100, %div3A_74 : vector<256x16xi1>, vector<256x16xi32>
    %eq3A_102 = arith.cmpi eq, %select_n3A_101, %iota3A_71 : vector<256x16xi32>
    %jit3A_103 = arith.constant 1.000000e+00 : f32
    %jit3A_104 = arith.constant 0.000000e+00 : f32
    %broadcast_in_dim3A_105 = vector.broadcast %jit3A_103 : f32 to vector<256x16xf32>
    %broadcast_in_dim3A_106 = vector.broadcast %jit3A_104 : f32 to vector<256x16xf32>
    %select_n3A_107 = arith.select %eq3A_102, %broadcast_in_dim3A_105, %broadcast_in_dim3A_106 : vector<256x16xi1>, vector<256x16xf32>
    %dot_general3A_108 = arith.constant dense<0.000000e+00> : vector<8000x16xf32>
    %dot_general3A_109 = tpu.matmul %mul3A_69, %select_n3A_107, %dot_general3A_108 {dimension_numbers = #tpu.dot_dimension_numbers<[1], [0], [0], [1], [0, 0, 1, 1], [], []>, transpose_lhs_hint = false} : vector<8000x256xf32>, vector<256x16xf32>, vector<8000x16xf32> -> vector<8000x16xf32>
    %swap3A = arith.constant 0 : index
    %swap3A_110 = arith.constant 0 : index
    %swap3A_111 = vector.load %arg6[%swap3A, %swap3A_110] : memref<8000x128xf32, #tpu.memory_space<vmem>>, vector<8000x16xf32>
    tpu.vector_store %arg6[%swap3A, %swap3A_110], %dot_general3A_109 {strides = array<i32>} : memref<8000x128xf32, #tpu.memory_space<vmem>>, vector<8000x16xf32>,
    return
  }
  func.func @transform_0(%arg0: i32) -> (i32, i32) {
    %c0_i32 = arith.constant 0 : i32
    %c0_i32_0 = arith.constant 0 : i32
    return %arg0, %c0_i32 : i32, i32
  }
  func.func @transform_1(%arg0: i32) -> (i32, i32, i32) {
    %c0_i32 = arith.constant 0 : i32
    %c0_i32_0 = arith.constant 0 : i32
    %c0_i32_1 = arith.constant 0 : i32
    return %arg0, %c0_i32, %c0_i32_0 : i32, i32, i32
  }
  func.func @transform_2(%arg0: i32) -> (i32, i32, i32) {
    %c0_i32 = arith.constant 0 : i32
    %c0_i32_0 = arith.constant 0 : i32
    %c0_i32_1 = arith.constant 0 : i32
    return %arg0, %c0_i32, %c0_i32_0 : i32, i32, i32
  }
  func.func @transform_3(%arg0: i32) -> (i32, i32) {
    %c0_i32 = arith.constant 0 : i32
    %c0_i32_0 = arith.constant 0 : i32
    %c0_i32_1 = arith.constant 0 : i32
    return %c0_i32, %c0_i32_0 : i32, i32
  }
  func.func @transform_4(%arg0: i32) -> (i32, i32) {
    %c0_i32 = arith.constant 0 : i32
    %c0_i32_0 = arith.constant 0 : i32
    %c0_i32_1 = arith.constant 0 : i32
    return %c0_i32, %c0_i32_0 : i32, i32
  }
  func.func @transform_5(%arg0: i32) -> (i32, i32) {
    %c0_i32 = arith.constant 0 : i32
    %c0_i32_0 = arith.constant 0 : i32
    return %arg0, %c0_i32 : i32, i32
  }
}

module attributes {stable_mosaic.version = 14 : i64} {
  func.func @_comb_body(%arg0: memref<20000x128xf32, #tpu.memory_space<vmem>>, %arg1: memref<20000x128xf32, #tpu.memory_space<vmem>>, %arg2: memref<10000x16xf32, #tpu.memory_space<vmem>>, %arg3: memref<16x16xf32, #tpu.memory_space<vmem>>, %arg4: memref<10000x16xf32, #tpu.memory_space<vmem>>) attributes {dimension_semantics = [], scalar_prefetch = 0 : i64, scratch_operands = 0 : i64, tpu.core_type = #tpu.core_type<tc>} {
    %get3A = arith.constant 0 : index
    %get3A_0 = arith.constant 0 : index
    %get3A_1 = vector.load %arg0[%get3A, %get3A_0] : memref<20000x128xf32, #tpu.memory_space<vmem>>, vector<10000x16xf32>
    %get3A_2 = arith.constant 10000 : index
    %get3A_3 = arith.constant 0 : index
    %get3A_4 = vector.load %arg0[%get3A_2, %get3A_3] : memref<20000x128xf32, #tpu.memory_space<vmem>>, vector<10000x16xf32>
    %add3A = arith.addf %get3A_1, %get3A_4 : vector<10000x16xf32>
    %get3A_5 = arith.constant 0 : index
    %get3A_6 = arith.constant 0 : index
    %get3A_7 = vector.load %arg1[%get3A_5, %get3A_6] : memref<20000x128xf32, #tpu.memory_space<vmem>>, vector<10000x16xf32>
    %add3A_8 = arith.addf %add3A, %get3A_7 : vector<10000x16xf32>
    %get3A_9 = arith.constant 10000 : index
    %get3A_10 = arith.constant 0 : index
    %get3A_11 = vector.load %arg1[%get3A_9, %get3A_10] : memref<20000x128xf32, #tpu.memory_space<vmem>>, vector<10000x16xf32>
    %add3A_12 = arith.addf %add3A_8, %get3A_11 : vector<10000x16xf32>
    %get3A_13 = arith.constant 0 : index
    %get3A_14 = arith.constant 0 : index
    %get3A_15 = vector.load %arg3[%get3A_13, %get3A_14] : memref<16x16xf32, #tpu.memory_space<vmem>>, vector<16x16xf32>
    %mul3A = arith.constant 2.500000e-01 : f32
    %mul3A_16 = vector.broadcast %mul3A : f32 to vector<16x16xf32>
    %mul3A_17 = arith.mulf %get3A_15, %mul3A_16 : vector<16x16xf32>
    %get3A_18 = arith.constant 0 : index
    %get3A_19 = arith.constant 0 : index
    %get3A_20 = vector.load %arg2[%get3A_18, %get3A_19] : memref<10000x16xf32, #tpu.memory_space<vmem>>, vector<10000x16xf32>
    %dot_general3A = arith.constant dense<0.000000e+00> : vector<10000x16xf32>
    %dot_general3A_21 = tpu.matmul %get3A_20, %mul3A_17, %dot_general3A {dimension_numbers = #tpu.dot_dimension_numbers<[1], [0], [0], [1], [0, 0, 1, 1], [], []>, transpose_lhs_hint = false} : vector<10000x16xf32>, vector<16x16xf32>, vector<10000x16xf32> -> vector<10000x16xf32>
    %add3A_22 = arith.addf %add3A_12, %dot_general3A_21 : vector<10000x16xf32>
    %swap3A = arith.constant 0 : index
    %swap3A_23 = arith.constant 0 : index
    %swap3A_24 = vector.load %arg4[%swap3A, %swap3A_23] : memref<10000x16xf32, #tpu.memory_space<vmem>>, vector<10000x16xf32>
    tpu.vector_store %arg4[%swap3A, %swap3A_23], %add3A_22 {strides = array<i32>} : memref<10000x16xf32, #tpu.memory_space<vmem>>, vector<10000x16xf32>,
    return
  }
}

</mosaic_0001>

<sc_bundles>
// kernel: kernel.12.cloned.1.call-start
scs
__scs_entry_jumppad:
0x0: {  	(pc) =	sbr.rel $0x88, $3  }
0x1: {  	(tag) =	ssettag $0x0;
	lr =	simm.s32 $0x1  }
0x2: {  	[smem:$0x3F99] =	sst lr;
	_ =	strace $0xD0000000  }
0x3: {  	_ = 	snop  }
0x4: {  	_ = 	snop  }
0x5: {  	_ = 	snop  }
0x6: {  	_ = 	snop  }
0x7: {  	_ = 	snop  }
__scs_overlays_trampoline_lowered:
0x8: {  	[smem:$0x3FA8] =	sst s0  }
0x9: {  	[smem:$0x3FA9] =	sst s1  }
0xa: {  	[smem:$0x3FAA] =	sst s2  }
0xb: {  	[smem:$0x3FAB] =	sst s3  }
0xc: {  	[smem:$0x3FAC] =	sst s4  }
0xd: {  	[smem:$0x3FAD] =	sst s5  }
0xe: {  	[smem:$0x3FAE] =	sst s6  }
0xf: {  	[smem:$0x3FAF] =	sst s7  }
0x10: {  	[smem:$0x3FB0] =	sst s8  }
0x11: {  	[smem:$0x3FB1] =	sst s9;
	s0 =	simm.s32 @!p0 $0x0  }
0x12: {  	s1 =	sld [smem:$0x3F97];
	s0 =	simm.s32 @p0 $0x1  }
0x13: {  	[smem:$0x3FB2] =	sst s0;
	s0 =	simm.s32 @!p1 $0x0  }
0x14: {  	s2 =	sld [smem:$0x3F96];
	s0 =	simm.s32 @p1 $0x1  }
0x15: {  	[smem:$0x3FB3] =	sst s0;
	s0 =	simm.s32 @!p2 $0x0  }
0x16: {  	s3 =	sld [smem:$0x3FDB];
	s0 =	simm.s32 @p2 $0x1  }
0x17: {  	s4 =	simm.s32 $0x1BF5;
	[smem:$0x3FB5] =	sst s0  }
0x18: {  	s0 =	sld [smem:$0x3F98];
	_ =	swait.ge [sflag:s4], $0x0  }
0x19: {  	s7 =	sld [smem:$0x3F99]  }
0x1a: {  	s8 =	sadd.s32 $0xFFFFE003, lr  }
0x1b: {  	s9 =	sadd.s32 $0xFFFFFEF7, lr;
	s5 =	simm.s32 $0xFFFFFFFF;
	p2 =	slt.u32 s8, $0xFFFFF086  }
0x1c: {  	p1 =	slt.u32 s9, $0xF7A;
	s5 =	simm.s32 @!p2 $0x0  }
0x1d: {  	s5 =	simm.s32 @p1 $0x1;
	p0 =	seq.s32 s7, s2  }
0x1e: {  	s7 =	smul.u32 @!p0 $0xF7A, s2;
	p2 =	seq.s32 @!p0 s5, $0x0  }
0x1f: {  	s9 =	smul.u32 $0xF7A, s1;
	s8 =	simm.s32 @!p0 $0x1BF5;
	p2 =	por !p2, p0  }
0x20: {  	[sflag:s8] =	ssyncset.s32 @!p0 $0xFFFFF086;
	s6 =	sadd.s32 @!p0 s3, s7;
	s7 =	simm.s32 @!p0 $0x108  }
0x21: {  	s3 =	sadd.s32 s3, s9;
	s6 =	sadd.s32 @!p0 $0x88, s6;
	s7 =	simm.s32 @p2 $0x1082  }
0x22: {  	[simem:s7], [sflag:s8] =	dma.local @!p0 [hbm:s6], $0xF7A  }
0x23: {  	s9 =	sor.u32 $0xD0000000, s2;
	s6 =	simm.s32 $0x108;
	_ =	swait.ge @!p0 [sflag:s8], $0x0  }
0x24: {  	s3 =	sadd.s32 $0x88, s3;
	s6 =	simm.s32 @!p1 $0x1082;
	[sflag:s4] =	ssyncset.s32 $0xFFFFF086  }
0x25: {  	[simem:s6], [sflag:s4] =	dma.local [hbm:s3], $0xF7A  }
0x26: {  	[smem:$0x3F99] =	sst s1;
	(tag) =	ssettag s2;
	_ =	strace s9  }
0x27: {  	s1 =	sld [smem:$0x3FA9]  }
0x28: {  	s2 =	sld [smem:$0x3FAA]  }
0x29: {  	s4 =	sld [smem:$0x3FAC]  }
0x2a: {  	p0 =	seq.s32 s5, $0x0;
	s5 =	sld [smem:$0x3FAD]  }
0x2b: {  	s6 =	sld [smem:$0x3FAE]  }
0x2c: {  	s7 =	sld [smem:$0x3FAF]  }
0x2d: {  	s3 =	simm.s32 $0x108;
	s8 =	sld [smem:$0x3FB0]  }
0x2e: {  	s3 =	simm.s32 @!p0 $0x1082;
	s9 =	sld [smem:$0x3FB1]  }
0x2f: {  	lr =	sadd.s32 s0, s3;
	s0 =	sld [smem:$0x3FA8]  }
0x30: {  	s3 =	sld [smem:$0x3FAB]  }
0x31: {  	[smem:$0x3FB4] =	sst s10  }
0x32: {  	s10 =	sld [smem:$0x3FB2];
	_ =	sdelay $0x3  }
0x33: {  	p0 =	seq.s32 s10, $0x1;
	s10 =	sld [smem:$0x3FB4];
	_ =	sdelay $0x3  }
0x34: {  	[smem:$0x3FB4] =	sst s10  }
0x35: {  	s10 =	sld [smem:$0x3FB3];
	_ =	sdelay $0x3  }
0x36: {  	p1 =	seq.s32 s10, $0x1;
	s10 =	sld [smem:$0x3FB4];
	_ =	sdelay $0x3  }
0x37: {  	[smem:$0x3FB4] =	sst s10  }
0x38: {  	s10 =	sld [smem:$0x3FB5]  }
0x39: {  	_ = 	snop;
	(pc) =	sbr.ind lr, $3  }
0x3a: {  	_ = 	snop  }
0x3b: {  	_ = 	snop  }
0x3c: {  	p2 =	seq.s32 s10, $0x1;
	s10 =	sld [smem:$0x3FB4]  }
0x3d: {  	_ =	shalt  }
0x3e: {  	_ =	shalt  }
0x3f: {  	_ =	shalt  }
0x40: {  	_ =	shalt  }
0x41: {  	_ =	shalt  }
0x42: {  	_ =	shalt  }
0x43: {  	_ =	shalt  }
0x44: {  	_ =	shalt  }
0x45: {  	_ =	shalt  }
0x46: {  	_ =	shalt  }
0x47: {  	_ =	shalt  }
0x48: {  	_ =	shalt  }
0x49: {  	_ =	shalt  }
0x4a: {  	_ =	shalt  }
0x4b: {  	_ =	shalt  }
0x4c: {  	_ =	shalt  }
0x4d: {  	_ =	shalt  }
0x4e: {  	_ =	shalt  }
0x4f: {  	_ =	shalt  }
0x50: {  	_ =	shalt  }
0x51: {  	_ =	shalt  }
0x52: {  	_ =	shalt  }
0x53: {  	_ =	shalt  }
0x54: {  	_ =	shalt  }
0x55: {  	_ =	shalt  }
0x56: {  	_ =	shalt  }
0x57: {  	_ =	shalt  }
0x58: {  	_ =	shalt  }
0x59: {  	_ =	shalt  }
0x5a: {  	_ =	shalt  }
0x5b: {  	_ =	shalt  }
0x5c: {  	_ =	shalt  }
0x5d: {  	_ =	shalt  }
0x5e: {  	_ =	shalt  }
0x5f: {  	_ =	shalt  }
0x60: {  	_ =	shalt  }
0x61: {  	_ =	shalt  }
0x62: {  	_ =	shalt  }
0x63: {  	_ =	shalt  }
0x64: {  	_ =	shalt  }
0x65: {  	_ =	shalt  }
0x66: {  	_ =	shalt  }
0x67: {  	_ =	shalt  }
0x68: {  	_ =	shalt  }
0x69: {  	_ =	shalt  }
0x6a: {  	_ =	shalt  }
0x6b: {  	_ =	shalt  }
0x6c: {  	_ =	shalt  }
0x6d: {  	_ =	shalt  }
0x6e: {  	_ =	shalt  }
0x6f: {  	_ =	shalt  }
0x70: {  	_ =	shalt  }
0x71: {  	_ =	shalt  }
0x72: {  	_ =	shalt  }
0x73: {  	_ =	shalt  }
0x74: {  	_ =	shalt  }
0x75: {  	_ =	shalt  }
0x76: {  	_ =	shalt  }
0x77: {  	_ =	shalt  }
0x78: {  	_ =	shalt  }
0x79: {  	_ =	shalt  }
0x7a: {  	_ =	shalt  }
0x7b: {  	_ =	shalt  }
0x7c: {  	_ =	shalt  }
0x7d: {  	_ =	shalt  }
0x7e: {  	_ =	shalt  }
0x7f: {  	_ =	shalt  }
0x80: {  	_ =	shalt  }
0x81: {  	_ =	shalt  }
0x82: {  	_ =	shalt  }
0x83: {  	_ =	shalt  }
0x84: {  	_ =	shalt  }
0x85: {  	_ =	shalt  }
0x86: {  	_ =	shalt  }
0x87: {  	_ =	shalt  }
.Lfunc_end0:
.L_simem_size_0:
called_computation.1_lowered:
.L_overlay_start_0:
0x88: {  	s2 =	sld [smem:$0x3FD9]  }
0x89: {  	s3 =	sld [smem:$0x3FFE];
	_ =	sdelay $0x1  }
0x8a: {  	s1 =	srdreg.scid  }
0x8b: {  	s0 =	sand.u32 $0x1, s1  }
0x8c: {  	s17 =	sshll.u32 s0, $0xA;
	s2 =	sadd.s32 s3, s2  }
0x8d: {  	s2 =	sadd.s32 s2, s17  }
0x8e: {  	[smem:$0x3FC0] =	sst s2  }
0x8f: {  	_ = 	snop  }
0x90: {  	(tm) =	ssettm $0x1  }
0x91: {  	s18 =	sld [smem:$0x3FFB];
	_ =	sdelay $0x3  }
0x92: {  	_ =	strace s18  }
0x93: {  	s2 =	sld [smem:$0x3FFC];
	_ =	sdelay $0x3  }
0x94: {  	_ =	strace s2  }
0x95: {  	s2 =	sld [smem:$0x3FFD];
	_ =	sdelay $0x3  }
0x96: {  	_ =	strace s2  }
0x97: {  	_ =	strace $0x8FFFFFFF  }
0x98: {  	s19 =	sld [smem:$0x3FDB];
	_ =	sdelay $0x1  }
0x99: {  	s20 =	simm.s32 $_scs_section_size  }
0x9a: {  	s4 =	simm.s32 $_size__tile_overlayer_lowered;
	s5 =	simm.s32 $_tile_overlayer_lowered  }
0x9b: {  	s6 =	simm.s32 $0x1BFF;
	s21 =	sshll.u32 s5, $0x1;
	s3 =	sadd.s32 s20, s19  }
0x9c: {  	s22 =	simm.s32 $0x0;
	s4 =	sshll.u32 s4, $0x1;
	s5 =	sadd.s32 s21, s3  }
0x9d: {  	[timem:s22], [sflag:s6] =	dma.local [hbm:s5], s4  }
0x9e: {  	_ =	swait.ge [sflag:s6], s4  }
0x9f: {  	s4 =	ssub.s32 $0x0, s4;
	[sflag:s6] =	ssyncset.done $0x0  }
0xa0: {  	[sflag:s6] =	ssyncadd.s32 s4;
	_ =	sdelay $0x1  }
0xa1: {  	s23 =	simm.s32 $0x1B8B  }
0xa2: {  	_ =	swait.ge [sflag:s23], $0x1  }
0xa3: {  	[sflag:s23] =	ssyncset.done $0x0  }
0xa4: {  	[sflag:s23] =	ssyncadd.s32 $0xFFFFFFFF  }
0xa5: {  	s4 =	sld [smem:$0x0]  }
0xa6: {  	s5 =	sand.u32 $0xFFFFFFFE, s1  }
0xa7: {  	p0 =	sne.s32 s1, s5  }
0xa8: {  	s5 =	sshll.u32 @p0 s5, $0xE  }
0xa9: {  	s5 =	sadd.s32 @p0 $0x11B8D, s5;
	s6 =	sshll.u32 @p0 s4, $0x11  }
0xaa: {  	s5 =	sor.u32 @p0 s6, s5  }
0xab: {  	[sflag:s5] =	ssyncadd.remote.s32 @p0 $0x1;
	_ =	sdelay $0x1  }
0xac: {  	s5 =	simm.s32 @p0 $0x1B8D  }
0xad: {  	_ =	swait.eq @p0 [sflag:s5], $0x1  }
0xae: {  	[sflag:s5] =	ssyncadd.s32 @p0 $0xFFFFFFFF  }
0xaf: {  	s6 =	sshll.u32 @!p0 s1, $0xE  }
0xb0: {  	s6 =	sor.u32 @!p0 $0x4000, s6;
	s5 =	simm.s32 @!p0 $0x1B8D  }
0xb1: {  	s4 =	sshll.u32 @!p0 s4, $0x11;
	s6 =	sadd.s32 @!p0 $0x11B8D, s6;
	_ =	swait.eq @!p0 [sflag:s5], $0x1  }
0xb2: {  	s4 =	sor.u32 @!p0 s4, s6;
	[sflag:s5] =	ssyncadd.s32 @!p0 $0xFFFFFFFF  }
0xb3: {  	s25 =	simm.s32 $0x1B8E;
	s24 =	sld [smem:$0x3FFE];
	[sflag:s4] =	ssyncadd.remote.s32 @!p0 $0x1  }
0xb4: {  	s26 =	simm.s32 $execute0_lowered;
	[smem:$0x3FD2] =	sst s25  }
0xb5: {  	s5 =	sshll.u32 s26, $0x1;
	_ =	strace $0x8000004F;
	[dreg:$0x1] =	wrdreg $0xFFFFFFFF  }
0xb6: {  	s28 =	simm.s32 $_size_execute0_lowered;
	s3 =	sadd.s32 s3, s5;
	[dreg:$0x0] =	wrdreg $0x0  }
0xb7: {  	s5 =	sshll.u32 s28, $0x1;
	[dreg:$0x2] =	wrdreg s3  }
0xb8: {  	[dreg:$0x3] =	wrdreg s5  }
0xb9: {  	[dreg:$0x4] =	wrdreg $0xC0  }
0xba: {  	_ =	task [dreg:s22], $0x5FFFF  }
0xbb: {  	[dreg:$0x1] =	wrdreg $0xFFFFFFFF  }
0xbc: {  	[dreg:$0x0] =	wrdreg $0x60  }
0xbd: {  	[dreg:$0x2] =	wrdreg s24  }
0xbe: {  	[dreg:$0x3] =	wrdreg $0x44000  }
0xbf: {  	[dreg:$0x4] =	wrdreg $0x9  }
0xc0: {  	_ =	task.clear_ibuf [dreg:s22], $0x5FFFF;
	_ =	strace $0x9000004F  }
0xc1: {  	s29 =	simm.s32 $0x9;
	_ =	strace $0x80000051  }
0xc2: {  	_ =	swait.ge [sflag:s29], $0x1  }
0xc3: {  	[sflag:s29] =	ssyncadd.s32 $0xFFFFFFFF  }
0xc4: {  	_ =	strace $0x90000051  }
0xc5: {  	_ =	sfence  }
0xc6: {  	s30 =	sld [smem:$0x0];
	_ =	sdelay $0x2  }
0xc7: {  	s31 =	sshll.u32 s1, $0xD;
	s1 =	sshrl.u32 s1, $0x2  }
0xc8: {  	s4 =	sand.u32 $0x4000, s31;
	s1 =	sadd.s32 s1, s30  }
0xc9: {  	s0 =	sor.u32 s4, s0;
	s1 =	sshll.u32 s1, $0x11  }
0xca: {  	s0 =	sor.u32 s1, s0  }
0xcb: {  	s0 =	sadd.s32 $0x8F2B, s0  }
0xcc: {  	[sflag:s0] =	ssyncadd.remote.s32 $0x1  }
0xcd: {  	_ =	sfence.sel $0xFFFF  }
0xce: {  	[dreg:$0x0] =	wrdreg $0xFFFFFFFF;
	(pc) =	sbr.abs _section_cstart, $3  }
0xcf: {  	[dreg:$0x1] =	wrdreg $0xFFFFFFFF  }
0xd0: {  	_ =	task.clear_ibuf [dreg:s22], $0x2FFFF;
	_ =	strace $0x9FFFFFFF  }
0xd1: {  	(tm) =	ssettm $0x7FFFFFFF  }
tec
execute0_lowered:
.L_overlay_start_1:
0x0: {  	(tag) =	ssettag $0x1  }
0x1: {  	s1 =	rddreg [dreg:$0x0]  }
0x2: {  	s2 =	rddreg [dreg:$0x1];
	s3 =	simm.s32 $0x0;
	s13 =	stileid.u32  }
0x3: {  	s0 =	srdreg.scid;
	s28 =	simm.s32 $0x3400;
	s29 =	simm.s32 $0x3C00  }
0x4: {  	s30 =	simm.s32 $0x1;
	s31 =	simm.s32 $0x2;
	[smem:$0x7FF] =	sst s3  }
0x5: {  	s4 =	smul.u32 $0x2710, s13;
	s6 =	sand.u32 $0x1, s0;
	s23 =	sadd.s32 $0x790A00, s1  }
0x6: {  	s0 =	sadd.s32 $0x51AA00, s1;
	s9 =	sshll.u32 s13, $0x7;
	s5 =	smul.u32 $0x27100, s6  }
0x7: {  	s11 =	sshll.u32 s13, $0xE;
	_ =	strace $0x80000050;
	s8 =	smul.u32 $0x14000, s6  }
0x8: {  	s24 =	smul.u32 $0x9C4000, s6;
	s6 =	ssub.s32 $0x2, s6;
	s7 =	sshrl.u32 s4, $0x3  }
0x9: {  	[dreg:$0x12] =	wrdreg s23;
	s12 =	sshrl.u32 s6, $0x1;
	s7 =	sadd.s32 s7, s1  }
0xa: {  	s5 =	sadd.s32 s4, s5;
	s8 =	sor.u32 s9, s8;
	s10 =	smov.u32 s24  }
0xb: {  	s11 =	sadd.s32 s11, s24;
	s6 =	ssub.s32 s6, s12;
	s4 =	sadd.s32 s4, s2  }
0xc: {  	s1 =	sadd.s32 s5, s1;
	s9 =	sor.u32 $0x3800, s8;
	s25 =	sadd.s32 $0x180000, s11  }
0xd: {  	s5 =	sor.u32 $0x3000, s8;
	[dreg:$0x13] =	wrdreg s4;
	s14 =	sadd.s32 $0x140000, s11  }
0xe: {  	s15 =	sor.u32 $0x2800, s8;
	s19 =	sadd.s32 $0x100000, s11;
	s21 =	sor.u32 $0x2000, s8  }
0xf: {  	s22 =	sadd.s32 $0x2800, s7;
	s24 =	sadd.s32 $0xC0000, s11;
	s9 =	sshrl.u32 s9, $0x3  }
0x10: {  	s26 =	sshrl.u32 s25, $0x3;
	s12 =	sshrl.u32 s5, $0x3;
	s16 =	sshrl.u32 s14, $0x3  }
0x11: {  	s17 =	sshrl.u32 s15, $0x3;
	s20 =	sshrl.u32 s19, $0x3;
	[dreg:$0x14] =	wrdreg s22  }
0x12: {  	s23 =	sshrl.u32 s21, $0x3;
	s25 =	sor.u32 $0x1800, s8;
	s15 =	sor.u32 $0x1000, s8  }
0x13: {  	s19 =	sor.u32 $0x800, s8;
	s1 =	sadd.s32 $0x81C00, s1;
	[dreg:$0x4] =	wrdreg s26  }
0x14: {  	s9 =	sadd.s32 s9, s0;
	s4 =	sadd.s32 s12, s0;
	[dreg:$0x6] =	wrdreg s16  }
0x15: {  	s18 =	sadd.s32 s17, s0;
	[dreg:$0x8] =	wrdreg s20;
	s26 =	sshrl.u32 s24, $0x3  }
0x16: {  	s5 =	sshrl.u32 s25, $0x3;
	s12 =	sadd.s32 $0x80000, s11;
	[dreg:$0x16] =	wrdreg s1  }
0x17: {  	s16 =	sshll.u32 s13, $0x6;
	s17 =	sshrl.u32 s15, $0x3;
	[dreg:$0x3] =	wrdreg s9  }
0x18: {  	s21 =	sshrl.u32 s19, $0x3;
	s24 =	sshrl.u32 s8, $0x3;
	[dreg:$0x5] =	wrdreg s4  }
0x19: {  	s25 =	smax.u32 s6, $0x1;
	s15 =	simm.s32 $0x180;
	[dreg:$0x7] =	wrdreg s18  }
0x1a: {  	s19 =	simm.s32 $0x380;
	s6 =	simm.s32 $0x0;
	[dreg:$0xa] =	wrdreg s26  }
0x1b: {  	s4 =	sadd.s32 s23, s0;
	s9 =	sadd.s32 s5, s0;
	[dreg:$0x17] =	wrdreg s25  }
0x1c: {  	s14 =	sshrl.u32 s12, $0x3;
	s18 =	sadd.s32 $0x40000, s11;
	[dreg:$0x9] =	wrdreg s4  }
0x1d: {  	s5 =	sor.u32 $0x1C04, s16;
	s22 =	sadd.s32 s21, s0;
	[dreg:$0xb] =	wrdreg s9  }
0x1e: {  	s23 =	sshrl.u32 s11, $0x3;
	s26 =	sor.u32 $0x70, s13;
	[dreg:$0xc] =	wrdreg s14  }
0x1f: {  	s13 =	simm.s32 $0x80;
	s16 =	simm.s32 $0x200;
	[dreg:$0xf] =	wrdreg s22  }
0x20: {  	s21 =	simm.s32 $0x400;
	s25 =	simm.s32 $0x2400;
	[dreg:$0x10] =	wrdreg s23  }
0x21: {  	s4 =	sadd.s32 s17, s0;
	s20 =	sshrl.u32 s18, $0x3;
	[dreg:$0x18] =	wrdreg s26  }
0x22: {  	s0 =	sadd.s32 s24, s0;
	s14 =	simm.s32 $0x100;
	[dreg:$0x15] =	wrdreg s5  }
0x23: {  	s17 =	simm.s32 $0x280;
	s18 =	simm.s32 $0x300;
	[dreg:$0xd] =	wrdreg s4  }
0x24: {  	s22 =	simm.s32 $0xC00;
	s23 =	simm.s32 $0x1400;
	[dreg:$0xe] =	wrdreg s20  }
0x25: {  	s24 =	simm.s32 $0x1C00;
	s26 =	simm.s32 $0x2C00;
	[dreg:$0x11] =	wrdreg s0  }
0x26: {  	s4 =	simm.s32 $0x4;
	s20 =	simm.s32 $0x10;
	s0 =	simm.s32 $0x3  }
.LBB2_1:
0x27: {  	[dreg:$0x19] =	wrdreg s6  }
0x28: {  	s1 =	rddreg [dreg:$0x13]  }
0x29: {  	s12 =	rddreg [dreg:$0x14];
	s11 =	sshrl.u32 s1, $0x3  }
0x2a: {  	[dreg:$0x1a] =	wrdreg s11  }
0x2b: {  	[spmem:s11], [sflag:s5] =	dma.local [hbm:s12], $0x4E2  }
0x2c: {  	_ =	swait.ge [sflag:s4], $0x4E2  }
0x2d: {  	[sflag:s4] =	ssyncset.done $0x0  }
0x2e: {  	[sflag:s4] =	ssyncadd.s32 $0xFFFFFB1E  }
0x2f: {  	[bflag:$0x0] =	sbarrier.arrive $0xFFFF  }
0x30: {  	s6 =	rddreg [dreg:$0x11]  }
0x31: {  	s8 =	rddreg [dreg:$0xf]  }
0x32: {  	s9 =	rddreg [dreg:$0xd];
	s4 =	sadd.s32 $0x0, s6  }
0x33: {  	[tilespmem:s3], [sflag:$0x1] =	stream.linear.gather [hbm4b:s4+s3], $0x80, $0x38;
	[tilespmem:$0x6B18] =	vst v63  }
0x34: {  	s7 =	rddreg [dreg:$0xb];
	s8 =	sadd.s32 $0x0, s8  }
0x35: {  	[tilespmem:s13], [sflag:$0x1] =	stream.linear.gather [hbm4b:s8+s3], $0x80, $0x38;
	[tilespmem:$0x6B18] =	vst v63  }
0x36: {  	s11 =	rddreg [dreg:$0x9];
	s9 =	sadd.s32 $0x0, s9  }
0x37: {  	[tilespmem:s14], [sflag:$0x1] =	stream.linear.gather [hbm4b:s9+s3], $0x80, $0x38;
	[tilespmem:$0x6B18] =	vst v63  }
0x38: {  	s12 =	rddreg [dreg:$0x7];
	s4 =	sadd.s32 $0x0, s7  }
0x39: {  	[tilespmem:s15], [sflag:$0x1] =	stream.linear.gather [hbm4b:s4+s3], $0x80, $0x38;
	[tilespmem:$0x6B18] =	vst v63  }
0x3a: {  	s1 =	rddreg [dreg:$0x5];
	s8 =	sadd.s32 $0x0, s11  }
0x3b: {  	[tilespmem:s16], [sflag:$0x1] =	stream.linear.gather [hbm4b:s8+s3], $0x80, $0x38;
	[tilespmem:$0x6B18] =	vst v63  }
0x3c: {  	s5 =	rddreg [dreg:$0x3];
	s9 =	sadd.s32 $0x0, s12  }
0x3d: {  	[tilespmem:s17], [sflag:$0x1] =	stream.linear.gather [hbm4b:s9+s3], $0x80, $0x38;
	[tilespmem:$0x6B18] =	vst v63  }
0x3e: {  	s6 =	rddreg [dreg:$0x10];
	s4 =	sadd.s32 $0x0, s1  }
0x3f: {  	[tilespmem:s18], [sflag:$0x1] =	stream.linear.gather [hbm4b:s4+s3], $0x80, $0x38;
	[tilespmem:$0x6B18] =	vst v63  }
0x40: {  	s1 =	rddreg [dreg:$0x12];
	s8 =	sadd.s32 $0x0, s5  }
0x41: {  	[tilespmem:s19], [sflag:$0x1] =	stream.linear.gather [hbm4b:s8+s3], $0x80, $0x38;
	[tilespmem:$0x6B18] =	vst v63  }
0x42: {  	s7 =	rddreg [dreg:$0xe];
	s9 =	sadd.s32 s1, s6  }
0x43: {  	[tilespmem:s21], [sflag:$0x2] =	stream.strided.gather [hbm4b:s9+s20], $0x800, s13, s20, $0x38;
	[tilespmem:$0x6B18] =	vst v63  }
0x44: {  	s11 =	rddreg [dreg:$0xc];
	s4 =	sadd.s32 s1, s7  }
0x45: {  	[tilespmem:s22], [sflag:$0x2] =	stream.strided.gather [hbm4b:s4+s20], $0x800, s13, s20, $0x38;
	[tilespmem:$0x6B18] =	vst v63  }
0x46: {  	s12 =	rddreg [dreg:$0xa];
	s8 =	sadd.s32 s1, s11  }
0x47: {  	[tilespmem:s23], [sflag:$0x2] =	stream.strided.gather [hbm4b:s8+s20], $0x800, s13, s20, $0x38;
	[tilespmem:$0x6B18] =	vst v63  }
0x48: {  	s7 =	rddreg [dreg:$0x18];
	s9 =	sadd.s32 s1, s12  }
0x49: {  	[tilespmem:s24], [sflag:$0x2] =	stream.strided.gather [hbm4b:s9+s20], $0x800, s13, s20, $0x38;
	[tilespmem:$0x6B18] =	vst v63  }
0x4a: {  	s5 =	rddreg [dreg:$0x8];
	p0 =	slt.s32 s7, $0x270;
	s9 =	smov.u32 s7  }
0x4b: {  	s6 =	rddreg [dreg:$0x6];
	s4 =	sadd.s32 s1, s5;
	s9 =	simm.s32 @!p0 $0x270  }
0x4c: {  	[tilespmem:s25], [sflag:$0x2] =	stream.strided.gather [hbm4b:s4+s20], $0x800, s13, s20, $0x38;
	[tilespmem:$0x6B18] =	vst v63  }
0x4d: {  	s8 =	sadd.s32 s1, s6;
	s9 =	sshll.u32 s9, $0xE  }
0x4e: {  	[tilespmem:s26], [sflag:$0x2] =	stream.strided.gather [hbm4b:s8+s20], $0x800, s13, s20, $0x38;
	[tilespmem:$0x6B18] =	vst v63  }
0x4f: {  	s11 =	rddreg [dreg:$0x4];
	s8 =	sadd.s32 s10, s9  }
0x50: {  	s11 =	sadd.s32 s1, s11;
	s12 =	sshrl.u32 s8, $0x3  }
0x51: {  	[tilespmem:s28], [sflag:$0x2] =	stream.strided.gather [hbm4b:s11+s20], $0x800, s13, s20, $0x38;
	[tilespmem:$0x6B18] =	vst v63  }
0x52: {  	s4 =	sadd.s32 s1, s12  }
0x53: {  	[tilespmem:s29], [sflag:$0x2] =	stream.strided.gather [hbm4b:s4+s20], $0x800, s13, s20, $0x38;
	[tilespmem:$0x6B18] =	vst v63  }
0x54: {  	_ =	swait.ge [sflag:s30], $0x80  }
0x55: {  	[sflag:s30] =	ssyncset.done $0x0  }
0x56: {  	[sflag:s30] =	ssyncadd.s32 $0xFFFFFF80  }
0x57: {  	_ =	swait.ge [sflag:s30], $0x80  }
0x58: {  	[sflag:s30] =	ssyncset.done $0x0  }
0x59: {  	[sflag:s30] =	ssyncadd.s32 $0xFFFFFF80  }
0x5a: {  	_ =	swait.ge [sflag:s30], $0x80  }
0x5b: {  	[sflag:s30] =	ssyncset.done $0x0  }
0x5c: {  	[sflag:s30] =	ssyncadd.s32 $0xFFFFFF80  }
0x5d: {  	_ =	swait.ge [sflag:s30], $0x80  }
0x5e: {  	[sflag:s30] =	ssyncset.done $0x0  }
0x5f: {  	[sflag:s30] =	ssyncadd.s32 $0xFFFFFF80  }
0x60: {  	_ =	swait.ge [sflag:s30], $0x80  }
0x61: {  	[sflag:s30] =	ssyncset.done $0x0  }
0x62: {  	[sflag:s30] =	ssyncadd.s32 $0xFFFFFF80  }
0x63: {  	_ =	swait.ge [sflag:s30], $0x80  }
0x64: {  	[sflag:s30] =	ssyncset.done $0x0  }
0x65: {  	[sflag:s30] =	ssyncadd.s32 $0xFFFFFF80  }
0x66: {  	_ =	swait.ge [sflag:s30], $0x80  }
0x67: {  	[sflag:s30] =	ssyncset.done $0x0  }
0x68: {  	[sflag:s30] =	ssyncadd.s32 $0xFFFFFF80  }
0x69: {  	_ =	swait.ge [sflag:s30], $0x80  }
0x6a: {  	[sflag:s30] =	ssyncset.done $0x0  }
0x6b: {  	[sflag:s30] =	ssyncadd.s32 $0xFFFFFF80  }
0x6c: {  	_ =	swait.ge [sflag:s31], $0x800  }
0x6d: {  	[sflag:s31] =	ssyncset.done $0x0  }
0x6e: {  	[sflag:s31] =	ssyncadd.s32 $0xFFFFF800  }
0x6f: {  	_ =	swait.ge [sflag:s31], $0x800  }
0x70: {  	[sflag:s31] =	ssyncset.done $0x0  }
0x71: {  	[sflag:s31] =	ssyncadd.s32 $0xFFFFF800  }
0x72: {  	_ =	swait.ge [sflag:s31], $0x800  }
0x73: {  	[sflag:s31] =	ssyncset.done $0x0  }
0x74: {  	[sflag:s31] =	ssyncadd.s32 $0xFFFFF800  }
0x75: {  	_ =	swait.ge [sflag:s31], $0x800  }
0x76: {  	[sflag:s31] =	ssyncset.done $0x0  }
0x77: {  	[sflag:s31] =	ssyncadd.s32 $0xFFFFF800  }
0x78: {  	_ =	swait.ge [sflag:s31], $0x800  }
0x79: {  	[sflag:s31] =	ssyncset.done $0x0  }
0x7a: {  	[sflag:s31] =	ssyncadd.s32 $0xFFFFF800  }
0x7b: {  	_ =	swait.ge [sflag:s31], $0x800  }
0x7c: {  	[sflag:s31] =	ssyncset.done $0x0  }
0x7d: {  	[sflag:s31] =	ssyncadd.s32 $0xFFFFF800  }
0x7e: {  	_ =	swait.ge [sflag:s31], $0x800  }
0x7f: {  	[sflag:s31] =	ssyncset.done $0x0  }
0x80: {  	[sflag:s31] =	ssyncadd.s32 $0xFFFFF800  }
0x81: {  	_ =	swait.ge [sflag:s31], $0x800  }
0x82: {  	[sflag:s31] =	ssyncset.done $0x0  }
0x83: {  	[sflag:s31] =	ssyncadd.s32 $0xFFFFF800  }
0x84: {  	[spmem:s2] =	stream.indirect.scatter.add.f32 [tilespmem:s21], [sflag:$0x3], $0x10, s3, s13, $0xb8;
	[tilespmem:$0x6B18] =	vst v63  }
0x85: {  	_ = 	snop  }
0x86: {  	[spmem:s2] =	stream.indirect.scatter.add.f32 [tilespmem:s22], [sflag:$0x3], $0x10, s13, s13, $0xb8;
	[tilespmem:$0x6B18] =	vst v63  }
0x87: {  	_ = 	snop  }
0x88: {  	[spmem:s2] =	stream.indirect.scatter.add.f32 [tilespmem:s23], [sflag:$0x3], $0x10, s14, s13, $0xb8;
	[tilespmem:$0x6B18] =	vst v63  }
0x89: {  	_ = 	snop  }
0x8a: {  	[spmem:s2] =	stream.indirect.scatter.add.f32 [tilespmem:s24], [sflag:$0x3], $0x10, s15, s13, $0xb8;
	[tilespmem:$0x6B18] =	vst v63  }
0x8b: {  	_ = 	snop  }
0x8c: {  	[spmem:s2] =	stream.indirect.scatter.add.f32 [tilespmem:s25], [sflag:$0x3], $0x10, s16, s13, $0xb8;
	[tilespmem:$0x6B18] =	vst v63  }
0x8d: {  	_ = 	snop  }
0x8e: {  	[spmem:s2] =	stream.indirect.scatter.add.f32 [tilespmem:s26], [sflag:$0x3], $0x10, s17, s13, $0xb8;
	[tilespmem:$0x6B18] =	vst v63  }
0x8f: {  	_ = 	snop  }
0x90: {  	[spmem:s2] =	stream.indirect.scatter.add.f32 [tilespmem:s28], [sflag:$0x3], $0x10, s18, s13, $0xb8;
	[tilespmem:$0x6B18] =	vst v63  }
0x91: {  	_ = 	snop  }
0x92: {  	[spmem:s2] =	stream.indirect.scatter.add.f32 [tilespmem:s29], [sflag:$0x3], $0x10, s19, s13, $0xb8;
	[tilespmem:$0x6B18] =	vst v63  }
0x93: {  	_ =	swait.ge [sflag:s0], $0x800  }
0x94: {  	[sflag:s0] =	ssyncset.done $0x0  }
0x95: {  	[sflag:s0] =	ssyncadd.s32 $0xFFFFF800  }
0x96: {  	_ =	swait.ge [sflag:s0], $0x800  }
0x97: {  	[sflag:s0] =	ssyncset.done $0x0  }
0x98: {  	[sflag:s0] =	ssyncadd.s32 $0xFFFFF800  }
0x99: {  	_ =	swait.ge [sflag:s0], $0x800  }
0x9a: {  	[sflag:s0] =	ssyncset.done $0x0  }
0x9b: {  	[sflag:s0] =	ssyncadd.s32 $0xFFFFF800  }
0x9c: {  	_ =	swait.ge [sflag:s0], $0x800  }
0x9d: {  	[sflag:s0] =	ssyncset.done $0x0  }
0x9e: {  	s9 =	simm.s32 $0x800;
	s8 =	simm.s32 $0x1000;
	[sflag:s0] =	ssyncadd.s32 $0xFFFFF800  }
0x9f: {  	s11 =	smov.u32 s7;
	s4 =	smov.u32 s1;
	_ =	swait.ge [sflag:s0], $0x800  }
.LBB2_2:
0xa0: {  	[sflag:s0] =	ssyncset.done $0x0  }
0xa1: {  	[sflag:s0] =	ssyncadd.s32 $0xFFFFF800  }
0xa2: {  	_ =	swait.ge [sflag:s0], $0x800  }
0xa3: {  	[sflag:s0] =	ssyncset.done $0x0  }
0xa4: {  	[sflag:s0] =	ssyncadd.s32 $0xFFFFF800  }
0xa5: {  	_ =	swait.ge [sflag:s0], $0x800  }
0xa6: {  	[sflag:s0] =	ssyncset.done $0x0  }
0xa7: {  	[sflag:s0] =	ssyncadd.s32 $0xFFFFF800  }
0xa8: {  	_ =	swait.ge [sflag:s0], $0x800  }
0xa9: {  	s7 =	rddreg [dreg:$0x11];
	[sflag:s0] =	ssyncset.done $0x0  }
0xaa: {  	s6 =	rddreg [dreg:$0xf];
	[sflag:s0] =	ssyncadd.s32 $0xFFFFF800;
	s7 =	sadd.s32 s9, s7  }
0xab: {  	[tilespmem:s3], [sflag:$0x1] =	stream.linear.gather [hbm4b:s7+s3], $0x80, $0x38;
	[tilespmem:$0x6B18] =	vst v63  }
0xac: {  	s1 =	rddreg [dreg:$0xd];
	s6 =	sadd.s32 s9, s6  }
0xad: {  	[tilespmem:s13], [sflag:$0x1] =	stream.linear.gather [hbm4b:s6+s3], $0x80, $0x38;
	[tilespmem:$0x6B18] =	vst v63  }
0xae: {  	s5 =	rddreg [dreg:$0xb];
	s1 =	sadd.s32 s9, s1  }
0xaf: {  	[tilespmem:s14], [sflag:$0x1] =	stream.linear.gather [hbm4b:s1+s3], $0x80, $0x38;
	[tilespmem:$0x6B18] =	vst v63  }
0xb0: {  	s7 =	rddreg [dreg:$0x9];
	s1 =	sadd.s32 s9, s5  }
0xb1: {  	[tilespmem:s15], [sflag:$0x1] =	stream.linear.gather [hbm4b:s1+s3], $0x80, $0x38;
	[tilespmem:$0x6B18] =	vst v63  }
0xb2: {  	s6 =	rddreg [dreg:$0x7];
	s1 =	sadd.s32 s9, s7  }
0xb3: {  	[tilespmem:s16], [sflag:$0x1] =	stream.linear.gather [hbm4b:s1+s3], $0x80, $0x38;
	[tilespmem:$0x6B18] =	vst v63  }
0xb4: {  	s11 =	sadd.s32 $0x80, s11;
	s5 =	rddreg [dreg:$0x5];
	s1 =	sadd.s32 s9, s6  }
0xb5: {  	[tilespmem:s17], [sflag:$0x1] =	stream.linear.gather [hbm4b:s1+s3], $0x80, $0x38;
	[tilespmem:$0x6B18] =	vst v63  }
0xb6: {  	s4 =	sadd.s32 $0x40000, s4;
	s7 =	rddreg [dreg:$0x3];
	s1 =	sadd.s32 s9, s5  }
0xb7: {  	[tilespmem:s18], [sflag:$0x1] =	stream.linear.gather [hbm4b:s1+s3], $0x80, $0x38;
	[tilespmem:$0x6B18] =	vst v63  }
0xb8: {  	s12 =	smov.u32 s8;
	s6 =	rddreg [dreg:$0x10];
	s1 =	sadd.s32 s9, s7  }
0xb9: {  	[tilespmem:s19], [sflag:$0x1] =	stream.linear.gather [hbm4b:s1+s3], $0x80, $0x38;
	[tilespmem:$0x6B18] =	vst v63  }
0xba: {  	s5 =	rddreg [dreg:$0xe];
	s9 =	smov.u32 s12;
	s12 =	sadd.s32 s4, s6  }
0xbb: {  	[tilespmem:s21], [sflag:$0x2] =	stream.strided.gather [hbm4b:s12+s20], $0x800, s13, s20, $0x38;
	[tilespmem:$0x6B18] =	vst v63  }
0xbc: {  	p1 =	slt.s32 s11, $0x270;
	s7 =	rddreg [dreg:$0xc];
	s12 =	sadd.s32 s4, s5  }
0xbd: {  	[tilespmem:s22], [sflag:$0x2] =	stream.strided.gather [hbm4b:s12+s20], $0x800, s13, s20, $0x38;
	[tilespmem:$0x6B18] =	vst v63  }
0xbe: {  	s6 =	rddreg [dreg:$0xa];
	s1 =	smov.u32 s11;
	s12 =	sadd.s32 s4, s7  }
0xbf: {  	[tilespmem:s23], [sflag:$0x2] =	stream.strided.gather [hbm4b:s12+s20], $0x800, s13, s20, $0x38;
	[tilespmem:$0x6B18] =	vst v63  }
0xc0: {  	s1 =	simm.s32 @!p1 $0x270;
	s5 =	rddreg [dreg:$0x8];
	s12 =	sadd.s32 s4, s6  }
0xc1: {  	[tilespmem:s24], [sflag:$0x2] =	stream.strided.gather [hbm4b:s12+s20], $0x800, s13, s20, $0x38;
	[tilespmem:$0x6B18] =	vst v63  }
0xc2: {  	s1 =	sshll.u32 s1, $0xE;
	s5 =	sadd.s32 s4, s5;
	s7 =	rddreg [dreg:$0x6]  }
0xc3: {  	[tilespmem:s25], [sflag:$0x2] =	stream.strided.gather [hbm4b:s5+s20], $0x800, s13, s20, $0x38;
	[tilespmem:$0x6B18] =	vst v63  }
0xc4: {  	s1 =	sadd.s32 s10, s1;
	s6 =	rddreg [dreg:$0x4];
	s12 =	sadd.s32 s4, s7  }
0xc5: {  	[tilespmem:s26], [sflag:$0x2] =	stream.strided.gather [hbm4b:s12+s20], $0x800, s13, s20, $0x38;
	[tilespmem:$0x6B18] =	vst v63  }
0xc6: {  	s1 =	sshrl.u32 s1, $0x3;
	s7 =	sadd.s32 s4, s6;
	s12 =	rddreg [dreg:$0x12]  }
0xc7: {  	[tilespmem:s28], [sflag:$0x2] =	stream.strided.gather [hbm4b:s7+s20], $0x800, s13, s20, $0x38;
	[tilespmem:$0x6B18] =	vst v63  }
0xc8: {  	s1 =	sadd.s32 s12, s1  }
0xc9: {  	[tilespmem:s29], [sflag:$0x2] =	stream.strided.gather [hbm4b:s1+s20], $0x800, s13, s20, $0x38;
	[tilespmem:$0x6B18] =	vst v63  }
0xca: {  	_ =	swait.ge [sflag:s30], $0x80  }
0xcb: {  	[sflag:s30] =	ssyncset.done $0x0  }
0xcc: {  	[sflag:s30] =	ssyncadd.s32 $0xFFFFFF80  }
0xcd: {  	_ =	swait.ge [sflag:s30], $0x80  }
0xce: {  	[sflag:s30] =	ssyncset.done $0x0  }
0xcf: {  	[sflag:s30] =	ssyncadd.s32 $0xFFFFFF80  }
0xd0: {  	_ =	swait.ge [sflag:s30], $0x80  }
0xd1: {  	[sflag:s30] =	ssyncset.done $0x0  }
0xd2: {  	[sflag:s30] =	ssyncadd.s32 $0xFFFFFF80  }
0xd3: {  	_ =	swait.ge [sflag:s30], $0x80  }
0xd4: {  	[sflag:s30] =	ssyncset.done $0x0  }
0xd5: {  	[sflag:s30] =	ssyncadd.s32 $0xFFFFFF80  }
0xd6: {  	_ =	swait.ge [sflag:s30], $0x80  }
0xd7: {  	[sflag:s30] =	ssyncset.done $0x0  }
0xd8: {  	[sflag:s30] =	ssyncadd.s32 $0xFFFFFF80  }
0xd9: {  	_ =	swait.ge [sflag:s30], $0x80  }
0xda: {  	[sflag:s30] =	ssyncset.done $0x0  }
0xdb: {  	[sflag:s30] =	ssyncadd.s32 $0xFFFFFF80  }
0xdc: {  	_ =	swait.ge [sflag:s30], $0x80  }
0xdd: {  	[sflag:s30] =	ssyncset.done $0x0  }
0xde: {  	[sflag:s30] =	ssyncadd.s32 $0xFFFFFF80  }
0xdf: {  	_ =	swait.ge [sflag:s30], $0x80  }
0xe0: {  	[sflag:s30] =	ssyncset.done $0x0  }
0xe1: {  	[sflag:s30] =	ssyncadd.s32 $0xFFFFFF80  }
0xe2: {  	_ =	swait.ge [sflag:s31], $0x800  }
0xe3: {  	[sflag:s31] =	ssyncset.done $0x0  }
0xe4: {  	[sflag:s31] =	ssyncadd.s32 $0xFFFFF800  }
0xe5: {  	_ =	swait.ge [sflag:s31], $0x800  }
0xe6: {  	[sflag:s31] =	ssyncset.done $0x0  }
0xe7: {  	[sflag:s31] =	ssyncadd.s32 $0xFFFFF800  }
0xe8: {  	_ =	swait.ge [sflag:s31], $0x800  }
0xe9: {  	[sflag:s31] =	ssyncset.done $0x0  }
0xea: {  	[sflag:s31] =	ssyncadd.s32 $0xFFFFF800  }
0xeb: {  	_ =	swait.ge [sflag:s31], $0x800  }
0xec: {  	[sflag:s31] =	ssyncset.done $0x0  }
0xed: {  	[sflag:s31] =	ssyncadd.s32 $0xFFFFF800  }
0xee: {  	_ =	swait.ge [sflag:s31], $0x800  }
0xef: {  	[sflag:s31] =	ssyncset.done $0x0  }
0xf0: {  	[sflag:s31] =	ssyncadd.s32 $0xFFFFF800  }
0xf1: {  	_ =	swait.ge [sflag:s31], $0x800  }
0xf2: {  	[sflag:s31] =	ssyncset.done $0x0  }
0xf3: {  	[sflag:s31] =	ssyncadd.s32 $0xFFFFF800  }
0xf4: {  	_ =	swait.ge [sflag:s31], $0x800  }
0xf5: {  	[sflag:s31] =	ssyncset.done $0x0  }
0xf6: {  	[sflag:s31] =	ssyncadd.s32 $0xFFFFF800  }
0xf7: {  	_ =	swait.ge [sflag:s31], $0x800  }
0xf8: {  	[sflag:s31] =	ssyncset.done $0x0  }
0xf9: {  	[sflag:s31] =	ssyncadd.s32 $0xFFFFF800  }
0xfa: {  	[spmem:s2] =	stream.indirect.scatter.add.f32 [tilespmem:s21], [sflag:$0x3], $0x10, s3, s13, $0xb8;
	[tilespmem:$0x6B18] =	vst v63  }
0xfb: {  	_ = 	snop  }
0xfc: {  	[spmem:s2] =	stream.indirect.scatter.add.f32 [tilespmem:s22], [sflag:$0x3], $0x10, s13, s13, $0xb8;
	[tilespmem:$0x6B18] =	vst v63  }
0xfd: {  	_ = 	snop  }
0xfe: {  	[spmem:s2] =	stream.indirect.scatter.add.f32 [tilespmem:s23], [sflag:$0x3], $0x10, s14, s13, $0xb8;
	[tilespmem:$0x6B18] =	vst v63  }
0xff: {  	_ = 	snop  }
0x100: {  	[spmem:s2] =	stream.indirect.scatter.add.f32 [tilespmem:s24], [sflag:$0x3], $0x10, s15, s13, $0xb8;
	[tilespmem:$0x6B18] =	vst v63  }
0x101: {  	_ = 	snop  }
0x102: {  	[spmem:s2] =	stream.indirect.scatter.add.f32 [tilespmem:s25], [sflag:$0x3], $0x10, s16, s13, $0xb8;
	[tilespmem:$0x6B18] =	vst v63  }
0x103: {  	_ = 	snop  }
0x104: {  	[spmem:s2] =	stream.indirect.scatter.add.f32 [tilespmem:s26], [sflag:$0x3], $0x10, s17, s13, $0xb8;
	[tilespmem:$0x6B18] =	vst v63  }
0x105: {  	_ = 	snop  }
0x106: {  	[spmem:s2] =	stream.indirect.scatter.add.f32 [tilespmem:s28], [sflag:$0x3], $0x10, s18, s13, $0xb8;
	[tilespmem:$0x6B18] =	vst v63  }
0x107: {  	_ = 	snop  }
0x108: {  	[spmem:s2] =	stream.indirect.scatter.add.f32 [tilespmem:s29], [sflag:$0x3], $0x10, s19, s13, $0xb8;
	[tilespmem:$0x6B18] =	vst v63  }
0x109: {  	_ =	swait.ge [sflag:s0], $0x800  }
0x10a: {  	[sflag:s0] =	ssyncset.done $0x0  }
0x10b: {  	[sflag:s0] =	ssyncadd.s32 $0xFFFFF800  }
0x10c: {  	_ =	swait.ge [sflag:s0], $0x800  }
0x10d: {  	[sflag:s0] =	ssyncset.done $0x0  }
0x10e: {  	[sflag:s0] =	ssyncadd.s32 $0xFFFFF800  }
0x10f: {  	_ =	swait.ge [sflag:s0], $0x800  }
0x110: {  	p0 =	sne.s32 s8, $0x2000;
	[sflag:s0] =	ssyncset.done $0x0  }
.Ltmp0:
0x111: {  	[sflag:s0] =	ssyncadd.s32 $0xFFFFF800;
	(pc) =	sbr.rel @p0 .LBB2_2-.Ltmp0, $4  }
0x112: {  	_ =	swait.ge [sflag:s0], $0x800  }
0x113: {  	[sflag:s0] =	ssyncset.done $0x0  }
0x114: {  	[sflag:s0] =	ssyncadd.s32 $0xFFFFF800  }
0x115: {  	s8 =	sadd.s32 $0x800, s8;
	_ =	swait.ge [sflag:s0], $0x800  }
0x116: {  	[sflag:s0] =	ssyncset.done $0x0  }
0x117: {  	[sflag:s0] =	ssyncadd.s32 $0xFFFFF800  }
0x118: {  	_ =	swait.ge [sflag:s0], $0x800  }
0x119: {  	[sflag:s0] =	ssyncset.done $0x0  }
0x11a: {  	[sflag:s0] =	ssyncadd.s32 $0xFFFFF800  }
0x11b: {  	_ =	swait.ge [sflag:s0], $0x800  }
0x11c: {  	[sflag:s0] =	ssyncset.done $0x0  }
0x11d: {  	[sflag:s0] =	ssyncadd.s32 $0xFFFFF800  }
0x11e: {  	_ =	swait.ge [sflag:s0], $0x800  }
0x11f: {  	s1 =	rddreg [dreg:$0x11];
	[sflag:s0] =	ssyncset.done $0x0  }
0x120: {  	s5 =	rddreg [dreg:$0xf];
	[sflag:s0] =	ssyncadd.s32 $0xFFFFF800;
	s1 =	sadd.s32 s9, s1  }
0x121: {  	[tilespmem:s3], [sflag:$0x1] =	stream.linear.gather [hbm4b:s1+s3], $0x80, $0x38;
	[tilespmem:$0x6B18] =	vst v63  }
0x122: {  	s8 =	rddreg [dreg:$0xd];
	s5 =	sadd.s32 s9, s5  }
0x123: {  	[tilespmem:s13], [sflag:$0x1] =	stream.linear.gather [hbm4b:s5+s3], $0x80, $0x38;
	[tilespmem:$0x6B18] =	vst v63  }
0x124: {  	s12 =	rddreg [dreg:$0xb];
	s1 =	sadd.s32 s9, s8  }
0x125: {  	[tilespmem:s14], [sflag:$0x1] =	stream.linear.gather [hbm4b:s1+s3], $0x80, $0x38;
	[tilespmem:$0x6B18] =	vst v63  }
0x126: {  	s6 =	rddreg [dreg:$0x9];
	s5 =	sadd.s32 s9, s12  }
0x127: {  	[tilespmem:s15], [sflag:$0x1] =	stream.linear.gather [hbm4b:s5+s3], $0x80, $0x38;
	[tilespmem:$0x6B18] =	vst v63  }
0x128: {  	s7 =	rddreg [dreg:$0x7];
	s1 =	sadd.s32 s9, s6  }
0x129: {  	[tilespmem:s16], [sflag:$0x1] =	stream.linear.gather [hbm4b:s1+s3], $0x80, $0x38;
	[tilespmem:$0x6B18] =	vst v63  }
0x12a: {  	s8 =	rddreg [dreg:$0x5];
	s5 =	sadd.s32 s9, s7  }
0x12b: {  	[tilespmem:s17], [sflag:$0x1] =	stream.linear.gather [hbm4b:s5+s3], $0x80, $0x38;
	[tilespmem:$0x6B18] =	vst v63  }
0x12c: {  	s12 =	rddreg [dreg:$0x3];
	s1 =	sadd.s32 s9, s8  }
0x12d: {  	[tilespmem:s18], [sflag:$0x1] =	stream.linear.gather [hbm4b:s1+s3], $0x80, $0x38;
	[tilespmem:$0x6B18] =	vst v63  }
0x12e: {  	s4 =	sadd.s32 $0x40000, s4;
	s6 =	rddreg [dreg:$0x10];
	s5 =	sadd.s32 s9, s12  }
0x12f: {  	[tilespmem:s19], [sflag:$0x1] =	stream.linear.gather [hbm4b:s5+s3], $0x80, $0x38;
	[tilespmem:$0x6B18] =	vst v63  }
0x130: {  	s7 =	rddreg [dreg:$0xe];
	s1 =	sadd.s32 s4, s6  }
0x131: {  	[tilespmem:s21], [sflag:$0x2] =	stream.strided.gather [hbm4b:s1+s20], $0x800, s13, s20, $0x38;
	[tilespmem:$0x6B18] =	vst v63  }
0x132: {  	s8 =	rddreg [dreg:$0xc];
	s5 =	sadd.s32 s4, s7  }
0x133: {  	[tilespmem:s22], [sflag:$0x2] =	stream.strided.gather [hbm4b:s5+s20], $0x800, s13, s20, $0x38;
	[tilespmem:$0x6B18] =	vst v63  }
0x134: {  	s9 =	rddreg [dreg:$0xa];
	s1 =	sadd.s32 s4, s8  }
0x135: {  	[tilespmem:s23], [sflag:$0x2] =	stream.strided.gather [hbm4b:s1+s20], $0x800, s13, s20, $0x38;
	[tilespmem:$0x6B18] =	vst v63  }
0x136: {  	s12 =	rddreg [dreg:$0x8];
	s5 =	sadd.s32 s4, s9  }
0x137: {  	[tilespmem:s24], [sflag:$0x2] =	stream.strided.gather [hbm4b:s5+s20], $0x800, s13, s20, $0x38;
	[tilespmem:$0x6B18] =	vst v63  }
0x138: {  	s6 =	rddreg [dreg:$0x6];
	s1 =	sadd.s32 s4, s12  }
0x139: {  	[tilespmem:s25], [sflag:$0x2] =	stream.strided.gather [hbm4b:s1+s20], $0x800, s13, s20, $0x38;
	[tilespmem:$0x6B18] =	vst v63  }
0x13a: {  	s7 =	rddreg [dreg:$0x4];
	s5 =	sadd.s32 s4, s6  }
0x13b: {  	[tilespmem:s26], [sflag:$0x2] =	stream.strided.gather [hbm4b:s5+s20], $0x800, s13, s20, $0x38;
	[tilespmem:$0x6B18] =	vst v63  }
0x13c: {  	s1 =	sadd.s32 s4, s7  }
0x13d: {  	[tilespmem:s28], [sflag:$0x2] =	stream.strided.gather [hbm4b:s1+s20], $0x800, s13, s20, $0x38;
	[tilespmem:$0x6B18] =	vst v63  }
0x13e: {  	s1 =	sadd.s32 $0x80, s11  }
0x13f: {  	p0 =	slt.s32 s1, $0x270  }
0x140: {  	s1 =	simm.s32 @!p0 $0x270  }
0x141: {  	s1 =	sshll.u32 s1, $0xE  }
0x142: {  	s1 =	sadd.s32 s10, s1  }
0x143: {  	s8 =	rddreg [dreg:$0x12];
	s1 =	sshrl.u32 s1, $0x3  }
0x144: {  	s1 =	sadd.s32 s8, s1  }
0x145: {  	[tilespmem:s29], [sflag:$0x2] =	stream.strided.gather [hbm4b:s1+s20], $0x800, s13, s20, $0x38;
	[tilespmem:$0x6B18] =	vst v63  }
0x146: {  	_ =	swait.ge [sflag:s30], $0x80  }
0x147: {  	[sflag:s30] =	ssyncset.done $0x0  }
0x148: {  	[sflag:s30] =	ssyncadd.s32 $0xFFFFFF80  }
0x149: {  	_ =	swait.ge [sflag:s30], $0x80  }
0x14a: {  	[sflag:s30] =	ssyncset.done $0x0  }
0x14b: {  	[sflag:s30] =	ssyncadd.s32 $0xFFFFFF80  }
0x14c: {  	_ =	swait.ge [sflag:s30], $0x80  }
0x14d: {  	[sflag:s30] =	ssyncset.done $0x0  }
0x14e: {  	[sflag:s30] =	ssyncadd.s32 $0xFFFFFF80  }
0x14f: {  	_ =	swait.ge [sflag:s30], $0x80  }
0x150: {  	[sflag:s30] =	ssyncset.done $0x0  }
0x151: {  	[sflag:s30] =	ssyncadd.s32 $0xFFFFFF80  }
0x152: {  	_ =	swait.ge [sflag:s30], $0x80  }
0x153: {  	[sflag:s30] =	ssyncset.done $0x0  }
0x154: {  	[sflag:s30] =	ssyncadd.s32 $0xFFFFFF80  }
0x155: {  	_ =	swait.ge [sflag:s30], $0x80  }
0x156: {  	[sflag:s30] =	ssyncset.done $0x0  }
0x157: {  	[sflag:s30] =	ssyncadd.s32 $0xFFFFFF80  }
0x158: {  	_ =	swait.ge [sflag:s30], $0x80  }
0x159: {  	[sflag:s30] =	ssyncset.done $0x0  }
0x15a: {  	[sflag:s30] =	ssyncadd.s32 $0xFFFFFF80  }
0x15b: {  	_ =	swait.ge [sflag:s30], $0x80  }
0x15c: {  	[sflag:s30] =	ssyncset.done $0x0  }
0x15d: {  	[sflag:s30] =	ssyncadd.s32 $0xFFFFFF80  }
0x15e: {  	_ =	swait.ge [sflag:s31], $0x800  }
0x15f: {  	[sflag:s31] =	ssyncset.done $0x0  }
0x160: {  	[sflag:s31] =	ssyncadd.s32 $0xFFFFF800  }
0x161: {  	_ =	swait.ge [sflag:s31], $0x800  }
0x162: {  	[sflag:s31] =	ssyncset.done $0x0  }
0x163: {  	[sflag:s31] =	ssyncadd.s32 $0xFFFFF800  }
0x164: {  	_ =	swait.ge [sflag:s31], $0x800  }
0x165: {  	[sflag:s31] =	ssyncset.done $0x0  }
0x166: {  	[sflag:s31] =	ssyncadd.s32 $0xFFFFF800  }
0x167: {  	_ =	swait.ge [sflag:s31], $0x800  }
0x168: {  	[sflag:s31] =	ssyncset.done $0x0  }
0x169: {  	[sflag:s31] =	ssyncadd.s32 $0xFFFFF800  }
0x16a: {  	_ =	swait.ge [sflag:s31], $0x800  }
0x16b: {  	[sflag:s31] =	ssyncset.done $0x0  }
0x16c: {  	[sflag:s31] =	ssyncadd.s32 $0xFFFFF800  }
0x16d: {  	_ =	swait.ge [sflag:s31], $0x800  }
0x16e: {  	[sflag:s31] =	ssyncset.done $0x0  }
0x16f: {  	[sflag:s31] =	ssyncadd.s32 $0xFFFFF800  }
0x170: {  	_ =	swait.ge [sflag:s31], $0x800  }
0x171: {  	[sflag:s31] =	ssyncset.done $0x0  }
0x172: {  	[sflag:s31] =	ssyncadd.s32 $0xFFFFF800  }
0x173: {  	_ =	swait.ge [sflag:s31], $0x800  }
0x174: {  	[sflag:s31] =	ssyncset.done $0x0  }
0x175: {  	[sflag:s31] =	ssyncadd.s32 $0xFFFFF800  }
0x176: {  	[spmem:s2] =	stream.indirect.scatter.add.f32 [tilespmem:s21], [sflag:$0x3], $0x10, s3, s13, $0xb8;
	[tilespmem:$0x6B18] =	vst v63  }
0x177: {  	_ = 	snop  }
0x178: {  	[spmem:s2] =	stream.indirect.scatter.add.f32 [tilespmem:s22], [sflag:$0x3], $0x10, s13, s13, $0xb8;
	[tilespmem:$0x6B18] =	vst v63  }
0x179: {  	_ = 	snop  }
0x17a: {  	[spmem:s2] =	stream.indirect.scatter.add.f32 [tilespmem:s23], [sflag:$0x3], $0x10, s14, s13, $0xb8;
	[tilespmem:$0x6B18] =	vst v63  }
0x17b: {  	_ = 	snop  }
0x17c: {  	[spmem:s2] =	stream.indirect.scatter.add.f32 [tilespmem:s24], [sflag:$0x3], $0x10, s15, s13, $0xb8;
	[tilespmem:$0x6B18] =	vst v63  }
0x17d: {  	_ = 	snop  }
0x17e: {  	[spmem:s2] =	stream.indirect.scatter.add.f32 [tilespmem:s25], [sflag:$0x3], $0x10, s16, s13, $0xb8;
	[tilespmem:$0x6B18] =	vst v63  }
0x17f: {  	_ = 	snop  }
0x180: {  	[spmem:s2] =	stream.indirect.scatter.add.f32 [tilespmem:s26], [sflag:$0x3], $0x10, s17, s13, $0xb8;
	[tilespmem:$0x6B18] =	vst v63  }
0x181: {  	_ = 	snop  }
0x182: {  	[spmem:s2] =	stream.indirect.scatter.add.f32 [tilespmem:s28], [sflag:$0x3], $0x10, s18, s13, $0xb8;
	[tilespmem:$0x6B18] =	vst v63  }
0x183: {  	_ = 	snop  }
0x184: {  	[spmem:s2] =	stream.indirect.scatter.add.f32 [tilespmem:s29], [sflag:$0x3], $0x10, s19, s13, $0xb8;
	[tilespmem:$0x6B18] =	vst v63  }
0x185: {  	_ =	swait.ge [sflag:s0], $0x800  }
0x186: {  	[sflag:s0] =	ssyncset.done $0x0  }
0x187: {  	[sflag:s0] =	ssyncadd.s32 $0xFFFFF800  }
0x188: {  	_ =	swait.ge [sflag:s0], $0x800  }
0x189: {  	[sflag:s0] =	ssyncset.done $0x0  }
0x18a: {  	[sflag:s0] =	ssyncadd.s32 $0xFFFFF800  }
0x18b: {  	_ =	swait.ge [sflag:s0], $0x800  }
0x18c: {  	[sflag:s0] =	ssyncset.done $0x0  }
0x18d: {  	[sflag:s0] =	ssyncadd.s32 $0xFFFFF800  }
0x18e: {  	_ =	swait.ge [sflag:s0], $0x800  }
0x18f: {  	[sflag:s0] =	ssyncset.done $0x0  }
0x190: {  	[sflag:s0] =	ssyncadd.s32 $0xFFFFF800  }
0x191: {  	_ =	swait.ge [sflag:s0], $0x800  }
0x192: {  	[sflag:s0] =	ssyncset.done $0x0  }
0x193: {  	[sflag:s0] =	ssyncadd.s32 $0xFFFFF800  }
0x194: {  	_ =	swait.ge [sflag:s0], $0x800  }
0x195: {  	[sflag:s0] =	ssyncset.done $0x0  }
0x196: {  	[sflag:s0] =	ssyncadd.s32 $0xFFFFF800  }
0x197: {  	_ =	swait.ge [sflag:s0], $0x800  }
0x198: {  	[sflag:s0] =	ssyncset.done $0x0  }
0x199: {  	[sflag:s0] =	ssyncadd.s32 $0xFFFFF800  }
0x19a: {  	_ =	swait.ge [sflag:s0], $0x800  }
0x19b: {  	[sflag:s0] =	ssyncset.done $0x0  }
0x19c: {  	[sflag:s0] =	ssyncadd.s32 $0xFFFFF800  }
0x19d: {  	[bflag:$0x0] =	sbarrier.arrive $0xFFFF  }
0x19e: {  	s5 =	rddreg [dreg:$0x15]  }
0x19f: {  	s9 =	rddreg [dreg:$0x16]  }
0x1a0: {  	s4 =	simm.s32 $0x4;
	s11 =	rddreg [dreg:$0x1a]  }
0x1a1: {  	[hbm:s9@s20], [sflag:s5] =	dma.strided [spmem:s11@s31], $0x4E2, s30, $0x2   }
0x1a2: {  	_ =	swait.ge [sflag:s4], $0x4E2  }
0x1a3: {  	s6 =	rddreg [dreg:$0x19]  }
0x1a4: {  	s12 =	rddreg [dreg:$0x17];
	s6 =	sadd.s32 $0x1, s6  }
0x1a5: {  	p0 =	sne.s32 s6, s12  }
.Ltmp1:
0x1a6: {  	_ = 	snop;
	(pc) =	sbr.rel @p0 .LBB2_1-.Ltmp1, $3  }
0x1a7: {  	_ =	sdelay $0x1  }
0x1a8: {  	[sflag:s4] =	ssyncset.done $0x0  }
0x1a9: {  	[sflag:s4] =	ssyncadd.s32 $0xFFFFFB1E  }
0x1aa: {  	_ =	sfence.sel $0x180000  }
0x1ab: {  	[bflag:$0x0] =	sbarrier.arrive $0xFFFF  }
0x1ac: {  	_ =	strace $0x90000050  }
0x1ad: {  	s0 =	stileid.u32;
	[bflag:$0x2] =	sbarrier.arrive $0xFFFF  }
0x1ae: {  	p0 =	sne.s32 s0, $0x0;
	s0 =	rddreg [dreg:$0x2]  }
0x1af: {  	s0 =	sadd.s32 @!p0 $0x100000, s0  }
0x1b0: {  	[sflag:s0] =	ssyncadd.tile.s32 @!p0 $0x1;
	_ =	shalt  }
.Lfunc_end2:
_tile_overlayer_lowered:
.L_overlay_start_2:
0x1b1: {  	(tag) =	ssettag $0x2  }
0x1b2: {  	s0 =	rddreg [dreg:$0x0];
	s2 =	stileid.u32  }
0x1b3: {  	s1 =	rddreg [dreg:$0x1];
	p0 =	sne.s32 s2, $0x0  }
0x1b4: {  	s3 =	rddreg [dreg:$0x2];
	[bflag:$0x3] =	sbarrier.arrive $0xFFFF;
	s2 =	simm.s32 @!p0 $0x1C04  }
0x1b5: {  	[timem:s3], [sflag:s2] =	dma.local @!p0 [hbm:s0], s1  }
0x1b6: {  	s0 =	simm.s32 @!p0 $0x4  }
0x1b7: {  	_ =	swait.ge @!p0 [sflag:s0], s1  }
0x1b8: {  	s1 =	ssub.s32 @!p0 $0x0, s1;
	[sflag:s0] =	ssyncset.done @!p0 $0x0  }
0x1b9: {  	[sflag:s0] =	ssyncadd.s32 @!p0 s1  }
0x1ba: {  	[bflag:$0x3] =	sbarrier.arrive $0xFFFF  }
0x1bb: {  	_ =	shalt  }

// kernel: kernel.15.cloned.1.call-start
scs
__scs_entry_jumppad:
0x0: {  	(pc) =	sbr.rel $0x88, $3  }
0x1: {  	(tag) =	ssettag $0x0;
	lr =	simm.s32 $0x1  }
0x2: {  	[smem:$0x3F99] =	sst lr;
	_ =	strace $0xD0000000  }
0x3: {  	_ = 	snop  }
0x4: {  	_ = 	snop  }
0x5: {  	_ = 	snop  }
0x6: {  	_ = 	snop  }
0x7: {  	_ = 	snop  }
__scs_overlays_trampoline_lowered:
0x8: {  	[smem:$0x3FA8] =	sst s0  }
0x9: {  	[smem:$0x3FA9] =	sst s1  }
0xa: {  	[smem:$0x3FAA] =	sst s2  }
0xb: {  	[smem:$0x3FAB] =	sst s3  }
0xc: {  	[smem:$0x3FAC] =	sst s4  }
0xd: {  	[smem:$0x3FAD] =	sst s5  }
0xe: {  	[smem:$0x3FAE] =	sst s6  }
0xf: {  	[smem:$0x3FAF] =	sst s7  }
0x10: {  	[smem:$0x3FB0] =	sst s8  }
0x11: {  	[smem:$0x3FB1] =	sst s9;
	s0 =	simm.s32 @!p0 $0x0  }
0x12: {  	s1 =	sld [smem:$0x3F97];
	s0 =	simm.s32 @p0 $0x1  }
0x13: {  	[smem:$0x3FB2] =	sst s0;
	s0 =	simm.s32 @!p1 $0x0  }
0x14: {  	s2 =	sld [smem:$0x3F96];
	s0 =	simm.s32 @p1 $0x1  }
0x15: {  	[smem:$0x3FB3] =	sst s0;
	s0 =	simm.s32 @!p2 $0x0  }
0x16: {  	s3 =	sld [smem:$0x3FDB];
	s0 =	simm.s32 @p2 $0x1  }
0x17: {  	s4 =	simm.s32 $0x1BF5;
	[smem:$0x3FB5] =	sst s0  }
0x18: {  	s0 =	sld [smem:$0x3F98];
	_ =	swait.ge [sflag:s4], $0x0  }
0x19: {  	s7 =	sld [smem:$0x3F99]  }
0x1a: {  	s8 =	sadd.s32 $0xFFFFE003, lr  }
0x1b: {  	s9 =	sadd.s32 $0xFFFFFEF7, lr;
	s5 =	simm.s32 $0xFFFFFFFF;
	p2 =	slt.u32 s8, $0xFFFFF086  }
0x1c: {  	p1 =	slt.u32 s9, $0xF7A;
	s5 =	simm.s32 @!p2 $0x0  }
0x1d: {  	s5 =	simm.s32 @p1 $0x1;
	p0 =	seq.s32 s7, s2  }
0x1e: {  	s7 =	smul.u32 @!p0 $0xF7A, s2;
	p2 =	seq.s32 @!p0 s5, $0x0  }
0x1f: {  	s9 =	smul.u32 $0xF7A, s1;
	s8 =	simm.s32 @!p0 $0x1BF5;
	p2 =	por !p2, p0  }
0x20: {  	[sflag:s8] =	ssyncset.s32 @!p0 $0xFFFFF086;
	s6 =	sadd.s32 @!p0 s3, s7;
	s7 =	simm.s32 @!p0 $0x108  }
0x21: {  	s3 =	sadd.s32 s3, s9;
	s6 =	sadd.s32 @!p0 $0x88, s6;
	s7 =	simm.s32 @p2 $0x1082  }
0x22: {  	[simem:s7], [sflag:s8] =	dma.local @!p0 [hbm:s6], $0xF7A  }
0x23: {  	s9 =	sor.u32 $0xD0000000, s2;
	s6 =	simm.s32 $0x108;
	_ =	swait.ge @!p0 [sflag:s8], $0x0  }
0x24: {  	s3 =	sadd.s32 $0x88, s3;
	s6 =	simm.s32 @!p1 $0x1082;
	[sflag:s4] =	ssyncset.s32 $0xFFFFF086  }
0x25: {  	[simem:s6], [sflag:s4] =	dma.local [hbm:s3], $0xF7A  }
0x26: {  	[smem:$0x3F99] =	sst s1;
	(tag) =	ssettag s2;
	_ =	strace s9  }
0x27: {  	s1 =	sld [smem:$0x3FA9]  }
0x28: {  	s2 =	sld [smem:$0x3FAA]  }
0x29: {  	s4 =	sld [smem:$0x3FAC]  }
0x2a: {  	p0 =	seq.s32 s5, $0x0;
	s5 =	sld [smem:$0x3FAD]  }
0x2b: {  	s6 =	sld [smem:$0x3FAE]  }
0x2c: {  	s7 =	sld [smem:$0x3FAF]  }
0x2d: {  	s3 =	simm.s32 $0x108;
	s8 =	sld [smem:$0x3FB0]  }
0x2e: {  	s3 =	simm.s32 @!p0 $0x1082;
	s9 =	sld [smem:$0x3FB1]  }
0x2f: {  	lr =	sadd.s32 s0, s3;
	s0 =	sld [smem:$0x3FA8]  }
0x30: {  	s3 =	sld [smem:$0x3FAB]  }
0x31: {  	[smem:$0x3FB4] =	sst s10  }
0x32: {  	s10 =	sld [smem:$0x3FB2];
	_ =	sdelay $0x3  }
0x33: {  	p0 =	seq.s32 s10, $0x1;
	s10 =	sld [smem:$0x3FB4];
	_ =	sdelay $0x3  }
0x34: {  	[smem:$0x3FB4] =	sst s10  }
0x35: {  	s10 =	sld [smem:$0x3FB3];
	_ =	sdelay $0x3  }
0x36: {  	p1 =	seq.s32 s10, $0x1;
	s10 =	sld [smem:$0x3FB4];
	_ =	sdelay $0x3  }
0x37: {  	[smem:$0x3FB4] =	sst s10  }
0x38: {  	s10 =	sld [smem:$0x3FB5]  }
0x39: {  	_ = 	snop;
	(pc) =	sbr.ind lr, $3  }
0x3a: {  	_ = 	snop  }
0x3b: {  	_ = 	snop  }
0x3c: {  	p2 =	seq.s32 s10, $0x1;
	s10 =	sld [smem:$0x3FB4]  }
0x3d: {  	_ =	shalt  }
0x3e: {  	_ =	shalt  }
0x3f: {  	_ =	shalt  }
0x40: {  	_ =	shalt  }
0x41: {  	_ =	shalt  }
0x42: {  	_ =	shalt  }
0x43: {  	_ =	shalt  }
0x44: {  	_ =	shalt  }
0x45: {  	_ =	shalt  }
0x46: {  	_ =	shalt  }
0x47: {  	_ =	shalt  }
0x48: {  	_ =	shalt  }
0x49: {  	_ =	shalt  }
0x4a: {  	_ =	shalt  }
0x4b: {  	_ =	shalt  }
0x4c: {  	_ =	shalt  }
0x4d: {  	_ =	shalt  }
0x4e: {  	_ =	shalt  }
0x4f: {  	_ =	shalt  }
0x50: {  	_ =	shalt  }
0x51: {  	_ =	shalt  }
0x52: {  	_ =	shalt  }
0x53: {  	_ =	shalt  }
0x54: {  	_ =	shalt  }
0x55: {  	_ =	shalt  }
0x56: {  	_ =	shalt  }
0x57: {  	_ =	shalt  }
0x58: {  	_ =	shalt  }
0x59: {  	_ =	shalt  }
0x5a: {  	_ =	shalt  }
0x5b: {  	_ =	shalt  }
0x5c: {  	_ =	shalt  }
0x5d: {  	_ =	shalt  }
0x5e: {  	_ =	shalt  }
0x5f: {  	_ =	shalt  }
0x60: {  	_ =	shalt  }
0x61: {  	_ =	shalt  }
0x62: {  	_ =	shalt  }
0x63: {  	_ =	shalt  }
0x64: {  	_ =	shalt  }
0x65: {  	_ =	shalt  }
0x66: {  	_ =	shalt  }
0x67: {  	_ =	shalt  }
0x68: {  	_ =	shalt  }
0x69: {  	_ =	shalt  }
0x6a: {  	_ =	shalt  }
0x6b: {  	_ =	shalt  }
0x6c: {  	_ =	shalt  }
0x6d: {  	_ =	shalt  }
0x6e: {  	_ =	shalt  }
0x6f: {  	_ =	shalt  }
0x70: {  	_ =	shalt  }
0x71: {  	_ =	shalt  }
0x72: {  	_ =	shalt  }
0x73: {  	_ =	shalt  }
0x74: {  	_ =	shalt  }
0x75: {  	_ =	shalt  }
0x76: {  	_ =	shalt  }
0x77: {  	_ =	shalt  }
0x78: {  	_ =	shalt  }
0x79: {  	_ =	shalt  }
0x7a: {  	_ =	shalt  }
0x7b: {  	_ =	shalt  }
0x7c: {  	_ =	shalt  }
0x7d: {  	_ =	shalt  }
0x7e: {  	_ =	shalt  }
0x7f: {  	_ =	shalt  }
0x80: {  	_ =	shalt  }
0x81: {  	_ =	shalt  }
0x82: {  	_ =	shalt  }
0x83: {  	_ =	shalt  }
0x84: {  	_ =	shalt  }
0x85: {  	_ =	shalt  }
0x86: {  	_ =	shalt  }
0x87: {  	_ =	shalt  }
.Lfunc_end0:
.L_simem_size_0:
called_computation.2_lowered:
.L_overlay_start_0:
0x88: {  	s2 =	sld [smem:$0x3FD9]  }
0x89: {  	s3 =	sld [smem:$0x3FFE];
	_ =	sdelay $0x1  }
0x8a: {  	s1 =	srdreg.scid  }
0x8b: {  	s0 =	sand.u32 $0x1, s1  }
0x8c: {  	s17 =	sshll.u32 s0, $0xA;
	s2 =	sadd.s32 s3, s2  }
0x8d: {  	s2 =	sadd.s32 s2, s17  }
0x8e: {  	[smem:$0x3FC0] =	sst s2  }
0x8f: {  	_ = 	snop  }
0x90: {  	s2 =	sld [smem:$0x3FD0];
	(tm) =	ssettm $0x1  }
0x91: {  	s18 =	sld [smem:$0x3FFB];
	_ =	sdelay $0x3  }
0x92: {  	_ =	strace s18  }
0x93: {  	s3 =	sld [smem:$0x3FFC];
	_ =	sdelay $0x3  }
0x94: {  	_ =	strace s3  }
0x95: {  	s3 =	sld [smem:$0x3FFD];
	_ =	sdelay $0x3  }
0x96: {  	_ =	strace s3  }
0x97: {  	_ =	strace $0x8FFFFFFF  }
0x98: {  	s19 =	sld [smem:$0x3FDB];
	_ =	sdelay $0x1  }
0x99: {  	s4 =	simm.s32 $_scs_section_size  }
0x9a: {  	s5 =	simm.s32 $_size__tile_overlayer_lowered;
	s6 =	simm.s32 $_tile_overlayer_lowered  }
0x9b: {  	s22 =	simm.s32 $0x1BFF;
	s21 =	sshll.u32 s6, $0x1;
	s3 =	sadd.s32 s4, s19  }
0x9c: {  	s7 =	simm.s32 $0x0;
	s20 =	sshll.u32 s5, $0x1;
	s5 =	sadd.s32 s21, s3  }
0x9d: {  	[timem:s7], [sflag:s22] =	dma.local [hbm:s5], s20  }
0x9e: {  	_ =	swait.ge [sflag:s22], s20  }
0x9f: {  	s4 =	ssub.s32 $0x0, s20;
	[sflag:s22] =	ssyncset.done $0x0  }
0xa0: {  	[sflag:s22] =	ssyncadd.s32 s4;
	_ =	sdelay $0x1  }
0xa1: {  	s23 =	simm.s32 $0x1B8B  }
0xa2: {  	_ =	swait.ge [sflag:s23], $0x1  }
0xa3: {  	[sflag:s23] =	ssyncset.done $0x0  }
0xa4: {  	s25 =	simm.s32 $0x1B8E;
	s24 =	sld [smem:$0x3FFE];
	[sflag:s23] =	ssyncadd.s32 $0xFFFFFFFF  }
0xa5: {  	s26 =	simm.s32 $execute0_lowered;
	[smem:$0x3FD2] =	sst s25  }
0xa6: {  	s5 =	sshll.u32 s26, $0x1;
	_ =	strace $0x80000046;
	[dreg:$0x1] =	wrdreg $0xFFFFFFFF  }
0xa7: {  	s28 =	simm.s32 $_size_execute0_lowered;
	s3 =	sadd.s32 s3, s5;
	[dreg:$0x0] =	wrdreg $0x0  }
0xa8: {  	s5 =	sshll.u32 s28, $0x1;
	[dreg:$0x2] =	wrdreg s3  }
0xa9: {  	[dreg:$0x3] =	wrdreg s5  }
0xaa: {  	[dreg:$0x4] =	wrdreg $0xC0  }
0xab: {  	_ =	task [dreg:s7], $0x5FFFF  }
0xac: {  	[dreg:$0x1] =	wrdreg $0xFFFFFFFF  }
0xad: {  	[dreg:$0x0] =	wrdreg $0x60  }
0xae: {  	[dreg:$0x2] =	wrdreg s2  }
0xaf: {  	[dreg:$0x3] =	wrdreg s24  }
0xb0: {  	[dreg:$0x4] =	wrdreg $0xA  }
0xb1: {  	_ =	task.clear_ibuf [dreg:s7], $0x5FFFF;
	_ =	strace $0x90000046  }
0xb2: {  	s29 =	simm.s32 $0xA;
	_ =	strace $0x80000048  }
0xb3: {  	_ =	swait.ge [sflag:s29], $0x1  }
0xb4: {  	[sflag:s29] =	ssyncadd.s32 $0xFFFFFFFF  }
0xb5: {  	_ =	strace $0x90000048  }
0xb6: {  	_ =	sfence  }
0xb7: {  	s30 =	sld [smem:$0x0];
	_ =	sdelay $0x2  }
0xb8: {  	s31 =	sshll.u32 s1, $0xD;
	s1 =	sshrl.u32 s1, $0x2  }
0xb9: {  	s3 =	sand.u32 $0x4000, s31;
	s1 =	sadd.s32 s1, s30  }
0xba: {  	s0 =	sor.u32 s3, s0;
	s1 =	sshll.u32 s1, $0x11  }
0xbb: {  	s0 =	sor.u32 s1, s0  }
0xbc: {  	s0 =	sadd.s32 $0x8F2B, s0  }
0xbd: {  	[sflag:s0] =	ssyncadd.remote.s32 $0x1  }
0xbe: {  	_ =	sfence.sel $0xFFFF  }
0xbf: {  	[dreg:$0x0] =	wrdreg $0xFFFFFFFF;
	(pc) =	sbr.abs _section_cstart, $3  }
0xc0: {  	[dreg:$0x1] =	wrdreg $0xFFFFFFFF  }
0xc1: {  	_ =	task.clear_ibuf [dreg:s7], $0x2FFFF;
	_ =	strace $0x9FFFFFFF  }
0xc2: {  	(tm) =	ssettm $0x7FFFFFFF  }
0xc3: {  	_ =	shalt  }
tec
execute0_lowered:
.L_overlay_start_1:
0x0: {  	(tag) =	ssettag $0x1  }
0x1: {  	s1 =	rddreg [dreg:$0x0]  }
0x2: {  	s0 =	rddreg [dreg:$0x1];
	s3 =	srdreg.scid  }
0x3: {  	s2 =	simm.s32 $0x0;
	s8 =	stileid.u32;
	s9 =	simm.s32 $0x80  }
0x4: {  	s10 =	simm.s32 $0x100;
	s11 =	simm.s32 $0x180;
	s12 =	simm.s32 $0x200  }
0x5: {  	s13 =	simm.s32 $0x280;
	s14 =	simm.s32 $0x300;
	s15 =	simm.s32 $0x380  }
0x6: {  	s16 =	simm.s32 $0x1;
	s17 =	simm.s32 $0x400;
	s18 =	simm.s32 $0xC00  }
0x7: {  	s19 =	simm.s32 $0x1400;
	s20 =	simm.s32 $0x1C00;
	s21 =	simm.s32 $0x2400  }
0x8: {  	s22 =	simm.s32 $0x2C00;
	s28 =	simm.s32 $0x3;
	s3 =	sand.u32 $0x1, s3  }
0x9: {  	[smem:$0x7FF] =	sst s2;
	s4 =	sadd.s32 $0x2800, s0;
	s5 =	sadd.s32 $0x33A00, s0  }
0xa: {  	s24 =	sshll.u32 s8, $0x1;
	s25 =	sshll.u32 s8, $0xC;
	s6 =	ssub.s32 $0x2, s3  }
0xb: {  	s8 =	sshll.u32 s8, $0x5;
	_ =	strace $0x80000047;
	s7 =	sshrl.u32 s6, $0x1  }
0xc: {  	s26 =	sshll.u32 s3, $0xB;
	s29 =	sadd.s32 s8, s4;
	s23 =	ssub.s32 s6, s7  }
0xd: {  	s30 =	sshll.u32 s3, $0x4;
	s31 =	sor.u32 s3, s24;
	s0 =	smax.u32 s23, $0x1  }
0xe: {  	s24 =	simm.s32 $0x3C00;
	[dreg:$0x4] =	wrdreg s0;
	s0 =	sadd.s32 s25, s5  }
0xf: {  	s3 =	simm.s32 $0x0;
	s7 =	sadd.s32 s30, s29;
	s0 =	sadd.s32 s26, s0  }
0x10: {  	s23 =	simm.s32 $0x3400;
	[dreg:$0x3] =	wrdreg s0;
	s0 =	sor.u32 $0xE0, s31  }
0x11: {  	s25 =	simm.s32 $0x2;
	s26 =	simm.s32 $0x10;
	[dreg:$0x5] =	wrdreg s0  }
.LBB2_1:
0x12: {  	[tilespmem:s2], [sflag:$0x1] =	stream.linear.gather [hbm4b:s7+s2], $0x80, $0x38;
	[tilespmem:$0x4400] =	vst v63  }
0x13: {  	s8 =	sadd.s32 $0x200, s7  }
0x14: {  	[tilespmem:s9], [sflag:$0x1] =	stream.linear.gather [hbm4b:s8+s2], $0x80, $0x38;
	[tilespmem:$0x4400] =	vst v63  }
0x15: {  	s29 =	sadd.s32 $0x400, s7  }
0x16: {  	[tilespmem:s10], [sflag:$0x1] =	stream.linear.gather [hbm4b:s29+s2], $0x80, $0x38;
	[tilespmem:$0x4400] =	vst v63  }
0x17: {  	[dreg:$0x6] =	wrdreg s3;
	s0 =	sadd.s32 $0x600, s7  }
0x18: {  	[tilespmem:s11], [sflag:$0x1] =	stream.linear.gather [hbm4b:s0+s2], $0x80, $0x38;
	[tilespmem:$0x4400] =	vst v63  }
0x19: {  	s0 =	rddreg [dreg:$0x5]  }
0x1a: {  	s6 =	sadd.s32 $0x800, s7;
	p0 =	slt.s32 s0, $0x4E1;
	s3 =	smov.u32 s0  }
0x1b: {  	[tilespmem:s12], [sflag:$0x1] =	stream.linear.gather [hbm4b:s6+s2], $0x80, $0x38;
	[tilespmem:$0x4400] =	vst v63  }
0x1c: {  	s8 =	sadd.s32 $0xA00, s7;
	s3 =	simm.s32 @!p0 $0x4E1  }
0x1d: {  	[tilespmem:s13], [sflag:$0x1] =	stream.linear.gather [hbm4b:s8+s2], $0x80, $0x38;
	[tilespmem:$0x4400] =	vst v63  }
0x1e: {  	s6 =	sadd.s32 $0xC00, s7;
	s29 =	sshll.u32 s3, $0x4  }
0x1f: {  	[tilespmem:s14], [sflag:$0x1] =	stream.linear.gather [hbm4b:s6+s2], $0x80, $0x38;
	[tilespmem:$0x4400] =	vst v63  }
0x20: {  	s6 =	sadd.s32 s4, s29  }
0x21: {  	[tilespmem:s15], [sflag:$0x1] =	stream.linear.gather [hbm4b:s6+s2], $0x80, $0x38;
	[tilespmem:$0x4400] =	vst v63  }
0x22: {  	_ =	swait.ge [sflag:s16], $0x80  }
0x23: {  	[sflag:s16] =	ssyncset.done $0x0  }
0x24: {  	[sflag:s16] =	ssyncadd.s32 $0xFFFFFF80  }
0x25: {  	_ =	swait.ge [sflag:s16], $0x80  }
0x26: {  	[sflag:s16] =	ssyncset.done $0x0  }
0x27: {  	[sflag:s16] =	ssyncadd.s32 $0xFFFFFF80  }
0x28: {  	_ =	swait.ge [sflag:s16], $0x80  }
0x29: {  	[sflag:s16] =	ssyncset.done $0x0  }
0x2a: {  	[sflag:s16] =	ssyncadd.s32 $0xFFFFFF80  }
0x2b: {  	_ =	swait.ge [sflag:s16], $0x80  }
0x2c: {  	[sflag:s16] =	ssyncset.done $0x0  }
0x2d: {  	[sflag:s16] =	ssyncadd.s32 $0xFFFFFF80  }
0x2e: {  	_ =	swait.ge [sflag:s16], $0x80  }
0x2f: {  	[sflag:s16] =	ssyncset.done $0x0  }
0x30: {  	[sflag:s16] =	ssyncadd.s32 $0xFFFFFF80  }
0x31: {  	_ =	swait.ge [sflag:s16], $0x80  }
0x32: {  	[sflag:s16] =	ssyncset.done $0x0  }
0x33: {  	[sflag:s16] =	ssyncadd.s32 $0xFFFFFF80  }
0x34: {  	_ =	swait.ge [sflag:s16], $0x80  }
0x35: {  	[sflag:s16] =	ssyncset.done $0x0  }
0x36: {  	[sflag:s16] =	ssyncadd.s32 $0xFFFFFF80  }
0x37: {  	_ =	swait.ge [sflag:s16], $0x80  }
0x38: {  	[sflag:s16] =	ssyncset.done $0x0  }
0x39: {  	[sflag:s16] =	ssyncadd.s32 $0xFFFFFF80  }
0x3a: {  	[tilespmem:s17], [sflag:$0x2] =	stream.indirect.gather [hbm4b:s1+s9], $0x10, s2, s9, $0xb8;
	[tilespmem:$0x4400] =	vst v63  }
0x3b: {  	_ = 	snop  }
0x3c: {  	[tilespmem:s18], [sflag:$0x2] =	stream.indirect.gather [hbm4b:s1+s9], $0x10, s9, s9, $0xb8;
	[tilespmem:$0x4400] =	vst v63  }
0x3d: {  	_ = 	snop  }
0x3e: {  	[tilespmem:s19], [sflag:$0x2] =	stream.indirect.gather [hbm4b:s1+s9], $0x10, s10, s9, $0xb8;
	[tilespmem:$0x4400] =	vst v63  }
0x3f: {  	_ = 	snop  }
0x40: {  	[tilespmem:s20], [sflag:$0x2] =	stream.indirect.gather [hbm4b:s1+s9], $0x10, s11, s9, $0xb8;
	[tilespmem:$0x4400] =	vst v63  }
0x41: {  	_ = 	snop  }
0x42: {  	[tilespmem:s21], [sflag:$0x2] =	stream.indirect.gather [hbm4b:s1+s9], $0x10, s12, s9, $0xb8;
	[tilespmem:$0x4400] =	vst v63  }
0x43: {  	_ = 	snop  }
0x44: {  	[tilespmem:s22], [sflag:$0x2] =	stream.indirect.gather [hbm4b:s1+s9], $0x10, s13, s9, $0xb8;
	[tilespmem:$0x4400] =	vst v63  }
0x45: {  	_ = 	snop  }
0x46: {  	[tilespmem:s23], [sflag:$0x2] =	stream.indirect.gather [hbm4b:s1+s9], $0x10, s14, s9, $0xb8;
	[tilespmem:$0x4400] =	vst v63  }
0x47: {  	_ = 	snop  }
0x48: {  	[tilespmem:s24], [sflag:$0x2] =	stream.indirect.gather [hbm4b:s1+s9], $0x10, s15, s9, $0xb8;
	[tilespmem:$0x4400] =	vst v63  }
0x49: {  	_ =	swait.ge [sflag:s25], $0x800  }
0x4a: {  	[sflag:s25] =	ssyncset.done $0x0  }
0x4b: {  	[sflag:s25] =	ssyncadd.s32 $0xFFFFF800  }
0x4c: {  	_ =	swait.ge [sflag:s25], $0x800  }
0x4d: {  	[sflag:s25] =	ssyncset.done $0x0  }
0x4e: {  	[sflag:s25] =	ssyncadd.s32 $0xFFFFF800  }
0x4f: {  	_ =	swait.ge [sflag:s25], $0x800  }
0x50: {  	[sflag:s25] =	ssyncset.done $0x0  }
0x51: {  	[sflag:s25] =	ssyncadd.s32 $0xFFFFF800  }
0x52: {  	_ =	swait.ge [sflag:s25], $0x800  }
0x53: {  	[sflag:s25] =	ssyncset.done $0x0  }
0x54: {  	[sflag:s25] =	ssyncadd.s32 $0xFFFFF800  }
0x55: {  	_ =	swait.ge [sflag:s25], $0x800  }
0x56: {  	[sflag:s25] =	ssyncset.done $0x0  }
0x57: {  	[sflag:s25] =	ssyncadd.s32 $0xFFFFF800  }
0x58: {  	_ =	swait.ge [sflag:s25], $0x800  }
0x59: {  	[sflag:s25] =	ssyncset.done $0x0  }
0x5a: {  	[sflag:s25] =	ssyncadd.s32 $0xFFFFF800  }
0x5b: {  	_ =	swait.ge [sflag:s25], $0x800  }
0x5c: {  	[sflag:s25] =	ssyncset.done $0x0  }
0x5d: {  	[sflag:s25] =	ssyncadd.s32 $0xFFFFF800  }
0x5e: {  	_ =	swait.ge [sflag:s25], $0x800  }
0x5f: {  	s8 =	rddreg [dreg:$0x3];
	[sflag:s25] =	ssyncset.done $0x0  }
0x60: {  	[sflag:s25] =	ssyncadd.s32 $0xFFFFF800;
	s6 =	sadd.s32 $0x0, s8  }
0x61: {  	[hbm4b:s6+s26] =	stream.strided.scatter [tilespmem:s17], [sflag:$0x3], $0x800, s9, s26, $0x38;
	[tilespmem:$0x4400] =	vst v63  }
0x62: {  	s8 =	sadd.s32 $0x10000, s6  }
0x63: {  	[hbm4b:s8+s26] =	stream.strided.scatter [tilespmem:s18], [sflag:$0x3], $0x800, s9, s26, $0x38;
	[tilespmem:$0x4400] =	vst v63  }
0x64: {  	s29 =	sadd.s32 $0x20000, s6  }
0x65: {  	[hbm4b:s29+s26] =	stream.strided.scatter [tilespmem:s19], [sflag:$0x3], $0x800, s9, s26, $0x38;
	[tilespmem:$0x4400] =	vst v63  }
0x66: {  	s29 =	sadd.s32 $0x30000, s6  }
0x67: {  	[hbm4b:s29+s26] =	stream.strided.scatter [tilespmem:s20], [sflag:$0x3], $0x800, s9, s26, $0x38;
	[tilespmem:$0x4400] =	vst v63  }
0x68: {  	s29 =	sadd.s32 $0x40000, s6  }
0x69: {  	[hbm4b:s29+s26] =	stream.strided.scatter [tilespmem:s21], [sflag:$0x3], $0x800, s9, s26, $0x38;
	[tilespmem:$0x4400] =	vst v63  }
0x6a: {  	s29 =	sadd.s32 $0x50000, s6  }
0x6b: {  	[hbm4b:s29+s26] =	stream.strided.scatter [tilespmem:s22], [sflag:$0x3], $0x800, s9, s26, $0x38;
	[tilespmem:$0x4400] =	vst v63  }
0x6c: {  	s3 =	sshll.u32 s3, $0xB;
	s6 =	sadd.s32 $0x60000, s6  }
0x6d: {  	[hbm4b:s6+s26] =	stream.strided.scatter [tilespmem:s23], [sflag:$0x3], $0x800, s9, s26, $0x38;
	[tilespmem:$0x4400] =	vst v63  }
0x6e: {  	s3 =	sadd.s32 s5, s3  }
0x6f: {  	[hbm4b:s3+s26] =	stream.strided.scatter [tilespmem:s24], [sflag:$0x3], $0x800, s9, s26, $0x38;
	[tilespmem:$0x4400] =	vst v63  }
0x70: {  	_ =	swait.ge [sflag:s28], $0x800  }
0x71: {  	[sflag:s28] =	ssyncset.done $0x0  }
0x72: {  	[sflag:s28] =	ssyncadd.s32 $0xFFFFF800  }
0x73: {  	_ =	swait.ge [sflag:s28], $0x800  }
0x74: {  	[sflag:s28] =	ssyncset.done $0x0  }
0x75: {  	[sflag:s28] =	ssyncadd.s32 $0xFFFFF800  }
0x76: {  	_ =	swait.ge [sflag:s28], $0x800  }
0x77: {  	[sflag:s28] =	ssyncset.done $0x0  }
0x78: {  	[sflag:s28] =	ssyncadd.s32 $0xFFFFF800  }
0x79: {  	_ =	swait.ge [sflag:s28], $0x800  }
0x7a: {  	[sflag:s28] =	ssyncset.done $0x0  }
0x7b: {  	[sflag:s28] =	ssyncadd.s32 $0xFFFFF800  }
0x7c: {  	_ =	swait.ge [sflag:s28], $0x800  }
0x7d: {  	[sflag:s28] =	ssyncset.done $0x0  }
0x7e: {  	[sflag:s28] =	ssyncadd.s32 $0xFFFFF800  }
0x7f: {  	_ =	swait.ge [sflag:s28], $0x800  }
0x80: {  	[sflag:s28] =	ssyncset.done $0x0  }
0x81: {  	[sflag:s28] =	ssyncadd.s32 $0xFFFFF800  }
0x82: {  	_ =	swait.ge [sflag:s28], $0x800  }
0x83: {  	[sflag:s28] =	ssyncset.done $0x0  }
0x84: {  	s30 =	simm.s32 $0x80000;
	[sflag:s28] =	ssyncadd.s32 $0xFFFFF800  }
0x85: {  	s31 =	smov.u32 s7;
	s8 =	smov.u32 s0;
	_ =	swait.ge [sflag:s28], $0x800  }
.LBB2_2:
0x86: {  	[sflag:s28] =	ssyncset.done $0x0  }
0x87: {  	s31 =	sadd.s32 $0x1000, s31;
	[sflag:s28] =	ssyncadd.s32 $0xFFFFF800  }
0x88: {  	[tilespmem:s2], [sflag:$0x1] =	stream.linear.gather [hbm4b:s31+s2], $0x80, $0x38;
	[tilespmem:$0x4400] =	vst v63  }
0x89: {  	s6 =	sadd.s32 $0x200, s31  }
0x8a: {  	[tilespmem:s9], [sflag:$0x1] =	stream.linear.gather [hbm4b:s6+s2], $0x80, $0x38;
	[tilespmem:$0x4400] =	vst v63  }
0x8b: {  	s29 =	sadd.s32 $0x400, s31  }
0x8c: {  	[tilespmem:s10], [sflag:$0x1] =	stream.linear.gather [hbm4b:s29+s2], $0x80, $0x38;
	[tilespmem:$0x4400] =	vst v63  }
0x8d: {  	s8 =	sadd.s32 $0x100, s8;
	s0 =	sadd.s32 $0x600, s31  }
0x8e: {  	[tilespmem:s11], [sflag:$0x1] =	stream.linear.gather [hbm4b:s0+s2], $0x80, $0x38;
	[tilespmem:$0x4400] =	vst v63  }
0x8f: {  	p1 =	slt.s32 s8, $0x4E1;
	s6 =	smov.u32 s8;
	s29 =	sadd.s32 $0x800, s31  }
0x90: {  	[tilespmem:s12], [sflag:$0x1] =	stream.linear.gather [hbm4b:s29+s2], $0x80, $0x38;
	[tilespmem:$0x4400] =	vst v63  }
0x91: {  	s6 =	simm.s32 @!p1 $0x4E1;
	s0 =	sadd.s32 $0xA00, s31  }
0x92: {  	[tilespmem:s13], [sflag:$0x1] =	stream.linear.gather [hbm4b:s0+s2], $0x80, $0x38;
	[tilespmem:$0x4400] =	vst v63  }
0x93: {  	s29 =	sshll.u32 s6, $0x4;
	s0 =	sadd.s32 $0xC00, s31  }
0x94: {  	[tilespmem:s14], [sflag:$0x1] =	stream.linear.gather [hbm4b:s0+s2], $0x80, $0x38;
	[tilespmem:$0x4400] =	vst v63  }
0x95: {  	s0 =	sadd.s32 s4, s29  }
0x96: {  	[tilespmem:s15], [sflag:$0x1] =	stream.linear.gather [hbm4b:s0+s2], $0x80, $0x38;
	[tilespmem:$0x4400] =	vst v63  }
0x97: {  	_ =	swait.ge [sflag:s16], $0x80  }
0x98: {  	[sflag:s16] =	ssyncset.done $0x0  }
0x99: {  	[sflag:s16] =	ssyncadd.s32 $0xFFFFFF80  }
0x9a: {  	_ =	swait.ge [sflag:s16], $0x80  }
0x9b: {  	[sflag:s16] =	ssyncset.done $0x0  }
0x9c: {  	[sflag:s16] =	ssyncadd.s32 $0xFFFFFF80  }
0x9d: {  	_ =	swait.ge [sflag:s16], $0x80  }
0x9e: {  	[sflag:s16] =	ssyncset.done $0x0  }
0x9f: {  	[sflag:s16] =	ssyncadd.s32 $0xFFFFFF80  }
0xa0: {  	_ =	swait.ge [sflag:s16], $0x80  }
0xa1: {  	[sflag:s16] =	ssyncset.done $0x0  }
0xa2: {  	[sflag:s16] =	ssyncadd.s32 $0xFFFFFF80  }
0xa3: {  	_ =	swait.ge [sflag:s16], $0x80  }
0xa4: {  	[sflag:s16] =	ssyncset.done $0x0  }
0xa5: {  	[sflag:s16] =	ssyncadd.s32 $0xFFFFFF80  }
0xa6: {  	_ =	swait.ge [sflag:s16], $0x80  }
0xa7: {  	[sflag:s16] =	ssyncset.done $0x0  }
0xa8: {  	[sflag:s16] =	ssyncadd.s32 $0xFFFFFF80  }
0xa9: {  	_ =	swait.ge [sflag:s16], $0x80  }
0xaa: {  	[sflag:s16] =	ssyncset.done $0x0  }
0xab: {  	[sflag:s16] =	ssyncadd.s32 $0xFFFFFF80  }
0xac: {  	_ =	swait.ge [sflag:s16], $0x80  }
0xad: {  	[sflag:s16] =	ssyncset.done $0x0  }
0xae: {  	[sflag:s16] =	ssyncadd.s32 $0xFFFFFF80  }
0xaf: {  	[tilespmem:s17], [sflag:$0x2] =	stream.indirect.gather [hbm4b:s1+s9], $0x10, s2, s9, $0xb8;
	[tilespmem:$0x4400] =	vst v63  }
0xb0: {  	_ = 	snop  }
0xb1: {  	[tilespmem:s18], [sflag:$0x2] =	stream.indirect.gather [hbm4b:s1+s9], $0x10, s9, s9, $0xb8;
	[tilespmem:$0x4400] =	vst v63  }
0xb2: {  	_ = 	snop  }
0xb3: {  	[tilespmem:s19], [sflag:$0x2] =	stream.indirect.gather [hbm4b:s1+s9], $0x10, s10, s9, $0xb8;
	[tilespmem:$0x4400] =	vst v63  }
0xb4: {  	_ = 	snop  }
0xb5: {  	[tilespmem:s20], [sflag:$0x2] =	stream.indirect.gather [hbm4b:s1+s9], $0x10, s11, s9, $0xb8;
	[tilespmem:$0x4400] =	vst v63  }
0xb6: {  	_ = 	snop  }
0xb7: {  	[tilespmem:s21], [sflag:$0x2] =	stream.indirect.gather [hbm4b:s1+s9], $0x10, s12, s9, $0xb8;
	[tilespmem:$0x4400] =	vst v63  }
0xb8: {  	_ = 	snop  }
0xb9: {  	[tilespmem:s22], [sflag:$0x2] =	stream.indirect.gather [hbm4b:s1+s9], $0x10, s13, s9, $0xb8;
	[tilespmem:$0x4400] =	vst v63  }
0xba: {  	_ = 	snop  }
0xbb: {  	[tilespmem:s23], [sflag:$0x2] =	stream.indirect.gather [hbm4b:s1+s9], $0x10, s14, s9, $0xb8;
	[tilespmem:$0x4400] =	vst v63  }
0xbc: {  	_ = 	snop  }
0xbd: {  	[tilespmem:s24], [sflag:$0x2] =	stream.indirect.gather [hbm4b:s1+s9], $0x10, s15, s9, $0xb8;
	[tilespmem:$0x4400] =	vst v63  }
0xbe: {  	_ =	swait.ge [sflag:s25], $0x800  }
0xbf: {  	[sflag:s25] =	ssyncset.done $0x0  }
0xc0: {  	[sflag:s25] =	ssyncadd.s32 $0xFFFFF800  }
0xc1: {  	_ =	swait.ge [sflag:s25], $0x800  }
0xc2: {  	[sflag:s25] =	ssyncset.done $0x0  }
0xc3: {  	[sflag:s25] =	ssyncadd.s32 $0xFFFFF800  }
0xc4: {  	_ =	swait.ge [sflag:s25], $0x800  }
0xc5: {  	[sflag:s25] =	ssyncset.done $0x0  }
0xc6: {  	[sflag:s25] =	ssyncadd.s32 $0xFFFFF800  }
0xc7: {  	_ =	swait.ge [sflag:s25], $0x800  }
0xc8: {  	[sflag:s25] =	ssyncset.done $0x0  }
0xc9: {  	[sflag:s25] =	ssyncadd.s32 $0xFFFFF800  }
0xca: {  	_ =	swait.ge [sflag:s25], $0x800  }
0xcb: {  	[sflag:s25] =	ssyncset.done $0x0  }
0xcc: {  	[sflag:s25] =	ssyncadd.s32 $0xFFFFF800  }
0xcd: {  	_ =	swait.ge [sflag:s25], $0x800  }
0xce: {  	[sflag:s25] =	ssyncset.done $0x0  }
0xcf: {  	[sflag:s25] =	ssyncadd.s32 $0xFFFFF800  }
0xd0: {  	_ =	swait.ge [sflag:s25], $0x800  }
0xd1: {  	[sflag:s25] =	ssyncset.done $0x0  }
0xd2: {  	[sflag:s25] =	ssyncadd.s32 $0xFFFFF800  }
0xd3: {  	_ =	swait.ge [sflag:s25], $0x800  }
0xd4: {  	s3 =	smov.u32 s30;
	s29 =	rddreg [dreg:$0x3];
	[sflag:s25] =	ssyncset.done $0x0  }
0xd5: {  	[sflag:s25] =	ssyncadd.s32 $0xFFFFF800;
	s0 =	sadd.s32 s3, s29  }
0xd6: {  	[hbm4b:s0+s26] =	stream.strided.scatter [tilespmem:s17], [sflag:$0x3], $0x800, s9, s26, $0x38;
	[tilespmem:$0x4400] =	vst v63  }
0xd7: {  	s3 =	sadd.s32 $0x10000, s0  }
0xd8: {  	[hbm4b:s3+s26] =	stream.strided.scatter [tilespmem:s18], [sflag:$0x3], $0x800, s9, s26, $0x38;
	[tilespmem:$0x4400] =	vst v63  }
0xd9: {  	s29 =	sadd.s32 $0x20000, s0  }
0xda: {  	[hbm4b:s29+s26] =	stream.strided.scatter [tilespmem:s19], [sflag:$0x3], $0x800, s9, s26, $0x38;
	[tilespmem:$0x4400] =	vst v63  }
0xdb: {  	s3 =	sadd.s32 $0x30000, s0  }
0xdc: {  	[hbm4b:s3+s26] =	stream.strided.scatter [tilespmem:s20], [sflag:$0x3], $0x800, s9, s26, $0x38;
	[tilespmem:$0x4400] =	vst v63  }
0xdd: {  	s29 =	sadd.s32 $0x40000, s0  }
0xde: {  	[hbm4b:s29+s26] =	stream.strided.scatter [tilespmem:s21], [sflag:$0x3], $0x800, s9, s26, $0x38;
	[tilespmem:$0x4400] =	vst v63  }
0xdf: {  	s3 =	sadd.s32 $0x50000, s0  }
0xe0: {  	[hbm4b:s3+s26] =	stream.strided.scatter [tilespmem:s22], [sflag:$0x3], $0x800, s9, s26, $0x38;
	[tilespmem:$0x4400] =	vst v63  }
0xe1: {  	s6 =	sshll.u32 s6, $0xB;
	s0 =	sadd.s32 $0x60000, s0  }
0xe2: {  	[hbm4b:s0+s26] =	stream.strided.scatter [tilespmem:s23], [sflag:$0x3], $0x800, s9, s26, $0x38;
	[tilespmem:$0x4400] =	vst v63  }
0xe3: {  	s29 =	sadd.s32 s5, s6  }
0xe4: {  	[hbm4b:s29+s26] =	stream.strided.scatter [tilespmem:s24], [sflag:$0x3], $0x800, s9, s26, $0x38;
	[tilespmem:$0x4400] =	vst v63  }
0xe5: {  	_ =	swait.ge [sflag:s28], $0x800  }
0xe6: {  	[sflag:s28] =	ssyncset.done $0x0  }
0xe7: {  	[sflag:s28] =	ssyncadd.s32 $0xFFFFF800  }
0xe8: {  	_ =	swait.ge [sflag:s28], $0x800  }
0xe9: {  	[sflag:s28] =	ssyncset.done $0x0  }
0xea: {  	[sflag:s28] =	ssyncadd.s32 $0xFFFFF800  }
0xeb: {  	_ =	swait.ge [sflag:s28], $0x800  }
0xec: {  	[sflag:s28] =	ssyncset.done $0x0  }
0xed: {  	[sflag:s28] =	ssyncadd.s32 $0xFFFFF800  }
0xee: {  	_ =	swait.ge [sflag:s28], $0x800  }
0xef: {  	[sflag:s28] =	ssyncset.done $0x0  }
0xf0: {  	[sflag:s28] =	ssyncadd.s32 $0xFFFFF800  }
0xf1: {  	_ =	swait.ge [sflag:s28], $0x800  }
0xf2: {  	[sflag:s28] =	ssyncset.done $0x0  }
0xf3: {  	[sflag:s28] =	ssyncadd.s32 $0xFFFFF800  }
0xf4: {  	_ =	swait.ge [sflag:s28], $0x800  }
0xf5: {  	p0 =	sne.s32 s30, $0x200000;
	[sflag:s28] =	ssyncset.done $0x0  }
.Ltmp0:
0xf6: {  	[sflag:s28] =	ssyncadd.s32 $0xFFFFF800;
	(pc) =	sbr.rel @p0 .LBB2_2-.Ltmp0, $4  }
0xf7: {  	_ =	swait.ge [sflag:s28], $0x800  }
0xf8: {  	[sflag:s28] =	ssyncset.done $0x0  }
0xf9: {  	[sflag:s28] =	ssyncadd.s32 $0xFFFFF800  }
0xfa: {  	s30 =	sadd.s32 $0x80000, s30;
	_ =	swait.ge [sflag:s28], $0x800  }
0xfb: {  	s3 =	rddreg [dreg:$0x6]  }
0xfc: {  	s0 =	rddreg [dreg:$0x4];
	s3 =	sadd.s32 $0x1, s3  }
0xfd: {  	p0 =	sne.s32 s3, s0  }
.Ltmp1:
0xfe: {  	_ = 	snop;
	(pc) =	sbr.rel @p0 .LBB2_1-.Ltmp1, $3  }
0xff: {  	_ =	sdelay $0x1  }
0x100: {  	[sflag:s28] =	ssyncset.done $0x0  }
0x101: {  	[sflag:s28] =	ssyncadd.s32 $0xFFFFF800  }
0x102: {  	_ =	sfence.sel $0x180000  }
0x103: {  	[bflag:$0x0] =	sbarrier.arrive $0xFFFF  }
0x104: {  	_ =	strace $0x90000047  }
0x105: {  	s0 =	stileid.u32;
	[bflag:$0x2] =	sbarrier.arrive $0xFFFF  }
0x106: {  	p0 =	sne.s32 s0, $0x0;
	s0 =	rddreg [dreg:$0x2]  }
0x107: {  	s0 =	sadd.s32 @!p0 $0x100000, s0  }
0x108: {  	[sflag:s0] =	ssyncadd.tile.s32 @!p0 $0x1;
	_ =	shalt  }
.Lfunc_end2:
_tile_overlayer_lowered:
.L_overlay_start_2:
0x109: {  	(tag) =	ssettag $0x2  }
0x10a: {  	s0 =	rddreg [dreg:$0x0];
	s2 =	stileid.u32  }
0x10b: {  	s1 =	rddreg [dreg:$0x1];
	p0 =	sne.s32 s2, $0x0  }
0x10c: {  	s3 =	rddreg [dreg:$0x2];
	[bflag:$0x3] =	sbarrier.arrive $0xFFFF;
	s2 =	simm.s32 @!p0 $0x1C04  }
0x10d: {  	[timem:s3], [sflag:s2] =	dma.local @!p0 [hbm:s0], s1  }
0x10e: {  	s0 =	simm.s32 @!p0 $0x4  }
0x10f: {  	_ =	swait.ge @!p0 [sflag:s0], s1  }
0x110: {  	s1 =	ssub.s32 @!p0 $0x0, s1;
	[sflag:s0] =	ssyncset.done @!p0 $0x0  }
0x111: {  	[sflag:s0] =	ssyncadd.s32 @!p0 s1  }
0x112: {  	[bflag:$0x3] =	sbarrier.arrive $0xFFFF  }
0x113: {  	_ =	shalt  }

// kernel: kernel.18.cloned.1.call-start
scs
__scs_entry_jumppad:
0x0: {  	(pc) =	sbr.rel $0x88, $3  }
0x1: {  	(tag) =	ssettag $0x0;
	lr =	simm.s32 $0x1  }
0x2: {  	[smem:$0x3F99] =	sst lr;
	_ =	strace $0xD0000000  }
0x3: {  	_ = 	snop  }
0x4: {  	_ = 	snop  }
0x5: {  	_ = 	snop  }
0x6: {  	_ = 	snop  }
0x7: {  	_ = 	snop  }
__scs_overlays_trampoline_lowered:
0x8: {  	[smem:$0x3FA8] =	sst s0  }
0x9: {  	[smem:$0x3FA9] =	sst s1  }
0xa: {  	[smem:$0x3FAA] =	sst s2  }
0xb: {  	[smem:$0x3FAB] =	sst s3  }
0xc: {  	[smem:$0x3FAC] =	sst s4  }
0xd: {  	[smem:$0x3FAD] =	sst s5  }
0xe: {  	[smem:$0x3FAE] =	sst s6  }
0xf: {  	[smem:$0x3FAF] =	sst s7  }
0x10: {  	[smem:$0x3FB0] =	sst s8  }
0x11: {  	[smem:$0x3FB1] =	sst s9;
	s0 =	simm.s32 @!p0 $0x0  }
0x12: {  	s1 =	sld [smem:$0x3F97];
	s0 =	simm.s32 @p0 $0x1  }
0x13: {  	[smem:$0x3FB2] =	sst s0;
	s0 =	simm.s32 @!p1 $0x0  }
0x14: {  	s2 =	sld [smem:$0x3F96];
	s0 =	simm.s32 @p1 $0x1  }
0x15: {  	[smem:$0x3FB3] =	sst s0;
	s0 =	simm.s32 @!p2 $0x0  }
0x16: {  	s3 =	sld [smem:$0x3FDB];
	s0 =	simm.s32 @p2 $0x1  }
0x17: {  	s4 =	simm.s32 $0x1BF5;
	[smem:$0x3FB5] =	sst s0  }
0x18: {  	s0 =	sld [smem:$0x3F98];
	_ =	swait.ge [sflag:s4], $0x0  }
0x19: {  	s7 =	sld [smem:$0x3F99]  }
0x1a: {  	s8 =	sadd.s32 $0xFFFFE003, lr  }
0x1b: {  	s9 =	sadd.s32 $0xFFFFFEF7, lr;
	s5 =	simm.s32 $0xFFFFFFFF;
	p2 =	slt.u32 s8, $0xFFFFF086  }
0x1c: {  	p1 =	slt.u32 s9, $0xF7A;
	s5 =	simm.s32 @!p2 $0x0  }
0x1d: {  	s5 =	simm.s32 @p1 $0x1;
	p0 =	seq.s32 s7, s2  }
0x1e: {  	s7 =	smul.u32 @!p0 $0xF7A, s2;
	p2 =	seq.s32 @!p0 s5, $0x0  }
0x1f: {  	s9 =	smul.u32 $0xF7A, s1;
	s8 =	simm.s32 @!p0 $0x1BF5;
	p2 =	por !p2, p0  }
0x20: {  	[sflag:s8] =	ssyncset.s32 @!p0 $0xFFFFF086;
	s6 =	sadd.s32 @!p0 s3, s7;
	s7 =	simm.s32 @!p0 $0x108  }
0x21: {  	s3 =	sadd.s32 s3, s9;
	s6 =	sadd.s32 @!p0 $0x88, s6;
	s7 =	simm.s32 @p2 $0x1082  }
0x22: {  	[simem:s7], [sflag:s8] =	dma.local @!p0 [hbm:s6], $0xF7A  }
0x23: {  	s9 =	sor.u32 $0xD0000000, s2;
	s6 =	simm.s32 $0x108;
	_ =	swait.ge @!p0 [sflag:s8], $0x0  }
0x24: {  	s3 =	sadd.s32 $0x88, s3;
	s6 =	simm.s32 @!p1 $0x1082;
	[sflag:s4] =	ssyncset.s32 $0xFFFFF086  }
0x25: {  	[simem:s6], [sflag:s4] =	dma.local [hbm:s3], $0xF7A  }
0x26: {  	[smem:$0x3F99] =	sst s1;
	(tag) =	ssettag s2;
	_ =	strace s9  }
0x27: {  	s1 =	sld [smem:$0x3FA9]  }
0x28: {  	s2 =	sld [smem:$0x3FAA]  }
0x29: {  	s4 =	sld [smem:$0x3FAC]  }
0x2a: {  	p0 =	seq.s32 s5, $0x0;
	s5 =	sld [smem:$0x3FAD]  }
0x2b: {  	s6 =	sld [smem:$0x3FAE]  }
0x2c: {  	s7 =	sld [smem:$0x3FAF]  }
0x2d: {  	s3 =	simm.s32 $0x108;
	s8 =	sld [smem:$0x3FB0]  }
0x2e: {  	s3 =	simm.s32 @!p0 $0x1082;
	s9 =	sld [smem:$0x3FB1]  }
0x2f: {  	lr =	sadd.s32 s0, s3;
	s0 =	sld [smem:$0x3FA8]  }
0x30: {  	s3 =	sld [smem:$0x3FAB]  }
0x31: {  	[smem:$0x3FB4] =	sst s10  }
0x32: {  	s10 =	sld [smem:$0x3FB2];
	_ =	sdelay $0x3  }
0x33: {  	p0 =	seq.s32 s10, $0x1;
	s10 =	sld [smem:$0x3FB4];
	_ =	sdelay $0x3  }
0x34: {  	[smem:$0x3FB4] =	sst s10  }
0x35: {  	s10 =	sld [smem:$0x3FB3];
	_ =	sdelay $0x3  }
0x36: {  	p1 =	seq.s32 s10, $0x1;
	s10 =	sld [smem:$0x3FB4];
	_ =	sdelay $0x3  }
0x37: {  	[smem:$0x3FB4] =	sst s10  }
0x38: {  	s10 =	sld [smem:$0x3FB5]  }
0x39: {  	_ = 	snop;
	(pc) =	sbr.ind lr, $3  }
0x3a: {  	_ = 	snop  }
0x3b: {  	_ = 	snop  }
0x3c: {  	p2 =	seq.s32 s10, $0x1;
	s10 =	sld [smem:$0x3FB4]  }
0x3d: {  	_ =	shalt  }
0x3e: {  	_ =	shalt  }
0x3f: {  	_ =	shalt  }
0x40: {  	_ =	shalt  }
0x41: {  	_ =	shalt  }
0x42: {  	_ =	shalt  }
0x43: {  	_ =	shalt  }
0x44: {  	_ =	shalt  }
0x45: {  	_ =	shalt  }
0x46: {  	_ =	shalt  }
0x47: {  	_ =	shalt  }
0x48: {  	_ =	shalt  }
0x49: {  	_ =	shalt  }
0x4a: {  	_ =	shalt  }
0x4b: {  	_ =	shalt  }
0x4c: {  	_ =	shalt  }
0x4d: {  	_ =	shalt  }
0x4e: {  	_ =	shalt  }
0x4f: {  	_ =	shalt  }
0x50: {  	_ =	shalt  }
0x51: {  	_ =	shalt  }
0x52: {  	_ =	shalt  }
0x53: {  	_ =	shalt  }
0x54: {  	_ =	shalt  }
0x55: {  	_ =	shalt  }
0x56: {  	_ =	shalt  }
0x57: {  	_ =	shalt  }
0x58: {  	_ =	shalt  }
0x59: {  	_ =	shalt  }
0x5a: {  	_ =	shalt  }
0x5b: {  	_ =	shalt  }
0x5c: {  	_ =	shalt  }
0x5d: {  	_ =	shalt  }
0x5e: {  	_ =	shalt  }
0x5f: {  	_ =	shalt  }
0x60: {  	_ =	shalt  }
0x61: {  	_ =	shalt  }
0x62: {  	_ =	shalt  }
0x63: {  	_ =	shalt  }
0x64: {  	_ =	shalt  }
0x65: {  	_ =	shalt  }
0x66: {  	_ =	shalt  }
0x67: {  	_ =	shalt  }
0x68: {  	_ =	shalt  }
0x69: {  	_ =	shalt  }
0x6a: {  	_ =	shalt  }
0x6b: {  	_ =	shalt  }
0x6c: {  	_ =	shalt  }
0x6d: {  	_ =	shalt  }
0x6e: {  	_ =	shalt  }
0x6f: {  	_ =	shalt  }
0x70: {  	_ =	shalt  }
0x71: {  	_ =	shalt  }
0x72: {  	_ =	shalt  }
0x73: {  	_ =	shalt  }
0x74: {  	_ =	shalt  }
0x75: {  	_ =	shalt  }
0x76: {  	_ =	shalt  }
0x77: {  	_ =	shalt  }
0x78: {  	_ =	shalt  }
0x79: {  	_ =	shalt  }
0x7a: {  	_ =	shalt  }
0x7b: {  	_ =	shalt  }
0x7c: {  	_ =	shalt  }
0x7d: {  	_ =	shalt  }
0x7e: {  	_ =	shalt  }
0x7f: {  	_ =	shalt  }
0x80: {  	_ =	shalt  }
0x81: {  	_ =	shalt  }
0x82: {  	_ =	shalt  }
0x83: {  	_ =	shalt  }
0x84: {  	_ =	shalt  }
0x85: {  	_ =	shalt  }
0x86: {  	_ =	shalt  }
0x87: {  	_ =	shalt  }
.Lfunc_end0:
.L_simem_size_0:
called_computation.3_lowered:
.L_overlay_start_0:
0x88: {  	s2 =	sld [smem:$0x3FD9]  }
0x89: {  	s3 =	sld [smem:$0x3FFE];
	_ =	sdelay $0x1  }
0x8a: {  	s1 =	srdreg.scid  }
0x8b: {  	s0 =	sand.u32 $0x1, s1  }
0x8c: {  	s17 =	sshll.u32 s0, $0xA;
	s2 =	sadd.s32 s3, s2  }
0x8d: {  	s2 =	sadd.s32 s2, s17  }
0x8e: {  	[smem:$0x3FC0] =	sst s2  }
0x8f: {  	_ = 	snop  }
0x90: {  	(tm) =	ssettm $0x1  }
0x91: {  	s18 =	sld [smem:$0x3FFB];
	_ =	sdelay $0x3  }
0x92: {  	_ =	strace s18  }
0x93: {  	s2 =	sld [smem:$0x3FFC];
	_ =	sdelay $0x3  }
0x94: {  	_ =	strace s2  }
0x95: {  	s2 =	sld [smem:$0x3FFD];
	_ =	sdelay $0x3  }
0x96: {  	_ =	strace s2  }
0x97: {  	_ =	strace $0x8FFFFFFF  }
0x98: {  	s19 =	sld [smem:$0x3FDB];
	_ =	sdelay $0x1  }
0x99: {  	s20 =	simm.s32 $_scs_section_size  }
0x9a: {  	s4 =	simm.s32 $_size__tile_overlayer_lowered;
	s5 =	simm.s32 $_tile_overlayer_lowered  }
0x9b: {  	s6 =	simm.s32 $0x1BFF;
	s21 =	sshll.u32 s5, $0x1;
	s3 =	sadd.s32 s20, s19  }
0x9c: {  	s22 =	simm.s32 $0x0;
	s4 =	sshll.u32 s4, $0x1;
	s5 =	sadd.s32 s21, s3  }
0x9d: {  	[timem:s22], [sflag:s6] =	dma.local [hbm:s5], s4  }
0x9e: {  	_ =	swait.ge [sflag:s6], s4  }
0x9f: {  	s4 =	ssub.s32 $0x0, s4;
	[sflag:s6] =	ssyncset.done $0x0  }
0xa0: {  	[sflag:s6] =	ssyncadd.s32 s4;
	_ =	sdelay $0x1  }
0xa1: {  	s23 =	simm.s32 $0x1B8B  }
0xa2: {  	_ =	swait.ge [sflag:s23], $0x1  }
0xa3: {  	[sflag:s23] =	ssyncset.done $0x0  }
0xa4: {  	[sflag:s23] =	ssyncadd.s32 $0xFFFFFFFF  }
0xa5: {  	s4 =	sld [smem:$0x0]  }
0xa6: {  	s5 =	sand.u32 $0xFFFFFFFE, s1  }
0xa7: {  	p0 =	sne.s32 s1, s5  }
0xa8: {  	s5 =	sshll.u32 @p0 s5, $0xE  }
0xa9: {  	s5 =	sadd.s32 @p0 $0x11B8D, s5;
	s6 =	sshll.u32 @p0 s4, $0x11  }
0xaa: {  	s5 =	sor.u32 @p0 s6, s5  }
0xab: {  	[sflag:s5] =	ssyncadd.remote.s32 @p0 $0x1;
	_ =	sdelay $0x1  }
0xac: {  	s5 =	simm.s32 @p0 $0x1B8D  }
0xad: {  	_ =	swait.eq @p0 [sflag:s5], $0x1  }
0xae: {  	[sflag:s5] =	ssyncadd.s32 @p0 $0xFFFFFFFF  }
0xaf: {  	s6 =	sshll.u32 @!p0 s1, $0xE  }
0xb0: {  	s6 =	sor.u32 @!p0 $0x4000, s6;
	s5 =	simm.s32 @!p0 $0x1B8D  }
0xb1: {  	s4 =	sshll.u32 @!p0 s4, $0x11;
	s6 =	sadd.s32 @!p0 $0x11B8D, s6;
	_ =	swait.eq @!p0 [sflag:s5], $0x1  }
0xb2: {  	s4 =	sor.u32 @!p0 s4, s6;
	[sflag:s5] =	ssyncadd.s32 @!p0 $0xFFFFFFFF  }
0xb3: {  	s25 =	simm.s32 $0x1B8E;
	s24 =	sld [smem:$0x3FFE];
	[sflag:s4] =	ssyncadd.remote.s32 @!p0 $0x1  }
0xb4: {  	s26 =	simm.s32 $execute0_lowered;
	[smem:$0x3FD2] =	sst s25  }
0xb5: {  	s5 =	sshll.u32 s26, $0x1;
	_ =	strace $0x8000004C;
	[dreg:$0x1] =	wrdreg $0xFFFFFFFF  }
0xb6: {  	s28 =	simm.s32 $_size_execute0_lowered;
	s3 =	sadd.s32 s3, s5;
	[dreg:$0x0] =	wrdreg $0x0  }
0xb7: {  	s5 =	sshll.u32 s28, $0x1;
	[dreg:$0x2] =	wrdreg s3  }
0xb8: {  	[dreg:$0x3] =	wrdreg s5  }
0xb9: {  	[dreg:$0x4] =	wrdreg $0xC0  }
0xba: {  	_ =	task [dreg:s22], $0x5FFFF  }
0xbb: {  	[dreg:$0x1] =	wrdreg $0xFFFFFFFF  }
0xbc: {  	[dreg:$0x0] =	wrdreg $0x60  }
0xbd: {  	[dreg:$0x2] =	wrdreg s24  }
0xbe: {  	[dreg:$0x3] =	wrdreg $0x44000  }
0xbf: {  	[dreg:$0x4] =	wrdreg $0xA  }
0xc0: {  	_ =	task.clear_ibuf [dreg:s22], $0x5FFFF;
	_ =	strace $0x9000004C  }
0xc1: {  	s29 =	simm.s32 $0xA;
	_ =	strace $0x8000004E  }
0xc2: {  	_ =	swait.ge [sflag:s29], $0x1  }
0xc3: {  	[sflag:s29] =	ssyncadd.s32 $0xFFFFFFFF  }
0xc4: {  	_ =	strace $0x9000004E  }
0xc5: {  	_ =	sfence  }
0xc6: {  	s30 =	sld [smem:$0x0];
	_ =	sdelay $0x2  }
0xc7: {  	s31 =	sshll.u32 s1, $0xD;
	s1 =	sshrl.u32 s1, $0x2  }
0xc8: {  	s4 =	sand.u32 $0x4000, s31;
	s1 =	sadd.s32 s1, s30  }
0xc9: {  	s0 =	sor.u32 s4, s0;
	s1 =	sshll.u32 s1, $0x11  }
0xca: {  	s0 =	sor.u32 s1, s0  }
0xcb: {  	s0 =	sadd.s32 $0x8F2B, s0  }
0xcc: {  	[sflag:s0] =	ssyncadd.remote.s32 $0x1  }
0xcd: {  	_ =	sfence.sel $0xFFFF  }
0xce: {  	[dreg:$0x0] =	wrdreg $0xFFFFFFFF;
	(pc) =	sbr.abs _section_cstart, $3  }
0xcf: {  	[dreg:$0x1] =	wrdreg $0xFFFFFFFF  }
0xd0: {  	_ =	task.clear_ibuf [dreg:s22], $0x2FFFF;
	_ =	strace $0x9FFFFFFF  }
0xd1: {  	(tm) =	ssettm $0x7FFFFFFF  }
tec
execute0_lowered:
.L_overlay_start_1:
0x0: {  	(tag) =	ssettag $0x1  }
0x1: {  	s1 =	rddreg [dreg:$0x0]  }
0x2: {  	s2 =	rddreg [dreg:$0x1];
	s3 =	simm.s32 $0x0;
	s13 =	stileid.u32  }
0x3: {  	s0 =	srdreg.scid;
	s28 =	simm.s32 $0x3400;
	s29 =	simm.s32 $0x3C00  }
0x4: {  	s30 =	simm.s32 $0x1;
	s31 =	simm.s32 $0x2;
	[smem:$0x7FF] =	sst s3  }
0x5: {  	s4 =	smul.u32 $0x2710, s13;
	s6 =	sand.u32 $0x1, s0;
	s23 =	sadd.s32 $0x51FA00, s1  }
0x6: {  	s0 =	sadd.s32 $0x515A00, s1;
	s9 =	sshll.u32 s13, $0x7;
	s5 =	smul.u32 $0x27100, s6  }
0x7: {  	s11 =	sshll.u32 s13, $0xE;
	_ =	strace $0x8000004D;
	s8 =	smul.u32 $0x14000, s6  }
0x8: {  	s24 =	smul.u32 $0x9C4000, s6;
	s6 =	ssub.s32 $0x2, s6;
	s7 =	sshrl.u32 s4, $0x3  }
0x9: {  	[dreg:$0x12] =	wrdreg s23;
	s12 =	sshrl.u32 s6, $0x1;
	s7 =	sadd.s32 s7, s1  }
0xa: {  	s5 =	sadd.s32 s4, s5;
	s8 =	sor.u32 s9, s8;
	s10 =	smov.u32 s24  }
0xb: {  	s11 =	sadd.s32 s11, s24;
	s6 =	ssub.s32 s6, s12;
	s4 =	sadd.s32 s4, s2  }
0xc: {  	s1 =	sadd.s32 s5, s1;
	s9 =	sor.u32 $0x3800, s8;
	s25 =	sadd.s32 $0x180000, s11  }
0xd: {  	s5 =	sor.u32 $0x3000, s8;
	[dreg:$0x13] =	wrdreg s4;
	s14 =	sadd.s32 $0x140000, s11  }
0xe: {  	s15 =	sor.u32 $0x2800, s8;
	s19 =	sadd.s32 $0x100000, s11;
	s21 =	sor.u32 $0x2000, s8  }
0xf: {  	s22 =	sadd.s32 $0x2800, s7;
	s24 =	sadd.s32 $0xC0000, s11;
	s9 =	sshrl.u32 s9, $0x3  }
0x10: {  	s26 =	sshrl.u32 s25, $0x3;
	s12 =	sshrl.u32 s5, $0x3;
	s16 =	sshrl.u32 s14, $0x3  }
0x11: {  	s17 =	sshrl.u32 s15, $0x3;
	s20 =	sshrl.u32 s19, $0x3;
	[dreg:$0x14] =	wrdreg s22  }
0x12: {  	s23 =	sshrl.u32 s21, $0x3;
	s25 =	sor.u32 $0x1800, s8;
	s15 =	sor.u32 $0x1000, s8  }
0x13: {  	s19 =	sor.u32 $0x800, s8;
	s1 =	sadd.s32 $0x33A00, s1;
	[dreg:$0x4] =	wrdreg s26  }
0x14: {  	s9 =	sadd.s32 s9, s0;
	s4 =	sadd.s32 s12, s0;
	[dreg:$0x6] =	wrdreg s16  }
0x15: {  	s18 =	sadd.s32 s17, s0;
	[dreg:$0x8] =	wrdreg s20;
	s26 =	sshrl.u32 s24, $0x3  }
0x16: {  	s5 =	sshrl.u32 s25, $0x3;
	s12 =	sadd.s32 $0x80000, s11;
	[dreg:$0x16] =	wrdreg s1  }
0x17: {  	s16 =	sshll.u32 s13, $0x6;
	s17 =	sshrl.u32 s15, $0x3;
	[dreg:$0x3] =	wrdreg s9  }
0x18: {  	s21 =	sshrl.u32 s19, $0x3;
	s24 =	sshrl.u32 s8, $0x3;
	[dreg:$0x5] =	wrdreg s4  }
0x19: {  	s25 =	smax.u32 s6, $0x1;
	s15 =	simm.s32 $0x180;
	[dreg:$0x7] =	wrdreg s18  }
0x1a: {  	s19 =	simm.s32 $0x380;
	s6 =	simm.s32 $0x0;
	[dreg:$0xa] =	wrdreg s26  }
0x1b: {  	s4 =	sadd.s32 s23, s0;
	s9 =	sadd.s32 s5, s0;
	[dreg:$0x17] =	wrdreg s25  }
0x1c: {  	s14 =	sshrl.u32 s12, $0x3;
	s18 =	sadd.s32 $0x40000, s11;
	[dreg:$0x9] =	wrdreg s4  }
0x1d: {  	s5 =	sor.u32 $0x1C04, s16;
	s22 =	sadd.s32 s21, s0;
	[dreg:$0xb] =	wrdreg s9  }
0x1e: {  	s23 =	sshrl.u32 s11, $0x3;
	s26 =	sor.u32 $0x70, s13;
	[dreg:$0xc] =	wrdreg s14  }
0x1f: {  	s13 =	simm.s32 $0x80;
	s16 =	simm.s32 $0x200;
	[dreg:$0xf] =	wrdreg s22  }
0x20: {  	s21 =	simm.s32 $0x400;
	s25 =	simm.s32 $0x2400;
	[dreg:$0x10] =	wrdreg s23  }
0x21: {  	s4 =	sadd.s32 s17, s0;
	s20 =	sshrl.u32 s18, $0x3;
	[dreg:$0x18] =	wrdreg s26  }
0x22: {  	s0 =	sadd.s32 s24, s0;
	s14 =	simm.s32 $0x100;
	[dreg:$0x15] =	wrdreg s5  }
0x23: {  	s17 =	simm.s32 $0x280;
	s18 =	simm.s32 $0x300;
	[dreg:$0xd] =	wrdreg s4  }
0x24: {  	s22 =	simm.s32 $0xC00;
	s23 =	simm.s32 $0x1400;
	[dreg:$0xe] =	wrdreg s20  }
0x25: {  	s24 =	simm.s32 $0x1C00;
	s26 =	simm.s32 $0x2C00;
	[dreg:$0x11] =	wrdreg s0  }
0x26: {  	s4 =	simm.s32 $0x4;
	s20 =	simm.s32 $0x10;
	s0 =	simm.s32 $0x3  }
.LBB2_1:
0x27: {  	[dreg:$0x19] =	wrdreg s6  }
0x28: {  	s1 =	rddreg [dreg:$0x13]  }
0x29: {  	s12 =	rddreg [dreg:$0x14];
	s11 =	sshrl.u32 s1, $0x3  }
0x2a: {  	[dreg:$0x1a] =	wrdreg s11  }
0x2b: {  	[spmem:s11], [sflag:s5] =	dma.local [hbm:s12], $0x4E2  }
0x2c: {  	_ =	swait.ge [sflag:s4], $0x4E2  }
0x2d: {  	[sflag:s4] =	ssyncset.done $0x0  }
0x2e: {  	[sflag:s4] =	ssyncadd.s32 $0xFFFFFB1E  }
0x2f: {  	[bflag:$0x0] =	sbarrier.arrive $0xFFFF  }
0x30: {  	s6 =	rddreg [dreg:$0x11]  }
0x31: {  	s8 =	rddreg [dreg:$0xf]  }
0x32: {  	s9 =	rddreg [dreg:$0xd];
	s4 =	sadd.s32 $0x0, s6  }
0x33: {  	[tilespmem:s3], [sflag:$0x1] =	stream.linear.gather [hbm4b:s4+s3], $0x80, $0x38;
	[tilespmem:$0x6B18] =	vst v63  }
0x34: {  	s7 =	rddreg [dreg:$0xb];
	s8 =	sadd.s32 $0x0, s8  }
0x35: {  	[tilespmem:s13], [sflag:$0x1] =	stream.linear.gather [hbm4b:s8+s3], $0x80, $0x38;
	[tilespmem:$0x6B18] =	vst v63  }
0x36: {  	s11 =	rddreg [dreg:$0x9];
	s9 =	sadd.s32 $0x0, s9  }
0x37: {  	[tilespmem:s14], [sflag:$0x1] =	stream.linear.gather [hbm4b:s9+s3], $0x80, $0x38;
	[tilespmem:$0x6B18] =	vst v63  }
0x38: {  	s12 =	rddreg [dreg:$0x7];
	s4 =	sadd.s32 $0x0, s7  }
0x39: {  	[tilespmem:s15], [sflag:$0x1] =	stream.linear.gather [hbm4b:s4+s3], $0x80, $0x38;
	[tilespmem:$0x6B18] =	vst v63  }
0x3a: {  	s1 =	rddreg [dreg:$0x5];
	s8 =	sadd.s32 $0x0, s11  }
0x3b: {  	[tilespmem:s16], [sflag:$0x1] =	stream.linear.gather [hbm4b:s8+s3], $0x80, $0x38;
	[tilespmem:$0x6B18] =	vst v63  }
0x3c: {  	s5 =	rddreg [dreg:$0x3];
	s9 =	sadd.s32 $0x0, s12  }
0x3d: {  	[tilespmem:s17], [sflag:$0x1] =	stream.linear.gather [hbm4b:s9+s3], $0x80, $0x38;
	[tilespmem:$0x6B18] =	vst v63  }
0x3e: {  	s6 =	rddreg [dreg:$0x10];
	s4 =	sadd.s32 $0x0, s1  }
0x3f: {  	[tilespmem:s18], [sflag:$0x1] =	stream.linear.gather [hbm4b:s4+s3], $0x80, $0x38;
	[tilespmem:$0x6B18] =	vst v63  }
0x40: {  	s1 =	rddreg [dreg:$0x12];
	s8 =	sadd.s32 $0x0, s5  }
0x41: {  	[tilespmem:s19], [sflag:$0x1] =	stream.linear.gather [hbm4b:s8+s3], $0x80, $0x38;
	[tilespmem:$0x6B18] =	vst v63  }
0x42: {  	s7 =	rddreg [dreg:$0xe];
	s9 =	sadd.s32 s1, s6  }
0x43: {  	[tilespmem:s21], [sflag:$0x2] =	stream.strided.gather [hbm4b:s9+s20], $0x800, s13, s20, $0x38;
	[tilespmem:$0x6B18] =	vst v63  }
0x44: {  	s11 =	rddreg [dreg:$0xc];
	s4 =	sadd.s32 s1, s7  }
0x45: {  	[tilespmem:s22], [sflag:$0x2] =	stream.strided.gather [hbm4b:s4+s20], $0x800, s13, s20, $0x38;
	[tilespmem:$0x6B18] =	vst v63  }
0x46: {  	s12 =	rddreg [dreg:$0xa];
	s8 =	sadd.s32 s1, s11  }
0x47: {  	[tilespmem:s23], [sflag:$0x2] =	stream.strided.gather [hbm4b:s8+s20], $0x800, s13, s20, $0x38;
	[tilespmem:$0x6B18] =	vst v63  }
0x48: {  	s7 =	rddreg [dreg:$0x18];
	s9 =	sadd.s32 s1, s12  }
0x49: {  	[tilespmem:s24], [sflag:$0x2] =	stream.strided.gather [hbm4b:s9+s20], $0x800, s13, s20, $0x38;
	[tilespmem:$0x6B18] =	vst v63  }
0x4a: {  	s5 =	rddreg [dreg:$0x8];
	p0 =	slt.s32 s7, $0x270;
	s9 =	smov.u32 s7  }
0x4b: {  	s6 =	rddreg [dreg:$0x6];
	s4 =	sadd.s32 s1, s5;
	s9 =	simm.s32 @!p0 $0x270  }
0x4c: {  	[tilespmem:s25], [sflag:$0x2] =	stream.strided.gather [hbm4b:s4+s20], $0x800, s13, s20, $0x38;
	[tilespmem:$0x6B18] =	vst v63  }
0x4d: {  	s8 =	sadd.s32 s1, s6;
	s9 =	sshll.u32 s9, $0xE  }
0x4e: {  	[tilespmem:s26], [sflag:$0x2] =	stream.strided.gather [hbm4b:s8+s20], $0x800, s13, s20, $0x38;
	[tilespmem:$0x6B18] =	vst v63  }
0x4f: {  	s11 =	rddreg [dreg:$0x4];
	s8 =	sadd.s32 s10, s9  }
0x50: {  	s11 =	sadd.s32 s1, s11;
	s12 =	sshrl.u32 s8, $0x3  }
0x51: {  	[tilespmem:s28], [sflag:$0x2] =	stream.strided.gather [hbm4b:s11+s20], $0x800, s13, s20, $0x38;
	[tilespmem:$0x6B18] =	vst v63  }
0x52: {  	s4 =	sadd.s32 s1, s12  }
0x53: {  	[tilespmem:s29], [sflag:$0x2] =	stream.strided.gather [hbm4b:s4+s20], $0x800, s13, s20, $0x38;
	[tilespmem:$0x6B18] =	vst v63  }
0x54: {  	_ =	swait.ge [sflag:s30], $0x80  }
0x55: {  	[sflag:s30] =	ssyncset.done $0x0  }
0x56: {  	[sflag:s30] =	ssyncadd.s32 $0xFFFFFF80  }
0x57: {  	_ =	swait.ge [sflag:s30], $0x80  }
0x58: {  	[sflag:s30] =	ssyncset.done $0x0  }
0x59: {  	[sflag:s30] =	ssyncadd.s32 $0xFFFFFF80  }
0x5a: {  	_ =	swait.ge [sflag:s30], $0x80  }
0x5b: {  	[sflag:s30] =	ssyncset.done $0x0  }
0x5c: {  	[sflag:s30] =	ssyncadd.s32 $0xFFFFFF80  }
0x5d: {  	_ =	swait.ge [sflag:s30], $0x80  }
0x5e: {  	[sflag:s30] =	ssyncset.done $0x0  }
0x5f: {  	[sflag:s30] =	ssyncadd.s32 $0xFFFFFF80  }
0x60: {  	_ =	swait.ge [sflag:s30], $0x80  }
0x61: {  	[sflag:s30] =	ssyncset.done $0x0  }
0x62: {  	[sflag:s30] =	ssyncadd.s32 $0xFFFFFF80  }
0x63: {  	_ =	swait.ge [sflag:s30], $0x80  }
0x64: {  	[sflag:s30] =	ssyncset.done $0x0  }
0x65: {  	[sflag:s30] =	ssyncadd.s32 $0xFFFFFF80  }
0x66: {  	_ =	swait.ge [sflag:s30], $0x80  }
0x67: {  	[sflag:s30] =	ssyncset.done $0x0  }
0x68: {  	[sflag:s30] =	ssyncadd.s32 $0xFFFFFF80  }
0x69: {  	_ =	swait.ge [sflag:s30], $0x80  }
0x6a: {  	[sflag:s30] =	ssyncset.done $0x0  }
0x6b: {  	[sflag:s30] =	ssyncadd.s32 $0xFFFFFF80  }
0x6c: {  	_ =	swait.ge [sflag:s31], $0x800  }
0x6d: {  	[sflag:s31] =	ssyncset.done $0x0  }
0x6e: {  	[sflag:s31] =	ssyncadd.s32 $0xFFFFF800  }
0x6f: {  	_ =	swait.ge [sflag:s31], $0x800  }
0x70: {  	[sflag:s31] =	ssyncset.done $0x0  }
0x71: {  	[sflag:s31] =	ssyncadd.s32 $0xFFFFF800  }
0x72: {  	_ =	swait.ge [sflag:s31], $0x800  }
0x73: {  	[sflag:s31] =	ssyncset.done $0x0  }
0x74: {  	[sflag:s31] =	ssyncadd.s32 $0xFFFFF800  }
0x75: {  	_ =	swait.ge [sflag:s31], $0x800  }
0x76: {  	[sflag:s31] =	ssyncset.done $0x0  }
0x77: {  	[sflag:s31] =	ssyncadd.s32 $0xFFFFF800  }
0x78: {  	_ =	swait.ge [sflag:s31], $0x800  }
0x79: {  	[sflag:s31] =	ssyncset.done $0x0  }
0x7a: {  	[sflag:s31] =	ssyncadd.s32 $0xFFFFF800  }
0x7b: {  	_ =	swait.ge [sflag:s31], $0x800  }
0x7c: {  	[sflag:s31] =	ssyncset.done $0x0  }
0x7d: {  	[sflag:s31] =	ssyncadd.s32 $0xFFFFF800  }
0x7e: {  	_ =	swait.ge [sflag:s31], $0x800  }
0x7f: {  	[sflag:s31] =	ssyncset.done $0x0  }
0x80: {  	[sflag:s31] =	ssyncadd.s32 $0xFFFFF800  }
0x81: {  	_ =	swait.ge [sflag:s31], $0x800  }
0x82: {  	[sflag:s31] =	ssyncset.done $0x0  }
0x83: {  	[sflag:s31] =	ssyncadd.s32 $0xFFFFF800  }
0x84: {  	[spmem:s2] =	stream.indirect.scatter.add.f32 [tilespmem:s21], [sflag:$0x3], $0x10, s3, s13, $0xb8;
	[tilespmem:$0x6B18] =	vst v63  }
0x85: {  	_ = 	snop  }
0x86: {  	[spmem:s2] =	stream.indirect.scatter.add.f32 [tilespmem:s22], [sflag:$0x3], $0x10, s13, s13, $0xb8;
	[tilespmem:$0x6B18] =	vst v63  }
0x87: {  	_ = 	snop  }
0x88: {  	[spmem:s2] =	stream.indirect.scatter.add.f32 [tilespmem:s23], [sflag:$0x3], $0x10, s14, s13, $0xb8;
	[tilespmem:$0x6B18] =	vst v63  }
0x89: {  	_ = 	snop  }
0x8a: {  	[spmem:s2] =	stream.indirect.scatter.add.f32 [tilespmem:s24], [sflag:$0x3], $0x10, s15, s13, $0xb8;
	[tilespmem:$0x6B18] =	vst v63  }
0x8b: {  	_ = 	snop  }
0x8c: {  	[spmem:s2] =	stream.indirect.scatter.add.f32 [tilespmem:s25], [sflag:$0x3], $0x10, s16, s13, $0xb8;
	[tilespmem:$0x6B18] =	vst v63  }
0x8d: {  	_ = 	snop  }
0x8e: {  	[spmem:s2] =	stream.indirect.scatter.add.f32 [tilespmem:s26], [sflag:$0x3], $0x10, s17, s13, $0xb8;
	[tilespmem:$0x6B18] =	vst v63  }
0x8f: {  	_ = 	snop  }
0x90: {  	[spmem:s2] =	stream.indirect.scatter.add.f32 [tilespmem:s28], [sflag:$0x3], $0x10, s18, s13, $0xb8;
	[tilespmem:$0x6B18] =	vst v63  }
0x91: {  	_ = 	snop  }
0x92: {  	[spmem:s2] =	stream.indirect.scatter.add.f32 [tilespmem:s29], [sflag:$0x3], $0x10, s19, s13, $0xb8;
	[tilespmem:$0x6B18] =	vst v63  }
0x93: {  	_ =	swait.ge [sflag:s0], $0x800  }
0x94: {  	[sflag:s0] =	ssyncset.done $0x0  }
0x95: {  	[sflag:s0] =	ssyncadd.s32 $0xFFFFF800  }
0x96: {  	_ =	swait.ge [sflag:s0], $0x800  }
0x97: {  	[sflag:s0] =	ssyncset.done $0x0  }
0x98: {  	[sflag:s0] =	ssyncadd.s32 $0xFFFFF800  }
0x99: {  	_ =	swait.ge [sflag:s0], $0x800  }
0x9a: {  	[sflag:s0] =	ssyncset.done $0x0  }
0x9b: {  	[sflag:s0] =	ssyncadd.s32 $0xFFFFF800  }
0x9c: {  	_ =	swait.ge [sflag:s0], $0x800  }
0x9d: {  	[sflag:s0] =	ssyncset.done $0x0  }
0x9e: {  	s9 =	simm.s32 $0x800;
	s8 =	simm.s32 $0x1000;
	[sflag:s0] =	ssyncadd.s32 $0xFFFFF800  }
0x9f: {  	s11 =	smov.u32 s7;
	s4 =	smov.u32 s1;
	_ =	swait.ge [sflag:s0], $0x800  }
.LBB2_2:
0xa0: {  	[sflag:s0] =	ssyncset.done $0x0  }
0xa1: {  	[sflag:s0] =	ssyncadd.s32 $0xFFFFF800  }
0xa2: {  	_ =	swait.ge [sflag:s0], $0x800  }
0xa3: {  	[sflag:s0] =	ssyncset.done $0x0  }
0xa4: {  	[sflag:s0] =	ssyncadd.s32 $0xFFFFF800  }
0xa5: {  	_ =	swait.ge [sflag:s0], $0x800  }
0xa6: {  	[sflag:s0] =	ssyncset.done $0x0  }
0xa7: {  	[sflag:s0] =	ssyncadd.s32 $0xFFFFF800  }
0xa8: {  	_ =	swait.ge [sflag:s0], $0x800  }
0xa9: {  	s7 =	rddreg [dreg:$0x11];
	[sflag:s0] =	ssyncset.done $0x0  }
0xaa: {  	s6 =	rddreg [dreg:$0xf];
	[sflag:s0] =	ssyncadd.s32 $0xFFFFF800;
	s7 =	sadd.s32 s9, s7  }
0xab: {  	[tilespmem:s3], [sflag:$0x1] =	stream.linear.gather [hbm4b:s7+s3], $0x80, $0x38;
	[tilespmem:$0x6B18] =	vst v63  }
0xac: {  	s1 =	rddreg [dreg:$0xd];
	s6 =	sadd.s32 s9, s6  }
0xad: {  	[tilespmem:s13], [sflag:$0x1] =	stream.linear.gather [hbm4b:s6+s3], $0x80, $0x38;
	[tilespmem:$0x6B18] =	vst v63  }
0xae: {  	s5 =	rddreg [dreg:$0xb];
	s1 =	sadd.s32 s9, s1  }
0xaf: {  	[tilespmem:s14], [sflag:$0x1] =	stream.linear.gather [hbm4b:s1+s3], $0x80, $0x38;
	[tilespmem:$0x6B18] =	vst v63  }
0xb0: {  	s7 =	rddreg [dreg:$0x9];
	s1 =	sadd.s32 s9, s5  }
0xb1: {  	[tilespmem:s15], [sflag:$0x1] =	stream.linear.gather [hbm4b:s1+s3], $0x80, $0x38;
	[tilespmem:$0x6B18] =	vst v63  }
0xb2: {  	s6 =	rddreg [dreg:$0x7];
	s1 =	sadd.s32 s9, s7  }
0xb3: {  	[tilespmem:s16], [sflag:$0x1] =	stream.linear.gather [hbm4b:s1+s3], $0x80, $0x38;
	[tilespmem:$0x6B18] =	vst v63  }
0xb4: {  	s11 =	sadd.s32 $0x80, s11;
	s5 =	rddreg [dreg:$0x5];
	s1 =	sadd.s32 s9, s6  }
0xb5: {  	[tilespmem:s17], [sflag:$0x1] =	stream.linear.gather [hbm4b:s1+s3], $0x80, $0x38;
	[tilespmem:$0x6B18] =	vst v63  }
0xb6: {  	s4 =	sadd.s32 $0x40000, s4;
	s7 =	rddreg [dreg:$0x3];
	s1 =	sadd.s32 s9, s5  }
0xb7: {  	[tilespmem:s18], [sflag:$0x1] =	stream.linear.gather [hbm4b:s1+s3], $0x80, $0x38;
	[tilespmem:$0x6B18] =	vst v63  }
0xb8: {  	s12 =	smov.u32 s8;
	s6 =	rddreg [dreg:$0x10];
	s1 =	sadd.s32 s9, s7  }
0xb9: {  	[tilespmem:s19], [sflag:$0x1] =	stream.linear.gather [hbm4b:s1+s3], $0x80, $0x38;
	[tilespmem:$0x6B18] =	vst v63  }
0xba: {  	s5 =	rddreg [dreg:$0xe];
	s9 =	smov.u32 s12;
	s12 =	sadd.s32 s4, s6  }
0xbb: {  	[tilespmem:s21], [sflag:$0x2] =	stream.strided.gather [hbm4b:s12+s20], $0x800, s13, s20, $0x38;
	[tilespmem:$0x6B18] =	vst v63  }
0xbc: {  	p1 =	slt.s32 s11, $0x270;
	s7 =	rddreg [dreg:$0xc];
	s12 =	sadd.s32 s4, s5  }
0xbd: {  	[tilespmem:s22], [sflag:$0x2] =	stream.strided.gather [hbm4b:s12+s20], $0x800, s13, s20, $0x38;
	[tilespmem:$0x6B18] =	vst v63  }
0xbe: {  	s6 =	rddreg [dreg:$0xa];
	s1 =	smov.u32 s11;
	s12 =	sadd.s32 s4, s7  }
0xbf: {  	[tilespmem:s23], [sflag:$0x2] =	stream.strided.gather [hbm4b:s12+s20], $0x800, s13, s20, $0x38;
	[tilespmem:$0x6B18] =	vst v63  }
0xc0: {  	s1 =	simm.s32 @!p1 $0x270;
	s5 =	rddreg [dreg:$0x8];
	s12 =	sadd.s32 s4, s6  }
0xc1: {  	[tilespmem:s24], [sflag:$0x2] =	stream.strided.gather [hbm4b:s12+s20], $0x800, s13, s20, $0x38;
	[tilespmem:$0x6B18] =	vst v63  }
0xc2: {  	s1 =	sshll.u32 s1, $0xE;
	s5 =	sadd.s32 s4, s5;
	s7 =	rddreg [dreg:$0x6]  }
0xc3: {  	[tilespmem:s25], [sflag:$0x2] =	stream.strided.gather [hbm4b:s5+s20], $0x800, s13, s20, $0x38;
	[tilespmem:$0x6B18] =	vst v63  }
0xc4: {  	s1 =	sadd.s32 s10, s1;
	s6 =	rddreg [dreg:$0x4];
	s12 =	sadd.s32 s4, s7  }
0xc5: {  	[tilespmem:s26], [sflag:$0x2] =	stream.strided.gather [hbm4b:s12+s20], $0x800, s13, s20, $0x38;
	[tilespmem:$0x6B18] =	vst v63  }
0xc6: {  	s1 =	sshrl.u32 s1, $0x3;
	s7 =	sadd.s32 s4, s6;
	s12 =	rddreg [dreg:$0x12]  }
0xc7: {  	[tilespmem:s28], [sflag:$0x2] =	stream.strided.gather [hbm4b:s7+s20], $0x800, s13, s20, $0x38;
	[tilespmem:$0x6B18] =	vst v63  }
0xc8: {  	s1 =	sadd.s32 s12, s1  }
0xc9: {  	[tilespmem:s29], [sflag:$0x2] =	stream.strided.gather [hbm4b:s1+s20], $0x800, s13, s20, $0x38;
	[tilespmem:$0x6B18] =	vst v63  }
0xca: {  	_ =	swait.ge [sflag:s30], $0x80  }
0xcb: {  	[sflag:s30] =	ssyncset.done $0x0  }
0xcc: {  	[sflag:s30] =	ssyncadd.s32 $0xFFFFFF80  }
0xcd: {  	_ =	swait.ge [sflag:s30], $0x80  }
0xce: {  	[sflag:s30] =	ssyncset.done $0x0  }
0xcf: {  	[sflag:s30] =	ssyncadd.s32 $0xFFFFFF80  }
0xd0: {  	_ =	swait.ge [sflag:s30], $0x80  }
0xd1: {  	[sflag:s30] =	ssyncset.done $0x0  }
0xd2: {  	[sflag:s30] =	ssyncadd.s32 $0xFFFFFF80  }
0xd3: {  	_ =	swait.ge [sflag:s30], $0x80  }
0xd4: {  	[sflag:s30] =	ssyncset.done $0x0  }
0xd5: {  	[sflag:s30] =	ssyncadd.s32 $0xFFFFFF80  }
0xd6: {  	_ =	swait.ge [sflag:s30], $0x80  }
0xd7: {  	[sflag:s30] =	ssyncset.done $0x0  }
0xd8: {  	[sflag:s30] =	ssyncadd.s32 $0xFFFFFF80  }
0xd9: {  	_ =	swait.ge [sflag:s30], $0x80  }
0xda: {  	[sflag:s30] =	ssyncset.done $0x0  }
0xdb: {  	[sflag:s30] =	ssyncadd.s32 $0xFFFFFF80  }
0xdc: {  	_ =	swait.ge [sflag:s30], $0x80  }
0xdd: {  	[sflag:s30] =	ssyncset.done $0x0  }
0xde: {  	[sflag:s30] =	ssyncadd.s32 $0xFFFFFF80  }
0xdf: {  	_ =	swait.ge [sflag:s30], $0x80  }
0xe0: {  	[sflag:s30] =	ssyncset.done $0x0  }
0xe1: {  	[sflag:s30] =	ssyncadd.s32 $0xFFFFFF80  }
0xe2: {  	_ =	swait.ge [sflag:s31], $0x800  }
0xe3: {  	[sflag:s31] =	ssyncset.done $0x0  }
0xe4: {  	[sflag:s31] =	ssyncadd.s32 $0xFFFFF800  }
0xe5: {  	_ =	swait.ge [sflag:s31], $0x800  }
0xe6: {  	[sflag:s31] =	ssyncset.done $0x0  }
0xe7: {  	[sflag:s31] =	ssyncadd.s32 $0xFFFFF800  }
0xe8: {  	_ =	swait.ge [sflag:s31], $0x800  }
0xe9: {  	[sflag:s31] =	ssyncset.done $0x0  }
0xea: {  	[sflag:s31] =	ssyncadd.s32 $0xFFFFF800  }
0xeb: {  	_ =	swait.ge [sflag:s31], $0x800  }
0xec: {  	[sflag:s31] =	ssyncset.done $0x0  }
0xed: {  	[sflag:s31] =	ssyncadd.s32 $0xFFFFF800  }
0xee: {  	_ =	swait.ge [sflag:s31], $0x800  }
0xef: {  	[sflag:s31] =	ssyncset.done $0x0  }
0xf0: {  	[sflag:s31] =	ssyncadd.s32 $0xFFFFF800  }
0xf1: {  	_ =	swait.ge [sflag:s31], $0x800  }
0xf2: {  	[sflag:s31] =	ssyncset.done $0x0  }
0xf3: {  	[sflag:s31] =	ssyncadd.s32 $0xFFFFF800  }
0xf4: {  	_ =	swait.ge [sflag:s31], $0x800  }
0xf5: {  	[sflag:s31] =	ssyncset.done $0x0  }
0xf6: {  	[sflag:s31] =	ssyncadd.s32 $0xFFFFF800  }
0xf7: {  	_ =	swait.ge [sflag:s31], $0x800  }
0xf8: {  	[sflag:s31] =	ssyncset.done $0x0  }
0xf9: {  	[sflag:s31] =	ssyncadd.s32 $0xFFFFF800  }
0xfa: {  	[spmem:s2] =	stream.indirect.scatter.add.f32 [tilespmem:s21], [sflag:$0x3], $0x10, s3, s13, $0xb8;
	[tilespmem:$0x6B18] =	vst v63  }
0xfb: {  	_ = 	snop  }
0xfc: {  	[spmem:s2] =	stream.indirect.scatter.add.f32 [tilespmem:s22], [sflag:$0x3], $0x10, s13, s13, $0xb8;
	[tilespmem:$0x6B18] =	vst v63  }
0xfd: {  	_ = 	snop  }
0xfe: {  	[spmem:s2] =	stream.indirect.scatter.add.f32 [tilespmem:s23], [sflag:$0x3], $0x10, s14, s13, $0xb8;
	[tilespmem:$0x6B18] =	vst v63  }
0xff: {  	_ = 	snop  }
0x100: {  	[spmem:s2] =	stream.indirect.scatter.add.f32 [tilespmem:s24], [sflag:$0x3], $0x10, s15, s13, $0xb8;
	[tilespmem:$0x6B18] =	vst v63  }
0x101: {  	_ = 	snop  }
0x102: {  	[spmem:s2] =	stream.indirect.scatter.add.f32 [tilespmem:s25], [sflag:$0x3], $0x10, s16, s13, $0xb8;
	[tilespmem:$0x6B18] =	vst v63  }
0x103: {  	_ = 	snop  }
0x104: {  	[spmem:s2] =	stream.indirect.scatter.add.f32 [tilespmem:s26], [sflag:$0x3], $0x10, s17, s13, $0xb8;
	[tilespmem:$0x6B18] =	vst v63  }
0x105: {  	_ = 	snop  }
0x106: {  	[spmem:s2] =	stream.indirect.scatter.add.f32 [tilespmem:s28], [sflag:$0x3], $0x10, s18, s13, $0xb8;
	[tilespmem:$0x6B18] =	vst v63  }
0x107: {  	_ = 	snop  }
0x108: {  	[spmem:s2] =	stream.indirect.scatter.add.f32 [tilespmem:s29], [sflag:$0x3], $0x10, s19, s13, $0xb8;
	[tilespmem:$0x6B18] =	vst v63  }
0x109: {  	_ =	swait.ge [sflag:s0], $0x800  }
0x10a: {  	[sflag:s0] =	ssyncset.done $0x0  }
0x10b: {  	[sflag:s0] =	ssyncadd.s32 $0xFFFFF800  }
0x10c: {  	_ =	swait.ge [sflag:s0], $0x800  }
0x10d: {  	[sflag:s0] =	ssyncset.done $0x0  }
0x10e: {  	[sflag:s0] =	ssyncadd.s32 $0xFFFFF800  }
0x10f: {  	_ =	swait.ge [sflag:s0], $0x800  }
0x110: {  	p0 =	sne.s32 s8, $0x2000;
	[sflag:s0] =	ssyncset.done $0x0  }
.Ltmp0:
0x111: {  	[sflag:s0] =	ssyncadd.s32 $0xFFFFF800;
	(pc) =	sbr.rel @p0 .LBB2_2-.Ltmp0, $4  }
0x112: {  	_ =	swait.ge [sflag:s0], $0x800  }
0x113: {  	[sflag:s0] =	ssyncset.done $0x0  }
0x114: {  	[sflag:s0] =	ssyncadd.s32 $0xFFFFF800  }
0x115: {  	s8 =	sadd.s32 $0x800, s8;
	_ =	swait.ge [sflag:s0], $0x800  }
0x116: {  	[sflag:s0] =	ssyncset.done $0x0  }
0x117: {  	[sflag:s0] =	ssyncadd.s32 $0xFFFFF800  }
0x118: {  	_ =	swait.ge [sflag:s0], $0x800  }
0x119: {  	[sflag:s0] =	ssyncset.done $0x0  }
0x11a: {  	[sflag:s0] =	ssyncadd.s32 $0xFFFFF800  }
0x11b: {  	_ =	swait.ge [sflag:s0], $0x800  }
0x11c: {  	[sflag:s0] =	ssyncset.done $0x0  }
0x11d: {  	[sflag:s0] =	ssyncadd.s32 $0xFFFFF800  }
0x11e: {  	_ =	swait.ge [sflag:s0], $0x800  }
0x11f: {  	s1 =	rddreg [dreg:$0x11];
	[sflag:s0] =	ssyncset.done $0x0  }
0x120: {  	s5 =	rddreg [dreg:$0xf];
	[sflag:s0] =	ssyncadd.s32 $0xFFFFF800;
	s1 =	sadd.s32 s9, s1  }
0x121: {  	[tilespmem:s3], [sflag:$0x1] =	stream.linear.gather [hbm4b:s1+s3], $0x80, $0x38;
	[tilespmem:$0x6B18] =	vst v63  }
0x122: {  	s8 =	rddreg [dreg:$0xd];
	s5 =	sadd.s32 s9, s5  }
0x123: {  	[tilespmem:s13], [sflag:$0x1] =	stream.linear.gather [hbm4b:s5+s3], $0x80, $0x38;
	[tilespmem:$0x6B18] =	vst v63  }
0x124: {  	s12 =	rddreg [dreg:$0xb];
	s1 =	sadd.s32 s9, s8  }
0x125: {  	[tilespmem:s14], [sflag:$0x1] =	stream.linear.gather [hbm4b:s1+s3], $0x80, $0x38;
	[tilespmem:$0x6B18] =	vst v63  }
0x126: {  	s6 =	rddreg [dreg:$0x9];
	s5 =	sadd.s32 s9, s12  }
0x127: {  	[tilespmem:s15], [sflag:$0x1] =	stream.linear.gather [hbm4b:s5+s3], $0x80, $0x38;
	[tilespmem:$0x6B18] =	vst v63  }
0x128: {  	s7 =	rddreg [dreg:$0x7];
	s1 =	sadd.s32 s9, s6  }
0x129: {  	[tilespmem:s16], [sflag:$0x1] =	stream.linear.gather [hbm4b:s1+s3], $0x80, $0x38;
	[tilespmem:$0x6B18] =	vst v63  }
0x12a: {  	s8 =	rddreg [dreg:$0x5];
	s5 =	sadd.s32 s9, s7  }
0x12b: {  	[tilespmem:s17], [sflag:$0x1] =	stream.linear.gather [hbm4b:s5+s3], $0x80, $0x38;
	[tilespmem:$0x6B18] =	vst v63  }
0x12c: {  	s12 =	rddreg [dreg:$0x3];
	s1 =	sadd.s32 s9, s8  }
0x12d: {  	[tilespmem:s18], [sflag:$0x1] =	stream.linear.gather [hbm4b:s1+s3], $0x80, $0x38;
	[tilespmem:$0x6B18] =	vst v63  }
0x12e: {  	s4 =	sadd.s32 $0x40000, s4;
	s6 =	rddreg [dreg:$0x10];
	s5 =	sadd.s32 s9, s12  }
0x12f: {  	[tilespmem:s19], [sflag:$0x1] =	stream.linear.gather [hbm4b:s5+s3], $0x80, $0x38;
	[tilespmem:$0x6B18] =	vst v63  }
0x130: {  	s7 =	rddreg [dreg:$0xe];
	s1 =	sadd.s32 s4, s6  }
0x131: {  	[tilespmem:s21], [sflag:$0x2] =	stream.strided.gather [hbm4b:s1+s20], $0x800, s13, s20, $0x38;
	[tilespmem:$0x6B18] =	vst v63  }
0x132: {  	s8 =	rddreg [dreg:$0xc];
	s5 =	sadd.s32 s4, s7  }
0x133: {  	[tilespmem:s22], [sflag:$0x2] =	stream.strided.gather [hbm4b:s5+s20], $0x800, s13, s20, $0x38;
	[tilespmem:$0x6B18] =	vst v63  }
0x134: {  	s9 =	rddreg [dreg:$0xa];
	s1 =	sadd.s32 s4, s8  }
0x135: {  	[tilespmem:s23], [sflag:$0x2] =	stream.strided.gather [hbm4b:s1+s20], $0x800, s13, s20, $0x38;
	[tilespmem:$0x6B18] =	vst v63  }
0x136: {  	s12 =	rddreg [dreg:$0x8];
	s5 =	sadd.s32 s4, s9  }
0x137: {  	[tilespmem:s24], [sflag:$0x2] =	stream.strided.gather [hbm4b:s5+s20], $0x800, s13, s20, $0x38;
	[tilespmem:$0x6B18] =	vst v63  }
0x138: {  	s6 =	rddreg [dreg:$0x6];
	s1 =	sadd.s32 s4, s12  }
0x139: {  	[tilespmem:s25], [sflag:$0x2] =	stream.strided.gather [hbm4b:s1+s20], $0x800, s13, s20, $0x38;
	[tilespmem:$0x6B18] =	vst v63  }
0x13a: {  	s7 =	rddreg [dreg:$0x4];
	s5 =	sadd.s32 s4, s6  }
0x13b: {  	[tilespmem:s26], [sflag:$0x2] =	stream.strided.gather [hbm4b:s5+s20], $0x800, s13, s20, $0x38;
	[tilespmem:$0x6B18] =	vst v63  }
0x13c: {  	s1 =	sadd.s32 s4, s7  }
0x13d: {  	[tilespmem:s28], [sflag:$0x2] =	stream.strided.gather [hbm4b:s1+s20], $0x800, s13, s20, $0x38;
	[tilespmem:$0x6B18] =	vst v63  }
0x13e: {  	s1 =	sadd.s32 $0x80, s11  }
0x13f: {  	p0 =	slt.s32 s1, $0x270  }
0x140: {  	s1 =	simm.s32 @!p0 $0x270  }
0x141: {  	s1 =	sshll.u32 s1, $0xE  }
0x142: {  	s1 =	sadd.s32 s10, s1  }
0x143: {  	s8 =	rddreg [dreg:$0x12];
	s1 =	sshrl.u32 s1, $0x3  }
0x144: {  	s1 =	sadd.s32 s8, s1  }
0x145: {  	[tilespmem:s29], [sflag:$0x2] =	stream.strided.gather [hbm4b:s1+s20], $0x800, s13, s20, $0x38;
	[tilespmem:$0x6B18] =	vst v63  }
0x146: {  	_ =	swait.ge [sflag:s30], $0x80  }
0x147: {  	[sflag:s30] =	ssyncset.done $0x0  }
0x148: {  	[sflag:s30] =	ssyncadd.s32 $0xFFFFFF80  }
0x149: {  	_ =	swait.ge [sflag:s30], $0x80  }
0x14a: {  	[sflag:s30] =	ssyncset.done $0x0  }
0x14b: {  	[sflag:s30] =	ssyncadd.s32 $0xFFFFFF80  }
0x14c: {  	_ =	swait.ge [sflag:s30], $0x80  }
0x14d: {  	[sflag:s30] =	ssyncset.done $0x0  }
0x14e: {  	[sflag:s30] =	ssyncadd.s32 $0xFFFFFF80  }
0x14f: {  	_ =	swait.ge [sflag:s30], $0x80  }
0x150: {  	[sflag:s30] =	ssyncset.done $0x0  }
0x151: {  	[sflag:s30] =	ssyncadd.s32 $0xFFFFFF80  }
0x152: {  	_ =	swait.ge [sflag:s30], $0x80  }
0x153: {  	[sflag:s30] =	ssyncset.done $0x0  }
0x154: {  	[sflag:s30] =	ssyncadd.s32 $0xFFFFFF80  }
0x155: {  	_ =	swait.ge [sflag:s30], $0x80  }
0x156: {  	[sflag:s30] =	ssyncset.done $0x0  }
0x157: {  	[sflag:s30] =	ssyncadd.s32 $0xFFFFFF80  }
0x158: {  	_ =	swait.ge [sflag:s30], $0x80  }
0x159: {  	[sflag:s30] =	ssyncset.done $0x0  }
0x15a: {  	[sflag:s30] =	ssyncadd.s32 $0xFFFFFF80  }
0x15b: {  	_ =	swait.ge [sflag:s30], $0x80  }
0x15c: {  	[sflag:s30] =	ssyncset.done $0x0  }
0x15d: {  	[sflag:s30] =	ssyncadd.s32 $0xFFFFFF80  }
0x15e: {  	_ =	swait.ge [sflag:s31], $0x800  }
0x15f: {  	[sflag:s31] =	ssyncset.done $0x0  }
0x160: {  	[sflag:s31] =	ssyncadd.s32 $0xFFFFF800  }
0x161: {  	_ =	swait.ge [sflag:s31], $0x800  }
0x162: {  	[sflag:s31] =	ssyncset.done $0x0  }
0x163: {  	[sflag:s31] =	ssyncadd.s32 $0xFFFFF800  }
0x164: {  	_ =	swait.ge [sflag:s31], $0x800  }
0x165: {  	[sflag:s31] =	ssyncset.done $0x0  }
0x166: {  	[sflag:s31] =	ssyncadd.s32 $0xFFFFF800  }
0x167: {  	_ =	swait.ge [sflag:s31], $0x800  }
0x168: {  	[sflag:s31] =	ssyncset.done $0x0  }
0x169: {  	[sflag:s31] =	ssyncadd.s32 $0xFFFFF800  }
0x16a: {  	_ =	swait.ge [sflag:s31], $0x800  }
0x16b: {  	[sflag:s31] =	ssyncset.done $0x0  }
0x16c: {  	[sflag:s31] =	ssyncadd.s32 $0xFFFFF800  }
0x16d: {  	_ =	swait.ge [sflag:s31], $0x800  }
0x16e: {  	[sflag:s31] =	ssyncset.done $0x0  }
0x16f: {  	[sflag:s31] =	ssyncadd.s32 $0xFFFFF800  }
0x170: {  	_ =	swait.ge [sflag:s31], $0x800  }
0x171: {  	[sflag:s31] =	ssyncset.done $0x0  }
0x172: {  	[sflag:s31] =	ssyncadd.s32 $0xFFFFF800  }
0x173: {  	_ =	swait.ge [sflag:s31], $0x800  }
0x174: {  	[sflag:s31] =	ssyncset.done $0x0  }
0x175: {  	[sflag:s31] =	ssyncadd.s32 $0xFFFFF800  }
0x176: {  	[spmem:s2] =	stream.indirect.scatter.add.f32 [tilespmem:s21], [sflag:$0x3], $0x10, s3, s13, $0xb8;
	[tilespmem:$0x6B18] =	vst v63  }
0x177: {  	_ = 	snop  }
0x178: {  	[spmem:s2] =	stream.indirect.scatter.add.f32 [tilespmem:s22], [sflag:$0x3], $0x10, s13, s13, $0xb8;
	[tilespmem:$0x6B18] =	vst v63  }
0x179: {  	_ = 	snop  }
0x17a: {  	[spmem:s2] =	stream.indirect.scatter.add.f32 [tilespmem:s23], [sflag:$0x3], $0x10, s14, s13, $0xb8;
	[tilespmem:$0x6B18] =	vst v63  }
0x17b: {  	_ = 	snop  }
0x17c: {  	[spmem:s2] =	stream.indirect.scatter.add.f32 [tilespmem:s24], [sflag:$0x3], $0x10, s15, s13, $0xb8;
	[tilespmem:$0x6B18] =	vst v63  }
0x17d: {  	_ = 	snop  }
0x17e: {  	[spmem:s2] =	stream.indirect.scatter.add.f32 [tilespmem:s25], [sflag:$0x3], $0x10, s16, s13, $0xb8;
	[tilespmem:$0x6B18] =	vst v63  }
0x17f: {  	_ = 	snop  }
0x180: {  	[spmem:s2] =	stream.indirect.scatter.add.f32 [tilespmem:s26], [sflag:$0x3], $0x10, s17, s13, $0xb8;
	[tilespmem:$0x6B18] =	vst v63  }
0x181: {  	_ = 	snop  }
0x182: {  	[spmem:s2] =	stream.indirect.scatter.add.f32 [tilespmem:s28], [sflag:$0x3], $0x10, s18, s13, $0xb8;
	[tilespmem:$0x6B18] =	vst v63  }
0x183: {  	_ = 	snop  }
0x184: {  	[spmem:s2] =	stream.indirect.scatter.add.f32 [tilespmem:s29], [sflag:$0x3], $0x10, s19, s13, $0xb8;
	[tilespmem:$0x6B18] =	vst v63  }
0x185: {  	_ =	swait.ge [sflag:s0], $0x800  }
0x186: {  	[sflag:s0] =	ssyncset.done $0x0  }
0x187: {  	[sflag:s0] =	ssyncadd.s32 $0xFFFFF800  }
0x188: {  	_ =	swait.ge [sflag:s0], $0x800  }
0x189: {  	[sflag:s0] =	ssyncset.done $0x0  }
0x18a: {  	[sflag:s0] =	ssyncadd.s32 $0xFFFFF800  }
0x18b: {  	_ =	swait.ge [sflag:s0], $0x800  }
0x18c: {  	[sflag:s0] =	ssyncset.done $0x0  }
0x18d: {  	[sflag:s0] =	ssyncadd.s32 $0xFFFFF800  }
0x18e: {  	_ =	swait.ge [sflag:s0], $0x800  }
0x18f: {  	[sflag:s0] =	ssyncset.done $0x0  }
0x190: {  	[sflag:s0] =	ssyncadd.s32 $0xFFFFF800  }
0x191: {  	_ =	swait.ge [sflag:s0], $0x800  }
0x192: {  	[sflag:s0] =	ssyncset.done $0x0  }
0x193: {  	[sflag:s0] =	ssyncadd.s32 $0xFFFFF800  }
0x194: {  	_ =	swait.ge [sflag:s0], $0x800  }
0x195: {  	[sflag:s0] =	ssyncset.done $0x0  }
0x196: {  	[sflag:s0] =	ssyncadd.s32 $0xFFFFF800  }
0x197: {  	_ =	swait.ge [sflag:s0], $0x800  }
0x198: {  	[sflag:s0] =	ssyncset.done $0x0  }
0x199: {  	[sflag:s0] =	ssyncadd.s32 $0xFFFFF800  }
0x19a: {  	_ =	swait.ge [sflag:s0], $0x800  }
0x19b: {  	[sflag:s0] =	ssyncset.done $0x0  }
0x19c: {  	[sflag:s0] =	ssyncadd.s32 $0xFFFFF800  }
0x19d: {  	[bflag:$0x0] =	sbarrier.arrive $0xFFFF  }
0x19e: {  	s5 =	rddreg [dreg:$0x15]  }
0x19f: {  	s9 =	rddreg [dreg:$0x16]  }
0x1a0: {  	s4 =	simm.s32 $0x4;
	s11 =	rddreg [dreg:$0x1a]  }
0x1a1: {  	[hbm:s9@s20], [sflag:s5] =	dma.strided [spmem:s11@s31], $0x4E2, s30, $0x2   }
0x1a2: {  	_ =	swait.ge [sflag:s4], $0x4E2  }
0x1a3: {  	s6 =	rddreg [dreg:$0x19]  }
0x1a4: {  	s12 =	rddreg [dreg:$0x17];
	s6 =	sadd.s32 $0x1, s6  }
0x1a5: {  	p0 =	sne.s32 s6, s12  }
.Ltmp1:
0x1a6: {  	_ = 	snop;
	(pc) =	sbr.rel @p0 .LBB2_1-.Ltmp1, $3  }
0x1a7: {  	_ =	sdelay $0x1  }
0x1a8: {  	[sflag:s4] =	ssyncset.done $0x0  }
0x1a9: {  	[sflag:s4] =	ssyncadd.s32 $0xFFFFFB1E  }
0x1aa: {  	_ =	sfence.sel $0x180000  }
0x1ab: {  	[bflag:$0x0] =	sbarrier.arrive $0xFFFF  }
0x1ac: {  	_ =	strace $0x9000004D  }
0x1ad: {  	s0 =	stileid.u32;
	[bflag:$0x2] =	sbarrier.arrive $0xFFFF  }
0x1ae: {  	p0 =	sne.s32 s0, $0x0;
	s0 =	rddreg [dreg:$0x2]  }
0x1af: {  	s0 =	sadd.s32 @!p0 $0x100000, s0  }
0x1b0: {  	[sflag:s0] =	ssyncadd.tile.s32 @!p0 $0x1;
	_ =	shalt  }
.Lfunc_end2:
_tile_overlayer_lowered:
.L_overlay_start_2:
0x1b1: {  	(tag) =	ssettag $0x2  }
0x1b2: {  	s0 =	rddreg [dreg:$0x0];
	s2 =	stileid.u32  }
0x1b3: {  	s1 =	rddreg [dreg:$0x1];
	p0 =	sne.s32 s2, $0x0  }
0x1b4: {  	s3 =	rddreg [dreg:$0x2];
	[bflag:$0x3] =	sbarrier.arrive $0xFFFF;
	s2 =	simm.s32 @!p0 $0x1C04  }
0x1b5: {  	[timem:s3], [sflag:s2] =	dma.local @!p0 [hbm:s0], s1  }
0x1b6: {  	s0 =	simm.s32 @!p0 $0x4  }
0x1b7: {  	_ =	swait.ge @!p0 [sflag:s0], s1  }
0x1b8: {  	s1 =	ssub.s32 @!p0 $0x0, s1;
	[sflag:s0] =	ssyncset.done @!p0 $0x0  }
0x1b9: {  	[sflag:s0] =	ssyncadd.s32 @!p0 s1  }
0x1ba: {  	[bflag:$0x3] =	sbarrier.arrive $0xFFFF  }
0x1bb: {  	_ =	shalt  }

// kernel: kernel.9.cloned.1.call-start
scs
__scs_entry_jumppad:
0x0: {  	(pc) =	sbr.rel $0x88, $3  }
0x1: {  	(tag) =	ssettag $0x0;
	lr =	simm.s32 $0x1  }
0x2: {  	[smem:$0x3F99] =	sst lr;
	_ =	strace $0xD0000000  }
0x3: {  	_ = 	snop  }
0x4: {  	_ = 	snop  }
0x5: {  	_ = 	snop  }
0x6: {  	_ = 	snop  }
0x7: {  	_ = 	snop  }
__scs_overlays_trampoline_lowered:
0x8: {  	[smem:$0x3FA8] =	sst s0  }
0x9: {  	[smem:$0x3FA9] =	sst s1  }
0xa: {  	[smem:$0x3FAA] =	sst s2  }
0xb: {  	[smem:$0x3FAB] =	sst s3  }
0xc: {  	[smem:$0x3FAC] =	sst s4  }
0xd: {  	[smem:$0x3FAD] =	sst s5  }
0xe: {  	[smem:$0x3FAE] =	sst s6  }
0xf: {  	[smem:$0x3FAF] =	sst s7  }
0x10: {  	[smem:$0x3FB0] =	sst s8  }
0x11: {  	[smem:$0x3FB1] =	sst s9;
	s0 =	simm.s32 @!p0 $0x0  }
0x12: {  	s1 =	sld [smem:$0x3F97];
	s0 =	simm.s32 @p0 $0x1  }
0x13: {  	[smem:$0x3FB2] =	sst s0;
	s0 =	simm.s32 @!p1 $0x0  }
0x14: {  	s2 =	sld [smem:$0x3F96];
	s0 =	simm.s32 @p1 $0x1  }
0x15: {  	[smem:$0x3FB3] =	sst s0;
	s0 =	simm.s32 @!p2 $0x0  }
0x16: {  	s3 =	sld [smem:$0x3FDB];
	s0 =	simm.s32 @p2 $0x1  }
0x17: {  	s4 =	simm.s32 $0x1BF5;
	[smem:$0x3FB5] =	sst s0  }
0x18: {  	s0 =	sld [smem:$0x3F98];
	_ =	swait.ge [sflag:s4], $0x0  }
0x19: {  	s7 =	sld [smem:$0x3F99]  }
0x1a: {  	s8 =	sadd.s32 $0xFFFFE003, lr  }
0x1b: {  	s9 =	sadd.s32 $0xFFFFFEF7, lr;
	s5 =	simm.s32 $0xFFFFFFFF;
	p2 =	slt.u32 s8, $0xFFFFF086  }
0x1c: {  	p1 =	slt.u32 s9, $0xF7A;
	s5 =	simm.s32 @!p2 $0x0  }
0x1d: {  	s5 =	simm.s32 @p1 $0x1;
	p0 =	seq.s32 s7, s2  }
0x1e: {  	s7 =	smul.u32 @!p0 $0xF7A, s2;
	p2 =	seq.s32 @!p0 s5, $0x0  }
0x1f: {  	s9 =	smul.u32 $0xF7A, s1;
	s8 =	simm.s32 @!p0 $0x1BF5;
	p2 =	por !p2, p0  }
0x20: {  	[sflag:s8] =	ssyncset.s32 @!p0 $0xFFFFF086;
	s6 =	sadd.s32 @!p0 s3, s7;
	s7 =	simm.s32 @!p0 $0x108  }
0x21: {  	s3 =	sadd.s32 s3, s9;
	s6 =	sadd.s32 @!p0 $0x88, s6;
	s7 =	simm.s32 @p2 $0x1082  }
0x22: {  	[simem:s7], [sflag:s8] =	dma.local @!p0 [hbm:s6], $0xF7A  }
0x23: {  	s9 =	sor.u32 $0xD0000000, s2;
	s6 =	simm.s32 $0x108;
	_ =	swait.ge @!p0 [sflag:s8], $0x0  }
0x24: {  	s3 =	sadd.s32 $0x88, s3;
	s6 =	simm.s32 @!p1 $0x1082;
	[sflag:s4] =	ssyncset.s32 $0xFFFFF086  }
0x25: {  	[simem:s6], [sflag:s4] =	dma.local [hbm:s3], $0xF7A  }
0x26: {  	[smem:$0x3F99] =	sst s1;
	(tag) =	ssettag s2;
	_ =	strace s9  }
0x27: {  	s1 =	sld [smem:$0x3FA9]  }
0x28: {  	s2 =	sld [smem:$0x3FAA]  }
0x29: {  	s4 =	sld [smem:$0x3FAC]  }
0x2a: {  	p0 =	seq.s32 s5, $0x0;
	s5 =	sld [smem:$0x3FAD]  }
0x2b: {  	s6 =	sld [smem:$0x3FAE]  }
0x2c: {  	s7 =	sld [smem:$0x3FAF]  }
0x2d: {  	s3 =	simm.s32 $0x108;
	s8 =	sld [smem:$0x3FB0]  }
0x2e: {  	s3 =	simm.s32 @!p0 $0x1082;
	s9 =	sld [smem:$0x3FB1]  }
0x2f: {  	lr =	sadd.s32 s0, s3;
	s0 =	sld [smem:$0x3FA8]  }
0x30: {  	s3 =	sld [smem:$0x3FAB]  }
0x31: {  	[smem:$0x3FB4] =	sst s10  }
0x32: {  	s10 =	sld [smem:$0x3FB2];
	_ =	sdelay $0x3  }
0x33: {  	p0 =	seq.s32 s10, $0x1;
	s10 =	sld [smem:$0x3FB4];
	_ =	sdelay $0x3  }
0x34: {  	[smem:$0x3FB4] =	sst s10  }
0x35: {  	s10 =	sld [smem:$0x3FB3];
	_ =	sdelay $0x3  }
0x36: {  	p1 =	seq.s32 s10, $0x1;
	s10 =	sld [smem:$0x3FB4];
	_ =	sdelay $0x3  }
0x37: {  	[smem:$0x3FB4] =	sst s10  }
0x38: {  	s10 =	sld [smem:$0x3FB5]  }
0x39: {  	_ = 	snop;
	(pc) =	sbr.ind lr, $3  }
0x3a: {  	_ = 	snop  }
0x3b: {  	_ = 	snop  }
0x3c: {  	p2 =	seq.s32 s10, $0x1;
	s10 =	sld [smem:$0x3FB4]  }
0x3d: {  	_ =	shalt  }
0x3e: {  	_ =	shalt  }
0x3f: {  	_ =	shalt  }
0x40: {  	_ =	shalt  }
0x41: {  	_ =	shalt  }
0x42: {  	_ =	shalt  }
0x43: {  	_ =	shalt  }
0x44: {  	_ =	shalt  }
0x45: {  	_ =	shalt  }
0x46: {  	_ =	shalt  }
0x47: {  	_ =	shalt  }
0x48: {  	_ =	shalt  }
0x49: {  	_ =	shalt  }
0x4a: {  	_ =	shalt  }
0x4b: {  	_ =	shalt  }
0x4c: {  	_ =	shalt  }
0x4d: {  	_ =	shalt  }
0x4e: {  	_ =	shalt  }
0x4f: {  	_ =	shalt  }
0x50: {  	_ =	shalt  }
0x51: {  	_ =	shalt  }
0x52: {  	_ =	shalt  }
0x53: {  	_ =	shalt  }
0x54: {  	_ =	shalt  }
0x55: {  	_ =	shalt  }
0x56: {  	_ =	shalt  }
0x57: {  	_ =	shalt  }
0x58: {  	_ =	shalt  }
0x59: {  	_ =	shalt  }
0x5a: {  	_ =	shalt  }
0x5b: {  	_ =	shalt  }
0x5c: {  	_ =	shalt  }
0x5d: {  	_ =	shalt  }
0x5e: {  	_ =	shalt  }
0x5f: {  	_ =	shalt  }
0x60: {  	_ =	shalt  }
0x61: {  	_ =	shalt  }
0x62: {  	_ =	shalt  }
0x63: {  	_ =	shalt  }
0x64: {  	_ =	shalt  }
0x65: {  	_ =	shalt  }
0x66: {  	_ =	shalt  }
0x67: {  	_ =	shalt  }
0x68: {  	_ =	shalt  }
0x69: {  	_ =	shalt  }
0x6a: {  	_ =	shalt  }
0x6b: {  	_ =	shalt  }
0x6c: {  	_ =	shalt  }
0x6d: {  	_ =	shalt  }
0x6e: {  	_ =	shalt  }
0x6f: {  	_ =	shalt  }
0x70: {  	_ =	shalt  }
0x71: {  	_ =	shalt  }
0x72: {  	_ =	shalt  }
0x73: {  	_ =	shalt  }
0x74: {  	_ =	shalt  }
0x75: {  	_ =	shalt  }
0x76: {  	_ =	shalt  }
0x77: {  	_ =	shalt  }
0x78: {  	_ =	shalt  }
0x79: {  	_ =	shalt  }
0x7a: {  	_ =	shalt  }
0x7b: {  	_ =	shalt  }
0x7c: {  	_ =	shalt  }
0x7d: {  	_ =	shalt  }
0x7e: {  	_ =	shalt  }
0x7f: {  	_ =	shalt  }
0x80: {  	_ =	shalt  }
0x81: {  	_ =	shalt  }
0x82: {  	_ =	shalt  }
0x83: {  	_ =	shalt  }
0x84: {  	_ =	shalt  }
0x85: {  	_ =	shalt  }
0x86: {  	_ =	shalt  }
0x87: {  	_ =	shalt  }
.Lfunc_end0:
.L_simem_size_0:
called_computation_lowered:
.L_overlay_start_0:
0x88: {  	s2 =	sld [smem:$0x3FD9]  }
0x89: {  	s3 =	sld [smem:$0x3FFE];
	_ =	sdelay $0x1  }
0x8a: {  	s1 =	srdreg.scid  }
0x8b: {  	s0 =	sand.u32 $0x1, s1  }
0x8c: {  	s17 =	sshll.u32 s0, $0xA;
	s2 =	sadd.s32 s3, s2  }
0x8d: {  	s2 =	sadd.s32 s2, s17  }
0x8e: {  	[smem:$0x3FC0] =	sst s2  }
0x8f: {  	_ = 	snop  }
0x90: {  	s18 =	sld [smem:$0x3FD0];
	(tm) =	ssettm $0x1  }
0x91: {  	s19 =	sld [smem:$0x3FFB];
	_ =	sdelay $0x3  }
0x92: {  	_ =	strace s19  }
0x93: {  	s2 =	sld [smem:$0x3FFC];
	_ =	sdelay $0x3  }
0x94: {  	_ =	strace s2  }
0x95: {  	s2 =	sld [smem:$0x3FFD];
	_ =	sdelay $0x3  }
0x96: {  	_ =	strace s2  }
0x97: {  	_ =	strace $0x8FFFFFFF  }
0x98: {  	s20 =	sld [smem:$0x3FDB];
	_ =	sdelay $0x1  }
0x99: {  	s4 =	simm.s32 $_scs_section_size  }
0x9a: {  	s5 =	simm.s32 $_size__tile_overlayer_lowered;
	s6 =	simm.s32 $_tile_overlayer_lowered  }
0x9b: {  	s7 =	simm.s32 $0x1BFF;
	s21 =	sshll.u32 s6, $0x1;
	s4 =	sadd.s32 s4, s20  }
0x9c: {  	s22 =	simm.s32 $0x0;
	s5 =	sshll.u32 s5, $0x1;
	s6 =	sadd.s32 s21, s4  }
0x9d: {  	[timem:s22], [sflag:s7] =	dma.local [hbm:s6], s5  }
0x9e: {  	_ =	swait.ge [sflag:s7], s5  }
0x9f: {  	s5 =	ssub.s32 $0x0, s5;
	[sflag:s7] =	ssyncset.done $0x0  }
0xa0: {  	[sflag:s7] =	ssyncadd.s32 s5;
	_ =	sdelay $0x1  }
0xa1: {  	s23 =	simm.s32 $0x1B8B  }
0xa2: {  	_ =	swait.ge [sflag:s23], $0x1  }
0xa3: {  	[sflag:s23] =	ssyncset.done $0x0  }
0xa4: {  	[sflag:s23] =	ssyncadd.s32 $0xFFFFFFFF  }
0xa5: {  	s5 =	sld [smem:$0x0]  }
0xa6: {  	s6 =	sand.u32 $0xFFFFFFFE, s1  }
0xa7: {  	p0 =	sne.s32 s1, s6  }
0xa8: {  	s6 =	sshll.u32 @p0 s6, $0xE  }
0xa9: {  	s6 =	sadd.s32 @p0 $0x11B8D, s6;
	s7 =	sshll.u32 @p0 s5, $0x11  }
0xaa: {  	s6 =	sor.u32 @p0 s7, s6  }
0xab: {  	[sflag:s6] =	ssyncadd.remote.s32 @p0 $0x1;
	_ =	sdelay $0x1  }
0xac: {  	s6 =	simm.s32 @p0 $0x1B8D  }
0xad: {  	_ =	swait.eq @p0 [sflag:s6], $0x1  }
0xae: {  	[sflag:s6] =	ssyncadd.s32 @p0 $0xFFFFFFFF  }
0xaf: {  	s7 =	sshll.u32 @!p0 s1, $0xE  }
0xb0: {  	s7 =	sor.u32 @!p0 $0x4000, s7;
	s6 =	simm.s32 @!p0 $0x1B8D  }
0xb1: {  	s5 =	sshll.u32 @!p0 s5, $0x11;
	s7 =	sadd.s32 @!p0 $0x11B8D, s7;
	_ =	swait.eq @!p0 [sflag:s6], $0x1  }
0xb2: {  	s5 =	sor.u32 @!p0 s5, s7;
	[sflag:s6] =	ssyncadd.s32 @!p0 $0xFFFFFFFF  }
0xb3: {  	s25 =	simm.s32 $0x1B8E;
	s24 =	sld [smem:$0x3FFE];
	[sflag:s5] =	ssyncadd.remote.s32 @!p0 $0x1  }
0xb4: {  	s26 =	simm.s32 $execute0_lowered;
	[smem:$0x3FD2] =	sst s25  }
0xb5: {  	s6 =	sshll.u32 s26, $0x1;
	_ =	strace $0x80000049;
	[dreg:$0x1] =	wrdreg $0xFFFFFFFF  }
0xb6: {  	s28 =	simm.s32 $_size_execute0_lowered;
	s4 =	sadd.s32 s4, s6;
	[dreg:$0x0] =	wrdreg $0x0  }
0xb7: {  	s6 =	sshll.u32 s28, $0x1;
	[dreg:$0x2] =	wrdreg s4  }
0xb8: {  	[dreg:$0x3] =	wrdreg s6  }
0xb9: {  	[dreg:$0x4] =	wrdreg $0xC0  }
0xba: {  	_ =	task [dreg:s22], $0x5FFFF  }
0xbb: {  	[dreg:$0x1] =	wrdreg $0xFFFFFFFF  }
0xbc: {  	[dreg:$0x0] =	wrdreg $0x60  }
0xbd: {  	[dreg:$0x2] =	wrdreg s18  }
0xbe: {  	[dreg:$0x3] =	wrdreg s24  }
0xbf: {  	[dreg:$0x4] =	wrdreg $0x9  }
0xc0: {  	_ =	task.clear_ibuf [dreg:s22], $0x5FFFF;
	_ =	strace $0x90000049  }
0xc1: {  	s29 =	simm.s32 $0x9;
	_ =	strace $0x8000004B  }
0xc2: {  	_ =	swait.ge [sflag:s29], $0x1  }
0xc3: {  	[sflag:s29] =	ssyncadd.s32 $0xFFFFFFFF  }
0xc4: {  	_ =	strace $0x9000004B  }
0xc5: {  	_ =	sfence  }
0xc6: {  	s30 =	sld [smem:$0x0];
	_ =	sdelay $0x2  }
0xc7: {  	s31 =	sshll.u32 s1, $0xD;
	s1 =	sshrl.u32 s1, $0x2  }
0xc8: {  	s4 =	sand.u32 $0x4000, s31;
	s1 =	sadd.s32 s1, s30  }
0xc9: {  	s0 =	sor.u32 s4, s0;
	s1 =	sshll.u32 s1, $0x11  }
0xca: {  	s0 =	sor.u32 s1, s0  }
0xcb: {  	s0 =	sadd.s32 $0x8F2B, s0  }
0xcc: {  	[sflag:s0] =	ssyncadd.remote.s32 $0x1  }
0xcd: {  	_ =	sfence.sel $0xFFFF  }
0xce: {  	[dreg:$0x0] =	wrdreg $0xFFFFFFFF;
	(pc) =	sbr.abs _section_cstart, $3  }
0xcf: {  	[dreg:$0x1] =	wrdreg $0xFFFFFFFF  }
0xd0: {  	_ =	task.clear_ibuf [dreg:s22], $0x2FFFF;
	_ =	strace $0x9FFFFFFF  }
0xd1: {  	(tm) =	ssettm $0x7FFFFFFF  }
tec
execute0_lowered:
.L_overlay_start_1:
0x0: {  	(tag) =	ssettag $0x1  }
0x1: {  	s1 =	rddreg [dreg:$0x0]  }
0x2: {  	s0 =	rddreg [dreg:$0x1];
	s3 =	srdreg.scid  }
0x3: {  	s2 =	simm.s32 $0x0;
	s8 =	stileid.u32;
	s9 =	simm.s32 $0x80  }
0x4: {  	s10 =	simm.s32 $0x100;
	s11 =	simm.s32 $0x180;
	s12 =	simm.s32 $0x200  }
0x5: {  	s13 =	simm.s32 $0x280;
	s14 =	simm.s32 $0x300;
	s15 =	simm.s32 $0x380  }
0x6: {  	s16 =	simm.s32 $0x1;
	s17 =	simm.s32 $0x400;
	s18 =	simm.s32 $0xC00  }
0x7: {  	s19 =	simm.s32 $0x1400;
	s20 =	simm.s32 $0x1C00;
	s21 =	simm.s32 $0x2400  }
0x8: {  	s22 =	simm.s32 $0x2C00;
	s28 =	simm.s32 $0x3;
	s3 =	sand.u32 $0x1, s3  }
0x9: {  	[smem:$0x7FF] =	sst s2;
	s4 =	sadd.s32 $0x7800, s0;
	s5 =	sadd.s32 $0x2A4A00, s0  }
0xa: {  	s24 =	sshll.u32 s8, $0x1;
	s25 =	sshll.u32 s8, $0xC;
	s6 =	ssub.s32 $0x2, s3  }
0xb: {  	s8 =	sshll.u32 s8, $0x5;
	_ =	strace $0x8000004A;
	s7 =	sshrl.u32 s6, $0x1  }
0xc: {  	s26 =	sshll.u32 s3, $0xB;
	s29 =	sadd.s32 s8, s4;
	s23 =	ssub.s32 s6, s7  }
0xd: {  	s30 =	sshll.u32 s3, $0x4;
	s31 =	sor.u32 s3, s24;
	s0 =	smax.u32 s23, $0x1  }
0xe: {  	s24 =	simm.s32 $0x3C00;
	[dreg:$0x4] =	wrdreg s0;
	s0 =	sadd.s32 s25, s5  }
0xf: {  	s3 =	simm.s32 $0x0;
	s7 =	sadd.s32 s30, s29;
	s0 =	sadd.s32 s26, s0  }
0x10: {  	s23 =	simm.s32 $0x3400;
	[dreg:$0x3] =	wrdreg s0;
	s0 =	sor.u32 $0xE0, s31  }
0x11: {  	s25 =	simm.s32 $0x2;
	s26 =	simm.s32 $0x10;
	[dreg:$0x5] =	wrdreg s0  }
.LBB2_1:
0x12: {  	[tilespmem:s2], [sflag:$0x1] =	stream.linear.gather [hbm4b:s7+s2], $0x80, $0x38;
	[tilespmem:$0x4400] =	vst v63  }
0x13: {  	s8 =	sadd.s32 $0x200, s7  }
0x14: {  	[tilespmem:s9], [sflag:$0x1] =	stream.linear.gather [hbm4b:s8+s2], $0x80, $0x38;
	[tilespmem:$0x4400] =	vst v63  }
0x15: {  	s29 =	sadd.s32 $0x400, s7  }
0x16: {  	[tilespmem:s10], [sflag:$0x1] =	stream.linear.gather [hbm4b:s29+s2], $0x80, $0x38;
	[tilespmem:$0x4400] =	vst v63  }
0x17: {  	[dreg:$0x6] =	wrdreg s3;
	s0 =	sadd.s32 $0x600, s7  }
0x18: {  	[tilespmem:s11], [sflag:$0x1] =	stream.linear.gather [hbm4b:s0+s2], $0x80, $0x38;
	[tilespmem:$0x4400] =	vst v63  }
0x19: {  	s0 =	rddreg [dreg:$0x5]  }
0x1a: {  	s6 =	sadd.s32 $0x800, s7;
	p0 =	slt.s32 s0, $0x4E1;
	s3 =	smov.u32 s0  }
0x1b: {  	[tilespmem:s12], [sflag:$0x1] =	stream.linear.gather [hbm4b:s6+s2], $0x80, $0x38;
	[tilespmem:$0x4400] =	vst v63  }
0x1c: {  	s8 =	sadd.s32 $0xA00, s7;
	s3 =	simm.s32 @!p0 $0x4E1  }
0x1d: {  	[tilespmem:s13], [sflag:$0x1] =	stream.linear.gather [hbm4b:s8+s2], $0x80, $0x38;
	[tilespmem:$0x4400] =	vst v63  }
0x1e: {  	s6 =	sadd.s32 $0xC00, s7;
	s29 =	sshll.u32 s3, $0x4  }
0x1f: {  	[tilespmem:s14], [sflag:$0x1] =	stream.linear.gather [hbm4b:s6+s2], $0x80, $0x38;
	[tilespmem:$0x4400] =	vst v63  }
0x20: {  	s6 =	sadd.s32 s4, s29  }
0x21: {  	[tilespmem:s15], [sflag:$0x1] =	stream.linear.gather [hbm4b:s6+s2], $0x80, $0x38;
	[tilespmem:$0x4400] =	vst v63  }
0x22: {  	_ =	swait.ge [sflag:s16], $0x80  }
0x23: {  	[sflag:s16] =	ssyncset.done $0x0  }
0x24: {  	[sflag:s16] =	ssyncadd.s32 $0xFFFFFF80  }
0x25: {  	_ =	swait.ge [sflag:s16], $0x80  }
0x26: {  	[sflag:s16] =	ssyncset.done $0x0  }
0x27: {  	[sflag:s16] =	ssyncadd.s32 $0xFFFFFF80  }
0x28: {  	_ =	swait.ge [sflag:s16], $0x80  }
0x29: {  	[sflag:s16] =	ssyncset.done $0x0  }
0x2a: {  	[sflag:s16] =	ssyncadd.s32 $0xFFFFFF80  }
0x2b: {  	_ =	swait.ge [sflag:s16], $0x80  }
0x2c: {  	[sflag:s16] =	ssyncset.done $0x0  }
0x2d: {  	[sflag:s16] =	ssyncadd.s32 $0xFFFFFF80  }
0x2e: {  	_ =	swait.ge [sflag:s16], $0x80  }
0x2f: {  	[sflag:s16] =	ssyncset.done $0x0  }
0x30: {  	[sflag:s16] =	ssyncadd.s32 $0xFFFFFF80  }
0x31: {  	_ =	swait.ge [sflag:s16], $0x80  }
0x32: {  	[sflag:s16] =	ssyncset.done $0x0  }
0x33: {  	[sflag:s16] =	ssyncadd.s32 $0xFFFFFF80  }
0x34: {  	_ =	swait.ge [sflag:s16], $0x80  }
0x35: {  	[sflag:s16] =	ssyncset.done $0x0  }
0x36: {  	[sflag:s16] =	ssyncadd.s32 $0xFFFFFF80  }
0x37: {  	_ =	swait.ge [sflag:s16], $0x80  }
0x38: {  	[sflag:s16] =	ssyncset.done $0x0  }
0x39: {  	[sflag:s16] =	ssyncadd.s32 $0xFFFFFF80  }
0x3a: {  	[tilespmem:s17], [sflag:$0x2] =	stream.indirect.gather [hbm4b:s1+s9], $0x10, s2, s9, $0xb8;
	[tilespmem:$0x4400] =	vst v63  }
0x3b: {  	_ = 	snop  }
0x3c: {  	[tilespmem:s18], [sflag:$0x2] =	stream.indirect.gather [hbm4b:s1+s9], $0x10, s9, s9, $0xb8;
	[tilespmem:$0x4400] =	vst v63  }
0x3d: {  	_ = 	snop  }
0x3e: {  	[tilespmem:s19], [sflag:$0x2] =	stream.indirect.gather [hbm4b:s1+s9], $0x10, s10, s9, $0xb8;
	[tilespmem:$0x4400] =	vst v63  }
0x3f: {  	_ = 	snop  }
0x40: {  	[tilespmem:s20], [sflag:$0x2] =	stream.indirect.gather [hbm4b:s1+s9], $0x10, s11, s9, $0xb8;
	[tilespmem:$0x4400] =	vst v63  }
0x41: {  	_ = 	snop  }
0x42: {  	[tilespmem:s21], [sflag:$0x2] =	stream.indirect.gather [hbm4b:s1+s9], $0x10, s12, s9, $0xb8;
	[tilespmem:$0x4400] =	vst v63  }
0x43: {  	_ = 	snop  }
0x44: {  	[tilespmem:s22], [sflag:$0x2] =	stream.indirect.gather [hbm4b:s1+s9], $0x10, s13, s9, $0xb8;
	[tilespmem:$0x4400] =	vst v63  }
0x45: {  	_ = 	snop  }
0x46: {  	[tilespmem:s23], [sflag:$0x2] =	stream.indirect.gather [hbm4b:s1+s9], $0x10, s14, s9, $0xb8;
	[tilespmem:$0x4400] =	vst v63  }
0x47: {  	_ = 	snop  }
0x48: {  	[tilespmem:s24], [sflag:$0x2] =	stream.indirect.gather [hbm4b:s1+s9], $0x10, s15, s9, $0xb8;
	[tilespmem:$0x4400] =	vst v63  }
0x49: {  	_ =	swait.ge [sflag:s25], $0x800  }
0x4a: {  	[sflag:s25] =	ssyncset.done $0x0  }
0x4b: {  	[sflag:s25] =	ssyncadd.s32 $0xFFFFF800  }
0x4c: {  	_ =	swait.ge [sflag:s25], $0x800  }
0x4d: {  	[sflag:s25] =	ssyncset.done $0x0  }
0x4e: {  	[sflag:s25] =	ssyncadd.s32 $0xFFFFF800  }
0x4f: {  	_ =	swait.ge [sflag:s25], $0x800  }
0x50: {  	[sflag:s25] =	ssyncset.done $0x0  }
0x51: {  	[sflag:s25] =	ssyncadd.s32 $0xFFFFF800  }
0x52: {  	_ =	swait.ge [sflag:s25], $0x800  }
0x53: {  	[sflag:s25] =	ssyncset.done $0x0  }
0x54: {  	[sflag:s25] =	ssyncadd.s32 $0xFFFFF800  }
0x55: {  	_ =	swait.ge [sflag:s25], $0x800  }
0x56: {  	[sflag:s25] =	ssyncset.done $0x0  }
0x57: {  	[sflag:s25] =	ssyncadd.s32 $0xFFFFF800  }
0x58: {  	_ =	swait.ge [sflag:s25], $0x800  }
0x59: {  	[sflag:s25] =	ssyncset.done $0x0  }
0x5a: {  	[sflag:s25] =	ssyncadd.s32 $0xFFFFF800  }
0x5b: {  	_ =	swait.ge [sflag:s25], $0x800  }
0x5c: {  	[sflag:s25] =	ssyncset.done $0x0  }
0x5d: {  	[sflag:s25] =	ssyncadd.s32 $0xFFFFF800  }
0x5e: {  	_ =	swait.ge [sflag:s25], $0x800  }
0x5f: {  	s8 =	rddreg [dreg:$0x3];
	[sflag:s25] =	ssyncset.done $0x0  }
0x60: {  	[sflag:s25] =	ssyncadd.s32 $0xFFFFF800;
	s6 =	sadd.s32 $0x0, s8  }
0x61: {  	[hbm4b:s6+s26] =	stream.strided.scatter [tilespmem:s17], [sflag:$0x3], $0x800, s9, s26, $0x38;
	[tilespmem:$0x4400] =	vst v63  }
0x62: {  	s8 =	sadd.s32 $0x10000, s6  }
0x63: {  	[hbm4b:s8+s26] =	stream.strided.scatter [tilespmem:s18], [sflag:$0x3], $0x800, s9, s26, $0x38;
	[tilespmem:$0x4400] =	vst v63  }
0x64: {  	s29 =	sadd.s32 $0x20000, s6  }
0x65: {  	[hbm4b:s29+s26] =	stream.strided.scatter [tilespmem:s19], [sflag:$0x3], $0x800, s9, s26, $0x38;
	[tilespmem:$0x4400] =	vst v63  }
0x66: {  	s29 =	sadd.s32 $0x30000, s6  }
0x67: {  	[hbm4b:s29+s26] =	stream.strided.scatter [tilespmem:s20], [sflag:$0x3], $0x800, s9, s26, $0x38;
	[tilespmem:$0x4400] =	vst v63  }
0x68: {  	s29 =	sadd.s32 $0x40000, s6  }
0x69: {  	[hbm4b:s29+s26] =	stream.strided.scatter [tilespmem:s21], [sflag:$0x3], $0x800, s9, s26, $0x38;
	[tilespmem:$0x4400] =	vst v63  }
0x6a: {  	s29 =	sadd.s32 $0x50000, s6  }
0x6b: {  	[hbm4b:s29+s26] =	stream.strided.scatter [tilespmem:s22], [sflag:$0x3], $0x800, s9, s26, $0x38;
	[tilespmem:$0x4400] =	vst v63  }
0x6c: {  	s3 =	sshll.u32 s3, $0xB;
	s6 =	sadd.s32 $0x60000, s6  }
0x6d: {  	[hbm4b:s6+s26] =	stream.strided.scatter [tilespmem:s23], [sflag:$0x3], $0x800, s9, s26, $0x38;
	[tilespmem:$0x4400] =	vst v63  }
0x6e: {  	s3 =	sadd.s32 s5, s3  }
0x6f: {  	[hbm4b:s3+s26] =	stream.strided.scatter [tilespmem:s24], [sflag:$0x3], $0x800, s9, s26, $0x38;
	[tilespmem:$0x4400] =	vst v63  }
0x70: {  	_ =	swait.ge [sflag:s28], $0x800  }
0x71: {  	[sflag:s28] =	ssyncset.done $0x0  }
0x72: {  	[sflag:s28] =	ssyncadd.s32 $0xFFFFF800  }
0x73: {  	_ =	swait.ge [sflag:s28], $0x800  }
0x74: {  	[sflag:s28] =	ssyncset.done $0x0  }
0x75: {  	[sflag:s28] =	ssyncadd.s32 $0xFFFFF800  }
0x76: {  	_ =	swait.ge [sflag:s28], $0x800  }
0x77: {  	[sflag:s28] =	ssyncset.done $0x0  }
0x78: {  	[sflag:s28] =	ssyncadd.s32 $0xFFFFF800  }
0x79: {  	_ =	swait.ge [sflag:s28], $0x800  }
0x7a: {  	[sflag:s28] =	ssyncset.done $0x0  }
0x7b: {  	[sflag:s28] =	ssyncadd.s32 $0xFFFFF800  }
0x7c: {  	_ =	swait.ge [sflag:s28], $0x800  }
0x7d: {  	[sflag:s28] =	ssyncset.done $0x0  }
0x7e: {  	[sflag:s28] =	ssyncadd.s32 $0xFFFFF800  }
0x7f: {  	_ =	swait.ge [sflag:s28], $0x800  }
0x80: {  	[sflag:s28] =	ssyncset.done $0x0  }
0x81: {  	[sflag:s28] =	ssyncadd.s32 $0xFFFFF800  }
0x82: {  	_ =	swait.ge [sflag:s28], $0x800  }
0x83: {  	[sflag:s28] =	ssyncset.done $0x0  }
0x84: {  	s30 =	simm.s32 $0x80000;
	[sflag:s28] =	ssyncadd.s32 $0xFFFFF800  }
0x85: {  	s31 =	smov.u32 s7;
	s8 =	smov.u32 s0;
	_ =	swait.ge [sflag:s28], $0x800  }
.LBB2_2:
0x86: {  	[sflag:s28] =	ssyncset.done $0x0  }
0x87: {  	s31 =	sadd.s32 $0x1000, s31;
	[sflag:s28] =	ssyncadd.s32 $0xFFFFF800  }
0x88: {  	[tilespmem:s2], [sflag:$0x1] =	stream.linear.gather [hbm4b:s31+s2], $0x80, $0x38;
	[tilespmem:$0x4400] =	vst v63  }
0x89: {  	s6 =	sadd.s32 $0x200, s31  }
0x8a: {  	[tilespmem:s9], [sflag:$0x1] =	stream.linear.gather [hbm4b:s6+s2], $0x80, $0x38;
	[tilespmem:$0x4400] =	vst v63  }
0x8b: {  	s29 =	sadd.s32 $0x400, s31  }
0x8c: {  	[tilespmem:s10], [sflag:$0x1] =	stream.linear.gather [hbm4b:s29+s2], $0x80, $0x38;
	[tilespmem:$0x4400] =	vst v63  }
0x8d: {  	s8 =	sadd.s32 $0x100, s8;
	s0 =	sadd.s32 $0x600, s31  }
0x8e: {  	[tilespmem:s11], [sflag:$0x1] =	stream.linear.gather [hbm4b:s0+s2], $0x80, $0x38;
	[tilespmem:$0x4400] =	vst v63  }
0x8f: {  	p1 =	slt.s32 s8, $0x4E1;
	s6 =	smov.u32 s8;
	s29 =	sadd.s32 $0x800, s31  }
0x90: {  	[tilespmem:s12], [sflag:$0x1] =	stream.linear.gather [hbm4b:s29+s2], $0x80, $0x38;
	[tilespmem:$0x4400] =	vst v63  }
0x91: {  	s6 =	simm.s32 @!p1 $0x4E1;
	s0 =	sadd.s32 $0xA00, s31  }
0x92: {  	[tilespmem:s13], [sflag:$0x1] =	stream.linear.gather [hbm4b:s0+s2], $0x80, $0x38;
	[tilespmem:$0x4400] =	vst v63  }
0x93: {  	s29 =	sshll.u32 s6, $0x4;
	s0 =	sadd.s32 $0xC00, s31  }
0x94: {  	[tilespmem:s14], [sflag:$0x1] =	stream.linear.gather [hbm4b:s0+s2], $0x80, $0x38;
	[tilespmem:$0x4400] =	vst v63  }
0x95: {  	s0 =	sadd.s32 s4, s29  }
0x96: {  	[tilespmem:s15], [sflag:$0x1] =	stream.linear.gather [hbm4b:s0+s2], $0x80, $0x38;
	[tilespmem:$0x4400] =	vst v63  }
0x97: {  	_ =	swait.ge [sflag:s16], $0x80  }
0x98: {  	[sflag:s16] =	ssyncset.done $0x0  }
0x99: {  	[sflag:s16] =	ssyncadd.s32 $0xFFFFFF80  }
0x9a: {  	_ =	swait.ge [sflag:s16], $0x80  }
0x9b: {  	[sflag:s16] =	ssyncset.done $0x0  }
0x9c: {  	[sflag:s16] =	ssyncadd.s32 $0xFFFFFF80  }
0x9d: {  	_ =	swait.ge [sflag:s16], $0x80  }
0x9e: {  	[sflag:s16] =	ssyncset.done $0x0  }
0x9f: {  	[sflag:s16] =	ssyncadd.s32 $0xFFFFFF80  }
0xa0: {  	_ =	swait.ge [sflag:s16], $0x80  }
0xa1: {  	[sflag:s16] =	ssyncset.done $0x0  }
0xa2: {  	[sflag:s16] =	ssyncadd.s32 $0xFFFFFF80  }
0xa3: {  	_ =	swait.ge [sflag:s16], $0x80  }
0xa4: {  	[sflag:s16] =	ssyncset.done $0x0  }
0xa5: {  	[sflag:s16] =	ssyncadd.s32 $0xFFFFFF80  }
0xa6: {  	_ =	swait.ge [sflag:s16], $0x80  }
0xa7: {  	[sflag:s16] =	ssyncset.done $0x0  }
0xa8: {  	[sflag:s16] =	ssyncadd.s32 $0xFFFFFF80  }
0xa9: {  	_ =	swait.ge [sflag:s16], $0x80  }
0xaa: {  	[sflag:s16] =	ssyncset.done $0x0  }
0xab: {  	[sflag:s16] =	ssyncadd.s32 $0xFFFFFF80  }
0xac: {  	_ =	swait.ge [sflag:s16], $0x80  }
0xad: {  	[sflag:s16] =	ssyncset.done $0x0  }
0xae: {  	[sflag:s16] =	ssyncadd.s32 $0xFFFFFF80  }
0xaf: {  	[tilespmem:s17], [sflag:$0x2] =	stream.indirect.gather [hbm4b:s1+s9], $0x10, s2, s9, $0xb8;
	[tilespmem:$0x4400] =	vst v63  }
0xb0: {  	_ = 	snop  }
0xb1: {  	[tilespmem:s18], [sflag:$0x2] =	stream.indirect.gather [hbm4b:s1+s9], $0x10, s9, s9, $0xb8;
	[tilespmem:$0x4400] =	vst v63  }
0xb2: {  	_ = 	snop  }
0xb3: {  	[tilespmem:s19], [sflag:$0x2] =	stream.indirect.gather [hbm4b:s1+s9], $0x10, s10, s9, $0xb8;
	[tilespmem:$0x4400] =	vst v63  }
0xb4: {  	_ = 	snop  }
0xb5: {  	[tilespmem:s20], [sflag:$0x2] =	stream.indirect.gather [hbm4b:s1+s9], $0x10, s11, s9, $0xb8;
	[tilespmem:$0x4400] =	vst v63  }
0xb6: {  	_ = 	snop  }
0xb7: {  	[tilespmem:s21], [sflag:$0x2] =	stream.indirect.gather [hbm4b:s1+s9], $0x10, s12, s9, $0xb8;
	[tilespmem:$0x4400] =	vst v63  }
0xb8: {  	_ = 	snop  }
0xb9: {  	[tilespmem:s22], [sflag:$0x2] =	stream.indirect.gather [hbm4b:s1+s9], $0x10, s13, s9, $0xb8;
	[tilespmem:$0x4400] =	vst v63  }
0xba: {  	_ = 	snop  }
0xbb: {  	[tilespmem:s23], [sflag:$0x2] =	stream.indirect.gather [hbm4b:s1+s9], $0x10, s14, s9, $0xb8;
	[tilespmem:$0x4400] =	vst v63  }
0xbc: {  	_ = 	snop  }
0xbd: {  	[tilespmem:s24], [sflag:$0x2] =	stream.indirect.gather [hbm4b:s1+s9], $0x10, s15, s9, $0xb8;
	[tilespmem:$0x4400] =	vst v63  }
0xbe: {  	_ =	swait.ge [sflag:s25], $0x800  }
0xbf: {  	[sflag:s25] =	ssyncset.done $0x0  }
0xc0: {  	[sflag:s25] =	ssyncadd.s32 $0xFFFFF800  }
0xc1: {  	_ =	swait.ge [sflag:s25], $0x800  }
0xc2: {  	[sflag:s25] =	ssyncset.done $0x0  }
0xc3: {  	[sflag:s25] =	ssyncadd.s32 $0xFFFFF800  }
0xc4: {  	_ =	swait.ge [sflag:s25], $0x800  }
0xc5: {  	[sflag:s25] =	ssyncset.done $0x0  }
0xc6: {  	[sflag:s25] =	ssyncadd.s32 $0xFFFFF800  }
0xc7: {  	_ =	swait.ge [sflag:s25], $0x800  }
0xc8: {  	[sflag:s25] =	ssyncset.done $0x0  }
0xc9: {  	[sflag:s25] =	ssyncadd.s32 $0xFFFFF800  }
0xca: {  	_ =	swait.ge [sflag:s25], $0x800  }
0xcb: {  	[sflag:s25] =	ssyncset.done $0x0  }
0xcc: {  	[sflag:s25] =	ssyncadd.s32 $0xFFFFF800  }
0xcd: {  	_ =	swait.ge [sflag:s25], $0x800  }
0xce: {  	[sflag:s25] =	ssyncset.done $0x0  }
0xcf: {  	[sflag:s25] =	ssyncadd.s32 $0xFFFFF800  }
0xd0: {  	_ =	swait.ge [sflag:s25], $0x800  }
0xd1: {  	[sflag:s25] =	ssyncset.done $0x0  }
0xd2: {  	[sflag:s25] =	ssyncadd.s32 $0xFFFFF800  }
0xd3: {  	_ =	swait.ge [sflag:s25], $0x800  }
0xd4: {  	s3 =	smov.u32 s30;
	s29 =	rddreg [dreg:$0x3];
	[sflag:s25] =	ssyncset.done $0x0  }
0xd5: {  	[sflag:s25] =	ssyncadd.s32 $0xFFFFF800;
	s0 =	sadd.s32 s3, s29  }
0xd6: {  	[hbm4b:s0+s26] =	stream.strided.scatter [tilespmem:s17], [sflag:$0x3], $0x800, s9, s26, $0x38;
	[tilespmem:$0x4400] =	vst v63  }
0xd7: {  	s3 =	sadd.s32 $0x10000, s0  }
0xd8: {  	[hbm4b:s3+s26] =	stream.strided.scatter [tilespmem:s18], [sflag:$0x3], $0x800, s9, s26, $0x38;
	[tilespmem:$0x4400] =	vst v63  }
0xd9: {  	s29 =	sadd.s32 $0x20000, s0  }
0xda: {  	[hbm4b:s29+s26] =	stream.strided.scatter [tilespmem:s19], [sflag:$0x3], $0x800, s9, s26, $0x38;
	[tilespmem:$0x4400] =	vst v63  }
0xdb: {  	s3 =	sadd.s32 $0x30000, s0  }
0xdc: {  	[hbm4b:s3+s26] =	stream.strided.scatter [tilespmem:s20], [sflag:$0x3], $0x800, s9, s26, $0x38;
	[tilespmem:$0x4400] =	vst v63  }
0xdd: {  	s29 =	sadd.s32 $0x40000, s0  }
0xde: {  	[hbm4b:s29+s26] =	stream.strided.scatter [tilespmem:s21], [sflag:$0x3], $0x800, s9, s26, $0x38;
	[tilespmem:$0x4400] =	vst v63  }
0xdf: {  	s3 =	sadd.s32 $0x50000, s0  }
0xe0: {  	[hbm4b:s3+s26] =	stream.strided.scatter [tilespmem:s22], [sflag:$0x3], $0x800, s9, s26, $0x38;
	[tilespmem:$0x4400] =	vst v63  }
0xe1: {  	s6 =	sshll.u32 s6, $0xB;
	s0 =	sadd.s32 $0x60000, s0  }
0xe2: {  	[hbm4b:s0+s26] =	stream.strided.scatter [tilespmem:s23], [sflag:$0x3], $0x800, s9, s26, $0x38;
	[tilespmem:$0x4400] =	vst v63  }
0xe3: {  	s29 =	sadd.s32 s5, s6  }
0xe4: {  	[hbm4b:s29+s26] =	stream.strided.scatter [tilespmem:s24], [sflag:$0x3], $0x800, s9, s26, $0x38;
	[tilespmem:$0x4400] =	vst v63  }
0xe5: {  	_ =	swait.ge [sflag:s28], $0x800  }
0xe6: {  	[sflag:s28] =	ssyncset.done $0x0  }
0xe7: {  	[sflag:s28] =	ssyncadd.s32 $0xFFFFF800  }
0xe8: {  	_ =	swait.ge [sflag:s28], $0x800  }
0xe9: {  	[sflag:s28] =	ssyncset.done $0x0  }
0xea: {  	[sflag:s28] =	ssyncadd.s32 $0xFFFFF800  }
0xeb: {  	_ =	swait.ge [sflag:s28], $0x800  }
0xec: {  	[sflag:s28] =	ssyncset.done $0x0  }
0xed: {  	[sflag:s28] =	ssyncadd.s32 $0xFFFFF800  }
0xee: {  	_ =	swait.ge [sflag:s28], $0x800  }
0xef: {  	[sflag:s28] =	ssyncset.done $0x0  }
0xf0: {  	[sflag:s28] =	ssyncadd.s32 $0xFFFFF800  }
0xf1: {  	_ =	swait.ge [sflag:s28], $0x800  }
0xf2: {  	[sflag:s28] =	ssyncset.done $0x0  }
0xf3: {  	[sflag:s28] =	ssyncadd.s32 $0xFFFFF800  }
0xf4: {  	_ =	swait.ge [sflag:s28], $0x800  }
0xf5: {  	p0 =	sne.s32 s30, $0x200000;
	[sflag:s28] =	ssyncset.done $0x0  }
.Ltmp0:
0xf6: {  	[sflag:s28] =	ssyncadd.s32 $0xFFFFF800;
	(pc) =	sbr.rel @p0 .LBB2_2-.Ltmp0, $4  }
0xf7: {  	_ =	swait.ge [sflag:s28], $0x800  }
0xf8: {  	[sflag:s28] =	ssyncset.done $0x0  }
0xf9: {  	[sflag:s28] =	ssyncadd.s32 $0xFFFFF800  }
0xfa: {  	s30 =	sadd.s32 $0x80000, s30;
	_ =	swait.ge [sflag:s28], $0x800  }
0xfb: {  	s3 =	rddreg [dreg:$0x6]  }
0xfc: {  	s0 =	rddreg [dreg:$0x4];
	s3 =	sadd.s32 $0x1, s3  }
0xfd: {  	p0 =	sne.s32 s3, s0  }
.Ltmp1:
0xfe: {  	_ = 	snop;
	(pc) =	sbr.rel @p0 .LBB2_1-.Ltmp1, $3  }
0xff: {  	_ =	sdelay $0x1  }
0x100: {  	[sflag:s28] =	ssyncset.done $0x0  }
0x101: {  	[sflag:s28] =	ssyncadd.s32 $0xFFFFF800  }
0x102: {  	_ =	sfence.sel $0x180000  }
0x103: {  	[bflag:$0x0] =	sbarrier.arrive $0xFFFF  }
0x104: {  	_ =	strace $0x9000004A  }
0x105: {  	s0 =	stileid.u32;
	[bflag:$0x2] =	sbarrier.arrive $0xFFFF  }
0x106: {  	p0 =	sne.s32 s0, $0x0;
	s0 =	rddreg [dreg:$0x2]  }
0x107: {  	s0 =	sadd.s32 @!p0 $0x100000, s0  }
0x108: {  	[sflag:s0] =	ssyncadd.tile.s32 @!p0 $0x1;
	_ =	shalt  }
.Lfunc_end2:
_tile_overlayer_lowered:
.L_overlay_start_2:
0x109: {  	(tag) =	ssettag $0x2  }
0x10a: {  	s0 =	rddreg [dreg:$0x0];
	s2 =	stileid.u32  }
0x10b: {  	s1 =	rddreg [dreg:$0x1];
	p0 =	sne.s32 s2, $0x0  }
0x10c: {  	s3 =	rddreg [dreg:$0x2];
	[bflag:$0x3] =	sbarrier.arrive $0xFFFF;
	s2 =	simm.s32 @!p0 $0x1C04  }
0x10d: {  	[timem:s3], [sflag:s2] =	dma.local @!p0 [hbm:s0], s1  }
0x10e: {  	s0 =	simm.s32 @!p0 $0x4  }
0x10f: {  	_ =	swait.ge @!p0 [sflag:s0], s1  }
0x110: {  	s1 =	ssub.s32 @!p0 $0x0, s1;
	[sflag:s0] =	ssyncset.done @!p0 $0x0  }
0x111: {  	[sflag:s0] =	ssyncadd.s32 @!p0 s1  }
0x112: {  	[bflag:$0x3] =	sbarrier.arrive $0xFFFF  }
0x113: {  	_ =	shalt  }

</sc_bundles>
